<compile_context>
chip_gen: v7x
topology: tpu7x:2x2x1
jax: 0.10.2.dev20260603
libtpu: 0.0.44.dev20260713+nightly
codegen_flags: <defaults>
</compile_context>

<pallas_src>
import math

import jax
import jax.numpy as jnp
from jax import lax
from jax.experimental import pallas as pl
from jax.experimental.pallas import tpu as pltpu
from jax.experimental.pallas import tpu_sc as plsc

NC, NS, LANES = 2, 16, 16
NW = NC * NS
G = 2000
CI = 125
RPB = G // CI

_F32 = jnp.float32
_I32 = jnp.int32

_COS05 = float(math.cos(0.5))
_COS15 = float(math.cos(1.5))
_COS20 = float(math.cos(2.0))
_PI = float(math.pi)


def _rsqrt(x):
    i = plsc.bitcast(x, _I32)
    y = plsc.bitcast(jnp.asarray(0x5F3759DF, _I32) - (i >> 1), _F32)
    y = y * (1.5 - 0.5 * x * y * y)
    y = y * (1.5 - 0.5 * x * y * y)
    y = y * (1.5 - 0.5 * x * y * y)
    return y


def _sqrt(x):
    xc = jnp.maximum(x, 1e-30)
    return xc * _rsqrt(xc)


def _arccos(x):
    ax = jnp.abs(x)
    s = _sqrt(jnp.maximum(1.0 - ax, 0.0))
    p = -0.0012624911
    p = p * ax + 0.0066700901
    p = p * ax - 0.0170881256
    p = p * ax + 0.0308918810
    p = p * ax - 0.0501743046
    p = p * ax + 0.0889789874
    p = p * ax - 0.2145988016
    p = p * ax + 1.5707963050
    p = s * p
    return jnp.where(x >= 0.0, p, _PI - p)


def _log_1_3(v):
    u = (v - 1.0) / (v + 1.0)
    t = u * u
    s = 1.0 / 13.0
    s = s * t + 1.0 / 11.0
    s = s * t + 1.0 / 9.0
    s = s * t + 1.0 / 7.0
    s = s * t + 1.0 / 5.0
    s = s * t + 1.0 / 3.0
    s = s * t + 1.0
    return 2.0 * u * s


def _cols16(rows_ref, i, ncols=4):
    ln = lax.iota(_I32, 16) + i * 16
    return [plsc.load_gather(rows_ref, [ln, jnp.full((16,), c, _I32)])
            for c in range(ncols)]


def _sc_loss_kernel(N, E, A, T, P, Np):
    slice_n = Np // NS

    def body(table_h, src_h, dst_h, pvp_h, pbl_h, bt_h,
             ai_h, aj_h, ak_h, pa_h,
             ti_h, tj_h, tk_h, tl_h, ps_h, pc_h, b0_h, b1_h, b2_h,
             ns_h, nd_h, pr_h,
             sums_out, pv_out,
             i0, i1, i2, i3, vals_b,
             r0, r1, r2, r3,
             p0, p1, p2, p3, p4, btb,
             pv_sh, zero_v, acc_v, sem_l, sem_g, sem_s):
        cid = lax.axis_index("c")
        sid = lax.axis_index("s")
        wid = cid * NS + sid

        def zbody(k, c):
            zero_v[pl.ds(k * 16, 16)] = jnp.zeros((16,), _F32)
            return c
        lax.fori_loop(0, slice_n // 16, zbody, 0)
        for ph in range(5):
            acc_v[ph] = jnp.zeros((16,), _F32)
        pltpu.sync_copy(zero_v, pv_sh.at[pl.ds(sid * slice_n, slice_n)])
        plsc.subcore_barrier()

        def lin_copy(src, dst):
            pltpu.async_copy(src, dst, sem_l)
            return pltpu.make_async_copy(src, dst, sem_l).wait

        def run_phase(nfull, idx_refs, idx_bufs, row_bufs, pred_refs,
                      pred_bufs, group_fn, acc_ids, scatter=False):
            nt = -(-nfull // NW)

            def t_body(t, c):
                j = t * NW + lax.rem(wid + t, NW)

                @pl.when(j < nfull)
                def _():
                    waits = []
                    for src, dstb in zip(idx_refs, idx_bufs):
                        waits.append(lin_copy(src.at[pl.ds(j * RPB, RPB)], dstb))
                    for src, dstb in zip(pred_refs, pred_bufs):
                        waits.append(lin_copy(src.at[pl.ds(j * G, G)], dstb))
                    if scatter:
                        waits.append(
                            lin_copy(pvp_h.at[pl.ds(j * RPB, RPB)], vals_b))
                    for w in waits:
                        w()

                    def issue(r, c2):
                        for ib, rb in zip(idx_bufs, row_bufs):
                            pltpu.async_copy(table_h.at[ib.at[r]],
                                             rb.at[pl.ds(r * CI, CI)], sem_g)
                        if scatter:
                            pltpu.async_copy(vals_b.at[r], pv_sh.at[i0.at[r]],
                                             sem_s, add=True)
                            pltpu.async_copy(vals_b.at[r], pv_sh.at[i1.at[r]],
                                             sem_s, add=True)
                        return c2
                    lax.fori_loop(0, RPB, issue, 0)

                    def drain(r, c2):
                        for ib, rb in zip(idx_bufs, row_bufs):
                            pltpu.make_async_copy(
                                table_h.at[ib.at[r]],
                                rb.at[pl.ds(r * CI, CI)], sem_g).wait()
                        if scatter:
                            pltpu.make_async_copy(
                                vals_b.at[r], pv_sh.at[i0.at[r]], sem_s).wait()
                            pltpu.make_async_copy(
                                vals_b.at[r], pv_sh.at[i1.at[r]], sem_s).wait()
                        return c2
                    lax.fori_loop(0, RPB, drain, 0)

                    init = tuple(acc_v[a] for a in acc_ids)
                    fin = lax.fori_loop(0, G // 16, group_fn, init)
                    for a, v in zip(acc_ids, fin):
                        acc_v[a] = v
                return c
            lax.fori_loop(0, nt, t_body, 0)

        def bond_group(i, accs):
            (acc,) = accs
            xs, ys, zs, hs = _cols16(r0, i)
            xd, yd, zd, hd = _cols16(r1, i)
            dx, dy, dz = xs - xd, ys - yd, zs - zd
            tl = _sqrt(dx * dx + dy * dy + dz * dz)
            pb = p0[pl.ds(i * 16, 16)]
            e = pb - tl
            e = e * e
            bt = btb[pl.ds(i * 16, 16)]
            w = jnp.where(bt == 2, 2.0, 1.0)
            w = jnp.where(bt == 3, 3.0, w)
            w = jnp.where(bt == 12, 1.5, w)
            w = jnp.where(hs + hd > 0.0, w * 0.3, w)
            return (acc + w * e,)

        run_phase(E // G, [src_h, dst_h], [i0, i1], [r0, r1],
                  [pbl_h, bt_h], [p0, btb], bond_group, (0,), scatter=True)

        def angle_group(i, accs):
            (acc,) = accs
            xi, yi, zi, hi = _cols16(r0, i)
            xj, yj, zj, hj = _cols16(r1, i)
            xk, yk, zk, hk = _cols16(r2, i)
            v1x, v1y, v1z = xi - xj, yi - yj, zi - zj
            v2x, v2y, v2z = xk - xj, yk - yj, zk - zj
            dot = v1x * v2x + v1y * v2y + v1z * v2z
            n1 = v1x * v1x + v1y * v1y + v1z * v1z
            n2 = v2x * v2x + v2y * v2y + v2z * v2z
            den = jnp.maximum(_sqrt(n1) * _sqrt(n2), 1e-8)
            cv = jnp.minimum(jnp.maximum(dot / den, -1.0), 1.0)
            ta = _arccos(cv)
            d = p0[pl.ds(i * 16, 16)] - ta
            wv = jnp.where(hi + hj + hk > 0.0, 0.3, 1.0)
            return (acc + wv * d * d,)

        run_phase(A // G, [ai_h, aj_h, ak_h], [i0, i1, i2], [r0, r1, r2],
                  [pa_h], [p0], angle_group, (1,))

        def torsion_group(i, accs):
            acc_t, acc_b = accs
            xi, yi, zi, hi = _cols16(r0, i)
            xj, yj, zj, hj = _cols16(r1, i)
            xk, yk, zk, hk = _cols16(r2, i)
            xl, yl, zl, hl = _cols16(r3, i)
            u1x, u1y, u1z = xj - xi, yj - yi, zj - zi
            u2x, u2y, u2z = xk - xj, yk - yj, zk - zj
            u3x, u3y, u3z = xl - xk, yl - yk, zl - zk
            c1x = u1y * u2z - u1z * u2y + 1e-6
            c1y = u1z * u2x - u1x * u2z + 1e-6
            c1z = u1x * u2y - u1y * u2x + 1e-6
            c2x = u2y * u3z - u2z * u3y + 1e-6
            c2y = u2z * u3x - u2x * u3z + 1e-6
            c2z = u2x * u3y - u2y * u3x + 1e-6
            ex, ey, ez = u2x + 1e-6, u2y + 1e-6, u2z + 1e-6
            q1 = 1.0 / jnp.maximum(
                _sqrt(c1x * c1x + c1y * c1y + c1z * c1z), 1e-12)
            q2 = 1.0 / jnp.maximum(
                _sqrt(c2x * c2x + c2y * c2y + c2z * c2z), 1e-12)
            qe = 1.0 / jnp.maximum(_sqrt(ex * ex + ey * ey + ez * ez), 1e-12)
            n1x, n1y, n1z = c1x * q1, c1y * q1, c1z * q1
            n2x, n2y, n2z = c2x * q2, c2y * q2, c2z * q2
            ux, uy, uz = ex * qe, ey * qe, ez * qe
            cosv = n1x * n2x + n1y * n2y + n1z * n2z
            crx = n1y * n2z - n1z * n2y
            cry = n1z * n2x - n1x * n2z
            crz = n1x * n2y - n1y * n2x
            sinv = crx * ux + cry * uy + crz * uz
            sl = pl.ds(i * 16, 16)
            es = p0[sl] - sinv
            ec = p1[sl] - cosv
            wv = jnp.where(hi + hj + hk + hl > 0.0, 0.3, 1.0)
            acc_t = acc_t + wv * (es * es + ec * ec)
            b0 = p2[sl]
            b1 = p3[sl]
            b2 = p4[sl]
            r = _sqrt(sinv * sinv + cosv * cosv)
            anti = cosv < r * _COS20
            inband = (cosv < r * _COS05) & (cosv > r * _COS15)
            gp = (sinv > 0.0) & inband
            gm = (sinv < 0.0) & inband
            act = anti | gp | gm
            mx = jnp.maximum(b0, jnp.maximum(b1, b2))
            se = jnp.exp(b0 - mx) + jnp.exp(b1 - mx) + jnp.exp(b2 - mx)
            lse = _log_1_3(se)
            xsel = jnp.where(anti, b0, jnp.where(gp, b1, b2))
            acc_b = acc_b + jnp.where(act, mx + lse - xsel, 0.0)
            return acc_t, acc_b

        run_phase(T // G, [ti_h, tj_h, tk_h, tl_h], [i0, i1, i2, i3],
                  [r0, r1, r2, r3], [ps_h, pc_h, b0_h, b1_h, b2_h],
                  [p0, p1, p2, p3, p4], torsion_group, (2, 3))

        def rep_group(i, accs):
            (acc,) = accs
            xs, ys, zs, _hs = _cols16(r0, i)
            xd, yd, zd, _hd = _cols16(r1, i)
            dx, dy, dz = xs - xd, ys - yd, zs - zd
            d = _sqrt(dx * dx + dy * dy + dz * dz)
            pr = p0[pl.ds(i * 16, 16)]
            return (acc + jnp.maximum(pr - d + 0.3, 0.0),)

        run_phase(P // G, [ns_h, nd_h], [i0, i1], [r0, r1],
                  [pr_h], [p0], rep_group, (4,))

        plsc.subcore_barrier()
        pltpu.sync_copy(pv_sh.at[pl.ds(sid * slice_n, slice_n)],
                        pv_out.at[cid, pl.ds(sid * slice_n, slice_n)])
        pltpu.sync_copy(acc_v, sums_out.at[wid])

    return body


def _tc_combine_kernel(N, E, A, T, P, B, nrow):
    def body(sums_ref, pv_ref, mv_ref, pd_ref, td_ref, out_ref):
        s = sums_ref[...]
        col = lax.broadcasted_iota(_I32, s.shape, 1) // 16

        def msum(ph):
            return jnp.sum(jnp.where(col == ph, s, 0.0))

        bond = msum(0) / E
        angle = msum(1) / A
        torsion = msum(2) / (2.0 * T)
        tbin = msum(3) / T
        rep = msum(4) / P
        pv = (pv_ref[0:nrow, :] + pv_ref[nrow:2 * nrow, :]) * 0.5
        mv = mv_ref[...].astype(_F32)
        val = jnp.sum(jnp.maximum(pv - mv, 0.0)) / N
        q = td_ref[...] + 1e-8
        dd = jnp.sum(q * (jnp.log(q) - jnp.log(pd_ref[...] + 1e-8))) / B
        total = (bond + 0.5 * angle + 0.3 * (torsion + tbin)
                 + 0.4 * rep + 0.3 * val + 0.5 * dd)
        lane = lax.broadcasted_iota(_I32, (1, 128), 1)
        out = jnp.where(lane == 0, bond, 0.0)
        out = out + jnp.where(lane == 1, angle, 0.0)
        out = out + jnp.where(lane == 2, torsion, 0.0)
        out = out + jnp.where(lane == 3, tbin, 0.0)
        out = out + jnp.where(lane == 4, rep, 0.0)
        out = out + jnp.where(lane == 5, val, 0.0)
        out = out + jnp.where(lane == 6, dd, 0.0)
        out = out + jnp.where(lane == 8, total, 0.0)
        out_ref[...] = out
    return body


def kernel(pos_true, batch_idx, edge_index, pred_bond_lengths, angle_triplets,
           pred_angles, torsion_quads, pred_torsions, pred_torsion_bins,
           nonbond_pairs, pred_repulsion, pred_valence_probs, bond_types,
           atom_max_valences, atom_is_hydrogen, pred_dist_distribution,
           true_dist_distribution):
    N = pos_true.shape[0]
    E = edge_index.shape[1]
    A = angle_triplets.shape[0]
    T = torsion_quads.shape[0]
    P = nonbond_pairs.shape[1]
    B = pred_dist_distribution.shape[0]
    Np = -(-N // (NS * 128)) * (NS * 128)

    table = jnp.concatenate(
        [pos_true, atom_is_hydrogen.astype(_F32)[:, None],
         jnp.zeros((N, 4), _F32)], axis=1)
    r2 = lambda a: a.reshape(-1, CI)

    sc = pl.kernel(
        _sc_loss_kernel(N, E, A, T, P, Np),
        out_type=[jax.ShapeDtypeStruct((NW, 5, 16), _F32),
                  jax.ShapeDtypeStruct((NC, Np), _F32)],
        mesh=plsc.VectorSubcoreMesh(core_axis_name="c", subcore_axis_name="s"),
        compiler_params=pltpu.CompilerParams(use_tc_tiling_on_sc=False,
                                             needs_layout_passes=False),
        scratch_types=[
            pltpu.VMEM((RPB, CI), _I32), pltpu.VMEM((RPB, CI), _I32),
            pltpu.VMEM((RPB, CI), _I32), pltpu.VMEM((RPB, CI), _I32),
            pltpu.VMEM((RPB, CI), _F32),
            pltpu.VMEM((G, 8), _F32), pltpu.VMEM((G, 8), _F32),
            pltpu.VMEM((G, 8), _F32), pltpu.VMEM((G, 8), _F32),
            pltpu.VMEM((G,), _F32), pltpu.VMEM((G,), _F32),
            pltpu.VMEM((G,), _F32), pltpu.VMEM((G,), _F32),
            pltpu.VMEM((G,), _F32), pltpu.VMEM((G,), _I32),
            pltpu.VMEM_SHARED((Np,), _F32),
            pltpu.VMEM((Np // NS,), _F32),
            pltpu.VMEM((5, 16), _F32),
            pltpu.SemaphoreType.DMA, pltpu.SemaphoreType.DMA,
            pltpu.SemaphoreType.DMA,
        ],
    )
    sums, pv = sc(table, r2(edge_index[0]), r2(edge_index[1]),
                  r2(pred_valence_probs),
                  pred_bond_lengths, bond_types,
                  r2(angle_triplets[:, 0]), r2(angle_triplets[:, 1]),
                  r2(angle_triplets[:, 2]), pred_angles,
                  r2(torsion_quads[:, 0]), r2(torsion_quads[:, 1]),
                  r2(torsion_quads[:, 2]), r2(torsion_quads[:, 3]),
                  pred_torsions[:, 0], pred_torsions[:, 1],
                  pred_torsion_bins[:, 0], pred_torsion_bins[:, 1],
                  pred_torsion_bins[:, 2],
                  r2(nonbond_pairs[0]), r2(nonbond_pairs[1]), pred_repulsion)

    nrow = Np // 128
    mv = jnp.pad(atom_max_valences, (0, Np - N),
                 constant_values=10**9).reshape(nrow, 128)
    out = pl.pallas_call(
        _tc_combine_kernel(N, E, A, T, P, B, nrow),
        out_shape=jax.ShapeDtypeStruct((1, 128), _F32),
    )(sums.reshape(NW, 80), pv.reshape(2 * nrow, 128), mv,
      pred_dist_distribution, true_dist_distribution)
    return out[0, :9]

# --- scband reference (transcript-rebuilt; emitter-appended) ---
"""Pipeline reference for scband-complete-loss-48009144434802 (READ-ONLY COPY).

The authoritative reference and input builder live on the scoring server;
editing this copy changes nothing except your own understanding.
"""

import jax, jax.numpy as jnp
import numpy as np


def _normalize(x):
    return x / jnp.maximum(jnp.linalg.norm(x, axis=-1, keepdims=True), 1e-12)


def setup_inputs(seed: int = 0):
    key = jax.random.key(seed)
    ks = jax.random.split(key, 17)
    N = 100000; E = 200000; A = 400000; T = 600000; P = 2000000; B = 1024; H = 64
    return {
        'pos_true': jax.random.normal(ks[0], (N, 3), dtype=jnp.float32) * 5.0,
        'batch_idx': jnp.sort(jax.random.randint(ks[1], (N,), 0, 256)),
        'edge_index': jax.random.randint(ks[2], (2, E), 0, N),
        'pred_bond_lengths': jax.random.uniform(ks[3], (E,), dtype=jnp.float32) * 2.0,
        'angle_triplets': jax.random.randint(ks[4], (A, 3), 0, N),
        'pred_angles': jax.random.uniform(ks[5], (A,), dtype=jnp.float32) * 3.1,
        'torsion_quads': jax.random.randint(ks[6], (T, 4), 0, N),
        'pred_torsions': jax.random.normal(ks[7], (T, 2), dtype=jnp.float32),
        'pred_torsion_bins': jax.random.normal(ks[8], (T, 3), dtype=jnp.float32),
        'nonbond_pairs': jax.random.randint(ks[9], (2, P), 0, N),
        'pred_repulsion': jax.random.uniform(ks[10], (P,), dtype=jnp.float32) * 5.0,
        'pred_valence_probs': jax.random.uniform(ks[11], (E,), dtype=jnp.float32),
        'bond_types': jax.random.randint(ks[12], (E,), 0, 4),
        'atom_max_valences': jax.random.randint(ks[13], (N,), 1, 5),
        'atom_is_hydrogen': jax.random.randint(ks[14], (N,), 0, 2),
        'pred_dist_distribution': jax.random.uniform(ks[15], (B, H), dtype=jnp.float32) + 0.01,
        'true_dist_distribution': jax.random.uniform(ks[16], (B, H), dtype=jnp.float32),
    }


def reference(pos_true, batch_idx, edge_index, pred_bond_lengths, angle_triplets, pred_angles, torsion_quads, pred_torsions, pred_torsion_bins, nonbond_pairs, pred_repulsion, pred_valence_probs, bond_types, atom_max_valences, atom_is_hydrogen, pred_dist_distribution, true_dist_distribution):
    w_bond, w_angle, w_torsion, w_repulsion, w_valence, w_dist_dist = 1.0, 0.5, 0.3, 0.4, 0.3, 0.5
    # ---- bond loss ----
    src, dst = edge_index[0], edge_index[1]
    true_lengths = jnp.linalg.norm(pos_true[src] - pos_true[dst], axis=-1)
    errs = (pred_bond_lengths - true_lengths) ** 2
    w = jnp.ones_like(errs)
    w = jnp.where(bond_types == 2, 2.0, w)
    w = jnp.where(bond_types == 3, 3.0, w)
    w = jnp.where(bond_types == 12, 1.5, w)
    h_bonds = atom_is_hydrogen[src] + atom_is_hydrogen[dst]
    w = jnp.where(h_bonds > 0, w * 0.3, w)
    bond_loss = jnp.mean(w * errs)
    # ---- angle loss ----
    ai, aj, ak = angle_triplets[:, 0], angle_triplets[:, 1], angle_triplets[:, 2]
    v1 = pos_true[ai] - pos_true[aj]
    v2 = pos_true[ak] - pos_true[aj]
    denom = jnp.maximum(jnp.linalg.norm(v1, axis=-1) * jnp.linalg.norm(v2, axis=-1), 1e-8)
    cos_angle = jnp.clip((v1 * v2).sum(-1) / denom, -1.0, 1.0)
    true_angles = jnp.arccos(cos_angle)
    errs_a = (pred_angles - true_angles) ** 2
    h_cnt = atom_is_hydrogen[ai] + atom_is_hydrogen[aj] + atom_is_hydrogen[ak]
    wa = jnp.where(h_cnt > 0, 0.3, 1.0)
    angle_loss = jnp.mean(wa * errs_a)
    # ---- torsion loss ----
    ti, tj, tk, tl = torsion_quads[:, 0], torsion_quads[:, 1], torsion_quads[:, 2], torsion_quads[:, 3]
    u1 = pos_true[tj] - pos_true[ti]
    u2 = pos_true[tk] - pos_true[tj]
    u3 = pos_true[tl] - pos_true[tk]
    n1 = _normalize(jnp.cross(u1, u2) + 1e-6)
    n2 = _normalize(jnp.cross(u2, u3) + 1e-6)
    u2n = _normalize(u2 + 1e-6)
    cos_true = (n1 * n2).sum(-1)
    sin_true = (jnp.cross(n1, n2) * u2n).sum(-1)
    true_sincos = jnp.stack([sin_true, cos_true], axis=-1)
    errs_t = (pred_torsions - true_sincos) ** 2
    h_cnt_t = atom_is_hydrogen[ti] + atom_is_hydrogen[tj] + atom_is_hydrogen[tk] + atom_is_hydrogen[tl]
    wt = jnp.where(h_cnt_t > 0, 0.3, 1.0)
    torsion_loss = jnp.mean(wt[:, None] * errs_t)
    ang = jnp.arctan2(sin_true, cos_true)
    anti = (jnp.abs(ang) > 2.0).astype(jnp.float32)
    gp = ((ang > 0.5) & (ang < 1.5)).astype(jnp.float32)
    gm = ((ang < -0.5) & (ang > -1.5)).astype(jnp.float32)
    true_bins = jnp.stack([anti, gp, gm], axis=-1)
    true_bins = true_bins / (true_bins.sum(-1, keepdims=True) + 1e-8)
    pred_bins = jax.nn.softmax(pred_torsion_bins, axis=-1)
    log_pred = jnp.log(pred_bins)
    kl = jnp.where(true_bins > 0, true_bins * jnp.log(jnp.where(true_bins > 0, true_bins, 1.0)), 0.0) - true_bins * log_pred
    torsion_bin_loss = kl.sum() / true_bins.shape[0]
    # ---- repulsion loss ----
    ns, nd = nonbond_pairs[0], nonbond_pairs[1]
    true_d = jnp.linalg.norm(pos_true[ns] - pos_true[nd], axis=-1)
    repulsion_loss = jnp.mean(jax.nn.relu(pred_repulsion - true_d + 0.3))
    # ---- valence loss ----
    N = pos_true.shape[0]
    pv = jnp.zeros((N,), dtype=jnp.float32).at[src].add(pred_valence_probs).at[dst].add(pred_valence_probs) * 0.5
    valence_loss = jnp.mean(jax.nn.relu(pv - atom_max_valences.astype(jnp.float32)))
    # ---- dist distribution KL ----
    q = true_dist_distribution + 1e-8
    log_p = jnp.log(pred_dist_distribution + 1e-8)
    dist_dist_loss = (q * (jnp.log(q) - log_p)).sum() / q.shape[0]
    energy_loss = jnp.zeros(())
    total = (w_bond * bond_loss + w_angle * angle_loss + w_torsion * (torsion_loss + torsion_bin_loss)
             + w_repulsion * repulsion_loss + w_valence * valence_loss + w_dist_dist * dist_dist_loss)
    return jnp.stack([bond_loss, angle_loss, torsion_loss, torsion_bin_loss, repulsion_loss, valence_loss, dist_dist_loss, energy_loss, total])

if __name__ == "__main__":
    import jax
    _d = setup_inputs()
    print(jax.jit(kernel)(*tuple(_d.values())))

</pallas_src>

<mosaic_0001>
#map = affine_map<(d0, d1) -> (0, 0)>
#map1 = affine_map<(d0, d1) -> (0)>
#map2 = affine_map<(d0, d1) -> (0, 0, 0)>
module attributes {stable_mosaic.version = 14 : i64} {
  func.func @body(%arg0: i32, %arg1: i32, %arg2: memref<100000x8xf32, #tpu.memory_space<hbm>>, %arg3: memref<1600x125xi32, #tpu.memory_space<hbm>>, %arg4: memref<1600x125xi32, #tpu.memory_space<hbm>>, %arg5: memref<1600x125xf32, #tpu.memory_space<hbm>>, %arg6: memref<200000xf32, #tpu.memory_space<hbm>>, %arg7: memref<200000xi32, #tpu.memory_space<hbm>>, %arg8: memref<3200x125xi32, #tpu.memory_space<hbm>>, %arg9: memref<3200x125xi32, #tpu.memory_space<hbm>>, %arg10: memref<3200x125xi32, #tpu.memory_space<hbm>>, %arg11: memref<400000xf32, #tpu.memory_space<hbm>>, %arg12: memref<4800x125xi32, #tpu.memory_space<hbm>>, %arg13: memref<4800x125xi32, #tpu.memory_space<hbm>>, %arg14: memref<4800x125xi32, #tpu.memory_space<hbm>>, %arg15: memref<4800x125xi32, #tpu.memory_space<hbm>>, %arg16: memref<600000xf32, #tpu.memory_space<hbm>>, %arg17: memref<600000xf32, #tpu.memory_space<hbm>>, %arg18: memref<600000xf32, #tpu.memory_space<hbm>>, %arg19: memref<600000xf32, #tpu.memory_space<hbm>>, %arg20: memref<600000xf32, #tpu.memory_space<hbm>>, %arg21: memref<16000x125xi32, #tpu.memory_space<hbm>>, %arg22: memref<16000x125xi32, #tpu.memory_space<hbm>>, %arg23: memref<2000000xf32, #tpu.memory_space<hbm>>, %arg24: memref<32x5x16xf32, #tpu.memory_space<hbm>>, %arg25: memref<2x100352xf32, #tpu.memory_space<hbm>>, %arg26: memref<16x125xi32, #tpu.memory_space<vmem>>, %arg27: memref<16x125xi32, #tpu.memory_space<vmem>>, %arg28: memref<16x125xi32, #tpu.memory_space<vmem>>, %arg29: memref<16x125xi32, #tpu.memory_space<vmem>>, %arg30: memref<16x125xf32, #tpu.memory_space<vmem>>, %arg31: memref<2000x8xf32, #tpu.memory_space<vmem>>, %arg32: memref<2000x8xf32, #tpu.memory_space<vmem>>, %arg33: memref<2000x8xf32, #tpu.memory_space<vmem>>, %arg34: memref<2000x8xf32, #tpu.memory_space<vmem>>, %arg35: memref<2000xf32, #tpu.memory_space<vmem>>, %arg36: memref<2000xf32, #tpu.memory_space<vmem>>, %arg37: memref<2000xf32, #tpu.memory_space<vmem>>, %arg38: memref<2000xf32, #tpu.memory_space<vmem>>, %arg39: memref<2000xf32, #tpu.memory_space<vmem>>, %arg40: memref<2000xi32, #tpu.memory_space<vmem>>, %arg41: memref<100352xf32, #tpu.memory_space<vmem_shared>>, %arg42: memref<6272xf32, #tpu.memory_space<vmem>>, %arg43: memref<5x16xf32, #tpu.memory_space<vmem>>, %arg44: memref<!tpu.dma_semaphore, #tpu.memory_space<semaphore_mem>>, %arg45: memref<!tpu.dma_semaphore, #tpu.memory_space<semaphore_mem>>, %arg46: memref<!tpu.dma_semaphore, #tpu.memory_space<semaphore_mem>>) attributes {dimension_semantics = [#tpu.dimension_semantics<core_parallel>, #tpu.dimension_semantics<subcore_parallel>], iteration_bounds = array<i64: 2, 16>, scalar_prefetch = 0 : i64, scratch_operands = 21 : i64, tpu.core_type = #tpu.core_type<sc_vector_subcore>, window_params = [{transform_indices = #map}, {transform_indices = #map}, {transform_indices = #map}, {transform_indices = #map}, {transform_indices = #map1}, {transform_indices = #map1}, {transform_indices = #map}, {transform_indices = #map}, {transform_indices = #map}, {transform_indices = #map1}, {transform_indices = #map}, {transform_indices = #map}, {transform_indices = #map}, {transform_indices = #map}, {transform_indices = #map1}, {transform_indices = #map1}, {transform_indices = #map1}, {transform_indices = #map1}, {transform_indices = #map1}, {transform_indices = #map}, {transform_indices = #map}, {transform_indices = #map1}, {transform_indices = #map2}, {transform_indices = #map}]} {
    %mul3A = arith.constant 16 : i32
    %mul3A_0 = arith.muli %arg0, %mul3A : i32
    %add3A = arith.addi %mul3A_0, %arg1 : i32
    %scan3A = arith.constant 0 : i32
    %scan3A_1 = arith.constant 0 : i32
    %scan3A_2 = arith.constant 392 : i32
    %scan3A_3 = arith.addi %scan3A_1, %scan3A_2 : i32
    %scan3A_4 = arith.constant 1 : i32
    scf.for %scan3A_65 = %scan3A_1 to %scan3A_3 step %scan3A_4  : i32 {
      %broadcast_in_dim3A_66 = arith.constant 0.000000e+00 : f32
      %broadcast_in_dim3A_67 = vector.broadcast %broadcast_in_dim3A_66 : f32 to vector<16xf32>
      %mul3A_68 = arith.constant 16 : i32
      %mul3A_69 = arith.muli %scan3A_65, %mul3A_68 : i32
      %swap3A_70 = arith.index_cast %mul3A_69 : i32 to index
      %swap3A_71 = tpu.vector_load %arg42[%swap3A_70] {strides = array<i32>} : memref<6272xf32, #tpu.memory_space<vmem>>, vector<16xf32>,
      tpu.vector_store %arg42[%swap3A_70], %broadcast_in_dim3A_67 {strides = array<i32>} : memref<6272xf32, #tpu.memory_space<vmem>>, vector<16xf32>,
    }
    %scan3A_5 = arith.constant 392 : i32
    %broadcast_in_dim3A = arith.constant 0.000000e+00 : f32
    %broadcast_in_dim3A_6 = vector.broadcast %broadcast_in_dim3A : f32 to vector<16xf32>
    %swap3A = arith.constant 0 : i32
    %swap3A_7 = arith.index_cast %swap3A : i32 to index
    %swap3A_8 = arith.constant 0 : index
    %swap3A_9 = tpu.vector_load %arg43[%swap3A_7, %swap3A_8] {strides = array<i32>} : memref<5x16xf32, #tpu.memory_space<vmem>>, vector<16xf32>,
    tpu.vector_store %arg43[%swap3A_7, %swap3A_8], %broadcast_in_dim3A_6 {strides = array<i32>} : memref<5x16xf32, #tpu.memory_space<vmem>>, vector<16xf32>,
    %broadcast_in_dim3A_10 = arith.constant 0.000000e+00 : f32
    %broadcast_in_dim3A_11 = vector.broadcast %broadcast_in_dim3A_10 : f32 to vector<16xf32>
    %swap3A_12 = arith.constant 1 : i32
    %swap3A_13 = arith.index_cast %swap3A_12 : i32 to index
    %swap3A_14 = arith.constant 0 : index
    %swap3A_15 = tpu.vector_load %arg43[%swap3A_13, %swap3A_14] {strides = array<i32>} : memref<5x16xf32, #tpu.memory_space<vmem>>, vector<16xf32>,
    tpu.vector_store %arg43[%swap3A_13, %swap3A_14], %broadcast_in_dim3A_11 {strides = array<i32>} : memref<5x16xf32, #tpu.memory_space<vmem>>, vector<16xf32>,
    %broadcast_in_dim3A_16 = arith.constant 0.000000e+00 : f32
    %broadcast_in_dim3A_17 = vector.broadcast %broadcast_in_dim3A_16 : f32 to vector<16xf32>
    %swap3A_18 = arith.constant 2 : i32
    %swap3A_19 = arith.index_cast %swap3A_18 : i32 to index
    %swap3A_20 = arith.constant 0 : index
    %swap3A_21 = tpu.vector_load %arg43[%swap3A_19, %swap3A_20] {strides = array<i32>} : memref<5x16xf32, #tpu.memory_space<vmem>>, vector<16xf32>,
    tpu.vector_store %arg43[%swap3A_19, %swap3A_20], %broadcast_in_dim3A_17 {strides = array<i32>} : memref<5x16xf32, #tpu.memory_space<vmem>>, vector<16xf32>,
    %broadcast_in_dim3A_22 = arith.constant 0.000000e+00 : f32
    %broadcast_in_dim3A_23 = vector.broadcast %broadcast_in_dim3A_22 : f32 to vector<16xf32>
    %swap3A_24 = arith.constant 3 : i32
    %swap3A_25 = arith.index_cast %swap3A_24 : i32 to index
    %swap3A_26 = arith.constant 0 : index
    %swap3A_27 = tpu.vector_load %arg43[%swap3A_25, %swap3A_26] {strides = array<i32>} : memref<5x16xf32, #tpu.memory_space<vmem>>, vector<16xf32>,
    tpu.vector_store %arg43[%swap3A_25, %swap3A_26], %broadcast_in_dim3A_23 {strides = array<i32>} : memref<5x16xf32, #tpu.memory_space<vmem>>, vector<16xf32>,
    %broadcast_in_dim3A_28 = arith.constant 0.000000e+00 : f32
    %broadcast_in_dim3A_29 = vector.broadcast %broadcast_in_dim3A_28 : f32 to vector<16xf32>
    %swap3A_30 = arith.constant 4 : i32
    %swap3A_31 = arith.index_cast %swap3A_30 : i32 to index
    %swap3A_32 = arith.constant 0 : index
    %swap3A_33 = tpu.vector_load %arg43[%swap3A_31, %swap3A_32] {strides = array<i32>} : memref<5x16xf32, #tpu.memory_space<vmem>>, vector<16xf32>,
    tpu.vector_store %arg43[%swap3A_31, %swap3A_32], %broadcast_in_dim3A_29 {strides = array<i32>} : memref<5x16xf32, #tpu.memory_space<vmem>>, vector<16xf32>,
    %mul3A_34 = arith.constant 6272 : i32
    %mul3A_35 = arith.muli %arg1, %mul3A_34 : i32
    "tpu.region"() ({
      %run_scoped3A = tpu.sem_alloc : memref<!tpu.dma_semaphore, #tpu.memory_space<semaphore_mem>>
      %dma_start3A = tpu.memref_slice %arg41[%mul3A_35] : memref<100352xf32, #tpu.memory_space<vmem_shared>> -> memref<6272xf32, #tpu.memory_space<vmem_shared>>
      %dma_start3A_65 = tpu.memref_slice %arg41[%mul3A_35] : memref<100352xf32, #tpu.memory_space<vmem_shared>> -> memref<6272xf32, #tpu.memory_space<vmem_shared>>
      tpu.enqueue_dma source(%arg42 : memref<6272xf32, #tpu.memory_space<vmem>>) target(%dma_start3A_65 : memref<6272xf32, #tpu.memory_space<vmem_shared>>) target_semaphore(%run_scoped3A : memref<!tpu.dma_semaphore, #tpu.memory_space<semaphore_mem>>)
      %dma_wait3A = tpu.memref_slice %arg41[%mul3A_35] : memref<100352xf32, #tpu.memory_space<vmem_shared>> -> memref<6272xf32, #tpu.memory_space<vmem_shared>>
      %dma_wait3A_66 = tpu.memref_slice %arg41[%mul3A_35] : memref<100352xf32, #tpu.memory_space<vmem_shared>> -> memref<6272xf32, #tpu.memory_space<vmem_shared>>
      tpu.wait_dma2 semaphore(%run_scoped3A : memref<!tpu.dma_semaphore, #tpu.memory_space<semaphore_mem>>) src(%arg42 : memref<6272xf32, #tpu.memory_space<vmem>>) dst(%dma_wait3A_66 : memref<6272xf32, #tpu.memory_space<vmem_shared>>)
      tpu.yield
    }) : () -> ()
    %barrier3A = arith.constant 0 : index
    tpu.barrier barrier_id(%barrier3A)
    %scan3A_36 = arith.constant 0 : i32
    %scan3A_37 = arith.constant 0 : i32
    %scan3A_38 = arith.constant 4 : i32
    %scan3A_39 = arith.addi %scan3A_37, %scan3A_38 : i32
    %scan3A_40 = arith.constant 1 : i32
    scf.for %scan3A_65 = %scan3A_37 to %scan3A_39 step %scan3A_40  : i32 {
      %mul3A_66 = arith.constant 32 : i32
      %mul3A_67 = arith.muli %scan3A_65, %mul3A_66 : i32
      %add3A_68 = arith.addi %add3A, %scan3A_65 : i32
      %rem3A = arith.constant 32 : i32
      %rem3A_69 = arith.remsi %add3A_68, %rem3A : i32
      %add3A_70 = arith.addi %mul3A_67, %rem3A_69 : i32
      %lt3A = arith.constant 100 : i32
      %lt3A_71 = arith.cmpi slt, %add3A_70, %lt3A : i32
      %convert_element_type3A = arith.extui %lt3A_71 : i1 to i32
      %cond3A = arith.constant 0 : i32
      %cond3A_72 = arith.cmpi ne, %convert_element_type3A, %cond3A : i32
      scf.if %cond3A_72 {
        %mul3A_73 = arith.constant 16 : i32
        %mul3A_74 = arith.muli %add3A_70, %mul3A_73 : i32
        %dma_start3A = arith.constant 0 : i32
        %dma_start3A_75 = tpu.memref_slice %arg3[%mul3A_74, %dma_start3A] : memref<1600x125xi32, #tpu.memory_space<hbm>> -> memref<16x125xi32, #tpu.memory_space<hbm>>
        %dma_start3A_76 = arith.constant 0 : i32
        %dma_start3A_77 = tpu.memref_slice %arg3[%mul3A_74, %dma_start3A_76] : memref<1600x125xi32, #tpu.memory_space<hbm>> -> memref<16x125xi32, #tpu.memory_space<hbm>>
        tpu.enqueue_dma source(%dma_start3A_77 : memref<16x125xi32, #tpu.memory_space<hbm>>) target(%arg26 : memref<16x125xi32, #tpu.memory_space<vmem>>) target_semaphore(%arg44 : memref<!tpu.dma_semaphore, #tpu.memory_space<semaphore_mem>>)
        %mul3A_78 = arith.constant 16 : i32
        %mul3A_79 = arith.muli %add3A_70, %mul3A_78 : i32
        %dma_start3A_80 = arith.constant 0 : i32
        %dma_start3A_81 = tpu.memref_slice %arg4[%mul3A_79, %dma_start3A_80] : memref<1600x125xi32, #tpu.memory_space<hbm>> -> memref<16x125xi32, #tpu.memory_space<hbm>>
        %dma_start3A_82 = arith.constant 0 : i32
        %dma_start3A_83 = tpu.memref_slice %arg4[%mul3A_79, %dma_start3A_82] : memref<1600x125xi32, #tpu.memory_space<hbm>> -> memref<16x125xi32, #tpu.memory_space<hbm>>
        tpu.enqueue_dma source(%dma_start3A_83 : memref<16x125xi32, #tpu.memory_space<hbm>>) target(%arg27 : memref<16x125xi32, #tpu.memory_space<vmem>>) target_semaphore(%arg44 : memref<!tpu.dma_semaphore, #tpu.memory_space<semaphore_mem>>)
        %mul3A_84 = arith.constant 2000 : i32
        %mul3A_85 = arith.muli %add3A_70, %mul3A_84 : i32
        %dma_start3A_86 = tpu.memref_slice %arg6[%mul3A_85] : memref<200000xf32, #tpu.memory_space<hbm>> -> memref<2000xf32, #tpu.memory_space<hbm>>
        %dma_start3A_87 = tpu.memref_slice %arg6[%mul3A_85] : memref<200000xf32, #tpu.memory_space<hbm>> -> memref<2000xf32, #tpu.memory_space<hbm>>
        tpu.enqueue_dma source(%dma_start3A_87 : memref<2000xf32, #tpu.memory_space<hbm>>) target(%arg35 : memref<2000xf32, #tpu.memory_space<vmem>>) target_semaphore(%arg44 : memref<!tpu.dma_semaphore, #tpu.memory_space<semaphore_mem>>)
        %mul3A_88 = arith.constant 2000 : i32
        %mul3A_89 = arith.muli %add3A_70, %mul3A_88 : i32
        %dma_start3A_90 = tpu.memref_slice %arg7[%mul3A_89] : memref<200000xi32, #tpu.memory_space<hbm>> -> memref<2000xi32, #tpu.memory_space<hbm>>
        %dma_start3A_91 = tpu.memref_slice %arg7[%mul3A_89] : memref<200000xi32, #tpu.memory_space<hbm>> -> memref<2000xi32, #tpu.memory_space<hbm>>
        tpu.enqueue_dma source(%dma_start3A_91 : memref<2000xi32, #tpu.memory_space<hbm>>) target(%arg40 : memref<2000xi32, #tpu.memory_space<vmem>>) target_semaphore(%arg44 : memref<!tpu.dma_semaphore, #tpu.memory_space<semaphore_mem>>)
        %mul3A_92 = arith.constant 16 : i32
        %mul3A_93 = arith.muli %add3A_70, %mul3A_92 : i32
        %dma_start3A_94 = arith.constant 0 : i32
        %dma_start3A_95 = tpu.memref_slice %arg5[%mul3A_93, %dma_start3A_94] : memref<1600x125xf32, #tpu.memory_space<hbm>> -> memref<16x125xf32, #tpu.memory_space<hbm>>
        %dma_start3A_96 = arith.constant 0 : i32
        %dma_start3A_97 = tpu.memref_slice %arg5[%mul3A_93, %dma_start3A_96] : memref<1600x125xf32, #tpu.memory_space<hbm>> -> memref<16x125xf32, #tpu.memory_space<hbm>>
        tpu.enqueue_dma source(%dma_start3A_97 : memref<16x125xf32, #tpu.memory_space<hbm>>) target(%arg30 : memref<16x125xf32, #tpu.memory_space<vmem>>) target_semaphore(%arg44 : memref<!tpu.dma_semaphore, #tpu.memory_space<semaphore_mem>>)
        %dma_wait3A = arith.constant 0 : i32
        %dma_wait3A_98 = tpu.memref_slice %arg3[%mul3A_74, %dma_wait3A] : memref<1600x125xi32, #tpu.memory_space<hbm>> -> memref<16x125xi32, #tpu.memory_space<hbm>>
        %dma_wait3A_99 = arith.constant 0 : i32
        %dma_wait3A_100 = tpu.memref_slice %arg3[%mul3A_74, %dma_wait3A_99] : memref<1600x125xi32, #tpu.memory_space<hbm>> -> memref<16x125xi32, #tpu.memory_space<hbm>>
        tpu.wait_dma2 semaphore(%arg44 : memref<!tpu.dma_semaphore, #tpu.memory_space<semaphore_mem>>) src(%dma_wait3A_100 : memref<16x125xi32, #tpu.memory_space<hbm>>) dst(%arg26 : memref<16x125xi32, #tpu.memory_space<vmem>>)
        %dma_wait3A_101 = arith.constant 0 : i32
        %dma_wait3A_102 = tpu.memref_slice %arg4[%mul3A_79, %dma_wait3A_101] : memref<1600x125xi32, #tpu.memory_space<hbm>> -> memref<16x125xi32, #tpu.memory_space<hbm>>
        %dma_wait3A_103 = arith.constant 0 : i32
        %dma_wait3A_104 = tpu.memref_slice %arg4[%mul3A_79, %dma_wait3A_103] : memref<1600x125xi32, #tpu.memory_space<hbm>> -> memref<16x125xi32, #tpu.memory_space<hbm>>
        tpu.wait_dma2 semaphore(%arg44 : memref<!tpu.dma_semaphore, #tpu.memory_space<semaphore_mem>>) src(%dma_wait3A_104 : memref<16x125xi32, #tpu.memory_space<hbm>>) dst(%arg27 : memref<16x125xi32, #tpu.memory_space<vmem>>)
        %dma_wait3A_105 = tpu.memref_slice %arg6[%mul3A_85] : memref<200000xf32, #tpu.memory_space<hbm>> -> memref<2000xf32, #tpu.memory_space<hbm>>
        %dma_wait3A_106 = tpu.memref_slice %arg6[%mul3A_85] : memref<200000xf32, #tpu.memory_space<hbm>> -> memref<2000xf32, #tpu.memory_space<hbm>>
        tpu.wait_dma2 semaphore(%arg44 : memref<!tpu.dma_semaphore, #tpu.memory_space<semaphore_mem>>) src(%dma_wait3A_106 : memref<2000xf32, #tpu.memory_space<hbm>>) dst(%arg35 : memref<2000xf32, #tpu.memory_space<vmem>>)
        %dma_wait3A_107 = tpu.memref_slice %arg7[%mul3A_89] : memref<200000xi32, #tpu.memory_space<hbm>> -> memref<2000xi32, #tpu.memory_space<hbm>>
        %dma_wait3A_108 = tpu.memref_slice %arg7[%mul3A_89] : memref<200000xi32, #tpu.memory_space<hbm>> -> memref<2000xi32, #tpu.memory_space<hbm>>
        tpu.wait_dma2 semaphore(%arg44 : memref<!tpu.dma_semaphore, #tpu.memory_space<semaphore_mem>>) src(%dma_wait3A_108 : memref<2000xi32, #tpu.memory_space<hbm>>) dst(%arg40 : memref<2000xi32, #tpu.memory_space<vmem>>)
        %dma_wait3A_109 = arith.constant 0 : i32
        %dma_wait3A_110 = tpu.memref_slice %arg5[%mul3A_93, %dma_wait3A_109] : memref<1600x125xf32, #tpu.memory_space<hbm>> -> memref<16x125xf32, #tpu.memory_space<hbm>>
        %dma_wait3A_111 = arith.constant 0 : i32
        %dma_wait3A_112 = tpu.memref_slice %arg5[%mul3A_93, %dma_wait3A_111] : memref<1600x125xf32, #tpu.memory_space<hbm>> -> memref<16x125xf32, #tpu.memory_space<hbm>>
        tpu.wait_dma2 semaphore(%arg44 : memref<!tpu.dma_semaphore, #tpu.memory_space<semaphore_mem>>) src(%dma_wait3A_112 : memref<16x125xf32, #tpu.memory_space<hbm>>) dst(%arg30 : memref<16x125xf32, #tpu.memory_space<vmem>>)
        %scan3A_113 = arith.constant 0 : i32
        %scan3A_114 = arith.constant 0 : i32
        %scan3A_115 = arith.constant 16 : i32
        %scan3A_116 = arith.addi %scan3A_114, %scan3A_115 : i32
        %scan3A_117 = arith.constant 1 : i32
        scf.for %scan3A_138 = %scan3A_114 to %scan3A_116 step %scan3A_117  : i32 {
          %mul3A_139 = arith.constant 125 : i32
          %mul3A_140 = arith.muli %scan3A_138, %mul3A_139 : i32
          %dma_start3A_141 = arith.constant 0 : i32
          %dma_start3A_142 = tpu.memref_slice %arg31[%mul3A_140, %dma_start3A_141] : memref<2000x8xf32, #tpu.memory_space<vmem>> -> memref<125x8xf32, #tpu.memory_space<vmem>>
          %dma_start3A_143 = arith.constant 0 : i32
          %dma_start3A_144 = tpu.memref_slice %arg26[%scan3A_138, %dma_start3A_143] : memref<16x125xi32, #tpu.memory_space<vmem>> -> memref<1x125xi32, #tpu.memory_space<vmem>>
          %dma_start3A_145 = tpu.memref_squeeze %dma_start3A_144 : memref<1x125xi32, #tpu.memory_space<vmem>> -> memref<125xi32, #tpu.memory_space<vmem>>
          %dma_start3A_146 = arith.constant 0 : i32
          %dma_start3A_147 = arith.constant 0 : i32
          %dma_start3A_148 = tpu.memref_slice %arg2[%dma_start3A_146, %dma_start3A_147] : memref<100000x8xf32, #tpu.memory_space<hbm>> -> memref<100000x8xf32, #tpu.memory_space<hbm>>
          tpu.enqueue_indirect_dma source(%dma_start3A_148 : memref<100000x8xf32, #tpu.memory_space<hbm>>) target(%dma_start3A_142 : memref<125x8xf32, #tpu.memory_space<vmem>>) offsets(%dma_start3A_145 : memref<125xi32, #tpu.memory_space<vmem>>) semaphore(%arg45 : memref<!tpu.dma_semaphore, #tpu.memory_space<semaphore_mem>>)
          %mul3A_149 = arith.constant 125 : i32
          %mul3A_150 = arith.muli %scan3A_138, %mul3A_149 : i32
          %dma_start3A_151 = arith.constant 0 : i32
          %dma_start3A_152 = tpu.memref_slice %arg32[%mul3A_150, %dma_start3A_151] : memref<2000x8xf32, #tpu.memory_space<vmem>> -> memref<125x8xf32, #tpu.memory_space<vmem>>
          %dma_start3A_153 = arith.constant 0 : i32
          %dma_start3A_154 = tpu.memref_slice %arg27[%scan3A_138, %dma_start3A_153] : memref<16x125xi32, #tpu.memory_space<vmem>> -> memref<1x125xi32, #tpu.memory_space<vmem>>
          %dma_start3A_155 = tpu.memref_squeeze %dma_start3A_154 : memref<1x125xi32, #tpu.memory_space<vmem>> -> memref<125xi32, #tpu.memory_space<vmem>>
          %dma_start3A_156 = arith.constant 0 : i32
          %dma_start3A_157 = arith.constant 0 : i32
          %dma_start3A_158 = tpu.memref_slice %arg2[%dma_start3A_156, %dma_start3A_157] : memref<100000x8xf32, #tpu.memory_space<hbm>> -> memref<100000x8xf32, #tpu.memory_space<hbm>>
          tpu.enqueue_indirect_dma source(%dma_start3A_158 : memref<100000x8xf32, #tpu.memory_space<hbm>>) target(%dma_start3A_152 : memref<125x8xf32, #tpu.memory_space<vmem>>) offsets(%dma_start3A_155 : memref<125xi32, #tpu.memory_space<vmem>>) semaphore(%arg45 : memref<!tpu.dma_semaphore, #tpu.memory_space<semaphore_mem>>)
          %dma_start3A_159 = arith.constant 0 : i32
          %dma_start3A_160 = tpu.memref_slice %arg30[%scan3A_138, %dma_start3A_159] : memref<16x125xf32, #tpu.memory_space<vmem>> -> memref<1x125xf32, #tpu.memory_space<vmem>>
          %dma_start3A_161 = tpu.memref_squeeze %dma_start3A_160 : memref<1x125xf32, #tpu.memory_space<vmem>> -> memref<125xf32, #tpu.memory_space<vmem>>
          %dma_start3A_162 = arith.constant 0 : i32
          %dma_start3A_163 = tpu.memref_slice %arg26[%scan3A_138, %dma_start3A_162] : memref<16x125xi32, #tpu.memory_space<vmem>> -> memref<1x125xi32, #tpu.memory_space<vmem>>
          %dma_start3A_164 = tpu.memref_squeeze %dma_start3A_163 : memref<1x125xi32, #tpu.memory_space<vmem>> -> memref<125xi32, #tpu.memory_space<vmem>>
          %dma_start3A_165 = arith.constant 0 : i32
          %dma_start3A_166 = tpu.memref_slice %arg41[%dma_start3A_165] : memref<100352xf32, #tpu.memory_space<vmem_shared>> -> memref<100352xf32, #tpu.memory_space<vmem_shared>>
          tpu.enqueue_indirect_dma source(%dma_start3A_161 : memref<125xf32, #tpu.memory_space<vmem>>) target(%dma_start3A_166 : memref<100352xf32, #tpu.memory_space<vmem_shared>>) offsets(%dma_start3A_164 : memref<125xi32, #tpu.memory_space<vmem>>) semaphore(%arg46 : memref<!tpu.dma_semaphore, #tpu.memory_space<semaphore_mem>>) {add = true}
          %dma_start3A_167 = arith.constant 0 : i32
          %dma_start3A_168 = tpu.memref_slice %arg30[%scan3A_138, %dma_start3A_167] : memref<16x125xf32, #tpu.memory_space<vmem>> -> memref<1x125xf32, #tpu.memory_space<vmem>>
          %dma_start3A_169 = tpu.memref_squeeze %dma_start3A_168 : memref<1x125xf32, #tpu.memory_space<vmem>> -> memref<125xf32, #tpu.memory_space<vmem>>
          %dma_start3A_170 = arith.constant 0 : i32
          %dma_start3A_171 = tpu.memref_slice %arg27[%scan3A_138, %dma_start3A_170] : memref<16x125xi32, #tpu.memory_space<vmem>> -> memref<1x125xi32, #tpu.memory_space<vmem>>
          %dma_start3A_172 = tpu.memref_squeeze %dma_start3A_171 : memref<1x125xi32, #tpu.memory_space<vmem>> -> memref<125xi32, #tpu.memory_space<vmem>>
          %dma_start3A_173 = arith.constant 0 : i32
          %dma_start3A_174 = tpu.memref_slice %arg41[%dma_start3A_173] : memref<100352xf32, #tpu.memory_space<vmem_shared>> -> memref<100352xf32, #tpu.memory_space<vmem_shared>>
          tpu.enqueue_indirect_dma source(%dma_start3A_169 : memref<125xf32, #tpu.memory_space<vmem>>) target(%dma_start3A_174 : memref<100352xf32, #tpu.memory_space<vmem_shared>>) offsets(%dma_start3A_172 : memref<125xi32, #tpu.memory_space<vmem>>) semaphore(%arg46 : memref<!tpu.dma_semaphore, #tpu.memory_space<semaphore_mem>>) {add = true}
        }
        %scan3A_118 = arith.constant 16 : i32
        %scan3A_119 = arith.constant 0 : i32
        %scan3A_120 = arith.constant 0 : i32
        %scan3A_121 = arith.constant 16 : i32
        %scan3A_122 = arith.addi %scan3A_120, %scan3A_121 : i32
        %scan3A_123 = arith.constant 1 : i32
        scf.for %scan3A_138 = %scan3A_120 to %scan3A_122 step %scan3A_123  : i32 {
          %mul3A_139 = arith.constant 125 : i32
          %mul3A_140 = arith.muli %scan3A_138, %mul3A_139 : i32
          %dma_wait3A_141 = arith.constant 0 : i32
          %dma_wait3A_142 = tpu.memref_slice %arg31[%mul3A_140, %dma_wait3A_141] : memref<2000x8xf32, #tpu.memory_space<vmem>> -> memref<125x8xf32, #tpu.memory_space<vmem>>
          %dma_wait3A_143 = arith.constant 0 : i32
          %dma_wait3A_144 = tpu.memref_slice %arg26[%scan3A_138, %dma_wait3A_143] : memref<16x125xi32, #tpu.memory_space<vmem>> -> memref<1x125xi32, #tpu.memory_space<vmem>>
          %dma_wait3A_145 = tpu.memref_squeeze %dma_wait3A_144 : memref<1x125xi32, #tpu.memory_space<vmem>> -> memref<125xi32, #tpu.memory_space<vmem>>
          %dma_wait3A_146 = arith.constant 0 : i32
          %dma_wait3A_147 = arith.constant 0 : i32
          %dma_wait3A_148 = tpu.memref_slice %arg2[%dma_wait3A_146, %dma_wait3A_147] : memref<100000x8xf32, #tpu.memory_space<hbm>> -> memref<100000x8xf32, #tpu.memory_space<hbm>>
          tpu.wait_indirect_dma semaphore(%arg45 : memref<!tpu.dma_semaphore, #tpu.memory_space<semaphore_mem>>) src(%dma_wait3A_148 : memref<100000x8xf32, #tpu.memory_space<hbm>>) dst(%dma_wait3A_142 : memref<125x8xf32, #tpu.memory_space<vmem>>)
          %mul3A_149 = arith.constant 125 : i32
          %mul3A_150 = arith.muli %scan3A_138, %mul3A_149 : i32
          %dma_wait3A_151 = arith.constant 0 : i32
          %dma_wait3A_152 = tpu.memref_slice %arg32[%mul3A_150, %dma_wait3A_151] : memref<2000x8xf32, #tpu.memory_space<vmem>> -> memref<125x8xf32, #tpu.memory_space<vmem>>
          %dma_wait3A_153 = arith.constant 0 : i32
          %dma_wait3A_154 = tpu.memref_slice %arg27[%scan3A_138, %dma_wait3A_153] : memref<16x125xi32, #tpu.memory_space<vmem>> -> memref<1x125xi32, #tpu.memory_space<vmem>>
          %dma_wait3A_155 = tpu.memref_squeeze %dma_wait3A_154 : memref<1x125xi32, #tpu.memory_space<vmem>> -> memref<125xi32, #tpu.memory_space<vmem>>
          %dma_wait3A_156 = arith.constant 0 : i32
          %dma_wait3A_157 = arith.constant 0 : i32
          %dma_wait3A_158 = tpu.memref_slice %arg2[%dma_wait3A_156, %dma_wait3A_157] : memref<100000x8xf32, #tpu.memory_space<hbm>> -> memref<100000x8xf32, #tpu.memory_space<hbm>>
          tpu.wait_indirect_dma semaphore(%arg45 : memref<!tpu.dma_semaphore, #tpu.memory_space<semaphore_mem>>) src(%dma_wait3A_158 : memref<100000x8xf32, #tpu.memory_space<hbm>>) dst(%dma_wait3A_152 : memref<125x8xf32, #tpu.memory_space<vmem>>)
          %dma_wait3A_159 = arith.constant 0 : i32
          %dma_wait3A_160 = tpu.memref_slice %arg30[%scan3A_138, %dma_wait3A_159] : memref<16x125xf32, #tpu.memory_space<vmem>> -> memref<1x125xf32, #tpu.memory_space<vmem>>
          %dma_wait3A_161 = tpu.memref_squeeze %dma_wait3A_160 : memref<1x125xf32, #tpu.memory_space<vmem>> -> memref<125xf32, #tpu.memory_space<vmem>>
          %dma_wait3A_162 = arith.constant 0 : i32
          %dma_wait3A_163 = tpu.memref_slice %arg26[%scan3A_138, %dma_wait3A_162] : memref<16x125xi32, #tpu.memory_space<vmem>> -> memref<1x125xi32, #tpu.memory_space<vmem>>
          %dma_wait3A_164 = tpu.memref_squeeze %dma_wait3A_163 : memref<1x125xi32, #tpu.memory_space<vmem>> -> memref<125xi32, #tpu.memory_space<vmem>>
          %dma_wait3A_165 = arith.constant 0 : i32
          %dma_wait3A_166 = tpu.memref_slice %arg41[%dma_wait3A_165] : memref<100352xf32, #tpu.memory_space<vmem_shared>> -> memref<100352xf32, #tpu.memory_space<vmem_shared>>
          tpu.wait_indirect_dma semaphore(%arg46 : memref<!tpu.dma_semaphore, #tpu.memory_space<semaphore_mem>>) src(%dma_wait3A_161 : memref<125xf32, #tpu.memory_space<vmem>>) dst(%dma_wait3A_166 : memref<100352xf32, #tpu.memory_space<vmem_shared>>)
          %dma_wait3A_167 = arith.constant 0 : i32
          %dma_wait3A_168 = tpu.memref_slice %arg30[%scan3A_138, %dma_wait3A_167] : memref<16x125xf32, #tpu.memory_space<vmem>> -> memref<1x125xf32, #tpu.memory_space<vmem>>
          %dma_wait3A_169 = tpu.memref_squeeze %dma_wait3A_168 : memref<1x125xf32, #tpu.memory_space<vmem>> -> memref<125xf32, #tpu.memory_space<vmem>>
          %dma_wait3A_170 = arith.constant 0 : i32
          %dma_wait3A_171 = tpu.memref_slice %arg27[%scan3A_138, %dma_wait3A_170] : memref<16x125xi32, #tpu.memory_space<vmem>> -> memref<1x125xi32, #tpu.memory_space<vmem>>
          %dma_wait3A_172 = tpu.memref_squeeze %dma_wait3A_171 : memref<1x125xi32, #tpu.memory_space<vmem>> -> memref<125xi32, #tpu.memory_space<vmem>>
          %dma_wait3A_173 = arith.constant 0 : i32
          %dma_wait3A_174 = tpu.memref_slice %arg41[%dma_wait3A_173] : memref<100352xf32, #tpu.memory_space<vmem_shared>> -> memref<100352xf32, #tpu.memory_space<vmem_shared>>
          tpu.wait_indirect_dma semaphore(%arg46 : memref<!tpu.dma_semaphore, #tpu.memory_space<semaphore_mem>>) src(%dma_wait3A_169 : memref<125xf32, #tpu.memory_space<vmem>>) dst(%dma_wait3A_174 : memref<100352xf32, #tpu.memory_space<vmem_shared>>)
        }
        %scan3A_124 = arith.constant 16 : i32
        %get3A = arith.constant 0 : i32
        %get3A_125 = arith.index_cast %get3A : i32 to index
        %get3A_126 = arith.constant 0 : index
        %get3A_127 = tpu.vector_load %arg43[%get3A_125, %get3A_126] {strides = array<i32>} : memref<5x16xf32, #tpu.memory_space<vmem>>, vector<16xf32>,
        %scan3A_128 = arith.constant 0 : i32
        %scan3A_129 = arith.constant 125 : i32
        %scan3A_130 = arith.addi %scan3A_128, %scan3A_129 : i32
        %scan3A_131 = arith.constant 1 : i32
        %scan3A_132 = scf.for %scan3A_138 = %scan3A_128 to %scan3A_130 step %scan3A_131 iter_args(%scan3A_139 = %get3A_127) -> (vector<16xf32>)  : i32 {
          %iota3A = tpu.iota {dimensions = array<i32: 0>} : vector<16xi32>
          %mul3A_140 = arith.constant 16 : i32
          %mul3A_141 = arith.muli %scan3A_138, %mul3A_140 : i32
          %add3A_142 = vector.broadcast %mul3A_141 : i32 to vector<16xi32>
          %add3A_143 = arith.addi %iota3A, %add3A_142 : vector<16xi32>
          %broadcast_in_dim3A_144 = arith.constant 0 : i32
          %broadcast_in_dim3A_145 = vector.broadcast %broadcast_in_dim3A_144 : i32 to vector<16xi32>
          %gather3A = tpu.vector_load_idx %arg31[%add3A_143, %broadcast_in_dim3A_145] : memref<2000x8xf32, #tpu.memory_space<vmem>>[vector<16xi32>, vector<16xi32>], vector<16xf32>,
          %broadcast_in_dim3A_146 = arith.constant 1 : i32
          %broadcast_in_dim3A_147 = vector.broadcast %broadcast_in_dim3A_146 : i32 to vector<16xi32>
          %gather3A_148 = tpu.vector_load_idx %arg31[%add3A_143, %broadcast_in_dim3A_147] : memref<2000x8xf32, #tpu.memory_space<vmem>>[vector<16xi32>, vector<16xi32>], vector<16xf32>,
          %broadcast_in_dim3A_149 = arith.constant 2 : i32
          %broadcast_in_dim3A_150 = vector.broadcast %broadcast_in_dim3A_149 : i32 to vector<16xi32>
          %gather3A_151 = tpu.vector_load_idx %arg31[%add3A_143, %broadcast_in_dim3A_150] : memref<2000x8xf32, #tpu.memory_space<vmem>>[vector<16xi32>, vector<16xi32>], vector<16xf32>,
          %broadcast_in_dim3A_152 = arith.constant 3 : i32
          %broadcast_in_dim3A_153 = vector.broadcast %broadcast_in_dim3A_152 : i32 to vector<16xi32>
          %gather3A_154 = tpu.vector_load_idx %arg31[%add3A_143, %broadcast_in_dim3A_153] : memref<2000x8xf32, #tpu.memory_space<vmem>>[vector<16xi32>, vector<16xi32>], vector<16xf32>,
          %iota3A_155 = tpu.iota {dimensions = array<i32: 0>} : vector<16xi32>
          %mul3A_156 = arith.constant 16 : i32
          %mul3A_157 = arith.muli %scan3A_138, %mul3A_156 : i32
          %add3A_158 = vector.broadcast %mul3A_157 : i32 to vector<16xi32>
          %add3A_159 = arith.addi %iota3A_155, %add3A_158 : vector<16xi32>
          %broadcast_in_dim3A_160 = arith.constant 0 : i32
          %broadcast_in_dim3A_161 = vector.broadcast %broadcast_in_dim3A_160 : i32 to vector<16xi32>
          %gather3A_162 = tpu.vector_load_idx %arg32[%add3A_159, %broadcast_in_dim3A_161] : memref<2000x8xf32, #tpu.memory_space<vmem>>[vector<16xi32>, vector<16xi32>], vector<16xf32>,
          %broadcast_in_dim3A_163 = arith.constant 1 : i32
          %broadcast_in_dim3A_164 = vector.broadcast %broadcast_in_dim3A_163 : i32 to vector<16xi32>
          %gather3A_165 = tpu.vector_load_idx %arg32[%add3A_159, %broadcast_in_dim3A_164] : memref<2000x8xf32, #tpu.memory_space<vmem>>[vector<16xi32>, vector<16xi32>], vector<16xf32>,
          %broadcast_in_dim3A_166 = arith.constant 2 : i32
          %broadcast_in_dim3A_167 = vector.broadcast %broadcast_in_dim3A_166 : i32 to vector<16xi32>
          %gather3A_168 = tpu.vector_load_idx %arg32[%add3A_159, %broadcast_in_dim3A_167] : memref<2000x8xf32, #tpu.memory_space<vmem>>[vector<16xi32>, vector<16xi32>], vector<16xf32>,
          %broadcast_in_dim3A_169 = arith.constant 3 : i32
          %broadcast_in_dim3A_170 = vector.broadcast %broadcast_in_dim3A_169 : i32 to vector<16xi32>
          %gather3A_171 = tpu.vector_load_idx %arg32[%add3A_159, %broadcast_in_dim3A_170] : memref<2000x8xf32, #tpu.memory_space<vmem>>[vector<16xi32>, vector<16xi32>], vector<16xf32>,
          %sub3A = arith.subf %gather3A, %gather3A_162 : vector<16xf32>
          %sub3A_172 = arith.subf %gather3A_148, %gather3A_165 : vector<16xf32>
          %sub3A_173 = arith.subf %gather3A_151, %gather3A_168 : vector<16xf32>
          %mul3A_174 = arith.mulf %sub3A, %sub3A : vector<16xf32>
          %mul3A_175 = arith.mulf %sub3A_172, %sub3A_172 : vector<16xf32>
          %add3A_176 = arith.addf %mul3A_174, %mul3A_175 : vector<16xf32>
          %mul3A_177 = arith.mulf %sub3A_173, %sub3A_173 : vector<16xf32>
          %add3A_178 = arith.addf %add3A_176, %mul3A_177 : vector<16xf32>
          %max3A = arith.constant 1.000000e-30 : f32
          %max3A_179 = vector.broadcast %max3A : f32 to vector<16xf32>
          %max3A_180 = arith.maximumf %add3A_178, %max3A_179 : vector<16xf32>
          %bitcast3A = vector.bitcast %max3A_180 : vector<16xf32> to vector<16xi32>
          %shift_right_arithmetic3A = arith.constant 1 : i32
          %shift_right_arithmetic3A_181 = vector.broadcast %shift_right_arithmetic3A : i32 to vector<16xi32>
          %shift_right_arithmetic3A_182 = arith.shrsi %bitcast3A, %shift_right_arithmetic3A_181 : vector<16xi32>
          %sub3A_183 = arith.constant 1597463007 : i32
          %sub3A_184 = vector.broadcast %sub3A_183 : i32 to vector<16xi32>
          %sub3A_185 = arith.subi %sub3A_184, %shift_right_arithmetic3A_182 : vector<16xi32>
          %bitcast3A_186 = vector.bitcast %sub3A_185 : vector<16xi32> to vector<16xf32>
          %mul3A_187 = arith.constant 5.000000e-01 : f32
          %mul3A_188 = vector.broadcast %mul3A_187 : f32 to vector<16xf32>
          %mul3A_189 = arith.mulf %mul3A_188, %max3A_180 : vector<16xf32>
          %mul3A_190 = arith.mulf %mul3A_189, %bitcast3A_186 : vector<16xf32>
          %mul3A_191 = arith.mulf %mul3A_190, %bitcast3A_186 : vector<16xf32>
          %sub3A_192 = arith.constant 1.500000e+00 : f32
          %sub3A_193 = vector.broadcast %sub3A_192 : f32 to vector<16xf32>
          %sub3A_194 = arith.subf %sub3A_193, %mul3A_191 : vector<16xf32>
          %mul3A_195 = arith.mulf %bitcast3A_186, %sub3A_194 : vector<16xf32>
          %mul3A_196 = arith.constant 5.000000e-01 : f32
          %mul3A_197 = vector.broadcast %mul3A_196 : f32 to vector<16xf32>
          %mul3A_198 = arith.mulf %mul3A_197, %max3A_180 : vector<16xf32>
          %mul3A_199 = arith.mulf %mul3A_198, %mul3A_195 : vector<16xf32>
          %mul3A_200 = arith.mulf %mul3A_199, %mul3A_195 : vector<16xf32>
          %sub3A_201 = arith.constant 1.500000e+00 : f32
          %sub3A_202 = vector.broadcast %sub3A_201 : f32 to vector<16xf32>
          %sub3A_203 = arith.subf %sub3A_202, %mul3A_200 : vector<16xf32>
          %mul3A_204 = arith.mulf %mul3A_195, %sub3A_203 : vector<16xf32>
          %mul3A_205 = arith.constant 5.000000e-01 : f32
          %mul3A_206 = vector.broadcast %mul3A_205 : f32 to vector<16xf32>
          %mul3A_207 = arith.mulf %mul3A_206, %max3A_180 : vector<16xf32>
          %mul3A_208 = arith.mulf %mul3A_207, %mul3A_204 : vector<16xf32>
          %mul3A_209 = arith.mulf %mul3A_208, %mul3A_204 : vector<16xf32>
          %sub3A_210 = arith.constant 1.500000e+00 : f32
          %sub3A_211 = vector.broadcast %sub3A_210 : f32 to vector<16xf32>
          %sub3A_212 = arith.subf %sub3A_211, %mul3A_209 : vector<16xf32>
          %mul3A_213 = arith.mulf %mul3A_204, %sub3A_212 : vector<16xf32>
          %mul3A_214 = arith.mulf %max3A_180, %mul3A_213 : vector<16xf32>
          %mul3A_215 = arith.constant 16 : i32
          %mul3A_216 = arith.muli %scan3A_138, %mul3A_215 : i32
          %get3A_217 = arith.index_cast %mul3A_216 : i32 to index
          %get3A_218 = tpu.vector_load %arg35[%get3A_217] {strides = array<i32>} : memref<2000xf32, #tpu.memory_space<vmem>>, vector<16xf32>,
          %sub3A_219 = arith.subf %get3A_218, %mul3A_214 : vector<16xf32>
          %mul3A_220 = arith.mulf %sub3A_219, %sub3A_219 : vector<16xf32>
          %mul3A_221 = arith.constant 16 : i32
          %mul3A_222 = arith.muli %scan3A_138, %mul3A_221 : i32
          %get3A_223 = arith.index_cast %mul3A_222 : i32 to index
          %get3A_224 = tpu.vector_load %arg40[%get3A_223] {strides = array<i32>} : memref<2000xi32, #tpu.memory_space<vmem>>, vector<16xi32>,
          %eq3A = arith.constant 2 : i32
          %eq3A_225 = vector.broadcast %eq3A : i32 to vector<16xi32>
          %eq3A_226 = arith.cmpi eq, %get3A_224, %eq3A_225 : vector<16xi32>
          %jit3A = arith.constant 2.000000e+00 : f32
          %jit3A_227 = arith.constant 1.000000e+00 : f32
          %broadcast_in_dim3A_228 = vector.broadcast %jit3A : f32 to vector<16xf32>
          %broadcast_in_dim3A_229 = vector.broadcast %jit3A_227 : f32 to vector<16xf32>
          %select_n3A = arith.select %eq3A_226, %broadcast_in_dim3A_228, %broadcast_in_dim3A_229 : vector<16xi1>, vector<16xf32>
          %eq3A_230 = arith.constant 3 : i32
          %eq3A_231 = vector.broadcast %eq3A_230 : i32 to vector<16xi32>
          %eq3A_232 = arith.cmpi eq, %get3A_224, %eq3A_231 : vector<16xi32>
          %jit3A_233 = arith.constant 3.000000e+00 : f32
          %broadcast_in_dim3A_234 = vector.broadcast %jit3A_233 : f32 to vector<16xf32>
          %select_n3A_235 = arith.select %eq3A_232, %broadcast_in_dim3A_234, %select_n3A : vector<16xi1>, vector<16xf32>
          %eq3A_236 = arith.constant 12 : i32
          %eq3A_237 = vector.broadcast %eq3A_236 : i32 to vector<16xi32>
          %eq3A_238 = arith.cmpi eq, %get3A_224, %eq3A_237 : vector<16xi32>
          %jit3A_239 = arith.constant 1.500000e+00 : f32
          %broadcast_in_dim3A_240 = vector.broadcast %jit3A_239 : f32 to vector<16xf32>
          %select_n3A_241 = arith.select %eq3A_238, %broadcast_in_dim3A_240, %select_n3A_235 : vector<16xi1>, vector<16xf32>
          %add3A_242 = arith.addf %gather3A_154, %gather3A_171 : vector<16xf32>
          %gt3A = arith.constant 0.000000e+00 : f32
          %gt3A_243 = vector.broadcast %gt3A : f32 to vector<16xf32>
          %gt3A_244 = arith.cmpf ogt, %add3A_242, %gt3A_243 : vector<16xf32>
          %mul3A_245 = arith.constant 3.000000e-01 : f32
          %mul3A_246 = vector.broadcast %mul3A_245 : f32 to vector<16xf32>
          %mul3A_247 = arith.mulf %select_n3A_241, %mul3A_246 : vector<16xf32>
          %select_n3A_248 = arith.select %gt3A_244, %mul3A_247, %select_n3A_241 : vector<16xi1>, vector<16xf32>
          %mul3A_249 = arith.mulf %select_n3A_248, %mul3A_220 : vector<16xf32>
          %add3A_250 = arith.addf %scan3A_139, %mul3A_249 : vector<16xf32>
          scf.yield %add3A_250 : vector<16xf32>
        }
        %scan3A_133 = arith.constant 125 : i32
        %swap3A_134 = arith.constant 0 : i32
        %swap3A_135 = arith.index_cast %swap3A_134 : i32 to index
        %swap3A_136 = arith.constant 0 : index
        %swap3A_137 = tpu.vector_load %arg43[%swap3A_135, %swap3A_136] {strides = array<i32>} : memref<5x16xf32, #tpu.memory_space<vmem>>, vector<16xf32>,
        tpu.vector_store %arg43[%swap3A_135, %swap3A_136], %scan3A_132 {strides = array<i32>} : memref<5x16xf32, #tpu.memory_space<vmem>>, vector<16xf32>,
      } else {
      }
    }
    %scan3A_41 = arith.constant 4 : i32
    %scan3A_42 = arith.constant 0 : i32
    %scan3A_43 = arith.constant 0 : i32
    %scan3A_44 = arith.constant 7 : i32
    %scan3A_45 = arith.addi %scan3A_43, %scan3A_44 : i32
    %scan3A_46 = arith.constant 1 : i32
    scf.for %scan3A_65 = %scan3A_43 to %scan3A_45 step %scan3A_46  : i32 {
      %mul3A_66 = arith.constant 32 : i32
      %mul3A_67 = arith.muli %scan3A_65, %mul3A_66 : i32
      %add3A_68 = arith.addi %add3A, %scan3A_65 : i32
      %rem3A = arith.constant 32 : i32
      %rem3A_69 = arith.remsi %add3A_68, %rem3A : i32
      %add3A_70 = arith.addi %mul3A_67, %rem3A_69 : i32
      %lt3A = arith.constant 200 : i32
      %lt3A_71 = arith.cmpi slt, %add3A_70, %lt3A : i32
      %convert_element_type3A = arith.extui %lt3A_71 : i1 to i32
      %cond3A = arith.constant 0 : i32
      %cond3A_72 = arith.cmpi ne, %convert_element_type3A, %cond3A : i32
      scf.if %cond3A_72 {
        %mul3A_73 = arith.constant 16 : i32
        %mul3A_74 = arith.muli %add3A_70, %mul3A_73 : i32
        %dma_start3A = arith.constant 0 : i32
        %dma_start3A_75 = tpu.memref_slice %arg8[%mul3A_74, %dma_start3A] : memref<3200x125xi32, #tpu.memory_space<hbm>> -> memref<16x125xi32, #tpu.memory_space<hbm>>
        %dma_start3A_76 = arith.constant 0 : i32
        %dma_start3A_77 = tpu.memref_slice %arg8[%mul3A_74, %dma_start3A_76] : memref<3200x125xi32, #tpu.memory_space<hbm>> -> memref<16x125xi32, #tpu.memory_space<hbm>>
        tpu.enqueue_dma source(%dma_start3A_77 : memref<16x125xi32, #tpu.memory_space<hbm>>) target(%arg26 : memref<16x125xi32, #tpu.memory_space<vmem>>) target_semaphore(%arg44 : memref<!tpu.dma_semaphore, #tpu.memory_space<semaphore_mem>>)
        %mul3A_78 = arith.constant 16 : i32
        %mul3A_79 = arith.muli %add3A_70, %mul3A_78 : i32
        %dma_start3A_80 = arith.constant 0 : i32
        %dma_start3A_81 = tpu.memref_slice %arg9[%mul3A_79, %dma_start3A_80] : memref<3200x125xi32, #tpu.memory_space<hbm>> -> memref<16x125xi32, #tpu.memory_space<hbm>>
        %dma_start3A_82 = arith.constant 0 : i32
        %dma_start3A_83 = tpu.memref_slice %arg9[%mul3A_79, %dma_start3A_82] : memref<3200x125xi32, #tpu.memory_space<hbm>> -> memref<16x125xi32, #tpu.memory_space<hbm>>
        tpu.enqueue_dma source(%dma_start3A_83 : memref<16x125xi32, #tpu.memory_space<hbm>>) target(%arg27 : memref<16x125xi32, #tpu.memory_space<vmem>>) target_semaphore(%arg44 : memref<!tpu.dma_semaphore, #tpu.memory_space<semaphore_mem>>)
        %mul3A_84 = arith.constant 16 : i32
        %mul3A_85 = arith.muli %add3A_70, %mul3A_84 : i32
        %dma_start3A_86 = arith.constant 0 : i32
        %dma_start3A_87 = tpu.memref_slice %arg10[%mul3A_85, %dma_start3A_86] : memref<3200x125xi32, #tpu.memory_space<hbm>> -> memref<16x125xi32, #tpu.memory_space<hbm>>
        %dma_start3A_88 = arith.constant 0 : i32
        %dma_start3A_89 = tpu.memref_slice %arg10[%mul3A_85, %dma_start3A_88] : memref<3200x125xi32, #tpu.memory_space<hbm>> -> memref<16x125xi32, #tpu.memory_space<hbm>>
        tpu.enqueue_dma source(%dma_start3A_89 : memref<16x125xi32, #tpu.memory_space<hbm>>) target(%arg28 : memref<16x125xi32, #tpu.memory_space<vmem>>) target_semaphore(%arg44 : memref<!tpu.dma_semaphore, #tpu.memory_space<semaphore_mem>>)
        %mul3A_90 = arith.constant 2000 : i32
        %mul3A_91 = arith.muli %add3A_70, %mul3A_90 : i32
        %dma_start3A_92 = tpu.memref_slice %arg11[%mul3A_91] : memref<400000xf32, #tpu.memory_space<hbm>> -> memref<2000xf32, #tpu.memory_space<hbm>>
        %dma_start3A_93 = tpu.memref_slice %arg11[%mul3A_91] : memref<400000xf32, #tpu.memory_space<hbm>> -> memref<2000xf32, #tpu.memory_space<hbm>>
        tpu.enqueue_dma source(%dma_start3A_93 : memref<2000xf32, #tpu.memory_space<hbm>>) target(%arg35 : memref<2000xf32, #tpu.memory_space<vmem>>) target_semaphore(%arg44 : memref<!tpu.dma_semaphore, #tpu.memory_space<semaphore_mem>>)
        %dma_wait3A = arith.constant 0 : i32
        %dma_wait3A_94 = tpu.memref_slice %arg8[%mul3A_74, %dma_wait3A] : memref<3200x125xi32, #tpu.memory_space<hbm>> -> memref<16x125xi32, #tpu.memory_space<hbm>>
        %dma_wait3A_95 = arith.constant 0 : i32
        %dma_wait3A_96 = tpu.memref_slice %arg8[%mul3A_74, %dma_wait3A_95] : memref<3200x125xi32, #tpu.memory_space<hbm>> -> memref<16x125xi32, #tpu.memory_space<hbm>>
        tpu.wait_dma2 semaphore(%arg44 : memref<!tpu.dma_semaphore, #tpu.memory_space<semaphore_mem>>) src(%dma_wait3A_96 : memref<16x125xi32, #tpu.memory_space<hbm>>) dst(%arg26 : memref<16x125xi32, #tpu.memory_space<vmem>>)
        %dma_wait3A_97 = arith.constant 0 : i32
        %dma_wait3A_98 = tpu.memref_slice %arg9[%mul3A_79, %dma_wait3A_97] : memref<3200x125xi32, #tpu.memory_space<hbm>> -> memref<16x125xi32, #tpu.memory_space<hbm>>
        %dma_wait3A_99 = arith.constant 0 : i32
        %dma_wait3A_100 = tpu.memref_slice %arg9[%mul3A_79, %dma_wait3A_99] : memref<3200x125xi32, #tpu.memory_space<hbm>> -> memref<16x125xi32, #tpu.memory_space<hbm>>
        tpu.wait_dma2 semaphore(%arg44 : memref<!tpu.dma_semaphore, #tpu.memory_space<semaphore_mem>>) src(%dma_wait3A_100 : memref<16x125xi32, #tpu.memory_space<hbm>>) dst(%arg27 : memref<16x125xi32, #tpu.memory_space<vmem>>)
        %dma_wait3A_101 = arith.constant 0 : i32
        %dma_wait3A_102 = tpu.memref_slice %arg10[%mul3A_85, %dma_wait3A_101] : memref<3200x125xi32, #tpu.memory_space<hbm>> -> memref<16x125xi32, #tpu.memory_space<hbm>>
        %dma_wait3A_103 = arith.constant 0 : i32
        %dma_wait3A_104 = tpu.memref_slice %arg10[%mul3A_85, %dma_wait3A_103] : memref<3200x125xi32, #tpu.memory_space<hbm>> -> memref<16x125xi32, #tpu.memory_space<hbm>>
        tpu.wait_dma2 semaphore(%arg44 : memref<!tpu.dma_semaphore, #tpu.memory_space<semaphore_mem>>) src(%dma_wait3A_104 : memref<16x125xi32, #tpu.memory_space<hbm>>) dst(%arg28 : memref<16x125xi32, #tpu.memory_space<vmem>>)
        %dma_wait3A_105 = tpu.memref_slice %arg11[%mul3A_91] : memref<400000xf32, #tpu.memory_space<hbm>> -> memref<2000xf32, #tpu.memory_space<hbm>>
        %dma_wait3A_106 = tpu.memref_slice %arg11[%mul3A_91] : memref<400000xf32, #tpu.memory_space<hbm>> -> memref<2000xf32, #tpu.memory_space<hbm>>
        tpu.wait_dma2 semaphore(%arg44 : memref<!tpu.dma_semaphore, #tpu.memory_space<semaphore_mem>>) src(%dma_wait3A_106 : memref<2000xf32, #tpu.memory_space<hbm>>) dst(%arg35 : memref<2000xf32, #tpu.memory_space<vmem>>)
        %scan3A_107 = arith.constant 0 : i32
        %scan3A_108 = arith.constant 0 : i32
        %scan3A_109 = arith.constant 16 : i32
        %scan3A_110 = arith.addi %scan3A_108, %scan3A_109 : i32
        %scan3A_111 = arith.constant 1 : i32
        scf.for %scan3A_132 = %scan3A_108 to %scan3A_110 step %scan3A_111  : i32 {
          %mul3A_133 = arith.constant 125 : i32
          %mul3A_134 = arith.muli %scan3A_132, %mul3A_133 : i32
          %dma_start3A_135 = arith.constant 0 : i32
          %dma_start3A_136 = tpu.memref_slice %arg31[%mul3A_134, %dma_start3A_135] : memref<2000x8xf32, #tpu.memory_space<vmem>> -> memref<125x8xf32, #tpu.memory_space<vmem>>
          %dma_start3A_137 = arith.constant 0 : i32
          %dma_start3A_138 = tpu.memref_slice %arg26[%scan3A_132, %dma_start3A_137] : memref<16x125xi32, #tpu.memory_space<vmem>> -> memref<1x125xi32, #tpu.memory_space<vmem>>
          %dma_start3A_139 = tpu.memref_squeeze %dma_start3A_138 : memref<1x125xi32, #tpu.memory_space<vmem>> -> memref<125xi32, #tpu.memory_space<vmem>>
          %dma_start3A_140 = arith.constant 0 : i32
          %dma_start3A_141 = arith.constant 0 : i32
          %dma_start3A_142 = tpu.memref_slice %arg2[%dma_start3A_140, %dma_start3A_141] : memref<100000x8xf32, #tpu.memory_space<hbm>> -> memref<100000x8xf32, #tpu.memory_space<hbm>>
          tpu.enqueue_indirect_dma source(%dma_start3A_142 : memref<100000x8xf32, #tpu.memory_space<hbm>>) target(%dma_start3A_136 : memref<125x8xf32, #tpu.memory_space<vmem>>) offsets(%dma_start3A_139 : memref<125xi32, #tpu.memory_space<vmem>>) semaphore(%arg45 : memref<!tpu.dma_semaphore, #tpu.memory_space<semaphore_mem>>)
          %mul3A_143 = arith.constant 125 : i32
          %mul3A_144 = arith.muli %scan3A_132, %mul3A_143 : i32
          %dma_start3A_145 = arith.constant 0 : i32
          %dma_start3A_146 = tpu.memref_slice %arg32[%mul3A_144, %dma_start3A_145] : memref<2000x8xf32, #tpu.memory_space<vmem>> -> memref<125x8xf32, #tpu.memory_space<vmem>>
          %dma_start3A_147 = arith.constant 0 : i32
          %dma_start3A_148 = tpu.memref_slice %arg27[%scan3A_132, %dma_start3A_147] : memref<16x125xi32, #tpu.memory_space<vmem>> -> memref<1x125xi32, #tpu.memory_space<vmem>>
          %dma_start3A_149 = tpu.memref_squeeze %dma_start3A_148 : memref<1x125xi32, #tpu.memory_space<vmem>> -> memref<125xi32, #tpu.memory_space<vmem>>
          %dma_start3A_150 = arith.constant 0 : i32
          %dma_start3A_151 = arith.constant 0 : i32
          %dma_start3A_152 = tpu.memref_slice %arg2[%dma_start3A_150, %dma_start3A_151] : memref<100000x8xf32, #tpu.memory_space<hbm>> -> memref<100000x8xf32, #tpu.memory_space<hbm>>
          tpu.enqueue_indirect_dma source(%dma_start3A_152 : memref<100000x8xf32, #tpu.memory_space<hbm>>) target(%dma_start3A_146 : memref<125x8xf32, #tpu.memory_space<vmem>>) offsets(%dma_start3A_149 : memref<125xi32, #tpu.memory_space<vmem>>) semaphore(%arg45 : memref<!tpu.dma_semaphore, #tpu.memory_space<semaphore_mem>>)
          %mul3A_153 = arith.constant 125 : i32
          %mul3A_154 = arith.muli %scan3A_132, %mul3A_153 : i32
          %dma_start3A_155 = arith.constant 0 : i32
          %dma_start3A_156 = tpu.memref_slice %arg33[%mul3A_154, %dma_start3A_155] : memref<2000x8xf32, #tpu.memory_space<vmem>> -> memref<125x8xf32, #tpu.memory_space<vmem>>
          %dma_start3A_157 = arith.constant 0 : i32
          %dma_start3A_158 = tpu.memref_slice %arg28[%scan3A_132, %dma_start3A_157] : memref<16x125xi32, #tpu.memory_space<vmem>> -> memref<1x125xi32, #tpu.memory_space<vmem>>
          %dma_start3A_159 = tpu.memref_squeeze %dma_start3A_158 : memref<1x125xi32, #tpu.memory_space<vmem>> -> memref<125xi32, #tpu.memory_space<vmem>>
          %dma_start3A_160 = arith.constant 0 : i32
          %dma_start3A_161 = arith.constant 0 : i32
          %dma_start3A_162 = tpu.memref_slice %arg2[%dma_start3A_160, %dma_start3A_161] : memref<100000x8xf32, #tpu.memory_space<hbm>> -> memref<100000x8xf32, #tpu.memory_space<hbm>>
          tpu.enqueue_indirect_dma source(%dma_start3A_162 : memref<100000x8xf32, #tpu.memory_space<hbm>>) target(%dma_start3A_156 : memref<125x8xf32, #tpu.memory_space<vmem>>) offsets(%dma_start3A_159 : memref<125xi32, #tpu.memory_space<vmem>>) semaphore(%arg45 : memref<!tpu.dma_semaphore, #tpu.memory_space<semaphore_mem>>)
        }
        %scan3A_112 = arith.constant 16 : i32
        %scan3A_113 = arith.constant 0 : i32
        %scan3A_114 = arith.constant 0 : i32
        %scan3A_115 = arith.constant 16 : i32
        %scan3A_116 = arith.addi %scan3A_114, %scan3A_115 : i32
        %scan3A_117 = arith.constant 1 : i32
        scf.for %scan3A_132 = %scan3A_114 to %scan3A_116 step %scan3A_117  : i32 {
          %mul3A_133 = arith.constant 125 : i32
          %mul3A_134 = arith.muli %scan3A_132, %mul3A_133 : i32
          %dma_wait3A_135 = arith.constant 0 : i32
          %dma_wait3A_136 = tpu.memref_slice %arg31[%mul3A_134, %dma_wait3A_135] : memref<2000x8xf32, #tpu.memory_space<vmem>> -> memref<125x8xf32, #tpu.memory_space<vmem>>
          %dma_wait3A_137 = arith.constant 0 : i32
          %dma_wait3A_138 = tpu.memref_slice %arg26[%scan3A_132, %dma_wait3A_137] : memref<16x125xi32, #tpu.memory_space<vmem>> -> memref<1x125xi32, #tpu.memory_space<vmem>>
          %dma_wait3A_139 = tpu.memref_squeeze %dma_wait3A_138 : memref<1x125xi32, #tpu.memory_space<vmem>> -> memref<125xi32, #tpu.memory_space<vmem>>
          %dma_wait3A_140 = arith.constant 0 : i32
          %dma_wait3A_141 = arith.constant 0 : i32
          %dma_wait3A_142 = tpu.memref_slice %arg2[%dma_wait3A_140, %dma_wait3A_141] : memref<100000x8xf32, #tpu.memory_space<hbm>> -> memref<100000x8xf32, #tpu.memory_space<hbm>>
          tpu.wait_indirect_dma semaphore(%arg45 : memref<!tpu.dma_semaphore, #tpu.memory_space<semaphore_mem>>) src(%dma_wait3A_142 : memref<100000x8xf32, #tpu.memory_space<hbm>>) dst(%dma_wait3A_136 : memref<125x8xf32, #tpu.memory_space<vmem>>)
          %mul3A_143 = arith.constant 125 : i32
          %mul3A_144 = arith.muli %scan3A_132, %mul3A_143 : i32
          %dma_wait3A_145 = arith.constant 0 : i32
          %dma_wait3A_146 = tpu.memref_slice %arg32[%mul3A_144, %dma_wait3A_145] : memref<2000x8xf32, #tpu.memory_space<vmem>> -> memref<125x8xf32, #tpu.memory_space<vmem>>
          %dma_wait3A_147 = arith.constant 0 : i32
          %dma_wait3A_148 = tpu.memref_slice %arg27[%scan3A_132, %dma_wait3A_147] : memref<16x125xi32, #tpu.memory_space<vmem>> -> memref<1x125xi32, #tpu.memory_space<vmem>>
          %dma_wait3A_149 = tpu.memref_squeeze %dma_wait3A_148 : memref<1x125xi32, #tpu.memory_space<vmem>> -> memref<125xi32, #tpu.memory_space<vmem>>
          %dma_wait3A_150 = arith.constant 0 : i32
          %dma_wait3A_151 = arith.constant 0 : i32
          %dma_wait3A_152 = tpu.memref_slice %arg2[%dma_wait3A_150, %dma_wait3A_151] : memref<100000x8xf32, #tpu.memory_space<hbm>> -> memref<100000x8xf32, #tpu.memory_space<hbm>>
          tpu.wait_indirect_dma semaphore(%arg45 : memref<!tpu.dma_semaphore, #tpu.memory_space<semaphore_mem>>) src(%dma_wait3A_152 : memref<100000x8xf32, #tpu.memory_space<hbm>>) dst(%dma_wait3A_146 : memref<125x8xf32, #tpu.memory_space<vmem>>)
          %mul3A_153 = arith.constant 125 : i32
          %mul3A_154 = arith.muli %scan3A_132, %mul3A_153 : i32
          %dma_wait3A_155 = arith.constant 0 : i32
          %dma_wait3A_156 = tpu.memref_slice %arg33[%mul3A_154, %dma_wait3A_155] : memref<2000x8xf32, #tpu.memory_space<vmem>> -> memref<125x8xf32, #tpu.memory_space<vmem>>
          %dma_wait3A_157 = arith.constant 0 : i32
          %dma_wait3A_158 = tpu.memref_slice %arg28[%scan3A_132, %dma_wait3A_157] : memref<16x125xi32, #tpu.memory_space<vmem>> -> memref<1x125xi32, #tpu.memory_space<vmem>>
          %dma_wait3A_159 = tpu.memref_squeeze %dma_wait3A_158 : memref<1x125xi32, #tpu.memory_space<vmem>> -> memref<125xi32, #tpu.memory_space<vmem>>
          %dma_wait3A_160 = arith.constant 0 : i32
          %dma_wait3A_161 = arith.constant 0 : i32
          %dma_wait3A_162 = tpu.memref_slice %arg2[%dma_wait3A_160, %dma_wait3A_161] : memref<100000x8xf32, #tpu.memory_space<hbm>> -> memref<100000x8xf32, #tpu.memory_space<hbm>>
          tpu.wait_indirect_dma semaphore(%arg45 : memref<!tpu.dma_semaphore, #tpu.memory_space<semaphore_mem>>) src(%dma_wait3A_162 : memref<100000x8xf32, #tpu.memory_space<hbm>>) dst(%dma_wait3A_156 : memref<125x8xf32, #tpu.memory_space<vmem>>)
        }
        %scan3A_118 = arith.constant 16 : i32
        %get3A = arith.constant 1 : i32
        %get3A_119 = arith.index_cast %get3A : i32 to index
        %get3A_120 = arith.constant 0 : index
        %get3A_121 = tpu.vector_load %arg43[%get3A_119, %get3A_120] {strides = array<i32>} : memref<5x16xf32, #tpu.memory_space<vmem>>, vector<16xf32>,
        %scan3A_122 = arith.constant 0 : i32
        %scan3A_123 = arith.constant 125 : i32
        %scan3A_124 = arith.addi %scan3A_122, %scan3A_123 : i32
        %scan3A_125 = arith.constant 1 : i32
        %scan3A_126 = scf.for %scan3A_132 = %scan3A_122 to %scan3A_124 step %scan3A_125 iter_args(%scan3A_133 = %get3A_121) -> (vector<16xf32>)  : i32 {
          %iota3A = tpu.iota {dimensions = array<i32: 0>} : vector<16xi32>
          %mul3A_134 = arith.constant 16 : i32
          %mul3A_135 = arith.muli %scan3A_132, %mul3A_134 : i32
          %add3A_136 = vector.broadcast %mul3A_135 : i32 to vector<16xi32>
          %add3A_137 = arith.addi %iota3A, %add3A_136 : vector<16xi32>
          %broadcast_in_dim3A_138 = arith.constant 0 : i32
          %broadcast_in_dim3A_139 = vector.broadcast %broadcast_in_dim3A_138 : i32 to vector<16xi32>
          %gather3A = tpu.vector_load_idx %arg31[%add3A_137, %broadcast_in_dim3A_139] : memref<2000x8xf32, #tpu.memory_space<vmem>>[vector<16xi32>, vector<16xi32>], vector<16xf32>,
          %broadcast_in_dim3A_140 = arith.constant 1 : i32
          %broadcast_in_dim3A_141 = vector.broadcast %broadcast_in_dim3A_140 : i32 to vector<16xi32>
          %gather3A_142 = tpu.vector_load_idx %arg31[%add3A_137, %broadcast_in_dim3A_141] : memref<2000x8xf32, #tpu.memory_space<vmem>>[vector<16xi32>, vector<16xi32>], vector<16xf32>,
          %broadcast_in_dim3A_143 = arith.constant 2 : i32
          %broadcast_in_dim3A_144 = vector.broadcast %broadcast_in_dim3A_143 : i32 to vector<16xi32>
          %gather3A_145 = tpu.vector_load_idx %arg31[%add3A_137, %broadcast_in_dim3A_144] : memref<2000x8xf32, #tpu.memory_space<vmem>>[vector<16xi32>, vector<16xi32>], vector<16xf32>,
          %broadcast_in_dim3A_146 = arith.constant 3 : i32
          %broadcast_in_dim3A_147 = vector.broadcast %broadcast_in_dim3A_146 : i32 to vector<16xi32>
          %gather3A_148 = tpu.vector_load_idx %arg31[%add3A_137, %broadcast_in_dim3A_147] : memref<2000x8xf32, #tpu.memory_space<vmem>>[vector<16xi32>, vector<16xi32>], vector<16xf32>,
          %iota3A_149 = tpu.iota {dimensions = array<i32: 0>} : vector<16xi32>
          %mul3A_150 = arith.constant 16 : i32
          %mul3A_151 = arith.muli %scan3A_132, %mul3A_150 : i32
          %add3A_152 = vector.broadcast %mul3A_151 : i32 to vector<16xi32>
          %add3A_153 = arith.addi %iota3A_149, %add3A_152 : vector<16xi32>
          %broadcast_in_dim3A_154 = arith.constant 0 : i32
          %broadcast_in_dim3A_155 = vector.broadcast %broadcast_in_dim3A_154 : i32 to vector<16xi32>
          %gather3A_156 = tpu.vector_load_idx %arg32[%add3A_153, %broadcast_in_dim3A_155] : memref<2000x8xf32, #tpu.memory_space<vmem>>[vector<16xi32>, vector<16xi32>], vector<16xf32>,
          %broadcast_in_dim3A_157 = arith.constant 1 : i32
          %broadcast_in_dim3A_158 = vector.broadcast %broadcast_in_dim3A_157 : i32 to vector<16xi32>
          %gather3A_159 = tpu.vector_load_idx %arg32[%add3A_153, %broadcast_in_dim3A_158] : memref<2000x8xf32, #tpu.memory_space<vmem>>[vector<16xi32>, vector<16xi32>], vector<16xf32>,
          %broadcast_in_dim3A_160 = arith.constant 2 : i32
          %broadcast_in_dim3A_161 = vector.broadcast %broadcast_in_dim3A_160 : i32 to vector<16xi32>
          %gather3A_162 = tpu.vector_load_idx %arg32[%add3A_153, %broadcast_in_dim3A_161] : memref<2000x8xf32, #tpu.memory_space<vmem>>[vector<16xi32>, vector<16xi32>], vector<16xf32>,
          %broadcast_in_dim3A_163 = arith.constant 3 : i32
          %broadcast_in_dim3A_164 = vector.broadcast %broadcast_in_dim3A_163 : i32 to vector<16xi32>
          %gather3A_165 = tpu.vector_load_idx %arg32[%add3A_153, %broadcast_in_dim3A_164] : memref<2000x8xf32, #tpu.memory_space<vmem>>[vector<16xi32>, vector<16xi32>], vector<16xf32>,
          %iota3A_166 = tpu.iota {dimensions = array<i32: 0>} : vector<16xi32>
          %mul3A_167 = arith.constant 16 : i32
          %mul3A_168 = arith.muli %scan3A_132, %mul3A_167 : i32
          %add3A_169 = vector.broadcast %mul3A_168 : i32 to vector<16xi32>
          %add3A_170 = arith.addi %iota3A_166, %add3A_169 : vector<16xi32>
          %broadcast_in_dim3A_171 = arith.constant 0 : i32
          %broadcast_in_dim3A_172 = vector.broadcast %broadcast_in_dim3A_171 : i32 to vector<16xi32>
          %gather3A_173 = tpu.vector_load_idx %arg33[%add3A_170, %broadcast_in_dim3A_172] : memref<2000x8xf32, #tpu.memory_space<vmem>>[vector<16xi32>, vector<16xi32>], vector<16xf32>,
          %broadcast_in_dim3A_174 = arith.constant 1 : i32
          %broadcast_in_dim3A_175 = vector.broadcast %broadcast_in_dim3A_174 : i32 to vector<16xi32>
          %gather3A_176 = tpu.vector_load_idx %arg33[%add3A_170, %broadcast_in_dim3A_175] : memref<2000x8xf32, #tpu.memory_space<vmem>>[vector<16xi32>, vector<16xi32>], vector<16xf32>,
          %broadcast_in_dim3A_177 = arith.constant 2 : i32
          %broadcast_in_dim3A_178 = vector.broadcast %broadcast_in_dim3A_177 : i32 to vector<16xi32>
          %gather3A_179 = tpu.vector_load_idx %arg33[%add3A_170, %broadcast_in_dim3A_178] : memref<2000x8xf32, #tpu.memory_space<vmem>>[vector<16xi32>, vector<16xi32>], vector<16xf32>,
          %broadcast_in_dim3A_180 = arith.constant 3 : i32
          %broadcast_in_dim3A_181 = vector.broadcast %broadcast_in_dim3A_180 : i32 to vector<16xi32>
          %gather3A_182 = tpu.vector_load_idx %arg33[%add3A_170, %broadcast_in_dim3A_181] : memref<2000x8xf32, #tpu.memory_space<vmem>>[vector<16xi32>, vector<16xi32>], vector<16xf32>,
          %sub3A = arith.subf %gather3A, %gather3A_156 : vector<16xf32>
          %sub3A_183 = arith.subf %gather3A_142, %gather3A_159 : vector<16xf32>
          %sub3A_184 = arith.subf %gather3A_145, %gather3A_162 : vector<16xf32>
          %sub3A_185 = arith.subf %gather3A_173, %gather3A_156 : vector<16xf32>
          %sub3A_186 = arith.subf %gather3A_176, %gather3A_159 : vector<16xf32>
          %sub3A_187 = arith.subf %gather3A_179, %gather3A_162 : vector<16xf32>
          %mul3A_188 = arith.mulf %sub3A, %sub3A_185 : vector<16xf32>
          %mul3A_189 = arith.mulf %sub3A_183, %sub3A_186 : vector<16xf32>
          %add3A_190 = arith.addf %mul3A_188, %mul3A_189 : vector<16xf32>
          %mul3A_191 = arith.mulf %sub3A_184, %sub3A_187 : vector<16xf32>
          %add3A_192 = arith.addf %add3A_190, %mul3A_191 : vector<16xf32>
          %mul3A_193 = arith.mulf %sub3A, %sub3A : vector<16xf32>
          %mul3A_194 = arith.mulf %sub3A_183, %sub3A_183 : vector<16xf32>
          %add3A_195 = arith.addf %mul3A_193, %mul3A_194 : vector<16xf32>
          %mul3A_196 = arith.mulf %sub3A_184, %sub3A_184 : vector<16xf32>
          %add3A_197 = arith.addf %add3A_195, %mul3A_196 : vector<16xf32>
          %mul3A_198 = arith.mulf %sub3A_185, %sub3A_185 : vector<16xf32>
          %mul3A_199 = arith.mulf %sub3A_186, %sub3A_186 : vector<16xf32>
          %add3A_200 = arith.addf %mul3A_198, %mul3A_199 : vector<16xf32>
          %mul3A_201 = arith.mulf %sub3A_187, %sub3A_187 : vector<16xf32>
          %add3A_202 = arith.addf %add3A_200, %mul3A_201 : vector<16xf32>
          %max3A = arith.constant 1.000000e-30 : f32
          %max3A_203 = vector.broadcast %max3A : f32 to vector<16xf32>
          %max3A_204 = arith.maximumf %add3A_197, %max3A_203 : vector<16xf32>
          %bitcast3A = vector.bitcast %max3A_204 : vector<16xf32> to vector<16xi32>
          %shift_right_arithmetic3A = arith.constant 1 : i32
          %shift_right_arithmetic3A_205 = vector.broadcast %shift_right_arithmetic3A : i32 to vector<16xi32>
          %shift_right_arithmetic3A_206 = arith.shrsi %bitcast3A, %shift_right_arithmetic3A_205 : vector<16xi32>
          %sub3A_207 = arith.constant 1597463007 : i32
          %sub3A_208 = vector.broadcast %sub3A_207 : i32 to vector<16xi32>
          %sub3A_209 = arith.subi %sub3A_208, %shift_right_arithmetic3A_206 : vector<16xi32>
          %bitcast3A_210 = vector.bitcast %sub3A_209 : vector<16xi32> to vector<16xf32>
          %mul3A_211 = arith.constant 5.000000e-01 : f32
          %mul3A_212 = vector.broadcast %mul3A_211 : f32 to vector<16xf32>
          %mul3A_213 = arith.mulf %mul3A_212, %max3A_204 : vector<16xf32>
          %mul3A_214 = arith.mulf %mul3A_213, %bitcast3A_210 : vector<16xf32>
          %mul3A_215 = arith.mulf %mul3A_214, %bitcast3A_210 : vector<16xf32>
          %sub3A_216 = arith.constant 1.500000e+00 : f32
          %sub3A_217 = vector.broadcast %sub3A_216 : f32 to vector<16xf32>
          %sub3A_218 = arith.subf %sub3A_217, %mul3A_215 : vector<16xf32>
          %mul3A_219 = arith.mulf %bitcast3A_210, %sub3A_218 : vector<16xf32>
          %mul3A_220 = arith.constant 5.000000e-01 : f32
          %mul3A_221 = vector.broadcast %mul3A_220 : f32 to vector<16xf32>
          %mul3A_222 = arith.mulf %mul3A_221, %max3A_204 : vector<16xf32>
          %mul3A_223 = arith.mulf %mul3A_222, %mul3A_219 : vector<16xf32>
          %mul3A_224 = arith.mulf %mul3A_223, %mul3A_219 : vector<16xf32>
          %sub3A_225 = arith.constant 1.500000e+00 : f32
          %sub3A_226 = vector.broadcast %sub3A_225 : f32 to vector<16xf32>
          %sub3A_227 = arith.subf %sub3A_226, %mul3A_224 : vector<16xf32>
          %mul3A_228 = arith.mulf %mul3A_219, %sub3A_227 : vector<16xf32>
          %mul3A_229 = arith.constant 5.000000e-01 : f32
          %mul3A_230 = vector.broadcast %mul3A_229 : f32 to vector<16xf32>
          %mul3A_231 = arith.mulf %mul3A_230, %max3A_204 : vector<16xf32>
          %mul3A_232 = arith.mulf %mul3A_231, %mul3A_228 : vector<16xf32>
          %mul3A_233 = arith.mulf %mul3A_232, %mul3A_228 : vector<16xf32>
          %sub3A_234 = arith.constant 1.500000e+00 : f32
          %sub3A_235 = vector.broadcast %sub3A_234 : f32 to vector<16xf32>
          %sub3A_236 = arith.subf %sub3A_235, %mul3A_233 : vector<16xf32>
          %mul3A_237 = arith.mulf %mul3A_228, %sub3A_236 : vector<16xf32>
          %mul3A_238 = arith.mulf %max3A_204, %mul3A_237 : vector<16xf32>
          %max3A_239 = arith.constant 1.000000e-30 : f32
          %max3A_240 = vector.broadcast %max3A_239 : f32 to vector<16xf32>
          %max3A_241 = arith.maximumf %add3A_202, %max3A_240 : vector<16xf32>
          %bitcast3A_242 = vector.bitcast %max3A_241 : vector<16xf32> to vector<16xi32>
          %shift_right_arithmetic3A_243 = arith.constant 1 : i32
          %shift_right_arithmetic3A_244 = vector.broadcast %shift_right_arithmetic3A_243 : i32 to vector<16xi32>
          %shift_right_arithmetic3A_245 = arith.shrsi %bitcast3A_242, %shift_right_arithmetic3A_244 : vector<16xi32>
          %sub3A_246 = arith.constant 1597463007 : i32
          %sub3A_247 = vector.broadcast %sub3A_246 : i32 to vector<16xi32>
          %sub3A_248 = arith.subi %sub3A_247, %shift_right_arithmetic3A_245 : vector<16xi32>
          %bitcast3A_249 = vector.bitcast %sub3A_248 : vector<16xi32> to vector<16xf32>
          %mul3A_250 = arith.constant 5.000000e-01 : f32
          %mul3A_251 = vector.broadcast %mul3A_250 : f32 to vector<16xf32>
          %mul3A_252 = arith.mulf %mul3A_251, %max3A_241 : vector<16xf32>
          %mul3A_253 = arith.mulf %mul3A_252, %bitcast3A_249 : vector<16xf32>
          %mul3A_254 = arith.mulf %mul3A_253, %bitcast3A_249 : vector<16xf32>
          %sub3A_255 = arith.constant 1.500000e+00 : f32
          %sub3A_256 = vector.broadcast %sub3A_255 : f32 to vector<16xf32>
          %sub3A_257 = arith.subf %sub3A_256, %mul3A_254 : vector<16xf32>
          %mul3A_258 = arith.mulf %bitcast3A_249, %sub3A_257 : vector<16xf32>
          %mul3A_259 = arith.constant 5.000000e-01 : f32
          %mul3A_260 = vector.broadcast %mul3A_259 : f32 to vector<16xf32>
          %mul3A_261 = arith.mulf %mul3A_260, %max3A_241 : vector<16xf32>
          %mul3A_262 = arith.mulf %mul3A_261, %mul3A_258 : vector<16xf32>
          %mul3A_263 = arith.mulf %mul3A_262, %mul3A_258 : vector<16xf32>
          %sub3A_264 = arith.constant 1.500000e+00 : f32
          %sub3A_265 = vector.broadcast %sub3A_264 : f32 to vector<16xf32>
          %sub3A_266 = arith.subf %sub3A_265, %mul3A_263 : vector<16xf32>
          %mul3A_267 = arith.mulf %mul3A_258, %sub3A_266 : vector<16xf32>
          %mul3A_268 = arith.constant 5.000000e-01 : f32
          %mul3A_269 = vector.broadcast %mul3A_268 : f32 to vector<16xf32>
          %mul3A_270 = arith.mulf %mul3A_269, %max3A_241 : vector<16xf32>
          %mul3A_271 = arith.mulf %mul3A_270, %mul3A_267 : vector<16xf32>
          %mul3A_272 = arith.mulf %mul3A_271, %mul3A_267 : vector<16xf32>
          %sub3A_273 = arith.constant 1.500000e+00 : f32
          %sub3A_274 = vector.broadcast %sub3A_273 : f32 to vector<16xf32>
          %sub3A_275 = arith.subf %sub3A_274, %mul3A_272 : vector<16xf32>
          %mul3A_276 = arith.mulf %mul3A_267, %sub3A_275 : vector<16xf32>
          %mul3A_277 = arith.mulf %max3A_241, %mul3A_276 : vector<16xf32>
          %mul3A_278 = arith.mulf %mul3A_238, %mul3A_277 : vector<16xf32>
          %max3A_279 = arith.constant 9.99999993E-9 : f32
          %max3A_280 = vector.broadcast %max3A_279 : f32 to vector<16xf32>
          %max3A_281 = arith.maximumf %mul3A_278, %max3A_280 : vector<16xf32>
          %div3A = arith.divf %add3A_192, %max3A_281 : vector<16xf32>
          %max3A_282 = arith.constant -1.000000e+00 : f32
          %max3A_283 = vector.broadcast %max3A_282 : f32 to vector<16xf32>
          %max3A_284 = arith.maximumf %div3A, %max3A_283 : vector<16xf32>
          %min3A = arith.constant 1.000000e+00 : f32
          %min3A_285 = vector.broadcast %min3A : f32 to vector<16xf32>
          %min3A_286 = arith.minimumf %max3A_284, %min3A_285 : vector<16xf32>
          %abs3A = math.absf %min3A_286 : vector<16xf32>
          %sub3A_287 = arith.constant 1.000000e+00 : f32
          %sub3A_288 = vector.broadcast %sub3A_287 : f32 to vector<16xf32>
          %sub3A_289 = arith.subf %sub3A_288, %abs3A : vector<16xf32>
          %max3A_290 = arith.constant 0.000000e+00 : f32
          %max3A_291 = vector.broadcast %max3A_290 : f32 to vector<16xf32>
          %max3A_292 = arith.maximumf %sub3A_289, %max3A_291 : vector<16xf32>
          %max3A_293 = arith.constant 1.000000e-30 : f32
          %max3A_294 = vector.broadcast %max3A_293 : f32 to vector<16xf32>
          %max3A_295 = arith.maximumf %max3A_292, %max3A_294 : vector<16xf32>
          %bitcast3A_296 = vector.bitcast %max3A_295 : vector<16xf32> to vector<16xi32>
          %shift_right_arithmetic3A_297 = arith.constant 1 : i32
          %shift_right_arithmetic3A_298 = vector.broadcast %shift_right_arithmetic3A_297 : i32 to vector<16xi32>
          %shift_right_arithmetic3A_299 = arith.shrsi %bitcast3A_296, %shift_right_arithmetic3A_298 : vector<16xi32>
          %sub3A_300 = arith.constant 1597463007 : i32
          %sub3A_301 = vector.broadcast %sub3A_300 : i32 to vector<16xi32>
          %sub3A_302 = arith.subi %sub3A_301, %shift_right_arithmetic3A_299 : vector<16xi32>
          %bitcast3A_303 = vector.bitcast %sub3A_302 : vector<16xi32> to vector<16xf32>
          %mul3A_304 = arith.constant 5.000000e-01 : f32
          %mul3A_305 = vector.broadcast %mul3A_304 : f32 to vector<16xf32>
          %mul3A_306 = arith.mulf %mul3A_305, %max3A_295 : vector<16xf32>
          %mul3A_307 = arith.mulf %mul3A_306, %bitcast3A_303 : vector<16xf32>
          %mul3A_308 = arith.mulf %mul3A_307, %bitcast3A_303 : vector<16xf32>
          %sub3A_309 = arith.constant 1.500000e+00 : f32
          %sub3A_310 = vector.broadcast %sub3A_309 : f32 to vector<16xf32>
          %sub3A_311 = arith.subf %sub3A_310, %mul3A_308 : vector<16xf32>
          %mul3A_312 = arith.mulf %bitcast3A_303, %sub3A_311 : vector<16xf32>
          %mul3A_313 = arith.constant 5.000000e-01 : f32
          %mul3A_314 = vector.broadcast %mul3A_313 : f32 to vector<16xf32>
          %mul3A_315 = arith.mulf %mul3A_314, %max3A_295 : vector<16xf32>
          %mul3A_316 = arith.mulf %mul3A_315, %mul3A_312 : vector<16xf32>
          %mul3A_317 = arith.mulf %mul3A_316, %mul3A_312 : vector<16xf32>
          %sub3A_318 = arith.constant 1.500000e+00 : f32
          %sub3A_319 = vector.broadcast %sub3A_318 : f32 to vector<16xf32>
          %sub3A_320 = arith.subf %sub3A_319, %mul3A_317 : vector<16xf32>
          %mul3A_321 = arith.mulf %mul3A_312, %sub3A_320 : vector<16xf32>
          %mul3A_322 = arith.constant 5.000000e-01 : f32
          %mul3A_323 = vector.broadcast %mul3A_322 : f32 to vector<16xf32>
          %mul3A_324 = arith.mulf %mul3A_323, %max3A_295 : vector<16xf32>
          %mul3A_325 = arith.mulf %mul3A_324, %mul3A_321 : vector<16xf32>
          %mul3A_326 = arith.mulf %mul3A_325, %mul3A_321 : vector<16xf32>
          %sub3A_327 = arith.constant 1.500000e+00 : f32
          %sub3A_328 = vector.broadcast %sub3A_327 : f32 to vector<16xf32>
          %sub3A_329 = arith.subf %sub3A_328, %mul3A_326 : vector<16xf32>
          %mul3A_330 = arith.mulf %mul3A_321, %sub3A_329 : vector<16xf32>
          %mul3A_331 = arith.mulf %max3A_295, %mul3A_330 : vector<16xf32>
          %mul3A_332 = arith.constant -0.0012624911 : f32
          %mul3A_333 = vector.broadcast %mul3A_332 : f32 to vector<16xf32>
          %mul3A_334 = arith.mulf %mul3A_333, %abs3A : vector<16xf32>
          %add3A_335 = arith.constant 6.670090e-03 : f32
          %add3A_336 = vector.broadcast %add3A_335 : f32 to vector<16xf32>
          %add3A_337 = arith.addf %mul3A_334, %add3A_336 : vector<16xf32>
          %mul3A_338 = arith.mulf %add3A_337, %abs3A : vector<16xf32>
          %sub3A_339 = arith.constant 0.0170881264 : f32
          %sub3A_340 = vector.broadcast %sub3A_339 : f32 to vector<16xf32>
          %sub3A_341 = arith.subf %mul3A_338, %sub3A_340 : vector<16xf32>
          %mul3A_342 = arith.mulf %sub3A_341, %abs3A : vector<16xf32>
          %add3A_343 = arith.constant 0.0308918804 : f32
          %add3A_344 = vector.broadcast %add3A_343 : f32 to vector<16xf32>
          %add3A_345 = arith.addf %mul3A_342, %add3A_344 : vector<16xf32>
          %mul3A_346 = arith.mulf %add3A_345, %abs3A : vector<16xf32>
          %sub3A_347 = arith.constant 0.0501743034 : f32
          %sub3A_348 = vector.broadcast %sub3A_347 : f32 to vector<16xf32>
          %sub3A_349 = arith.subf %mul3A_346, %sub3A_348 : vector<16xf32>
          %mul3A_350 = arith.mulf %sub3A_349, %abs3A : vector<16xf32>
          %add3A_351 = arith.constant 0.0889789909 : f32
          %add3A_352 = vector.broadcast %add3A_351 : f32 to vector<16xf32>
          %add3A_353 = arith.addf %mul3A_350, %add3A_352 : vector<16xf32>
          %mul3A_354 = arith.mulf %add3A_353, %abs3A : vector<16xf32>
          %sub3A_355 = arith.constant 0.214598805 : f32
          %sub3A_356 = vector.broadcast %sub3A_355 : f32 to vector<16xf32>
          %sub3A_357 = arith.subf %mul3A_354, %sub3A_356 : vector<16xf32>
          %mul3A_358 = arith.mulf %sub3A_357, %abs3A : vector<16xf32>
          %add3A_359 = arith.constant 1.57079625 : f32
          %add3A_360 = vector.broadcast %add3A_359 : f32 to vector<16xf32>
          %add3A_361 = arith.addf %mul3A_358, %add3A_360 : vector<16xf32>
          %mul3A_362 = arith.mulf %mul3A_331, %add3A_361 : vector<16xf32>
          %ge3A = arith.constant 0.000000e+00 : f32
          %ge3A_363 = vector.broadcast %ge3A : f32 to vector<16xf32>
          %ge3A_364 = arith.cmpf oge, %min3A_286, %ge3A_363 : vector<16xf32>
          %sub3A_365 = arith.constant 3.14159274 : f32
          %sub3A_366 = vector.broadcast %sub3A_365 : f32 to vector<16xf32>
          %sub3A_367 = arith.subf %sub3A_366, %mul3A_362 : vector<16xf32>
          %select_n3A = arith.select %ge3A_364, %mul3A_362, %sub3A_367 : vector<16xi1>, vector<16xf32>
          %mul3A_368 = arith.constant 16 : i32
          %mul3A_369 = arith.muli %scan3A_132, %mul3A_368 : i32
          %get3A_370 = arith.index_cast %mul3A_369 : i32 to index
          %get3A_371 = tpu.vector_load %arg35[%get3A_370] {strides = array<i32>} : memref<2000xf32, #tpu.memory_space<vmem>>, vector<16xf32>,
          %sub3A_372 = arith.subf %get3A_371, %select_n3A : vector<16xf32>
          %add3A_373 = arith.addf %gather3A_148, %gather3A_165 : vector<16xf32>
          %add3A_374 = arith.addf %add3A_373, %gather3A_182 : vector<16xf32>
          %gt3A = arith.constant 0.000000e+00 : f32
          %gt3A_375 = vector.broadcast %gt3A : f32 to vector<16xf32>
          %gt3A_376 = arith.cmpf ogt, %add3A_374, %gt3A_375 : vector<16xf32>
          %jit3A = arith.constant 3.000000e-01 : f32
          %jit3A_377 = arith.constant 1.000000e+00 : f32
          %broadcast_in_dim3A_378 = vector.broadcast %jit3A : f32 to vector<16xf32>
          %broadcast_in_dim3A_379 = vector.broadcast %jit3A_377 : f32 to vector<16xf32>
          %select_n3A_380 = arith.select %gt3A_376, %broadcast_in_dim3A_378, %broadcast_in_dim3A_379 : vector<16xi1>, vector<16xf32>
          %mul3A_381 = arith.mulf %select_n3A_380, %sub3A_372 : vector<16xf32>
          %mul3A_382 = arith.mulf %mul3A_381, %sub3A_372 : vector<16xf32>
          %add3A_383 = arith.addf %scan3A_133, %mul3A_382 : vector<16xf32>
          scf.yield %add3A_383 : vector<16xf32>
        }
        %scan3A_127 = arith.constant 125 : i32
        %swap3A_128 = arith.constant 1 : i32
        %swap3A_129 = arith.index_cast %swap3A_128 : i32 to index
        %swap3A_130 = arith.constant 0 : index
        %swap3A_131 = tpu.vector_load %arg43[%swap3A_129, %swap3A_130] {strides = array<i32>} : memref<5x16xf32, #tpu.memory_space<vmem>>, vector<16xf32>,
        tpu.vector_store %arg43[%swap3A_129, %swap3A_130], %scan3A_126 {strides = array<i32>} : memref<5x16xf32, #tpu.memory_space<vmem>>, vector<16xf32>,
      } else {
      }
    }
    %scan3A_47 = arith.constant 7 : i32
    %scan3A_48 = arith.constant 0 : i32
    %scan3A_49 = arith.constant 0 : i32
    %scan3A_50 = arith.constant 10 : i32
    %scan3A_51 = arith.addi %scan3A_49, %scan3A_50 : i32
    %scan3A_52 = arith.constant 1 : i32
    scf.for %scan3A_65 = %scan3A_49 to %scan3A_51 step %scan3A_52  : i32 {
      %mul3A_66 = arith.constant 32 : i32
      %mul3A_67 = arith.muli %scan3A_65, %mul3A_66 : i32
      %add3A_68 = arith.addi %add3A, %scan3A_65 : i32
      %rem3A = arith.constant 32 : i32
      %rem3A_69 = arith.remsi %add3A_68, %rem3A : i32
      %add3A_70 = arith.addi %mul3A_67, %rem3A_69 : i32
      %lt3A = arith.constant 300 : i32
      %lt3A_71 = arith.cmpi slt, %add3A_70, %lt3A : i32
      %convert_element_type3A = arith.extui %lt3A_71 : i1 to i32
      %cond3A = arith.constant 0 : i32
      %cond3A_72 = arith.cmpi ne, %convert_element_type3A, %cond3A : i32
      scf.if %cond3A_72 {
        %mul3A_73 = arith.constant 16 : i32
        %mul3A_74 = arith.muli %add3A_70, %mul3A_73 : i32
        %dma_start3A = arith.constant 0 : i32
        %dma_start3A_75 = tpu.memref_slice %arg12[%mul3A_74, %dma_start3A] : memref<4800x125xi32, #tpu.memory_space<hbm>> -> memref<16x125xi32, #tpu.memory_space<hbm>>
        %dma_start3A_76 = arith.constant 0 : i32
        %dma_start3A_77 = tpu.memref_slice %arg12[%mul3A_74, %dma_start3A_76] : memref<4800x125xi32, #tpu.memory_space<hbm>> -> memref<16x125xi32, #tpu.memory_space<hbm>>
        tpu.enqueue_dma source(%dma_start3A_77 : memref<16x125xi32, #tpu.memory_space<hbm>>) target(%arg26 : memref<16x125xi32, #tpu.memory_space<vmem>>) target_semaphore(%arg44 : memref<!tpu.dma_semaphore, #tpu.memory_space<semaphore_mem>>)
        %mul3A_78 = arith.constant 16 : i32
        %mul3A_79 = arith.muli %add3A_70, %mul3A_78 : i32
        %dma_start3A_80 = arith.constant 0 : i32
        %dma_start3A_81 = tpu.memref_slice %arg13[%mul3A_79, %dma_start3A_80] : memref<4800x125xi32, #tpu.memory_space<hbm>> -> memref<16x125xi32, #tpu.memory_space<hbm>>
        %dma_start3A_82 = arith.constant 0 : i32
        %dma_start3A_83 = tpu.memref_slice %arg13[%mul3A_79, %dma_start3A_82] : memref<4800x125xi32, #tpu.memory_space<hbm>> -> memref<16x125xi32, #tpu.memory_space<hbm>>
        tpu.enqueue_dma source(%dma_start3A_83 : memref<16x125xi32, #tpu.memory_space<hbm>>) target(%arg27 : memref<16x125xi32, #tpu.memory_space<vmem>>) target_semaphore(%arg44 : memref<!tpu.dma_semaphore, #tpu.memory_space<semaphore_mem>>)
        %mul3A_84 = arith.constant 16 : i32
        %mul3A_85 = arith.muli %add3A_70, %mul3A_84 : i32
        %dma_start3A_86 = arith.constant 0 : i32
        %dma_start3A_87 = tpu.memref_slice %arg14[%mul3A_85, %dma_start3A_86] : memref<4800x125xi32, #tpu.memory_space<hbm>> -> memref<16x125xi32, #tpu.memory_space<hbm>>
        %dma_start3A_88 = arith.constant 0 : i32
        %dma_start3A_89 = tpu.memref_slice %arg14[%mul3A_85, %dma_start3A_88] : memref<4800x125xi32, #tpu.memory_space<hbm>> -> memref<16x125xi32, #tpu.memory_space<hbm>>
        tpu.enqueue_dma source(%dma_start3A_89 : memref<16x125xi32, #tpu.memory_space<hbm>>) target(%arg28 : memref<16x125xi32, #tpu.memory_space<vmem>>) target_semaphore(%arg44 : memref<!tpu.dma_semaphore, #tpu.memory_space<semaphore_mem>>)
        %mul3A_90 = arith.constant 16 : i32
        %mul3A_91 = arith.muli %add3A_70, %mul3A_90 : i32
        %dma_start3A_92 = arith.constant 0 : i32
        %dma_start3A_93 = tpu.memref_slice %arg15[%mul3A_91, %dma_start3A_92] : memref<4800x125xi32, #tpu.memory_space<hbm>> -> memref<16x125xi32, #tpu.memory_space<hbm>>
        %dma_start3A_94 = arith.constant 0 : i32
        %dma_start3A_95 = tpu.memref_slice %arg15[%mul3A_91, %dma_start3A_94] : memref<4800x125xi32, #tpu.memory_space<hbm>> -> memref<16x125xi32, #tpu.memory_space<hbm>>
        tpu.enqueue_dma source(%dma_start3A_95 : memref<16x125xi32, #tpu.memory_space<hbm>>) target(%arg29 : memref<16x125xi32, #tpu.memory_space<vmem>>) target_semaphore(%arg44 : memref<!tpu.dma_semaphore, #tpu.memory_space<semaphore_mem>>)
        %mul3A_96 = arith.constant 2000 : i32
        %mul3A_97 = arith.muli %add3A_70, %mul3A_96 : i32
        %dma_start3A_98 = tpu.memref_slice %arg16[%mul3A_97] : memref<600000xf32, #tpu.memory_space<hbm>> -> memref<2000xf32, #tpu.memory_space<hbm>>
        %dma_start3A_99 = tpu.memref_slice %arg16[%mul3A_97] : memref<600000xf32, #tpu.memory_space<hbm>> -> memref<2000xf32, #tpu.memory_space<hbm>>
        tpu.enqueue_dma source(%dma_start3A_99 : memref<2000xf32, #tpu.memory_space<hbm>>) target(%arg35 : memref<2000xf32, #tpu.memory_space<vmem>>) target_semaphore(%arg44 : memref<!tpu.dma_semaphore, #tpu.memory_space<semaphore_mem>>)
        %mul3A_100 = arith.constant 2000 : i32
        %mul3A_101 = arith.muli %add3A_70, %mul3A_100 : i32
        %dma_start3A_102 = tpu.memref_slice %arg17[%mul3A_101] : memref<600000xf32, #tpu.memory_space<hbm>> -> memref<2000xf32, #tpu.memory_space<hbm>>
        %dma_start3A_103 = tpu.memref_slice %arg17[%mul3A_101] : memref<600000xf32, #tpu.memory_space<hbm>> -> memref<2000xf32, #tpu.memory_space<hbm>>
        tpu.enqueue_dma source(%dma_start3A_103 : memref<2000xf32, #tpu.memory_space<hbm>>) target(%arg36 : memref<2000xf32, #tpu.memory_space<vmem>>) target_semaphore(%arg44 : memref<!tpu.dma_semaphore, #tpu.memory_space<semaphore_mem>>)
        %mul3A_104 = arith.constant 2000 : i32
        %mul3A_105 = arith.muli %add3A_70, %mul3A_104 : i32
        %dma_start3A_106 = tpu.memref_slice %arg18[%mul3A_105] : memref<600000xf32, #tpu.memory_space<hbm>> -> memref<2000xf32, #tpu.memory_space<hbm>>
        %dma_start3A_107 = tpu.memref_slice %arg18[%mul3A_105] : memref<600000xf32, #tpu.memory_space<hbm>> -> memref<2000xf32, #tpu.memory_space<hbm>>
        tpu.enqueue_dma source(%dma_start3A_107 : memref<2000xf32, #tpu.memory_space<hbm>>) target(%arg37 : memref<2000xf32, #tpu.memory_space<vmem>>) target_semaphore(%arg44 : memref<!tpu.dma_semaphore, #tpu.memory_space<semaphore_mem>>)
        %mul3A_108 = arith.constant 2000 : i32
        %mul3A_109 = arith.muli %add3A_70, %mul3A_108 : i32
        %dma_start3A_110 = tpu.memref_slice %arg19[%mul3A_109] : memref<600000xf32, #tpu.memory_space<hbm>> -> memref<2000xf32, #tpu.memory_space<hbm>>
        %dma_start3A_111 = tpu.memref_slice %arg19[%mul3A_109] : memref<600000xf32, #tpu.memory_space<hbm>> -> memref<2000xf32, #tpu.memory_space<hbm>>
        tpu.enqueue_dma source(%dma_start3A_111 : memref<2000xf32, #tpu.memory_space<hbm>>) target(%arg38 : memref<2000xf32, #tpu.memory_space<vmem>>) target_semaphore(%arg44 : memref<!tpu.dma_semaphore, #tpu.memory_space<semaphore_mem>>)
        %mul3A_112 = arith.constant 2000 : i32
        %mul3A_113 = arith.muli %add3A_70, %mul3A_112 : i32
        %dma_start3A_114 = tpu.memref_slice %arg20[%mul3A_113] : memref<600000xf32, #tpu.memory_space<hbm>> -> memref<2000xf32, #tpu.memory_space<hbm>>
        %dma_start3A_115 = tpu.memref_slice %arg20[%mul3A_113] : memref<600000xf32, #tpu.memory_space<hbm>> -> memref<2000xf32, #tpu.memory_space<hbm>>
        tpu.enqueue_dma source(%dma_start3A_115 : memref<2000xf32, #tpu.memory_space<hbm>>) target(%arg39 : memref<2000xf32, #tpu.memory_space<vmem>>) target_semaphore(%arg44 : memref<!tpu.dma_semaphore, #tpu.memory_space<semaphore_mem>>)
        %dma_wait3A = arith.constant 0 : i32
        %dma_wait3A_116 = tpu.memref_slice %arg12[%mul3A_74, %dma_wait3A] : memref<4800x125xi32, #tpu.memory_space<hbm>> -> memref<16x125xi32, #tpu.memory_space<hbm>>
        %dma_wait3A_117 = arith.constant 0 : i32
        %dma_wait3A_118 = tpu.memref_slice %arg12[%mul3A_74, %dma_wait3A_117] : memref<4800x125xi32, #tpu.memory_space<hbm>> -> memref<16x125xi32, #tpu.memory_space<hbm>>
        tpu.wait_dma2 semaphore(%arg44 : memref<!tpu.dma_semaphore, #tpu.memory_space<semaphore_mem>>) src(%dma_wait3A_118 : memref<16x125xi32, #tpu.memory_space<hbm>>) dst(%arg26 : memref<16x125xi32, #tpu.memory_space<vmem>>)
        %dma_wait3A_119 = arith.constant 0 : i32
        %dma_wait3A_120 = tpu.memref_slice %arg13[%mul3A_79, %dma_wait3A_119] : memref<4800x125xi32, #tpu.memory_space<hbm>> -> memref<16x125xi32, #tpu.memory_space<hbm>>
        %dma_wait3A_121 = arith.constant 0 : i32
        %dma_wait3A_122 = tpu.memref_slice %arg13[%mul3A_79, %dma_wait3A_121] : memref<4800x125xi32, #tpu.memory_space<hbm>> -> memref<16x125xi32, #tpu.memory_space<hbm>>
        tpu.wait_dma2 semaphore(%arg44 : memref<!tpu.dma_semaphore, #tpu.memory_space<semaphore_mem>>) src(%dma_wait3A_122 : memref<16x125xi32, #tpu.memory_space<hbm>>) dst(%arg27 : memref<16x125xi32, #tpu.memory_space<vmem>>)
        %dma_wait3A_123 = arith.constant 0 : i32
        %dma_wait3A_124 = tpu.memref_slice %arg14[%mul3A_85, %dma_wait3A_123] : memref<4800x125xi32, #tpu.memory_space<hbm>> -> memref<16x125xi32, #tpu.memory_space<hbm>>
        %dma_wait3A_125 = arith.constant 0 : i32
        %dma_wait3A_126 = tpu.memref_slice %arg14[%mul3A_85, %dma_wait3A_125] : memref<4800x125xi32, #tpu.memory_space<hbm>> -> memref<16x125xi32, #tpu.memory_space<hbm>>
        tpu.wait_dma2 semaphore(%arg44 : memref<!tpu.dma_semaphore, #tpu.memory_space<semaphore_mem>>) src(%dma_wait3A_126 : memref<16x125xi32, #tpu.memory_space<hbm>>) dst(%arg28 : memref<16x125xi32, #tpu.memory_space<vmem>>)
        %dma_wait3A_127 = arith.constant 0 : i32
        %dma_wait3A_128 = tpu.memref_slice %arg15[%mul3A_91, %dma_wait3A_127] : memref<4800x125xi32, #tpu.memory_space<hbm>> -> memref<16x125xi32, #tpu.memory_space<hbm>>
        %dma_wait3A_129 = arith.constant 0 : i32
        %dma_wait3A_130 = tpu.memref_slice %arg15[%mul3A_91, %dma_wait3A_129] : memref<4800x125xi32, #tpu.memory_space<hbm>> -> memref<16x125xi32, #tpu.memory_space<hbm>>
        tpu.wait_dma2 semaphore(%arg44 : memref<!tpu.dma_semaphore, #tpu.memory_space<semaphore_mem>>) src(%dma_wait3A_130 : memref<16x125xi32, #tpu.memory_space<hbm>>) dst(%arg29 : memref<16x125xi32, #tpu.memory_space<vmem>>)
        %dma_wait3A_131 = tpu.memref_slice %arg16[%mul3A_97] : memref<600000xf32, #tpu.memory_space<hbm>> -> memref<2000xf32, #tpu.memory_space<hbm>>
        %dma_wait3A_132 = tpu.memref_slice %arg16[%mul3A_97] : memref<600000xf32, #tpu.memory_space<hbm>> -> memref<2000xf32, #tpu.memory_space<hbm>>
        tpu.wait_dma2 semaphore(%arg44 : memref<!tpu.dma_semaphore, #tpu.memory_space<semaphore_mem>>) src(%dma_wait3A_132 : memref<2000xf32, #tpu.memory_space<hbm>>) dst(%arg35 : memref<2000xf32, #tpu.memory_space<vmem>>)
        %dma_wait3A_133 = tpu.memref_slice %arg17[%mul3A_101] : memref<600000xf32, #tpu.memory_space<hbm>> -> memref<2000xf32, #tpu.memory_space<hbm>>
        %dma_wait3A_134 = tpu.memref_slice %arg17[%mul3A_101] : memref<600000xf32, #tpu.memory_space<hbm>> -> memref<2000xf32, #tpu.memory_space<hbm>>
        tpu.wait_dma2 semaphore(%arg44 : memref<!tpu.dma_semaphore, #tpu.memory_space<semaphore_mem>>) src(%dma_wait3A_134 : memref<2000xf32, #tpu.memory_space<hbm>>) dst(%arg36 : memref<2000xf32, #tpu.memory_space<vmem>>)
        %dma_wait3A_135 = tpu.memref_slice %arg18[%mul3A_105] : memref<600000xf32, #tpu.memory_space<hbm>> -> memref<2000xf32, #tpu.memory_space<hbm>>
        %dma_wait3A_136 = tpu.memref_slice %arg18[%mul3A_105] : memref<600000xf32, #tpu.memory_space<hbm>> -> memref<2000xf32, #tpu.memory_space<hbm>>
        tpu.wait_dma2 semaphore(%arg44 : memref<!tpu.dma_semaphore, #tpu.memory_space<semaphore_mem>>) src(%dma_wait3A_136 : memref<2000xf32, #tpu.memory_space<hbm>>) dst(%arg37 : memref<2000xf32, #tpu.memory_space<vmem>>)
        %dma_wait3A_137 = tpu.memref_slice %arg19[%mul3A_109] : memref<600000xf32, #tpu.memory_space<hbm>> -> memref<2000xf32, #tpu.memory_space<hbm>>
        %dma_wait3A_138 = tpu.memref_slice %arg19[%mul3A_109] : memref<600000xf32, #tpu.memory_space<hbm>> -> memref<2000xf32, #tpu.memory_space<hbm>>
        tpu.wait_dma2 semaphore(%arg44 : memref<!tpu.dma_semaphore, #tpu.memory_space<semaphore_mem>>) src(%dma_wait3A_138 : memref<2000xf32, #tpu.memory_space<hbm>>) dst(%arg38 : memref<2000xf32, #tpu.memory_space<vmem>>)
        %dma_wait3A_139 = tpu.memref_slice %arg20[%mul3A_113] : memref<600000xf32, #tpu.memory_space<hbm>> -> memref<2000xf32, #tpu.memory_space<hbm>>
        %dma_wait3A_140 = tpu.memref_slice %arg20[%mul3A_113] : memref<600000xf32, #tpu.memory_space<hbm>> -> memref<2000xf32, #tpu.memory_space<hbm>>
        tpu.wait_dma2 semaphore(%arg44 : memref<!tpu.dma_semaphore, #tpu.memory_space<semaphore_mem>>) src(%dma_wait3A_140 : memref<2000xf32, #tpu.memory_space<hbm>>) dst(%arg39 : memref<2000xf32, #tpu.memory_space<vmem>>)
        %scan3A_141 = arith.constant 0 : i32
        %scan3A_142 = arith.constant 0 : i32
        %scan3A_143 = arith.constant 16 : i32
        %scan3A_144 = arith.addi %scan3A_142, %scan3A_143 : i32
        %scan3A_145 = arith.constant 1 : i32
        scf.for %scan3A_174 = %scan3A_142 to %scan3A_144 step %scan3A_145  : i32 {
          %mul3A_175 = arith.constant 125 : i32
          %mul3A_176 = arith.muli %scan3A_174, %mul3A_175 : i32
          %dma_start3A_177 = arith.constant 0 : i32
          %dma_start3A_178 = tpu.memref_slice %arg31[%mul3A_176, %dma_start3A_177] : memref<2000x8xf32, #tpu.memory_space<vmem>> -> memref<125x8xf32, #tpu.memory_space<vmem>>
          %dma_start3A_179 = arith.constant 0 : i32
          %dma_start3A_180 = tpu.memref_slice %arg26[%scan3A_174, %dma_start3A_179] : memref<16x125xi32, #tpu.memory_space<vmem>> -> memref<1x125xi32, #tpu.memory_space<vmem>>
          %dma_start3A_181 = tpu.memref_squeeze %dma_start3A_180 : memref<1x125xi32, #tpu.memory_space<vmem>> -> memref<125xi32, #tpu.memory_space<vmem>>
          %dma_start3A_182 = arith.constant 0 : i32
          %dma_start3A_183 = arith.constant 0 : i32
          %dma_start3A_184 = tpu.memref_slice %arg2[%dma_start3A_182, %dma_start3A_183] : memref<100000x8xf32, #tpu.memory_space<hbm>> -> memref<100000x8xf32, #tpu.memory_space<hbm>>
          tpu.enqueue_indirect_dma source(%dma_start3A_184 : memref<100000x8xf32, #tpu.memory_space<hbm>>) target(%dma_start3A_178 : memref<125x8xf32, #tpu.memory_space<vmem>>) offsets(%dma_start3A_181 : memref<125xi32, #tpu.memory_space<vmem>>) semaphore(%arg45 : memref<!tpu.dma_semaphore, #tpu.memory_space<semaphore_mem>>)
          %mul3A_185 = arith.constant 125 : i32
          %mul3A_186 = arith.muli %scan3A_174, %mul3A_185 : i32
          %dma_start3A_187 = arith.constant 0 : i32
          %dma_start3A_188 = tpu.memref_slice %arg32[%mul3A_186, %dma_start3A_187] : memref<2000x8xf32, #tpu.memory_space<vmem>> -> memref<125x8xf32, #tpu.memory_space<vmem>>
          %dma_start3A_189 = arith.constant 0 : i32
          %dma_start3A_190 = tpu.memref_slice %arg27[%scan3A_174, %dma_start3A_189] : memref<16x125xi32, #tpu.memory_space<vmem>> -> memref<1x125xi32, #tpu.memory_space<vmem>>
          %dma_start3A_191 = tpu.memref_squeeze %dma_start3A_190 : memref<1x125xi32, #tpu.memory_space<vmem>> -> memref<125xi32, #tpu.memory_space<vmem>>
          %dma_start3A_192 = arith.constant 0 : i32
          %dma_start3A_193 = arith.constant 0 : i32
          %dma_start3A_194 = tpu.memref_slice %arg2[%dma_start3A_192, %dma_start3A_193] : memref<100000x8xf32, #tpu.memory_space<hbm>> -> memref<100000x8xf32, #tpu.memory_space<hbm>>
          tpu.enqueue_indirect_dma source(%dma_start3A_194 : memref<100000x8xf32, #tpu.memory_space<hbm>>) target(%dma_start3A_188 : memref<125x8xf32, #tpu.memory_space<vmem>>) offsets(%dma_start3A_191 : memref<125xi32, #tpu.memory_space<vmem>>) semaphore(%arg45 : memref<!tpu.dma_semaphore, #tpu.memory_space<semaphore_mem>>)
          %mul3A_195 = arith.constant 125 : i32
          %mul3A_196 = arith.muli %scan3A_174, %mul3A_195 : i32
          %dma_start3A_197 = arith.constant 0 : i32
          %dma_start3A_198 = tpu.memref_slice %arg33[%mul3A_196, %dma_start3A_197] : memref<2000x8xf32, #tpu.memory_space<vmem>> -> memref<125x8xf32, #tpu.memory_space<vmem>>
          %dma_start3A_199 = arith.constant 0 : i32
          %dma_start3A_200 = tpu.memref_slice %arg28[%scan3A_174, %dma_start3A_199] : memref<16x125xi32, #tpu.memory_space<vmem>> -> memref<1x125xi32, #tpu.memory_space<vmem>>
          %dma_start3A_201 = tpu.memref_squeeze %dma_start3A_200 : memref<1x125xi32, #tpu.memory_space<vmem>> -> memref<125xi32, #tpu.memory_space<vmem>>
          %dma_start3A_202 = arith.constant 0 : i32
          %dma_start3A_203 = arith.constant 0 : i32
          %dma_start3A_204 = tpu.memref_slice %arg2[%dma_start3A_202, %dma_start3A_203] : memref<100000x8xf32, #tpu.memory_space<hbm>> -> memref<100000x8xf32, #tpu.memory_space<hbm>>
          tpu.enqueue_indirect_dma source(%dma_start3A_204 : memref<100000x8xf32, #tpu.memory_space<hbm>>) target(%dma_start3A_198 : memref<125x8xf32, #tpu.memory_space<vmem>>) offsets(%dma_start3A_201 : memref<125xi32, #tpu.memory_space<vmem>>) semaphore(%arg45 : memref<!tpu.dma_semaphore, #tpu.memory_space<semaphore_mem>>)
          %mul3A_205 = arith.constant 125 : i32
          %mul3A_206 = arith.muli %scan3A_174, %mul3A_205 : i32
          %dma_start3A_207 = arith.constant 0 : i32
          %dma_start3A_208 = tpu.memref_slice %arg34[%mul3A_206, %dma_start3A_207] : memref<2000x8xf32, #tpu.memory_space<vmem>> -> memref<125x8xf32, #tpu.memory_space<vmem>>
          %dma_start3A_209 = arith.constant 0 : i32
          %dma_start3A_210 = tpu.memref_slice %arg29[%scan3A_174, %dma_start3A_209] : memref<16x125xi32, #tpu.memory_space<vmem>> -> memref<1x125xi32, #tpu.memory_space<vmem>>
          %dma_start3A_211 = tpu.memref_squeeze %dma_start3A_210 : memref<1x125xi32, #tpu.memory_space<vmem>> -> memref<125xi32, #tpu.memory_space<vmem>>
          %dma_start3A_212 = arith.constant 0 : i32
          %dma_start3A_213 = arith.constant 0 : i32
          %dma_start3A_214 = tpu.memref_slice %arg2[%dma_start3A_212, %dma_start3A_213] : memref<100000x8xf32, #tpu.memory_space<hbm>> -> memref<100000x8xf32, #tpu.memory_space<hbm>>
          tpu.enqueue_indirect_dma source(%dma_start3A_214 : memref<100000x8xf32, #tpu.memory_space<hbm>>) target(%dma_start3A_208 : memref<125x8xf32, #tpu.memory_space<vmem>>) offsets(%dma_start3A_211 : memref<125xi32, #tpu.memory_space<vmem>>) semaphore(%arg45 : memref<!tpu.dma_semaphore, #tpu.memory_space<semaphore_mem>>)
        }
        %scan3A_146 = arith.constant 16 : i32
        %scan3A_147 = arith.constant 0 : i32
        %scan3A_148 = arith.constant 0 : i32
        %scan3A_149 = arith.constant 16 : i32
        %scan3A_150 = arith.addi %scan3A_148, %scan3A_149 : i32
        %scan3A_151 = arith.constant 1 : i32
        scf.for %scan3A_174 = %scan3A_148 to %scan3A_150 step %scan3A_151  : i32 {
          %mul3A_175 = arith.constant 125 : i32
          %mul3A_176 = arith.muli %scan3A_174, %mul3A_175 : i32
          %dma_wait3A_177 = arith.constant 0 : i32
          %dma_wait3A_178 = tpu.memref_slice %arg31[%mul3A_176, %dma_wait3A_177] : memref<2000x8xf32, #tpu.memory_space<vmem>> -> memref<125x8xf32, #tpu.memory_space<vmem>>
          %dma_wait3A_179 = arith.constant 0 : i32
          %dma_wait3A_180 = tpu.memref_slice %arg26[%scan3A_174, %dma_wait3A_179] : memref<16x125xi32, #tpu.memory_space<vmem>> -> memref<1x125xi32, #tpu.memory_space<vmem>>
          %dma_wait3A_181 = tpu.memref_squeeze %dma_wait3A_180 : memref<1x125xi32, #tpu.memory_space<vmem>> -> memref<125xi32, #tpu.memory_space<vmem>>
          %dma_wait3A_182 = arith.constant 0 : i32
          %dma_wait3A_183 = arith.constant 0 : i32
          %dma_wait3A_184 = tpu.memref_slice %arg2[%dma_wait3A_182, %dma_wait3A_183] : memref<100000x8xf32, #tpu.memory_space<hbm>> -> memref<100000x8xf32, #tpu.memory_space<hbm>>
          tpu.wait_indirect_dma semaphore(%arg45 : memref<!tpu.dma_semaphore, #tpu.memory_space<semaphore_mem>>) src(%dma_wait3A_184 : memref<100000x8xf32, #tpu.memory_space<hbm>>) dst(%dma_wait3A_178 : memref<125x8xf32, #tpu.memory_space<vmem>>)
          %mul3A_185 = arith.constant 125 : i32
          %mul3A_186 = arith.muli %scan3A_174, %mul3A_185 : i32
          %dma_wait3A_187 = arith.constant 0 : i32
          %dma_wait3A_188 = tpu.memref_slice %arg32[%mul3A_186, %dma_wait3A_187] : memref<2000x8xf32, #tpu.memory_space<vmem>> -> memref<125x8xf32, #tpu.memory_space<vmem>>
          %dma_wait3A_189 = arith.constant 0 : i32
          %dma_wait3A_190 = tpu.memref_slice %arg27[%scan3A_174, %dma_wait3A_189] : memref<16x125xi32, #tpu.memory_space<vmem>> -> memref<1x125xi32, #tpu.memory_space<vmem>>
          %dma_wait3A_191 = tpu.memref_squeeze %dma_wait3A_190 : memref<1x125xi32, #tpu.memory_space<vmem>> -> memref<125xi32, #tpu.memory_space<vmem>>
          %dma_wait3A_192 = arith.constant 0 : i32
          %dma_wait3A_193 = arith.constant 0 : i32
          %dma_wait3A_194 = tpu.memref_slice %arg2[%dma_wait3A_192, %dma_wait3A_193] : memref<100000x8xf32, #tpu.memory_space<hbm>> -> memref<100000x8xf32, #tpu.memory_space<hbm>>
          tpu.wait_indirect_dma semaphore(%arg45 : memref<!tpu.dma_semaphore, #tpu.memory_space<semaphore_mem>>) src(%dma_wait3A_194 : memref<100000x8xf32, #tpu.memory_space<hbm>>) dst(%dma_wait3A_188 : memref<125x8xf32, #tpu.memory_space<vmem>>)
          %mul3A_195 = arith.constant 125 : i32
          %mul3A_196 = arith.muli %scan3A_174, %mul3A_195 : i32
          %dma_wait3A_197 = arith.constant 0 : i32
          %dma_wait3A_198 = tpu.memref_slice %arg33[%mul3A_196, %dma_wait3A_197] : memref<2000x8xf32, #tpu.memory_space<vmem>> -> memref<125x8xf32, #tpu.memory_space<vmem>>
          %dma_wait3A_199 = arith.constant 0 : i32
          %dma_wait3A_200 = tpu.memref_slice %arg28[%scan3A_174, %dma_wait3A_199] : memref<16x125xi32, #tpu.memory_space<vmem>> -> memref<1x125xi32, #tpu.memory_space<vmem>>
          %dma_wait3A_201 = tpu.memref_squeeze %dma_wait3A_200 : memref<1x125xi32, #tpu.memory_space<vmem>> -> memref<125xi32, #tpu.memory_space<vmem>>
          %dma_wait3A_202 = arith.constant 0 : i32
          %dma_wait3A_203 = arith.constant 0 : i32
          %dma_wait3A_204 = tpu.memref_slice %arg2[%dma_wait3A_202, %dma_wait3A_203] : memref<100000x8xf32, #tpu.memory_space<hbm>> -> memref<100000x8xf32, #tpu.memory_space<hbm>>
          tpu.wait_indirect_dma semaphore(%arg45 : memref<!tpu.dma_semaphore, #tpu.memory_space<semaphore_mem>>) src(%dma_wait3A_204 : memref<100000x8xf32, #tpu.memory_space<hbm>>) dst(%dma_wait3A_198 : memref<125x8xf32, #tpu.memory_space<vmem>>)
          %mul3A_205 = arith.constant 125 : i32
          %mul3A_206 = arith.muli %scan3A_174, %mul3A_205 : i32
          %dma_wait3A_207 = arith.constant 0 : i32
          %dma_wait3A_208 = tpu.memref_slice %arg34[%mul3A_206, %dma_wait3A_207] : memref<2000x8xf32, #tpu.memory_space<vmem>> -> memref<125x8xf32, #tpu.memory_space<vmem>>
          %dma_wait3A_209 = arith.constant 0 : i32
          %dma_wait3A_210 = tpu.memref_slice %arg29[%scan3A_174, %dma_wait3A_209] : memref<16x125xi32, #tpu.memory_space<vmem>> -> memref<1x125xi32, #tpu.memory_space<vmem>>
          %dma_wait3A_211 = tpu.memref_squeeze %dma_wait3A_210 : memref<1x125xi32, #tpu.memory_space<vmem>> -> memref<125xi32, #tpu.memory_space<vmem>>
          %dma_wait3A_212 = arith.constant 0 : i32
          %dma_wait3A_213 = arith.constant 0 : i32
          %dma_wait3A_214 = tpu.memref_slice %arg2[%dma_wait3A_212, %dma_wait3A_213] : memref<100000x8xf32, #tpu.memory_space<hbm>> -> memref<100000x8xf32, #tpu.memory_space<hbm>>
          tpu.wait_indirect_dma semaphore(%arg45 : memref<!tpu.dma_semaphore, #tpu.memory_space<semaphore_mem>>) src(%dma_wait3A_214 : memref<100000x8xf32, #tpu.memory_space<hbm>>) dst(%dma_wait3A_208 : memref<125x8xf32, #tpu.memory_space<vmem>>)
        }
        %scan3A_152 = arith.constant 16 : i32
        %get3A = arith.constant 2 : i32
        %get3A_153 = arith.index_cast %get3A : i32 to index
        %get3A_154 = arith.constant 0 : index
        %get3A_155 = tpu.vector_load %arg43[%get3A_153, %get3A_154] {strides = array<i32>} : memref<5x16xf32, #tpu.memory_space<vmem>>, vector<16xf32>,
        %get3A_156 = arith.constant 3 : i32
        %get3A_157 = arith.index_cast %get3A_156 : i32 to index
        %get3A_158 = arith.constant 0 : index
        %get3A_159 = tpu.vector_load %arg43[%get3A_157, %get3A_158] {strides = array<i32>} : memref<5x16xf32, #tpu.memory_space<vmem>>, vector<16xf32>,
        %scan3A_160 = arith.constant 0 : i32
        %scan3A_161 = arith.constant 125 : i32
        %scan3A_162 = arith.addi %scan3A_160, %scan3A_161 : i32
        %scan3A_163 = arith.constant 1 : i32
        %scan3A_164:2 = scf.for %scan3A_174 = %scan3A_160 to %scan3A_162 step %scan3A_163 iter_args(%scan3A_175 = %get3A_155, %scan3A_176 = %get3A_159) -> (vector<16xf32>, vector<16xf32>)  : i32 {
          %iota3A = tpu.iota {dimensions = array<i32: 0>} : vector<16xi32>
          %mul3A_177 = arith.constant 16 : i32
          %mul3A_178 = arith.muli %scan3A_174, %mul3A_177 : i32
          %add3A_179 = vector.broadcast %mul3A_178 : i32 to vector<16xi32>
          %add3A_180 = arith.addi %iota3A, %add3A_179 : vector<16xi32>
          %broadcast_in_dim3A_181 = arith.constant 0 : i32
          %broadcast_in_dim3A_182 = vector.broadcast %broadcast_in_dim3A_181 : i32 to vector<16xi32>
          %gather3A = tpu.vector_load_idx %arg31[%add3A_180, %broadcast_in_dim3A_182] : memref<2000x8xf32, #tpu.memory_space<vmem>>[vector<16xi32>, vector<16xi32>], vector<16xf32>,
          %broadcast_in_dim3A_183 = arith.constant 1 : i32
          %broadcast_in_dim3A_184 = vector.broadcast %broadcast_in_dim3A_183 : i32 to vector<16xi32>
          %gather3A_185 = tpu.vector_load_idx %arg31[%add3A_180, %broadcast_in_dim3A_184] : memref<2000x8xf32, #tpu.memory_space<vmem>>[vector<16xi32>, vector<16xi32>], vector<16xf32>,
          %broadcast_in_dim3A_186 = arith.constant 2 : i32
          %broadcast_in_dim3A_187 = vector.broadcast %broadcast_in_dim3A_186 : i32 to vector<16xi32>
          %gather3A_188 = tpu.vector_load_idx %arg31[%add3A_180, %broadcast_in_dim3A_187] : memref<2000x8xf32, #tpu.memory_space<vmem>>[vector<16xi32>, vector<16xi32>], vector<16xf32>,
          %broadcast_in_dim3A_189 = arith.constant 3 : i32
          %broadcast_in_dim3A_190 = vector.broadcast %broadcast_in_dim3A_189 : i32 to vector<16xi32>
          %gather3A_191 = tpu.vector_load_idx %arg31[%add3A_180, %broadcast_in_dim3A_190] : memref<2000x8xf32, #tpu.memory_space<vmem>>[vector<16xi32>, vector<16xi32>], vector<16xf32>,
          %iota3A_192 = tpu.iota {dimensions = array<i32: 0>} : vector<16xi32>
          %mul3A_193 = arith.constant 16 : i32
          %mul3A_194 = arith.muli %scan3A_174, %mul3A_193 : i32
          %add3A_195 = vector.broadcast %mul3A_194 : i32 to vector<16xi32>
          %add3A_196 = arith.addi %iota3A_192, %add3A_195 : vector<16xi32>
          %broadcast_in_dim3A_197 = arith.constant 0 : i32
          %broadcast_in_dim3A_198 = vector.broadcast %broadcast_in_dim3A_197 : i32 to vector<16xi32>
          %gather3A_199 = tpu.vector_load_idx %arg32[%add3A_196, %broadcast_in_dim3A_198] : memref<2000x8xf32, #tpu.memory_space<vmem>>[vector<16xi32>, vector<16xi32>], vector<16xf32>,
          %broadcast_in_dim3A_200 = arith.constant 1 : i32
          %broadcast_in_dim3A_201 = vector.broadcast %broadcast_in_dim3A_200 : i32 to vector<16xi32>
          %gather3A_202 = tpu.vector_load_idx %arg32[%add3A_196, %broadcast_in_dim3A_201] : memref<2000x8xf32, #tpu.memory_space<vmem>>[vector<16xi32>, vector<16xi32>], vector<16xf32>,
          %broadcast_in_dim3A_203 = arith.constant 2 : i32
          %broadcast_in_dim3A_204 = vector.broadcast %broadcast_in_dim3A_203 : i32 to vector<16xi32>
          %gather3A_205 = tpu.vector_load_idx %arg32[%add3A_196, %broadcast_in_dim3A_204] : memref<2000x8xf32, #tpu.memory_space<vmem>>[vector<16xi32>, vector<16xi32>], vector<16xf32>,
          %broadcast_in_dim3A_206 = arith.constant 3 : i32
          %broadcast_in_dim3A_207 = vector.broadcast %broadcast_in_dim3A_206 : i32 to vector<16xi32>
          %gather3A_208 = tpu.vector_load_idx %arg32[%add3A_196, %broadcast_in_dim3A_207] : memref<2000x8xf32, #tpu.memory_space<vmem>>[vector<16xi32>, vector<16xi32>], vector<16xf32>,
          %iota3A_209 = tpu.iota {dimensions = array<i32: 0>} : vector<16xi32>
          %mul3A_210 = arith.constant 16 : i32
          %mul3A_211 = arith.muli %scan3A_174, %mul3A_210 : i32
          %add3A_212 = vector.broadcast %mul3A_211 : i32 to vector<16xi32>
          %add3A_213 = arith.addi %iota3A_209, %add3A_212 : vector<16xi32>
          %broadcast_in_dim3A_214 = arith.constant 0 : i32
          %broadcast_in_dim3A_215 = vector.broadcast %broadcast_in_dim3A_214 : i32 to vector<16xi32>
          %gather3A_216 = tpu.vector_load_idx %arg33[%add3A_213, %broadcast_in_dim3A_215] : memref<2000x8xf32, #tpu.memory_space<vmem>>[vector<16xi32>, vector<16xi32>], vector<16xf32>,
          %broadcast_in_dim3A_217 = arith.constant 1 : i32
          %broadcast_in_dim3A_218 = vector.broadcast %broadcast_in_dim3A_217 : i32 to vector<16xi32>
          %gather3A_219 = tpu.vector_load_idx %arg33[%add3A_213, %broadcast_in_dim3A_218] : memref<2000x8xf32, #tpu.memory_space<vmem>>[vector<16xi32>, vector<16xi32>], vector<16xf32>,
          %broadcast_in_dim3A_220 = arith.constant 2 : i32
          %broadcast_in_dim3A_221 = vector.broadcast %broadcast_in_dim3A_220 : i32 to vector<16xi32>
          %gather3A_222 = tpu.vector_load_idx %arg33[%add3A_213, %broadcast_in_dim3A_221] : memref<2000x8xf32, #tpu.memory_space<vmem>>[vector<16xi32>, vector<16xi32>], vector<16xf32>,
          %broadcast_in_dim3A_223 = arith.constant 3 : i32
          %broadcast_in_dim3A_224 = vector.broadcast %broadcast_in_dim3A_223 : i32 to vector<16xi32>
          %gather3A_225 = tpu.vector_load_idx %arg33[%add3A_213, %broadcast_in_dim3A_224] : memref<2000x8xf32, #tpu.memory_space<vmem>>[vector<16xi32>, vector<16xi32>], vector<16xf32>,
          %iota3A_226 = tpu.iota {dimensions = array<i32: 0>} : vector<16xi32>
          %mul3A_227 = arith.constant 16 : i32
          %mul3A_228 = arith.muli %scan3A_174, %mul3A_227 : i32
          %add3A_229 = vector.broadcast %mul3A_228 : i32 to vector<16xi32>
          %add3A_230 = arith.addi %iota3A_226, %add3A_229 : vector<16xi32>
          %broadcast_in_dim3A_231 = arith.constant 0 : i32
          %broadcast_in_dim3A_232 = vector.broadcast %broadcast_in_dim3A_231 : i32 to vector<16xi32>
          %gather3A_233 = tpu.vector_load_idx %arg34[%add3A_230, %broadcast_in_dim3A_232] : memref<2000x8xf32, #tpu.memory_space<vmem>>[vector<16xi32>, vector<16xi32>], vector<16xf32>,
          %broadcast_in_dim3A_234 = arith.constant 1 : i32
          %broadcast_in_dim3A_235 = vector.broadcast %broadcast_in_dim3A_234 : i32 to vector<16xi32>
          %gather3A_236 = tpu.vector_load_idx %arg34[%add3A_230, %broadcast_in_dim3A_235] : memref<2000x8xf32, #tpu.memory_space<vmem>>[vector<16xi32>, vector<16xi32>], vector<16xf32>,
          %broadcast_in_dim3A_237 = arith.constant 2 : i32
          %broadcast_in_dim3A_238 = vector.broadcast %broadcast_in_dim3A_237 : i32 to vector<16xi32>
          %gather3A_239 = tpu.vector_load_idx %arg34[%add3A_230, %broadcast_in_dim3A_238] : memref<2000x8xf32, #tpu.memory_space<vmem>>[vector<16xi32>, vector<16xi32>], vector<16xf32>,
          %broadcast_in_dim3A_240 = arith.constant 3 : i32
          %broadcast_in_dim3A_241 = vector.broadcast %broadcast_in_dim3A_240 : i32 to vector<16xi32>
          %gather3A_242 = tpu.vector_load_idx %arg34[%add3A_230, %broadcast_in_dim3A_241] : memref<2000x8xf32, #tpu.memory_space<vmem>>[vector<16xi32>, vector<16xi32>], vector<16xf32>,
          %sub3A = arith.subf %gather3A_199, %gather3A : vector<16xf32>
          %sub3A_243 = arith.subf %gather3A_202, %gather3A_185 : vector<16xf32>
          %sub3A_244 = arith.subf %gather3A_205, %gather3A_188 : vector<16xf32>
          %sub3A_245 = arith.subf %gather3A_216, %gather3A_199 : vector<16xf32>
          %sub3A_246 = arith.subf %gather3A_219, %gather3A_202 : vector<16xf32>
          %sub3A_247 = arith.subf %gather3A_222, %gather3A_205 : vector<16xf32>
          %sub3A_248 = arith.subf %gather3A_233, %gather3A_216 : vector<16xf32>
          %sub3A_249 = arith.subf %gather3A_236, %gather3A_219 : vector<16xf32>
          %sub3A_250 = arith.subf %gather3A_239, %gather3A_222 : vector<16xf32>
          %mul3A_251 = arith.mulf %sub3A_243, %sub3A_247 : vector<16xf32>
          %mul3A_252 = arith.mulf %sub3A_244, %sub3A_246 : vector<16xf32>
          %sub3A_253 = arith.subf %mul3A_251, %mul3A_252 : vector<16xf32>
          %add3A_254 = arith.constant 9.99999997E-7 : f32
          %add3A_255 = vector.broadcast %add3A_254 : f32 to vector<16xf32>
          %add3A_256 = arith.addf %sub3A_253, %add3A_255 : vector<16xf32>
          %mul3A_257 = arith.mulf %sub3A_244, %sub3A_245 : vector<16xf32>
          %mul3A_258 = arith.mulf %sub3A, %sub3A_247 : vector<16xf32>
          %sub3A_259 = arith.subf %mul3A_257, %mul3A_258 : vector<16xf32>
          %add3A_260 = arith.constant 9.99999997E-7 : f32
          %add3A_261 = vector.broadcast %add3A_260 : f32 to vector<16xf32>
          %add3A_262 = arith.addf %sub3A_259, %add3A_261 : vector<16xf32>
          %mul3A_263 = arith.mulf %sub3A, %sub3A_246 : vector<16xf32>
          %mul3A_264 = arith.mulf %sub3A_243, %sub3A_245 : vector<16xf32>
          %sub3A_265 = arith.subf %mul3A_263, %mul3A_264 : vector<16xf32>
          %add3A_266 = arith.constant 9.99999997E-7 : f32
          %add3A_267 = vector.broadcast %add3A_266 : f32 to vector<16xf32>
          %add3A_268 = arith.addf %sub3A_265, %add3A_267 : vector<16xf32>
          %mul3A_269 = arith.mulf %sub3A_246, %sub3A_250 : vector<16xf32>
          %mul3A_270 = arith.mulf %sub3A_247, %sub3A_249 : vector<16xf32>
          %sub3A_271 = arith.subf %mul3A_269, %mul3A_270 : vector<16xf32>
          %add3A_272 = arith.constant 9.99999997E-7 : f32
          %add3A_273 = vector.broadcast %add3A_272 : f32 to vector<16xf32>
          %add3A_274 = arith.addf %sub3A_271, %add3A_273 : vector<16xf32>
          %mul3A_275 = arith.mulf %sub3A_247, %sub3A_248 : vector<16xf32>
          %mul3A_276 = arith.mulf %sub3A_245, %sub3A_250 : vector<16xf32>
          %sub3A_277 = arith.subf %mul3A_275, %mul3A_276 : vector<16xf32>
          %add3A_278 = arith.constant 9.99999997E-7 : f32
          %add3A_279 = vector.broadcast %add3A_278 : f32 to vector<16xf32>
          %add3A_280 = arith.addf %sub3A_277, %add3A_279 : vector<16xf32>
          %mul3A_281 = arith.mulf %sub3A_245, %sub3A_249 : vector<16xf32>
          %mul3A_282 = arith.mulf %sub3A_246, %sub3A_248 : vector<16xf32>
          %sub3A_283 = arith.subf %mul3A_281, %mul3A_282 : vector<16xf32>
          %add3A_284 = arith.constant 9.99999997E-7 : f32
          %add3A_285 = vector.broadcast %add3A_284 : f32 to vector<16xf32>
          %add3A_286 = arith.addf %sub3A_283, %add3A_285 : vector<16xf32>
          %add3A_287 = arith.constant 9.99999997E-7 : f32
          %add3A_288 = vector.broadcast %add3A_287 : f32 to vector<16xf32>
          %add3A_289 = arith.addf %sub3A_245, %add3A_288 : vector<16xf32>
          %add3A_290 = arith.constant 9.99999997E-7 : f32
          %add3A_291 = vector.broadcast %add3A_290 : f32 to vector<16xf32>
          %add3A_292 = arith.addf %sub3A_246, %add3A_291 : vector<16xf32>
          %add3A_293 = arith.constant 9.99999997E-7 : f32
          %add3A_294 = vector.broadcast %add3A_293 : f32 to vector<16xf32>
          %add3A_295 = arith.addf %sub3A_247, %add3A_294 : vector<16xf32>
          %mul3A_296 = arith.mulf %add3A_256, %add3A_256 : vector<16xf32>
          %mul3A_297 = arith.mulf %add3A_262, %add3A_262 : vector<16xf32>
          %add3A_298 = arith.addf %mul3A_296, %mul3A_297 : vector<16xf32>
          %mul3A_299 = arith.mulf %add3A_268, %add3A_268 : vector<16xf32>
          %add3A_300 = arith.addf %add3A_298, %mul3A_299 : vector<16xf32>
          %max3A = arith.constant 1.000000e-30 : f32
          %max3A_301 = vector.broadcast %max3A : f32 to vector<16xf32>
          %max3A_302 = arith.maximumf %add3A_300, %max3A_301 : vector<16xf32>
          %bitcast3A = vector.bitcast %max3A_302 : vector<16xf32> to vector<16xi32>
          %shift_right_arithmetic3A = arith.constant 1 : i32
          %shift_right_arithmetic3A_303 = vector.broadcast %shift_right_arithmetic3A : i32 to vector<16xi32>
          %shift_right_arithmetic3A_304 = arith.shrsi %bitcast3A, %shift_right_arithmetic3A_303 : vector<16xi32>
          %sub3A_305 = arith.constant 1597463007 : i32
          %sub3A_306 = vector.broadcast %sub3A_305 : i32 to vector<16xi32>
          %sub3A_307 = arith.subi %sub3A_306, %shift_right_arithmetic3A_304 : vector<16xi32>
          %bitcast3A_308 = vector.bitcast %sub3A_307 : vector<16xi32> to vector<16xf32>
          %mul3A_309 = arith.constant 5.000000e-01 : f32
          %mul3A_310 = vector.broadcast %mul3A_309 : f32 to vector<16xf32>
          %mul3A_311 = arith.mulf %mul3A_310, %max3A_302 : vector<16xf32>
          %mul3A_312 = arith.mulf %mul3A_311, %bitcast3A_308 : vector<16xf32>
          %mul3A_313 = arith.mulf %mul3A_312, %bitcast3A_308 : vector<16xf32>
          %sub3A_314 = arith.constant 1.500000e+00 : f32
          %sub3A_315 = vector.broadcast %sub3A_314 : f32 to vector<16xf32>
          %sub3A_316 = arith.subf %sub3A_315, %mul3A_313 : vector<16xf32>
          %mul3A_317 = arith.mulf %bitcast3A_308, %sub3A_316 : vector<16xf32>
          %mul3A_318 = arith.constant 5.000000e-01 : f32
          %mul3A_319 = vector.broadcast %mul3A_318 : f32 to vector<16xf32>
          %mul3A_320 = arith.mulf %mul3A_319, %max3A_302 : vector<16xf32>
          %mul3A_321 = arith.mulf %mul3A_320, %mul3A_317 : vector<16xf32>
          %mul3A_322 = arith.mulf %mul3A_321, %mul3A_317 : vector<16xf32>
          %sub3A_323 = arith.constant 1.500000e+00 : f32
          %sub3A_324 = vector.broadcast %sub3A_323 : f32 to vector<16xf32>
          %sub3A_325 = arith.subf %sub3A_324, %mul3A_322 : vector<16xf32>
          %mul3A_326 = arith.mulf %mul3A_317, %sub3A_325 : vector<16xf32>
          %mul3A_327 = arith.constant 5.000000e-01 : f32
          %mul3A_328 = vector.broadcast %mul3A_327 : f32 to vector<16xf32>
          %mul3A_329 = arith.mulf %mul3A_328, %max3A_302 : vector<16xf32>
          %mul3A_330 = arith.mulf %mul3A_329, %mul3A_326 : vector<16xf32>
          %mul3A_331 = arith.mulf %mul3A_330, %mul3A_326 : vector<16xf32>
          %sub3A_332 = arith.constant 1.500000e+00 : f32
          %sub3A_333 = vector.broadcast %sub3A_332 : f32 to vector<16xf32>
          %sub3A_334 = arith.subf %sub3A_333, %mul3A_331 : vector<16xf32>
          %mul3A_335 = arith.mulf %mul3A_326, %sub3A_334 : vector<16xf32>
          %mul3A_336 = arith.mulf %max3A_302, %mul3A_335 : vector<16xf32>
          %max3A_337 = arith.constant 9.99999996E-13 : f32
          %max3A_338 = vector.broadcast %max3A_337 : f32 to vector<16xf32>
          %max3A_339 = arith.maximumf %mul3A_336, %max3A_338 : vector<16xf32>
          %div3A = arith.constant 1.000000e+00 : f32
          %div3A_340 = vector.broadcast %div3A : f32 to vector<16xf32>
          %div3A_341 = arith.divf %div3A_340, %max3A_339 : vector<16xf32>
          %mul3A_342 = arith.mulf %add3A_274, %add3A_274 : vector<16xf32>
          %mul3A_343 = arith.mulf %add3A_280, %add3A_280 : vector<16xf32>
          %add3A_344 = arith.addf %mul3A_342, %mul3A_343 : vector<16xf32>
          %mul3A_345 = arith.mulf %add3A_286, %add3A_286 : vector<16xf32>
          %add3A_346 = arith.addf %add3A_344, %mul3A_345 : vector<16xf32>
          %max3A_347 = arith.constant 1.000000e-30 : f32
          %max3A_348 = vector.broadcast %max3A_347 : f32 to vector<16xf32>
          %max3A_349 = arith.maximumf %add3A_346, %max3A_348 : vector<16xf32>
          %bitcast3A_350 = vector.bitcast %max3A_349 : vector<16xf32> to vector<16xi32>
          %shift_right_arithmetic3A_351 = arith.constant 1 : i32
          %shift_right_arithmetic3A_352 = vector.broadcast %shift_right_arithmetic3A_351 : i32 to vector<16xi32>
          %shift_right_arithmetic3A_353 = arith.shrsi %bitcast3A_350, %shift_right_arithmetic3A_352 : vector<16xi32>
          %sub3A_354 = arith.constant 1597463007 : i32
          %sub3A_355 = vector.broadcast %sub3A_354 : i32 to vector<16xi32>
          %sub3A_356 = arith.subi %sub3A_355, %shift_right_arithmetic3A_353 : vector<16xi32>
          %bitcast3A_357 = vector.bitcast %sub3A_356 : vector<16xi32> to vector<16xf32>
          %mul3A_358 = arith.constant 5.000000e-01 : f32
          %mul3A_359 = vector.broadcast %mul3A_358 : f32 to vector<16xf32>
          %mul3A_360 = arith.mulf %mul3A_359, %max3A_349 : vector<16xf32>
          %mul3A_361 = arith.mulf %mul3A_360, %bitcast3A_357 : vector<16xf32>
          %mul3A_362 = arith.mulf %mul3A_361, %bitcast3A_357 : vector<16xf32>
          %sub3A_363 = arith.constant 1.500000e+00 : f32
          %sub3A_364 = vector.broadcast %sub3A_363 : f32 to vector<16xf32>
          %sub3A_365 = arith.subf %sub3A_364, %mul3A_362 : vector<16xf32>
          %mul3A_366 = arith.mulf %bitcast3A_357, %sub3A_365 : vector<16xf32>
          %mul3A_367 = arith.constant 5.000000e-01 : f32
          %mul3A_368 = vector.broadcast %mul3A_367 : f32 to vector<16xf32>
          %mul3A_369 = arith.mulf %mul3A_368, %max3A_349 : vector<16xf32>
          %mul3A_370 = arith.mulf %mul3A_369, %mul3A_366 : vector<16xf32>
          %mul3A_371 = arith.mulf %mul3A_370, %mul3A_366 : vector<16xf32>
          %sub3A_372 = arith.constant 1.500000e+00 : f32
          %sub3A_373 = vector.broadcast %sub3A_372 : f32 to vector<16xf32>
          %sub3A_374 = arith.subf %sub3A_373, %mul3A_371 : vector<16xf32>
          %mul3A_375 = arith.mulf %mul3A_366, %sub3A_374 : vector<16xf32>
          %mul3A_376 = arith.constant 5.000000e-01 : f32
          %mul3A_377 = vector.broadcast %mul3A_376 : f32 to vector<16xf32>
          %mul3A_378 = arith.mulf %mul3A_377, %max3A_349 : vector<16xf32>
          %mul3A_379 = arith.mulf %mul3A_378, %mul3A_375 : vector<16xf32>
          %mul3A_380 = arith.mulf %mul3A_379, %mul3A_375 : vector<16xf32>
          %sub3A_381 = arith.constant 1.500000e+00 : f32
          %sub3A_382 = vector.broadcast %sub3A_381 : f32 to vector<16xf32>
          %sub3A_383 = arith.subf %sub3A_382, %mul3A_380 : vector<16xf32>
          %mul3A_384 = arith.mulf %mul3A_375, %sub3A_383 : vector<16xf32>
          %mul3A_385 = arith.mulf %max3A_349, %mul3A_384 : vector<16xf32>
          %max3A_386 = arith.constant 9.99999996E-13 : f32
          %max3A_387 = vector.broadcast %max3A_386 : f32 to vector<16xf32>
          %max3A_388 = arith.maximumf %mul3A_385, %max3A_387 : vector<16xf32>
          %div3A_389 = arith.constant 1.000000e+00 : f32
          %div3A_390 = vector.broadcast %div3A_389 : f32 to vector<16xf32>
          %div3A_391 = arith.divf %div3A_390, %max3A_388 : vector<16xf32>
          %mul3A_392 = arith.mulf %add3A_289, %add3A_289 : vector<16xf32>
          %mul3A_393 = arith.mulf %add3A_292, %add3A_292 : vector<16xf32>
          %add3A_394 = arith.addf %mul3A_392, %mul3A_393 : vector<16xf32>
          %mul3A_395 = arith.mulf %add3A_295, %add3A_295 : vector<16xf32>
          %add3A_396 = arith.addf %add3A_394, %mul3A_395 : vector<16xf32>
          %max3A_397 = arith.constant 1.000000e-30 : f32
          %max3A_398 = vector.broadcast %max3A_397 : f32 to vector<16xf32>
          %max3A_399 = arith.maximumf %add3A_396, %max3A_398 : vector<16xf32>
          %bitcast3A_400 = vector.bitcast %max3A_399 : vector<16xf32> to vector<16xi32>
          %shift_right_arithmetic3A_401 = arith.constant 1 : i32
          %shift_right_arithmetic3A_402 = vector.broadcast %shift_right_arithmetic3A_401 : i32 to vector<16xi32>
          %shift_right_arithmetic3A_403 = arith.shrsi %bitcast3A_400, %shift_right_arithmetic3A_402 : vector<16xi32>
          %sub3A_404 = arith.constant 1597463007 : i32
          %sub3A_405 = vector.broadcast %sub3A_404 : i32 to vector<16xi32>
          %sub3A_406 = arith.subi %sub3A_405, %shift_right_arithmetic3A_403 : vector<16xi32>
          %bitcast3A_407 = vector.bitcast %sub3A_406 : vector<16xi32> to vector<16xf32>
          %mul3A_408 = arith.constant 5.000000e-01 : f32
          %mul3A_409 = vector.broadcast %mul3A_408 : f32 to vector<16xf32>
          %mul3A_410 = arith.mulf %mul3A_409, %max3A_399 : vector<16xf32>
          %mul3A_411 = arith.mulf %mul3A_410, %bitcast3A_407 : vector<16xf32>
          %mul3A_412 = arith.mulf %mul3A_411, %bitcast3A_407 : vector<16xf32>
          %sub3A_413 = arith.constant 1.500000e+00 : f32
          %sub3A_414 = vector.broadcast %sub3A_413 : f32 to vector<16xf32>
          %sub3A_415 = arith.subf %sub3A_414, %mul3A_412 : vector<16xf32>
          %mul3A_416 = arith.mulf %bitcast3A_407, %sub3A_415 : vector<16xf32>
          %mul3A_417 = arith.constant 5.000000e-01 : f32
          %mul3A_418 = vector.broadcast %mul3A_417 : f32 to vector<16xf32>
          %mul3A_419 = arith.mulf %mul3A_418, %max3A_399 : vector<16xf32>
          %mul3A_420 = arith.mulf %mul3A_419, %mul3A_416 : vector<16xf32>
          %mul3A_421 = arith.mulf %mul3A_420, %mul3A_416 : vector<16xf32>
          %sub3A_422 = arith.constant 1.500000e+00 : f32
          %sub3A_423 = vector.broadcast %sub3A_422 : f32 to vector<16xf32>
          %sub3A_424 = arith.subf %sub3A_423, %mul3A_421 : vector<16xf32>
          %mul3A_425 = arith.mulf %mul3A_416, %sub3A_424 : vector<16xf32>
          %mul3A_426 = arith.constant 5.000000e-01 : f32
          %mul3A_427 = vector.broadcast %mul3A_426 : f32 to vector<16xf32>
          %mul3A_428 = arith.mulf %mul3A_427, %max3A_399 : vector<16xf32>
          %mul3A_429 = arith.mulf %mul3A_428, %mul3A_425 : vector<16xf32>
          %mul3A_430 = arith.mulf %mul3A_429, %mul3A_425 : vector<16xf32>
          %sub3A_431 = arith.constant 1.500000e+00 : f32
          %sub3A_432 = vector.broadcast %sub3A_431 : f32 to vector<16xf32>
          %sub3A_433 = arith.subf %sub3A_432, %mul3A_430 : vector<16xf32>
          %mul3A_434 = arith.mulf %mul3A_425, %sub3A_433 : vector<16xf32>
          %mul3A_435 = arith.mulf %max3A_399, %mul3A_434 : vector<16xf32>
          %max3A_436 = arith.constant 9.99999996E-13 : f32
          %max3A_437 = vector.broadcast %max3A_436 : f32 to vector<16xf32>
          %max3A_438 = arith.maximumf %mul3A_435, %max3A_437 : vector<16xf32>
          %div3A_439 = arith.constant 1.000000e+00 : f32
          %div3A_440 = vector.broadcast %div3A_439 : f32 to vector<16xf32>
          %div3A_441 = arith.divf %div3A_440, %max3A_438 : vector<16xf32>
          %mul3A_442 = arith.mulf %add3A_256, %div3A_341 : vector<16xf32>
          %mul3A_443 = arith.mulf %add3A_262, %div3A_341 : vector<16xf32>
          %mul3A_444 = arith.mulf %add3A_268, %div3A_341 : vector<16xf32>
          %mul3A_445 = arith.mulf %add3A_274, %div3A_391 : vector<16xf32>
          %mul3A_446 = arith.mulf %add3A_280, %div3A_391 : vector<16xf32>
          %mul3A_447 = arith.mulf %add3A_286, %div3A_391 : vector<16xf32>
          %mul3A_448 = arith.mulf %add3A_289, %div3A_441 : vector<16xf32>
          %mul3A_449 = arith.mulf %add3A_292, %div3A_441 : vector<16xf32>
          %mul3A_450 = arith.mulf %add3A_295, %div3A_441 : vector<16xf32>
          %mul3A_451 = arith.mulf %mul3A_442, %mul3A_445 : vector<16xf32>
          %mul3A_452 = arith.mulf %mul3A_443, %mul3A_446 : vector<16xf32>
          %add3A_453 = arith.addf %mul3A_451, %mul3A_452 : vector<16xf32>
          %mul3A_454 = arith.mulf %mul3A_444, %mul3A_447 : vector<16xf32>
          %add3A_455 = arith.addf %add3A_453, %mul3A_454 : vector<16xf32>
          %mul3A_456 = arith.mulf %mul3A_443, %mul3A_447 : vector<16xf32>
          %mul3A_457 = arith.mulf %mul3A_444, %mul3A_446 : vector<16xf32>
          %sub3A_458 = arith.subf %mul3A_456, %mul3A_457 : vector<16xf32>
          %mul3A_459 = arith.mulf %mul3A_444, %mul3A_445 : vector<16xf32>
          %mul3A_460 = arith.mulf %mul3A_442, %mul3A_447 : vector<16xf32>
          %sub3A_461 = arith.subf %mul3A_459, %mul3A_460 : vector<16xf32>
          %mul3A_462 = arith.mulf %mul3A_442, %mul3A_446 : vector<16xf32>
          %mul3A_463 = arith.mulf %mul3A_443, %mul3A_445 : vector<16xf32>
          %sub3A_464 = arith.subf %mul3A_462, %mul3A_463 : vector<16xf32>
          %mul3A_465 = arith.mulf %sub3A_458, %mul3A_448 : vector<16xf32>
          %mul3A_466 = arith.mulf %sub3A_461, %mul3A_449 : vector<16xf32>
          %add3A_467 = arith.addf %mul3A_465, %mul3A_466 : vector<16xf32>
          %mul3A_468 = arith.mulf %sub3A_464, %mul3A_450 : vector<16xf32>
          %add3A_469 = arith.addf %add3A_467, %mul3A_468 : vector<16xf32>
          %mul3A_470 = arith.constant 16 : i32
          %mul3A_471 = arith.muli %scan3A_174, %mul3A_470 : i32
          %get3A_472 = arith.index_cast %mul3A_471 : i32 to index
          %get3A_473 = tpu.vector_load %arg35[%get3A_472] {strides = array<i32>} : memref<2000xf32, #tpu.memory_space<vmem>>, vector<16xf32>,
          %sub3A_474 = arith.subf %get3A_473, %add3A_469 : vector<16xf32>
          %get3A_475 = arith.index_cast %mul3A_471 : i32 to index
          %get3A_476 = tpu.vector_load %arg36[%get3A_475] {strides = array<i32>} : memref<2000xf32, #tpu.memory_space<vmem>>, vector<16xf32>,
          %sub3A_477 = arith.subf %get3A_476, %add3A_455 : vector<16xf32>
          %add3A_478 = arith.addf %gather3A_191, %gather3A_208 : vector<16xf32>
          %add3A_479 = arith.addf %add3A_478, %gather3A_225 : vector<16xf32>
          %add3A_480 = arith.addf %add3A_479, %gather3A_242 : vector<16xf32>
          %gt3A = arith.constant 0.000000e+00 : f32
          %gt3A_481 = vector.broadcast %gt3A : f32 to vector<16xf32>
          %gt3A_482 = arith.cmpf ogt, %add3A_480, %gt3A_481 : vector<16xf32>
          %jit3A = arith.constant 3.000000e-01 : f32
          %jit3A_483 = arith.constant 1.000000e+00 : f32
          %broadcast_in_dim3A_484 = vector.broadcast %jit3A : f32 to vector<16xf32>
          %broadcast_in_dim3A_485 = vector.broadcast %jit3A_483 : f32 to vector<16xf32>
          %select_n3A = arith.select %gt3A_482, %broadcast_in_dim3A_484, %broadcast_in_dim3A_485 : vector<16xi1>, vector<16xf32>
          %mul3A_486 = arith.mulf %sub3A_474, %sub3A_474 : vector<16xf32>
          %mul3A_487 = arith.mulf %sub3A_477, %sub3A_477 : vector<16xf32>
          %add3A_488 = arith.addf %mul3A_486, %mul3A_487 : vector<16xf32>
          %mul3A_489 = arith.mulf %select_n3A, %add3A_488 : vector<16xf32>
          %add3A_490 = arith.addf %scan3A_175, %mul3A_489 : vector<16xf32>
          %get3A_491 = arith.index_cast %mul3A_471 : i32 to index
          %get3A_492 = tpu.vector_load %arg37[%get3A_491] {strides = array<i32>} : memref<2000xf32, #tpu.memory_space<vmem>>, vector<16xf32>,
          %get3A_493 = arith.index_cast %mul3A_471 : i32 to index
          %get3A_494 = tpu.vector_load %arg38[%get3A_493] {strides = array<i32>} : memref<2000xf32, #tpu.memory_space<vmem>>, vector<16xf32>,
          %get3A_495 = arith.index_cast %mul3A_471 : i32 to index
          %get3A_496 = tpu.vector_load %arg39[%get3A_495] {strides = array<i32>} : memref<2000xf32, #tpu.memory_space<vmem>>, vector<16xf32>,
          %mul3A_497 = arith.mulf %add3A_469, %add3A_469 : vector<16xf32>
          %mul3A_498 = arith.mulf %add3A_455, %add3A_455 : vector<16xf32>
          %add3A_499 = arith.addf %mul3A_497, %mul3A_498 : vector<16xf32>
          %max3A_500 = arith.constant 1.000000e-30 : f32
          %max3A_501 = vector.broadcast %max3A_500 : f32 to vector<16xf32>
          %max3A_502 = arith.maximumf %add3A_499, %max3A_501 : vector<16xf32>
          %bitcast3A_503 = vector.bitcast %max3A_502 : vector<16xf32> to vector<16xi32>
          %shift_right_arithmetic3A_504 = arith.constant 1 : i32
          %shift_right_arithmetic3A_505 = vector.broadcast %shift_right_arithmetic3A_504 : i32 to vector<16xi32>
          %shift_right_arithmetic3A_506 = arith.shrsi %bitcast3A_503, %shift_right_arithmetic3A_505 : vector<16xi32>
          %sub3A_507 = arith.constant 1597463007 : i32
          %sub3A_508 = vector.broadcast %sub3A_507 : i32 to vector<16xi32>
          %sub3A_509 = arith.subi %sub3A_508, %shift_right_arithmetic3A_506 : vector<16xi32>
          %bitcast3A_510 = vector.bitcast %sub3A_509 : vector<16xi32> to vector<16xf32>
          %mul3A_511 = arith.constant 5.000000e-01 : f32
          %mul3A_512 = vector.broadcast %mul3A_511 : f32 to vector<16xf32>
          %mul3A_513 = arith.mulf %mul3A_512, %max3A_502 : vector<16xf32>
          %mul3A_514 = arith.mulf %mul3A_513, %bitcast3A_510 : vector<16xf32>
          %mul3A_515 = arith.mulf %mul3A_514, %bitcast3A_510 : vector<16xf32>
          %sub3A_516 = arith.constant 1.500000e+00 : f32
          %sub3A_517 = vector.broadcast %sub3A_516 : f32 to vector<16xf32>
          %sub3A_518 = arith.subf %sub3A_517, %mul3A_515 : vector<16xf32>
          %mul3A_519 = arith.mulf %bitcast3A_510, %sub3A_518 : vector<16xf32>
          %mul3A_520 = arith.constant 5.000000e-01 : f32
          %mul3A_521 = vector.broadcast %mul3A_520 : f32 to vector<16xf32>
          %mul3A_522 = arith.mulf %mul3A_521, %max3A_502 : vector<16xf32>
          %mul3A_523 = arith.mulf %mul3A_522, %mul3A_519 : vector<16xf32>
          %mul3A_524 = arith.mulf %mul3A_523, %mul3A_519 : vector<16xf32>
          %sub3A_525 = arith.constant 1.500000e+00 : f32
          %sub3A_526 = vector.broadcast %sub3A_525 : f32 to vector<16xf32>
          %sub3A_527 = arith.subf %sub3A_526, %mul3A_524 : vector<16xf32>
          %mul3A_528 = arith.mulf %mul3A_519, %sub3A_527 : vector<16xf32>
          %mul3A_529 = arith.constant 5.000000e-01 : f32
          %mul3A_530 = vector.broadcast %mul3A_529 : f32 to vector<16xf32>
          %mul3A_531 = arith.mulf %mul3A_530, %max3A_502 : vector<16xf32>
          %mul3A_532 = arith.mulf %mul3A_531, %mul3A_528 : vector<16xf32>
          %mul3A_533 = arith.mulf %mul3A_532, %mul3A_528 : vector<16xf32>
          %sub3A_534 = arith.constant 1.500000e+00 : f32
          %sub3A_535 = vector.broadcast %sub3A_534 : f32 to vector<16xf32>
          %sub3A_536 = arith.subf %sub3A_535, %mul3A_533 : vector<16xf32>
          %mul3A_537 = arith.mulf %mul3A_528, %sub3A_536 : vector<16xf32>
          %mul3A_538 = arith.mulf %max3A_502, %mul3A_537 : vector<16xf32>
          %mul3A_539 = arith.constant -0.416146845 : f32
          %mul3A_540 = vector.broadcast %mul3A_539 : f32 to vector<16xf32>
          %mul3A_541 = arith.mulf %mul3A_538, %mul3A_540 : vector<16xf32>
          %lt3A_542 = arith.cmpf olt, %add3A_455, %mul3A_541 : vector<16xf32>
          %mul3A_543 = arith.constant 0.87758255 : f32
          %mul3A_544 = vector.broadcast %mul3A_543 : f32 to vector<16xf32>
          %mul3A_545 = arith.mulf %mul3A_538, %mul3A_544 : vector<16xf32>
          %lt3A_546 = arith.cmpf olt, %add3A_455, %mul3A_545 : vector<16xf32>
          %mul3A_547 = arith.constant 7.073720e-02 : f32
          %mul3A_548 = vector.broadcast %mul3A_547 : f32 to vector<16xf32>
          %mul3A_549 = arith.mulf %mul3A_538, %mul3A_548 : vector<16xf32>
          %gt3A_550 = arith.cmpf ogt, %add3A_455, %mul3A_549 : vector<16xf32>
          %and3A = arith.andi %lt3A_546, %gt3A_550 : vector<16xi1>
          %gt3A_551 = arith.constant 0.000000e+00 : f32
          %gt3A_552 = vector.broadcast %gt3A_551 : f32 to vector<16xf32>
          %gt3A_553 = arith.cmpf ogt, %add3A_469, %gt3A_552 : vector<16xf32>
          %and3A_554 = arith.andi %gt3A_553, %and3A : vector<16xi1>
          %lt3A_555 = arith.constant 0.000000e+00 : f32
          %lt3A_556 = vector.broadcast %lt3A_555 : f32 to vector<16xf32>
          %lt3A_557 = arith.cmpf olt, %add3A_469, %lt3A_556 : vector<16xf32>
          %and3A_558 = arith.andi %lt3A_557, %and3A : vector<16xi1>
          %or3A = arith.ori %lt3A_542, %and3A_554 : vector<16xi1>
          %or3A_559 = arith.ori %or3A, %and3A_558 : vector<16xi1>
          %max3A_560 = arith.maximumf %get3A_494, %get3A_496 : vector<16xf32>
          %max3A_561 = arith.maximumf %get3A_492, %max3A_560 : vector<16xf32>
          %sub3A_562 = arith.subf %get3A_492, %max3A_561 : vector<16xf32>
          %exp3A = math.exp %sub3A_562 : vector<16xf32>
          %sub3A_563 = arith.subf %get3A_494, %max3A_561 : vector<16xf32>
          %exp3A_564 = math.exp %sub3A_563 : vector<16xf32>
          %add3A_565 = arith.addf %exp3A, %exp3A_564 : vector<16xf32>
          %sub3A_566 = arith.subf %get3A_496, %max3A_561 : vector<16xf32>
          %exp3A_567 = math.exp %sub3A_566 : vector<16xf32>
          %add3A_568 = arith.addf %add3A_565, %exp3A_567 : vector<16xf32>
          %sub3A_569 = arith.constant 1.000000e+00 : f32
          %sub3A_570 = vector.broadcast %sub3A_569 : f32 to vector<16xf32>
          %sub3A_571 = arith.subf %add3A_568, %sub3A_570 : vector<16xf32>
          %add3A_572 = arith.constant 1.000000e+00 : f32
          %add3A_573 = vector.broadcast %add3A_572 : f32 to vector<16xf32>
          %add3A_574 = arith.addf %add3A_568, %add3A_573 : vector<16xf32>
          %div3A_575 = arith.divf %sub3A_571, %add3A_574 : vector<16xf32>
          %mul3A_576 = arith.mulf %div3A_575, %div3A_575 : vector<16xf32>
          %mul3A_577 = arith.constant 0.0769230798 : f32
          %mul3A_578 = vector.broadcast %mul3A_577 : f32 to vector<16xf32>
          %mul3A_579 = arith.mulf %mul3A_578, %mul3A_576 : vector<16xf32>
          %add3A_580 = arith.constant 0.0909090936 : f32
          %add3A_581 = vector.broadcast %add3A_580 : f32 to vector<16xf32>
          %add3A_582 = arith.addf %mul3A_579, %add3A_581 : vector<16xf32>
          %mul3A_583 = arith.mulf %add3A_582, %mul3A_576 : vector<16xf32>
          %add3A_584 = arith.constant 0.111111112 : f32
          %add3A_585 = vector.broadcast %add3A_584 : f32 to vector<16xf32>
          %add3A_586 = arith.addf %mul3A_583, %add3A_585 : vector<16xf32>
          %mul3A_587 = arith.mulf %add3A_586, %mul3A_576 : vector<16xf32>
          %add3A_588 = arith.constant 0.142857149 : f32
          %add3A_589 = vector.broadcast %add3A_588 : f32 to vector<16xf32>
          %add3A_590 = arith.addf %mul3A_587, %add3A_589 : vector<16xf32>
          %mul3A_591 = arith.mulf %add3A_590, %mul3A_576 : vector<16xf32>
          %add3A_592 = arith.constant 2.000000e-01 : f32
          %add3A_593 = vector.broadcast %add3A_592 : f32 to vector<16xf32>
          %add3A_594 = arith.addf %mul3A_591, %add3A_593 : vector<16xf32>
          %mul3A_595 = arith.mulf %add3A_594, %mul3A_576 : vector<16xf32>
          %add3A_596 = arith.constant 0.333333343 : f32
          %add3A_597 = vector.broadcast %add3A_596 : f32 to vector<16xf32>
          %add3A_598 = arith.addf %mul3A_595, %add3A_597 : vector<16xf32>
          %mul3A_599 = arith.mulf %add3A_598, %mul3A_576 : vector<16xf32>
          %add3A_600 = arith.constant 1.000000e+00 : f32
          %add3A_601 = vector.broadcast %add3A_600 : f32 to vector<16xf32>
          %add3A_602 = arith.addf %mul3A_599, %add3A_601 : vector<16xf32>
          %mul3A_603 = arith.constant 2.000000e+00 : f32
          %mul3A_604 = vector.broadcast %mul3A_603 : f32 to vector<16xf32>
          %mul3A_605 = arith.mulf %mul3A_604, %div3A_575 : vector<16xf32>
          %mul3A_606 = arith.mulf %mul3A_605, %add3A_602 : vector<16xf32>
          %select_n3A_607 = arith.select %and3A_554, %get3A_494, %get3A_496 : vector<16xi1>, vector<16xf32>
          %select_n3A_608 = arith.select %lt3A_542, %get3A_492, %select_n3A_607 : vector<16xi1>, vector<16xf32>
          %add3A_609 = arith.addf %max3A_561, %mul3A_606 : vector<16xf32>
          %sub3A_610 = arith.subf %add3A_609, %select_n3A_608 : vector<16xf32>
          %jit3A_611 = arith.constant 0.000000e+00 : f32
          %broadcast_in_dim3A_612 = vector.broadcast %jit3A_611 : f32 to vector<16xf32>
          %select_n3A_613 = arith.select %or3A_559, %sub3A_610, %broadcast_in_dim3A_612 : vector<16xi1>, vector<16xf32>
          %add3A_614 = arith.addf %scan3A_176, %select_n3A_613 : vector<16xf32>
          scf.yield %add3A_490, %add3A_614 : vector<16xf32>, vector<16xf32>
        }
        %scan3A_165 = arith.constant 125 : i32
        %swap3A_166 = arith.constant 2 : i32
        %swap3A_167 = arith.index_cast %swap3A_166 : i32 to index
        %swap3A_168 = arith.constant 0 : index
        %swap3A_169 = tpu.vector_load %arg43[%swap3A_167, %swap3A_168] {strides = array<i32>} : memref<5x16xf32, #tpu.memory_space<vmem>>, vector<16xf32>,
        tpu.vector_store %arg43[%swap3A_167, %swap3A_168], %scan3A_164#0 {strides = array<i32>} : memref<5x16xf32, #tpu.memory_space<vmem>>, vector<16xf32>,
        %swap3A_170 = arith.constant 3 : i32
        %swap3A_171 = arith.index_cast %swap3A_170 : i32 to index
        %swap3A_172 = arith.constant 0 : index
        %swap3A_173 = tpu.vector_load %arg43[%swap3A_171, %swap3A_172] {strides = array<i32>} : memref<5x16xf32, #tpu.memory_space<vmem>>, vector<16xf32>,
        tpu.vector_store %arg43[%swap3A_171, %swap3A_172], %scan3A_164#1 {strides = array<i32>} : memref<5x16xf32, #tpu.memory_space<vmem>>, vector<16xf32>,
      } else {
      }
    }
    %scan3A_53 = arith.constant 10 : i32
    %scan3A_54 = arith.constant 0 : i32
    %scan3A_55 = arith.constant 0 : i32
    %scan3A_56 = arith.constant 32 : i32
    %scan3A_57 = arith.addi %scan3A_55, %scan3A_56 : i32
    %scan3A_58 = arith.constant 1 : i32
    scf.for %scan3A_65 = %scan3A_55 to %scan3A_57 step %scan3A_58  : i32 {
      %mul3A_66 = arith.constant 32 : i32
      %mul3A_67 = arith.muli %scan3A_65, %mul3A_66 : i32
      %add3A_68 = arith.addi %add3A, %scan3A_65 : i32
      %rem3A = arith.constant 32 : i32
      %rem3A_69 = arith.remsi %add3A_68, %rem3A : i32
      %add3A_70 = arith.addi %mul3A_67, %rem3A_69 : i32
      %lt3A = arith.constant 1000 : i32
      %lt3A_71 = arith.cmpi slt, %add3A_70, %lt3A : i32
      %convert_element_type3A = arith.extui %lt3A_71 : i1 to i32
      %cond3A = arith.constant 0 : i32
      %cond3A_72 = arith.cmpi ne, %convert_element_type3A, %cond3A : i32
      scf.if %cond3A_72 {
        %mul3A_73 = arith.constant 16 : i32
        %mul3A_74 = arith.muli %add3A_70, %mul3A_73 : i32
        %dma_start3A = arith.constant 0 : i32
        %dma_start3A_75 = tpu.memref_slice %arg21[%mul3A_74, %dma_start3A] : memref<16000x125xi32, #tpu.memory_space<hbm>> -> memref<16x125xi32, #tpu.memory_space<hbm>>
        %dma_start3A_76 = arith.constant 0 : i32
        %dma_start3A_77 = tpu.memref_slice %arg21[%mul3A_74, %dma_start3A_76] : memref<16000x125xi32, #tpu.memory_space<hbm>> -> memref<16x125xi32, #tpu.memory_space<hbm>>
        tpu.enqueue_dma source(%dma_start3A_77 : memref<16x125xi32, #tpu.memory_space<hbm>>) target(%arg26 : memref<16x125xi32, #tpu.memory_space<vmem>>) target_semaphore(%arg44 : memref<!tpu.dma_semaphore, #tpu.memory_space<semaphore_mem>>)
        %mul3A_78 = arith.constant 16 : i32
        %mul3A_79 = arith.muli %add3A_70, %mul3A_78 : i32
        %dma_start3A_80 = arith.constant 0 : i32
        %dma_start3A_81 = tpu.memref_slice %arg22[%mul3A_79, %dma_start3A_80] : memref<16000x125xi32, #tpu.memory_space<hbm>> -> memref<16x125xi32, #tpu.memory_space<hbm>>
        %dma_start3A_82 = arith.constant 0 : i32
        %dma_start3A_83 = tpu.memref_slice %arg22[%mul3A_79, %dma_start3A_82] : memref<16000x125xi32, #tpu.memory_space<hbm>> -> memref<16x125xi32, #tpu.memory_space<hbm>>
        tpu.enqueue_dma source(%dma_start3A_83 : memref<16x125xi32, #tpu.memory_space<hbm>>) target(%arg27 : memref<16x125xi32, #tpu.memory_space<vmem>>) target_semaphore(%arg44 : memref<!tpu.dma_semaphore, #tpu.memory_space<semaphore_mem>>)
        %mul3A_84 = arith.constant 2000 : i32
        %mul3A_85 = arith.muli %add3A_70, %mul3A_84 : i32
        %dma_start3A_86 = tpu.memref_slice %arg23[%mul3A_85] : memref<2000000xf32, #tpu.memory_space<hbm>> -> memref<2000xf32, #tpu.memory_space<hbm>>
        %dma_start3A_87 = tpu.memref_slice %arg23[%mul3A_85] : memref<2000000xf32, #tpu.memory_space<hbm>> -> memref<2000xf32, #tpu.memory_space<hbm>>
        tpu.enqueue_dma source(%dma_start3A_87 : memref<2000xf32, #tpu.memory_space<hbm>>) target(%arg35 : memref<2000xf32, #tpu.memory_space<vmem>>) target_semaphore(%arg44 : memref<!tpu.dma_semaphore, #tpu.memory_space<semaphore_mem>>)
        %dma_wait3A = arith.constant 0 : i32
        %dma_wait3A_88 = tpu.memref_slice %arg21[%mul3A_74, %dma_wait3A] : memref<16000x125xi32, #tpu.memory_space<hbm>> -> memref<16x125xi32, #tpu.memory_space<hbm>>
        %dma_wait3A_89 = arith.constant 0 : i32
        %dma_wait3A_90 = tpu.memref_slice %arg21[%mul3A_74, %dma_wait3A_89] : memref<16000x125xi32, #tpu.memory_space<hbm>> -> memref<16x125xi32, #tpu.memory_space<hbm>>
        tpu.wait_dma2 semaphore(%arg44 : memref<!tpu.dma_semaphore, #tpu.memory_space<semaphore_mem>>) src(%dma_wait3A_90 : memref<16x125xi32, #tpu.memory_space<hbm>>) dst(%arg26 : memref<16x125xi32, #tpu.memory_space<vmem>>)
        %dma_wait3A_91 = arith.constant 0 : i32
        %dma_wait3A_92 = tpu.memref_slice %arg22[%mul3A_79, %dma_wait3A_91] : memref<16000x125xi32, #tpu.memory_space<hbm>> -> memref<16x125xi32, #tpu.memory_space<hbm>>
        %dma_wait3A_93 = arith.constant 0 : i32
        %dma_wait3A_94 = tpu.memref_slice %arg22[%mul3A_79, %dma_wait3A_93] : memref<16000x125xi32, #tpu.memory_space<hbm>> -> memref<16x125xi32, #tpu.memory_space<hbm>>
        tpu.wait_dma2 semaphore(%arg44 : memref<!tpu.dma_semaphore, #tpu.memory_space<semaphore_mem>>) src(%dma_wait3A_94 : memref<16x125xi32, #tpu.memory_space<hbm>>) dst(%arg27 : memref<16x125xi32, #tpu.memory_space<vmem>>)
        %dma_wait3A_95 = tpu.memref_slice %arg23[%mul3A_85] : memref<2000000xf32, #tpu.memory_space<hbm>> -> memref<2000xf32, #tpu.memory_space<hbm>>
        %dma_wait3A_96 = tpu.memref_slice %arg23[%mul3A_85] : memref<2000000xf32, #tpu.memory_space<hbm>> -> memref<2000xf32, #tpu.memory_space<hbm>>
        tpu.wait_dma2 semaphore(%arg44 : memref<!tpu.dma_semaphore, #tpu.memory_space<semaphore_mem>>) src(%dma_wait3A_96 : memref<2000xf32, #tpu.memory_space<hbm>>) dst(%arg35 : memref<2000xf32, #tpu.memory_space<vmem>>)
        %scan3A_97 = arith.constant 0 : i32
        %scan3A_98 = arith.constant 0 : i32
        %scan3A_99 = arith.constant 16 : i32
        %scan3A_100 = arith.addi %scan3A_98, %scan3A_99 : i32
        %scan3A_101 = arith.constant 1 : i32
        scf.for %scan3A_122 = %scan3A_98 to %scan3A_100 step %scan3A_101  : i32 {
          %mul3A_123 = arith.constant 125 : i32
          %mul3A_124 = arith.muli %scan3A_122, %mul3A_123 : i32
          %dma_start3A_125 = arith.constant 0 : i32
          %dma_start3A_126 = tpu.memref_slice %arg31[%mul3A_124, %dma_start3A_125] : memref<2000x8xf32, #tpu.memory_space<vmem>> -> memref<125x8xf32, #tpu.memory_space<vmem>>
          %dma_start3A_127 = arith.constant 0 : i32
          %dma_start3A_128 = tpu.memref_slice %arg26[%scan3A_122, %dma_start3A_127] : memref<16x125xi32, #tpu.memory_space<vmem>> -> memref<1x125xi32, #tpu.memory_space<vmem>>
          %dma_start3A_129 = tpu.memref_squeeze %dma_start3A_128 : memref<1x125xi32, #tpu.memory_space<vmem>> -> memref<125xi32, #tpu.memory_space<vmem>>
          %dma_start3A_130 = arith.constant 0 : i32
          %dma_start3A_131 = arith.constant 0 : i32
          %dma_start3A_132 = tpu.memref_slice %arg2[%dma_start3A_130, %dma_start3A_131] : memref<100000x8xf32, #tpu.memory_space<hbm>> -> memref<100000x8xf32, #tpu.memory_space<hbm>>
          tpu.enqueue_indirect_dma source(%dma_start3A_132 : memref<100000x8xf32, #tpu.memory_space<hbm>>) target(%dma_start3A_126 : memref<125x8xf32, #tpu.memory_space<vmem>>) offsets(%dma_start3A_129 : memref<125xi32, #tpu.memory_space<vmem>>) semaphore(%arg45 : memref<!tpu.dma_semaphore, #tpu.memory_space<semaphore_mem>>)
          %mul3A_133 = arith.constant 125 : i32
          %mul3A_134 = arith.muli %scan3A_122, %mul3A_133 : i32
          %dma_start3A_135 = arith.constant 0 : i32
          %dma_start3A_136 = tpu.memref_slice %arg32[%mul3A_134, %dma_start3A_135] : memref<2000x8xf32, #tpu.memory_space<vmem>> -> memref<125x8xf32, #tpu.memory_space<vmem>>
          %dma_start3A_137 = arith.constant 0 : i32
          %dma_start3A_138 = tpu.memref_slice %arg27[%scan3A_122, %dma_start3A_137] : memref<16x125xi32, #tpu.memory_space<vmem>> -> memref<1x125xi32, #tpu.memory_space<vmem>>
          %dma_start3A_139 = tpu.memref_squeeze %dma_start3A_138 : memref<1x125xi32, #tpu.memory_space<vmem>> -> memref<125xi32, #tpu.memory_space<vmem>>
          %dma_start3A_140 = arith.constant 0 : i32
          %dma_start3A_141 = arith.constant 0 : i32
          %dma_start3A_142 = tpu.memref_slice %arg2[%dma_start3A_140, %dma_start3A_141] : memref<100000x8xf32, #tpu.memory_space<hbm>> -> memref<100000x8xf32, #tpu.memory_space<hbm>>
          tpu.enqueue_indirect_dma source(%dma_start3A_142 : memref<100000x8xf32, #tpu.memory_space<hbm>>) target(%dma_start3A_136 : memref<125x8xf32, #tpu.memory_space<vmem>>) offsets(%dma_start3A_139 : memref<125xi32, #tpu.memory_space<vmem>>) semaphore(%arg45 : memref<!tpu.dma_semaphore, #tpu.memory_space<semaphore_mem>>)
        }
        %scan3A_102 = arith.constant 16 : i32
        %scan3A_103 = arith.constant 0 : i32
        %scan3A_104 = arith.constant 0 : i32
        %scan3A_105 = arith.constant 16 : i32
        %scan3A_106 = arith.addi %scan3A_104, %scan3A_105 : i32
        %scan3A_107 = arith.constant 1 : i32
        scf.for %scan3A_122 = %scan3A_104 to %scan3A_106 step %scan3A_107  : i32 {
          %mul3A_123 = arith.constant 125 : i32
          %mul3A_124 = arith.muli %scan3A_122, %mul3A_123 : i32
          %dma_wait3A_125 = arith.constant 0 : i32
          %dma_wait3A_126 = tpu.memref_slice %arg31[%mul3A_124, %dma_wait3A_125] : memref<2000x8xf32, #tpu.memory_space<vmem>> -> memref<125x8xf32, #tpu.memory_space<vmem>>
          %dma_wait3A_127 = arith.constant 0 : i32
          %dma_wait3A_128 = tpu.memref_slice %arg26[%scan3A_122, %dma_wait3A_127] : memref<16x125xi32, #tpu.memory_space<vmem>> -> memref<1x125xi32, #tpu.memory_space<vmem>>
          %dma_wait3A_129 = tpu.memref_squeeze %dma_wait3A_128 : memref<1x125xi32, #tpu.memory_space<vmem>> -> memref<125xi32, #tpu.memory_space<vmem>>
          %dma_wait3A_130 = arith.constant 0 : i32
          %dma_wait3A_131 = arith.constant 0 : i32
          %dma_wait3A_132 = tpu.memref_slice %arg2[%dma_wait3A_130, %dma_wait3A_131] : memref<100000x8xf32, #tpu.memory_space<hbm>> -> memref<100000x8xf32, #tpu.memory_space<hbm>>
          tpu.wait_indirect_dma semaphore(%arg45 : memref<!tpu.dma_semaphore, #tpu.memory_space<semaphore_mem>>) src(%dma_wait3A_132 : memref<100000x8xf32, #tpu.memory_space<hbm>>) dst(%dma_wait3A_126 : memref<125x8xf32, #tpu.memory_space<vmem>>)
          %mul3A_133 = arith.constant 125 : i32
          %mul3A_134 = arith.muli %scan3A_122, %mul3A_133 : i32
          %dma_wait3A_135 = arith.constant 0 : i32
          %dma_wait3A_136 = tpu.memref_slice %arg32[%mul3A_134, %dma_wait3A_135] : memref<2000x8xf32, #tpu.memory_space<vmem>> -> memref<125x8xf32, #tpu.memory_space<vmem>>
          %dma_wait3A_137 = arith.constant 0 : i32
          %dma_wait3A_138 = tpu.memref_slice %arg27[%scan3A_122, %dma_wait3A_137] : memref<16x125xi32, #tpu.memory_space<vmem>> -> memref<1x125xi32, #tpu.memory_space<vmem>>
          %dma_wait3A_139 = tpu.memref_squeeze %dma_wait3A_138 : memref<1x125xi32, #tpu.memory_space<vmem>> -> memref<125xi32, #tpu.memory_space<vmem>>
          %dma_wait3A_140 = arith.constant 0 : i32
          %dma_wait3A_141 = arith.constant 0 : i32
          %dma_wait3A_142 = tpu.memref_slice %arg2[%dma_wait3A_140, %dma_wait3A_141] : memref<100000x8xf32, #tpu.memory_space<hbm>> -> memref<100000x8xf32, #tpu.memory_space<hbm>>
          tpu.wait_indirect_dma semaphore(%arg45 : memref<!tpu.dma_semaphore, #tpu.memory_space<semaphore_mem>>) src(%dma_wait3A_142 : memref<100000x8xf32, #tpu.memory_space<hbm>>) dst(%dma_wait3A_136 : memref<125x8xf32, #tpu.memory_space<vmem>>)
        }
        %scan3A_108 = arith.constant 16 : i32
        %get3A = arith.constant 4 : i32
        %get3A_109 = arith.index_cast %get3A : i32 to index
        %get3A_110 = arith.constant 0 : index
        %get3A_111 = tpu.vector_load %arg43[%get3A_109, %get3A_110] {strides = array<i32>} : memref<5x16xf32, #tpu.memory_space<vmem>>, vector<16xf32>,
        %scan3A_112 = arith.constant 0 : i32
        %scan3A_113 = arith.constant 125 : i32
        %scan3A_114 = arith.addi %scan3A_112, %scan3A_113 : i32
        %scan3A_115 = arith.constant 1 : i32
        %scan3A_116 = scf.for %scan3A_122 = %scan3A_112 to %scan3A_114 step %scan3A_115 iter_args(%scan3A_123 = %get3A_111) -> (vector<16xf32>)  : i32 {
          %iota3A = tpu.iota {dimensions = array<i32: 0>} : vector<16xi32>
          %mul3A_124 = arith.constant 16 : i32
          %mul3A_125 = arith.muli %scan3A_122, %mul3A_124 : i32
          %add3A_126 = vector.broadcast %mul3A_125 : i32 to vector<16xi32>
          %add3A_127 = arith.addi %iota3A, %add3A_126 : vector<16xi32>
          %broadcast_in_dim3A_128 = arith.constant 0 : i32
          %broadcast_in_dim3A_129 = vector.broadcast %broadcast_in_dim3A_128 : i32 to vector<16xi32>
          %gather3A = tpu.vector_load_idx %arg31[%add3A_127, %broadcast_in_dim3A_129] : memref<2000x8xf32, #tpu.memory_space<vmem>>[vector<16xi32>, vector<16xi32>], vector<16xf32>,
          %broadcast_in_dim3A_130 = arith.constant 1 : i32
          %broadcast_in_dim3A_131 = vector.broadcast %broadcast_in_dim3A_130 : i32 to vector<16xi32>
          %gather3A_132 = tpu.vector_load_idx %arg31[%add3A_127, %broadcast_in_dim3A_131] : memref<2000x8xf32, #tpu.memory_space<vmem>>[vector<16xi32>, vector<16xi32>], vector<16xf32>,
          %broadcast_in_dim3A_133 = arith.constant 2 : i32
          %broadcast_in_dim3A_134 = vector.broadcast %broadcast_in_dim3A_133 : i32 to vector<16xi32>
          %gather3A_135 = tpu.vector_load_idx %arg31[%add3A_127, %broadcast_in_dim3A_134] : memref<2000x8xf32, #tpu.memory_space<vmem>>[vector<16xi32>, vector<16xi32>], vector<16xf32>,
          %broadcast_in_dim3A_136 = arith.constant 3 : i32
          %broadcast_in_dim3A_137 = vector.broadcast %broadcast_in_dim3A_136 : i32 to vector<16xi32>
          %gather3A_138 = tpu.vector_load_idx %arg31[%add3A_127, %broadcast_in_dim3A_137] : memref<2000x8xf32, #tpu.memory_space<vmem>>[vector<16xi32>, vector<16xi32>], vector<16xf32>,
          %iota3A_139 = tpu.iota {dimensions = array<i32: 0>} : vector<16xi32>
          %mul3A_140 = arith.constant 16 : i32
          %mul3A_141 = arith.muli %scan3A_122, %mul3A_140 : i32
          %add3A_142 = vector.broadcast %mul3A_141 : i32 to vector<16xi32>
          %add3A_143 = arith.addi %iota3A_139, %add3A_142 : vector<16xi32>
          %broadcast_in_dim3A_144 = arith.constant 0 : i32
          %broadcast_in_dim3A_145 = vector.broadcast %broadcast_in_dim3A_144 : i32 to vector<16xi32>
          %gather3A_146 = tpu.vector_load_idx %arg32[%add3A_143, %broadcast_in_dim3A_145] : memref<2000x8xf32, #tpu.memory_space<vmem>>[vector<16xi32>, vector<16xi32>], vector<16xf32>,
          %broadcast_in_dim3A_147 = arith.constant 1 : i32
          %broadcast_in_dim3A_148 = vector.broadcast %broadcast_in_dim3A_147 : i32 to vector<16xi32>
          %gather3A_149 = tpu.vector_load_idx %arg32[%add3A_143, %broadcast_in_dim3A_148] : memref<2000x8xf32, #tpu.memory_space<vmem>>[vector<16xi32>, vector<16xi32>], vector<16xf32>,
          %broadcast_in_dim3A_150 = arith.constant 2 : i32
          %broadcast_in_dim3A_151 = vector.broadcast %broadcast_in_dim3A_150 : i32 to vector<16xi32>
          %gather3A_152 = tpu.vector_load_idx %arg32[%add3A_143, %broadcast_in_dim3A_151] : memref<2000x8xf32, #tpu.memory_space<vmem>>[vector<16xi32>, vector<16xi32>], vector<16xf32>,
          %broadcast_in_dim3A_153 = arith.constant 3 : i32
          %broadcast_in_dim3A_154 = vector.broadcast %broadcast_in_dim3A_153 : i32 to vector<16xi32>
          %gather3A_155 = tpu.vector_load_idx %arg32[%add3A_143, %broadcast_in_dim3A_154] : memref<2000x8xf32, #tpu.memory_space<vmem>>[vector<16xi32>, vector<16xi32>], vector<16xf32>,
          %sub3A = arith.subf %gather3A, %gather3A_146 : vector<16xf32>
          %sub3A_156 = arith.subf %gather3A_132, %gather3A_149 : vector<16xf32>
          %sub3A_157 = arith.subf %gather3A_135, %gather3A_152 : vector<16xf32>
          %mul3A_158 = arith.mulf %sub3A, %sub3A : vector<16xf32>
          %mul3A_159 = arith.mulf %sub3A_156, %sub3A_156 : vector<16xf32>
          %add3A_160 = arith.addf %mul3A_158, %mul3A_159 : vector<16xf32>
          %mul3A_161 = arith.mulf %sub3A_157, %sub3A_157 : vector<16xf32>
          %add3A_162 = arith.addf %add3A_160, %mul3A_161 : vector<16xf32>
          %max3A = arith.constant 1.000000e-30 : f32
          %max3A_163 = vector.broadcast %max3A : f32 to vector<16xf32>
          %max3A_164 = arith.maximumf %add3A_162, %max3A_163 : vector<16xf32>
          %bitcast3A = vector.bitcast %max3A_164 : vector<16xf32> to vector<16xi32>
          %shift_right_arithmetic3A = arith.constant 1 : i32
          %shift_right_arithmetic3A_165 = vector.broadcast %shift_right_arithmetic3A : i32 to vector<16xi32>
          %shift_right_arithmetic3A_166 = arith.shrsi %bitcast3A, %shift_right_arithmetic3A_165 : vector<16xi32>
          %sub3A_167 = arith.constant 1597463007 : i32
          %sub3A_168 = vector.broadcast %sub3A_167 : i32 to vector<16xi32>
          %sub3A_169 = arith.subi %sub3A_168, %shift_right_arithmetic3A_166 : vector<16xi32>
          %bitcast3A_170 = vector.bitcast %sub3A_169 : vector<16xi32> to vector<16xf32>
          %mul3A_171 = arith.constant 5.000000e-01 : f32
          %mul3A_172 = vector.broadcast %mul3A_171 : f32 to vector<16xf32>
          %mul3A_173 = arith.mulf %mul3A_172, %max3A_164 : vector<16xf32>
          %mul3A_174 = arith.mulf %mul3A_173, %bitcast3A_170 : vector<16xf32>
          %mul3A_175 = arith.mulf %mul3A_174, %bitcast3A_170 : vector<16xf32>
          %sub3A_176 = arith.constant 1.500000e+00 : f32
          %sub3A_177 = vector.broadcast %sub3A_176 : f32 to vector<16xf32>
          %sub3A_178 = arith.subf %sub3A_177, %mul3A_175 : vector<16xf32>
          %mul3A_179 = arith.mulf %bitcast3A_170, %sub3A_178 : vector<16xf32>
          %mul3A_180 = arith.constant 5.000000e-01 : f32
          %mul3A_181 = vector.broadcast %mul3A_180 : f32 to vector<16xf32>
          %mul3A_182 = arith.mulf %mul3A_181, %max3A_164 : vector<16xf32>
          %mul3A_183 = arith.mulf %mul3A_182, %mul3A_179 : vector<16xf32>
          %mul3A_184 = arith.mulf %mul3A_183, %mul3A_179 : vector<16xf32>
          %sub3A_185 = arith.constant 1.500000e+00 : f32
          %sub3A_186 = vector.broadcast %sub3A_185 : f32 to vector<16xf32>
          %sub3A_187 = arith.subf %sub3A_186, %mul3A_184 : vector<16xf32>
          %mul3A_188 = arith.mulf %mul3A_179, %sub3A_187 : vector<16xf32>
          %mul3A_189 = arith.constant 5.000000e-01 : f32
          %mul3A_190 = vector.broadcast %mul3A_189 : f32 to vector<16xf32>
          %mul3A_191 = arith.mulf %mul3A_190, %max3A_164 : vector<16xf32>
          %mul3A_192 = arith.mulf %mul3A_191, %mul3A_188 : vector<16xf32>
          %mul3A_193 = arith.mulf %mul3A_192, %mul3A_188 : vector<16xf32>
          %sub3A_194 = arith.constant 1.500000e+00 : f32
          %sub3A_195 = vector.broadcast %sub3A_194 : f32 to vector<16xf32>
          %sub3A_196 = arith.subf %sub3A_195, %mul3A_193 : vector<16xf32>
          %mul3A_197 = arith.mulf %mul3A_188, %sub3A_196 : vector<16xf32>
          %mul3A_198 = arith.mulf %max3A_164, %mul3A_197 : vector<16xf32>
          %mul3A_199 = arith.constant 16 : i32
          %mul3A_200 = arith.muli %scan3A_122, %mul3A_199 : i32
          %get3A_201 = arith.index_cast %mul3A_200 : i32 to index
          %get3A_202 = tpu.vector_load %arg35[%get3A_201] {strides = array<i32>} : memref<2000xf32, #tpu.memory_space<vmem>>, vector<16xf32>,
          %sub3A_203 = arith.subf %get3A_202, %mul3A_198 : vector<16xf32>
          %add3A_204 = arith.constant 3.000000e-01 : f32
          %add3A_205 = vector.broadcast %add3A_204 : f32 to vector<16xf32>
          %add3A_206 = arith.addf %sub3A_203, %add3A_205 : vector<16xf32>
          %max3A_207 = arith.constant 0.000000e+00 : f32
          %max3A_208 = vector.broadcast %max3A_207 : f32 to vector<16xf32>
          %max3A_209 = arith.maximumf %add3A_206, %max3A_208 : vector<16xf32>
          %add3A_210 = arith.addf %scan3A_123, %max3A_209 : vector<16xf32>
          scf.yield %add3A_210 : vector<16xf32>
        }
        %scan3A_117 = arith.constant 125 : i32
        %swap3A_118 = arith.constant 4 : i32
        %swap3A_119 = arith.index_cast %swap3A_118 : i32 to index
        %swap3A_120 = arith.constant 0 : index
        %swap3A_121 = tpu.vector_load %arg43[%swap3A_119, %swap3A_120] {strides = array<i32>} : memref<5x16xf32, #tpu.memory_space<vmem>>, vector<16xf32>,
        tpu.vector_store %arg43[%swap3A_119, %swap3A_120], %scan3A_116 {strides = array<i32>} : memref<5x16xf32, #tpu.memory_space<vmem>>, vector<16xf32>,
      } else {
      }
    }
    %scan3A_59 = arith.constant 32 : i32
    %barrier3A_60 = arith.constant 0 : index
    tpu.barrier barrier_id(%barrier3A_60)
    %mul3A_61 = arith.constant 6272 : i32
    %mul3A_62 = arith.muli %arg1, %mul3A_61 : i32
    %mul3A_63 = arith.constant 6272 : i32
    %mul3A_64 = arith.muli %arg1, %mul3A_63 : i32
    "tpu.region"() ({
      %run_scoped3A = tpu.sem_alloc : memref<!tpu.dma_semaphore, #tpu.memory_space<semaphore_mem>>
      %dma_start3A = tpu.memref_slice %arg25[%arg0, %mul3A_64] : memref<2x100352xf32, #tpu.memory_space<hbm>> -> memref<1x6272xf32, #tpu.memory_space<hbm>>
      %dma_start3A_65 = tpu.memref_squeeze %dma_start3A : memref<1x6272xf32, #tpu.memory_space<hbm>> -> memref<6272xf32, #tpu.memory_space<hbm>>
      %dma_start3A_66 = tpu.memref_slice %arg41[%mul3A_62] : memref<100352xf32, #tpu.memory_space<vmem_shared>> -> memref<6272xf32, #tpu.memory_space<vmem_shared>>
      tpu.enqueue_dma source(%dma_start3A_66 : memref<6272xf32, #tpu.memory_space<vmem_shared>>) target(%dma_start3A_65 : memref<6272xf32, #tpu.memory_space<hbm>>) target_semaphore(%run_scoped3A : memref<!tpu.dma_semaphore, #tpu.memory_space<semaphore_mem>>)
      %dma_wait3A = tpu.memref_slice %arg25[%arg0, %mul3A_64] : memref<2x100352xf32, #tpu.memory_space<hbm>> -> memref<1x6272xf32, #tpu.memory_space<hbm>>
      %dma_wait3A_67 = tpu.memref_squeeze %dma_wait3A : memref<1x6272xf32, #tpu.memory_space<hbm>> -> memref<6272xf32, #tpu.memory_space<hbm>>
      %dma_wait3A_68 = tpu.memref_slice %arg41[%mul3A_62] : memref<100352xf32, #tpu.memory_space<vmem_shared>> -> memref<6272xf32, #tpu.memory_space<vmem_shared>>
      tpu.wait_dma2 semaphore(%run_scoped3A : memref<!tpu.dma_semaphore, #tpu.memory_space<semaphore_mem>>) src(%dma_wait3A_68 : memref<6272xf32, #tpu.memory_space<vmem_shared>>) dst(%dma_wait3A_67 : memref<6272xf32, #tpu.memory_space<hbm>>)
      tpu.yield
    }) : () -> ()
    "tpu.region"() ({
      %run_scoped3A = tpu.sem_alloc : memref<!tpu.dma_semaphore, #tpu.memory_space<semaphore_mem>>
      %dma_start3A = arith.constant 0 : i32
      %dma_start3A_65 = arith.constant 0 : i32
      %dma_start3A_66 = tpu.memref_slice %arg24[%add3A, %dma_start3A, %dma_start3A_65] : memref<32x5x16xf32, #tpu.memory_space<hbm>> -> memref<1x5x16xf32, #tpu.memory_space<hbm>>
      %dma_start3A_67 = tpu.memref_squeeze %dma_start3A_66 : memref<1x5x16xf32, #tpu.memory_space<hbm>> -> memref<5x16xf32, #tpu.memory_space<hbm>>
      %dma_start3A_68 = arith.constant 0 : i32
      %dma_start3A_69 = arith.constant 0 : i32
      %dma_start3A_70 = tpu.memref_slice %arg24[%add3A, %dma_start3A_68, %dma_start3A_69] : memref<32x5x16xf32, #tpu.memory_space<hbm>> -> memref<1x5x16xf32, #tpu.memory_space<hbm>>
      %dma_start3A_71 = tpu.memref_squeeze %dma_start3A_70 : memref<1x5x16xf32, #tpu.memory_space<hbm>> -> memref<5x16xf32, #tpu.memory_space<hbm>>
      tpu.enqueue_dma source(%arg43 : memref<5x16xf32, #tpu.memory_space<vmem>>) target(%dma_start3A_71 : memref<5x16xf32, #tpu.memory_space<hbm>>) target_semaphore(%run_scoped3A : memref<!tpu.dma_semaphore, #tpu.memory_space<semaphore_mem>>)
      %dma_wait3A = arith.constant 0 : i32
      %dma_wait3A_72 = arith.constant 0 : i32
      %dma_wait3A_73 = tpu.memref_slice %arg24[%add3A, %dma_wait3A, %dma_wait3A_72] : memref<32x5x16xf32, #tpu.memory_space<hbm>> -> memref<1x5x16xf32, #tpu.memory_space<hbm>>
      %dma_wait3A_74 = tpu.memref_squeeze %dma_wait3A_73 : memref<1x5x16xf32, #tpu.memory_space<hbm>> -> memref<5x16xf32, #tpu.memory_space<hbm>>
      %dma_wait3A_75 = arith.constant 0 : i32
      %dma_wait3A_76 = arith.constant 0 : i32
      %dma_wait3A_77 = tpu.memref_slice %arg24[%add3A, %dma_wait3A_75, %dma_wait3A_76] : memref<32x5x16xf32, #tpu.memory_space<hbm>> -> memref<1x5x16xf32, #tpu.memory_space<hbm>>
      %dma_wait3A_78 = tpu.memref_squeeze %dma_wait3A_77 : memref<1x5x16xf32, #tpu.memory_space<hbm>> -> memref<5x16xf32, #tpu.memory_space<hbm>>
      tpu.wait_dma2 semaphore(%run_scoped3A : memref<!tpu.dma_semaphore, #tpu.memory_space<semaphore_mem>>) src(%arg43 : memref<5x16xf32, #tpu.memory_space<vmem>>) dst(%dma_wait3A_78 : memref<5x16xf32, #tpu.memory_space<hbm>>)
      tpu.yield
    }) : () -> ()
    return
  }
}

module attributes {stable_mosaic.version = 14 : i64} {
  func.func @body(%arg0: memref<32x80xf32, #tpu.memory_space<vmem>>, %arg1: memref<1568x128xf32, #tpu.memory_space<vmem>>, %arg2: memref<784x128xi32, #tpu.memory_space<vmem>>, %arg3: memref<1024x64xf32, #tpu.memory_space<vmem>>, %arg4: memref<1024x64xf32, #tpu.memory_space<vmem>>, %arg5: memref<1x128xf32, #tpu.memory_space<vmem>>) attributes {dimension_semantics = [], scalar_prefetch = 0 : i64, scratch_operands = 0 : i64, tpu.core_type = #tpu.core_type<tc>} {
    %get3A = arith.constant 0 : index
    %get3A_0 = arith.constant 0 : index
    %get3A_1 = vector.load %arg0[%get3A, %get3A_0] : memref<32x80xf32, #tpu.memory_space<vmem>>, vector<32x80xf32>
    %iota3A = tpu.iota {dimensions = array<i32: 1>} : vector<32x80xi32>
    %jit3A = arith.constant 16 : i32
    %div3A = vector.broadcast %jit3A : i32 to vector<32x80xi32>
    %div3A_2 = arith.divsi %iota3A, %div3A : vector<32x80xi32>
    %sign3A = arith.constant 0 : i32
    %sign3A_3 = vector.broadcast %sign3A : i32 to vector<32x80xi32>
    %sign3A_4 = arith.cmpi sgt, %iota3A, %sign3A_3 : vector<32x80xi32>
    %sign3A_5 = arith.extui %sign3A_4 : vector<32x80xi1> to vector<32x80xi32>
    %sign3A_6 = arith.constant 0 : i32
    %sign3A_7 = vector.broadcast %sign3A_6 : i32 to vector<32x80xi32>
    %sign3A_8 = arith.cmpi slt, %iota3A, %sign3A_7 : vector<32x80xi32>
    %sign3A_9 = arith.extui %sign3A_8 : vector<32x80xi1> to vector<32x80xi32>
    %sign3A_10 = arith.subi %sign3A_5, %sign3A_9 : vector<32x80xi32>
    %sign3A_11 = arith.constant 0 : i32
    %sign3A_12 = arith.cmpi sgt, %jit3A, %sign3A_11 : i32
    %sign3A_13 = arith.extui %sign3A_12 : i1 to i32
    %sign3A_14 = arith.constant 0 : i32
    %sign3A_15 = arith.cmpi slt, %jit3A, %sign3A_14 : i32
    %sign3A_16 = arith.extui %sign3A_15 : i1 to i32
    %sign3A_17 = arith.subi %sign3A_13, %sign3A_16 : i32
    %ne3A = vector.broadcast %sign3A_17 : i32 to vector<32x80xi32>
    %ne3A_18 = arith.cmpi ne, %sign3A_10, %ne3A : vector<32x80xi32>
    %rem3A = vector.broadcast %jit3A : i32 to vector<32x80xi32>
    %rem3A_19 = arith.remsi %iota3A, %rem3A : vector<32x80xi32>
    %ne3A_20 = arith.constant 0 : i32
    %ne3A_21 = vector.broadcast %ne3A_20 : i32 to vector<32x80xi32>
    %ne3A_22 = arith.cmpi ne, %rem3A_19, %ne3A_21 : vector<32x80xi32>
    %and3A = arith.andi %ne3A_18, %ne3A_22 : vector<32x80xi1>
    %sub3A = arith.constant 1 : i32
    %sub3A_23 = vector.broadcast %sub3A : i32 to vector<32x80xi32>
    %sub3A_24 = arith.subi %div3A_2, %sub3A_23 : vector<32x80xi32>
    %select_n3A = arith.select %and3A, %sub3A_24, %div3A_2 : vector<32x80xi1>, vector<32x80xi32>
    %eq3A = arith.constant 0 : i32
    %eq3A_25 = vector.broadcast %eq3A : i32 to vector<32x80xi32>
    %eq3A_26 = arith.cmpi eq, %select_n3A, %eq3A_25 : vector<32x80xi32>
    %jit3A_27 = arith.constant 0.000000e+00 : f32
    %broadcast_in_dim3A = vector.broadcast %jit3A_27 : f32 to vector<32x80xf32>
    %select_n3A_28 = arith.select %eq3A_26, %get3A_1, %broadcast_in_dim3A : vector<32x80xi1>, vector<32x80xf32>
    %reduce_sum3A = vector.shape_cast %select_n3A_28 : vector<32x80xf32> to vector<1x32x80xf32>
    %reduce_sum3A_29 = arith.constant dense<0.000000e+00> : vector<1xf32>
    %reduce_sum3A_30 = vector.multi_reduction <add>, %reduce_sum3A, %reduce_sum3A_29 [1, 2] : vector<1x32x80xf32> to vector<1xf32>
    %reduce_sum3A_31 = vector.shape_cast %reduce_sum3A_30 : vector<1xf32> to vector<1x1x1xf32>
    %reduce_sum3A_32 = vector.extract %reduce_sum3A_31[0, 0, 0] : f32 from vector<1x1x1xf32>
    %div3A_33 = arith.constant 2.000000e+05 : f32
    %div3A_34 = arith.divf %reduce_sum3A_32, %div3A_33 : f32
    %eq3A_35 = arith.constant 1 : i32
    %eq3A_36 = vector.broadcast %eq3A_35 : i32 to vector<32x80xi32>
    %eq3A_37 = arith.cmpi eq, %select_n3A, %eq3A_36 : vector<32x80xi32>
    %jit3A_38 = arith.constant 0.000000e+00 : f32
    %broadcast_in_dim3A_39 = vector.broadcast %jit3A_38 : f32 to vector<32x80xf32>
    %select_n3A_40 = arith.select %eq3A_37, %get3A_1, %broadcast_in_dim3A_39 : vector<32x80xi1>, vector<32x80xf32>
    %reduce_sum3A_41 = vector.shape_cast %select_n3A_40 : vector<32x80xf32> to vector<1x32x80xf32>
    %reduce_sum3A_42 = arith.constant dense<0.000000e+00> : vector<1xf32>
    %reduce_sum3A_43 = vector.multi_reduction <add>, %reduce_sum3A_41, %reduce_sum3A_42 [1, 2] : vector<1x32x80xf32> to vector<1xf32>
    %reduce_sum3A_44 = vector.shape_cast %reduce_sum3A_43 : vector<1xf32> to vector<1x1x1xf32>
    %reduce_sum3A_45 = vector.extract %reduce_sum3A_44[0, 0, 0] : f32 from vector<1x1x1xf32>
    %div3A_46 = arith.constant 4.000000e+05 : f32
    %div3A_47 = arith.divf %reduce_sum3A_45, %div3A_46 : f32
    %eq3A_48 = arith.constant 2 : i32
    %eq3A_49 = vector.broadcast %eq3A_48 : i32 to vector<32x80xi32>
    %eq3A_50 = arith.cmpi eq, %select_n3A, %eq3A_49 : vector<32x80xi32>
    %jit3A_51 = arith.constant 0.000000e+00 : f32
    %broadcast_in_dim3A_52 = vector.broadcast %jit3A_51 : f32 to vector<32x80xf32>
    %select_n3A_53 = arith.select %eq3A_50, %get3A_1, %broadcast_in_dim3A_52 : vector<32x80xi1>, vector<32x80xf32>
    %reduce_sum3A_54 = vector.shape_cast %select_n3A_53 : vector<32x80xf32> to vector<1x32x80xf32>
    %reduce_sum3A_55 = arith.constant dense<0.000000e+00> : vector<1xf32>
    %reduce_sum3A_56 = vector.multi_reduction <add>, %reduce_sum3A_54, %reduce_sum3A_55 [1, 2] : vector<1x32x80xf32> to vector<1xf32>
    %reduce_sum3A_57 = vector.shape_cast %reduce_sum3A_56 : vector<1xf32> to vector<1x1x1xf32>
    %reduce_sum3A_58 = vector.extract %reduce_sum3A_57[0, 0, 0] : f32 from vector<1x1x1xf32>
    %div3A_59 = arith.constant 1.200000e+06 : f32
    %div3A_60 = arith.divf %reduce_sum3A_58, %div3A_59 : f32
    %eq3A_61 = arith.constant 3 : i32
    %eq3A_62 = vector.broadcast %eq3A_61 : i32 to vector<32x80xi32>
    %eq3A_63 = arith.cmpi eq, %select_n3A, %eq3A_62 : vector<32x80xi32>
    %jit3A_64 = arith.constant 0.000000e+00 : f32
    %broadcast_in_dim3A_65 = vector.broadcast %jit3A_64 : f32 to vector<32x80xf32>
    %select_n3A_66 = arith.select %eq3A_63, %get3A_1, %broadcast_in_dim3A_65 : vector<32x80xi1>, vector<32x80xf32>
    %reduce_sum3A_67 = vector.shape_cast %select_n3A_66 : vector<32x80xf32> to vector<1x32x80xf32>
    %reduce_sum3A_68 = arith.constant dense<0.000000e+00> : vector<1xf32>
    %reduce_sum3A_69 = vector.multi_reduction <add>, %reduce_sum3A_67, %reduce_sum3A_68 [1, 2] : vector<1x32x80xf32> to vector<1xf32>
    %reduce_sum3A_70 = vector.shape_cast %reduce_sum3A_69 : vector<1xf32> to vector<1x1x1xf32>
    %reduce_sum3A_71 = vector.extract %reduce_sum3A_70[0, 0, 0] : f32 from vector<1x1x1xf32>
    %div3A_72 = arith.constant 6.000000e+05 : f32
    %div3A_73 = arith.divf %reduce_sum3A_71, %div3A_72 : f32
    %eq3A_74 = arith.constant 4 : i32
    %eq3A_75 = vector.broadcast %eq3A_74 : i32 to vector<32x80xi32>
    %eq3A_76 = arith.cmpi eq, %select_n3A, %eq3A_75 : vector<32x80xi32>
    %jit3A_77 = arith.constant 0.000000e+00 : f32
    %broadcast_in_dim3A_78 = vector.broadcast %jit3A_77 : f32 to vector<32x80xf32>
    %select_n3A_79 = arith.select %eq3A_76, %get3A_1, %broadcast_in_dim3A_78 : vector<32x80xi1>, vector<32x80xf32>
    %reduce_sum3A_80 = vector.shape_cast %select_n3A_79 : vector<32x80xf32> to vector<1x32x80xf32>
    %reduce_sum3A_81 = arith.constant dense<0.000000e+00> : vector<1xf32>
    %reduce_sum3A_82 = vector.multi_reduction <add>, %reduce_sum3A_80, %reduce_sum3A_81 [1, 2] : vector<1x32x80xf32> to vector<1xf32>
    %reduce_sum3A_83 = vector.shape_cast %reduce_sum3A_82 : vector<1xf32> to vector<1x1x1xf32>
    %reduce_sum3A_84 = vector.extract %reduce_sum3A_83[0, 0, 0] : f32 from vector<1x1x1xf32>
    %div3A_85 = arith.constant 2.000000e+06 : f32
    %div3A_86 = arith.divf %reduce_sum3A_84, %div3A_85 : f32
    %get3A_87 = arith.constant 0 : index
    %get3A_88 = arith.constant 0 : index
    %get3A_89 = vector.load %arg1[%get3A_87, %get3A_88] : memref<1568x128xf32, #tpu.memory_space<vmem>>, vector<784x128xf32>
    %get3A_90 = arith.constant 784 : index
    %get3A_91 = arith.constant 0 : index
    %get3A_92 = vector.load %arg1[%get3A_90, %get3A_91] : memref<1568x128xf32, #tpu.memory_space<vmem>>, vector<784x128xf32>
    %add3A = arith.addf %get3A_89, %get3A_92 : vector<784x128xf32>
    %mul3A = arith.constant 5.000000e-01 : f32
    %mul3A_93 = vector.broadcast %mul3A : f32 to vector<784x128xf32>
    %mul3A_94 = arith.mulf %add3A, %mul3A_93 : vector<784x128xf32>
    %get3A_95 = arith.constant 0 : index
    %get3A_96 = arith.constant 0 : index
    %get3A_97 = vector.load %arg2[%get3A_95, %get3A_96] : memref<784x128xi32, #tpu.memory_space<vmem>>, vector<784x128xi32>
    %convert_element_type3A = arith.sitofp %get3A_97 : vector<784x128xi32> to vector<784x128xf32>
    %sub3A_98 = arith.subf %mul3A_94, %convert_element_type3A : vector<784x128xf32>
    %max3A = arith.constant 0.000000e+00 : f32
    %max3A_99 = vector.broadcast %max3A : f32 to vector<784x128xf32>
    %max3A_100 = arith.maximumf %sub3A_98, %max3A_99 : vector<784x128xf32>
    %reduce_sum3A_101 = vector.shape_cast %max3A_100 : vector<784x128xf32> to vector<1x784x128xf32>
    %reduce_sum3A_102 = arith.constant dense<0.000000e+00> : vector<1xf32>
    %reduce_sum3A_103 = vector.multi_reduction <add>, %reduce_sum3A_101, %reduce_sum3A_102 [1, 2] : vector<1x784x128xf32> to vector<1xf32>
    %reduce_sum3A_104 = vector.shape_cast %reduce_sum3A_103 : vector<1xf32> to vector<1x1x1xf32>
    %reduce_sum3A_105 = vector.extract %reduce_sum3A_104[0, 0, 0] : f32 from vector<1x1x1xf32>
    %div3A_106 = arith.constant 1.000000e+05 : f32
    %div3A_107 = arith.divf %reduce_sum3A_105, %div3A_106 : f32
    %get3A_108 = arith.constant 0 : index
    %get3A_109 = arith.constant 0 : index
    %get3A_110 = vector.load %arg4[%get3A_108, %get3A_109] : memref<1024x64xf32, #tpu.memory_space<vmem>>, vector<1024x64xf32>
    %add3A_111 = arith.constant 9.99999993E-9 : f32
    %add3A_112 = vector.broadcast %add3A_111 : f32 to vector<1024x64xf32>
    %add3A_113 = arith.addf %get3A_110, %add3A_112 : vector<1024x64xf32>
    %log3A = math.log %add3A_113 : vector<1024x64xf32>
    %get3A_114 = arith.constant 0 : index
    %get3A_115 = arith.constant 0 : index
    %get3A_116 = vector.load %arg3[%get3A_114, %get3A_115] : memref<1024x64xf32, #tpu.memory_space<vmem>>, vector<1024x64xf32>
    %add3A_117 = arith.constant 9.99999993E-9 : f32
    %add3A_118 = vector.broadcast %add3A_117 : f32 to vector<1024x64xf32>
    %add3A_119 = arith.addf %get3A_116, %add3A_118 : vector<1024x64xf32>
    %log3A_120 = math.log %add3A_119 : vector<1024x64xf32>
    %sub3A_121 = arith.subf %log3A, %log3A_120 : vector<1024x64xf32>
    %mul3A_122 = arith.mulf %add3A_113, %sub3A_121 : vector<1024x64xf32>
    %reduce_sum3A_123 = vector.shape_cast %mul3A_122 : vector<1024x64xf32> to vector<1x1024x64xf32>
    %reduce_sum3A_124 = arith.constant dense<0.000000e+00> : vector<1xf32>
    %reduce_sum3A_125 = vector.multi_reduction <add>, %reduce_sum3A_123, %reduce_sum3A_124 [1, 2] : vector<1x1024x64xf32> to vector<1xf32>
    %reduce_sum3A_126 = vector.shape_cast %reduce_sum3A_125 : vector<1xf32> to vector<1x1x1xf32>
    %reduce_sum3A_127 = vector.extract %reduce_sum3A_126[0, 0, 0] : f32 from vector<1x1x1xf32>
    %div3A_128 = arith.constant 1.024000e+03 : f32
    %div3A_129 = arith.divf %reduce_sum3A_127, %div3A_128 : f32
    %mul3A_130 = arith.constant 5.000000e-01 : f32
    %mul3A_131 = arith.mulf %mul3A_130, %div3A_47 : f32
    %add3A_132 = arith.addf %div3A_34, %mul3A_131 : f32
    %add3A_133 = arith.addf %div3A_60, %div3A_73 : f32
    %mul3A_134 = arith.constant 3.000000e-01 : f32
    %mul3A_135 = arith.mulf %mul3A_134, %add3A_133 : f32
    %add3A_136 = arith.addf %add3A_132, %mul3A_135 : f32
    %mul3A_137 = arith.constant 4.000000e-01 : f32
    %mul3A_138 = arith.mulf %mul3A_137, %div3A_86 : f32
    %add3A_139 = arith.addf %add3A_136, %mul3A_138 : f32
    %mul3A_140 = arith.constant 3.000000e-01 : f32
    %mul3A_141 = arith.mulf %mul3A_140, %div3A_107 : f32
    %add3A_142 = arith.addf %add3A_139, %mul3A_141 : f32
    %mul3A_143 = arith.constant 5.000000e-01 : f32
    %mul3A_144 = arith.mulf %mul3A_143, %div3A_129 : f32
    %add3A_145 = arith.addf %add3A_142, %mul3A_144 : f32
    %iota3A_146 = tpu.iota {dimensions = array<i32: 1>} : vector<1x128xi32>
    %eq3A_147 = arith.constant 0 : i32
    %eq3A_148 = vector.broadcast %eq3A_147 : i32 to vector<1x128xi32>
    %eq3A_149 = arith.cmpi eq, %iota3A_146, %eq3A_148 : vector<1x128xi32>
    %jit3A_150 = arith.constant 0.000000e+00 : f32
    %broadcast_in_dim3A_151 = vector.broadcast %div3A_34 : f32 to vector<1x128xf32>
    %broadcast_in_dim3A_152 = vector.broadcast %jit3A_150 : f32 to vector<1x128xf32>
    %select_n3A_153 = arith.select %eq3A_149, %broadcast_in_dim3A_151, %broadcast_in_dim3A_152 : vector<1x128xi1>, vector<1x128xf32>
    %eq3A_154 = arith.constant 1 : i32
    %eq3A_155 = vector.broadcast %eq3A_154 : i32 to vector<1x128xi32>
    %eq3A_156 = arith.cmpi eq, %iota3A_146, %eq3A_155 : vector<1x128xi32>
    %jit3A_157 = arith.constant 0.000000e+00 : f32
    %broadcast_in_dim3A_158 = vector.broadcast %div3A_47 : f32 to vector<1x128xf32>
    %broadcast_in_dim3A_159 = vector.broadcast %jit3A_157 : f32 to vector<1x128xf32>
    %select_n3A_160 = arith.select %eq3A_156, %broadcast_in_dim3A_158, %broadcast_in_dim3A_159 : vector<1x128xi1>, vector<1x128xf32>
    %add3A_161 = arith.addf %select_n3A_153, %select_n3A_160 : vector<1x128xf32>
    %eq3A_162 = arith.constant 2 : i32
    %eq3A_163 = vector.broadcast %eq3A_162 : i32 to vector<1x128xi32>
    %eq3A_164 = arith.cmpi eq, %iota3A_146, %eq3A_163 : vector<1x128xi32>
    %jit3A_165 = arith.constant 0.000000e+00 : f32
    %broadcast_in_dim3A_166 = vector.broadcast %div3A_60 : f32 to vector<1x128xf32>
    %broadcast_in_dim3A_167 = vector.broadcast %jit3A_165 : f32 to vector<1x128xf32>
    %select_n3A_168 = arith.select %eq3A_164, %broadcast_in_dim3A_166, %broadcast_in_dim3A_167 : vector<1x128xi1>, vector<1x128xf32>
    %add3A_169 = arith.addf %add3A_161, %select_n3A_168 : vector<1x128xf32>
    %eq3A_170 = arith.constant 3 : i32
    %eq3A_171 = vector.broadcast %eq3A_170 : i32 to vector<1x128xi32>
    %eq3A_172 = arith.cmpi eq, %iota3A_146, %eq3A_171 : vector<1x128xi32>
    %jit3A_173 = arith.constant 0.000000e+00 : f32
    %broadcast_in_dim3A_174 = vector.broadcast %div3A_73 : f32 to vector<1x128xf32>
    %broadcast_in_dim3A_175 = vector.broadcast %jit3A_173 : f32 to vector<1x128xf32>
    %select_n3A_176 = arith.select %eq3A_172, %broadcast_in_dim3A_174, %broadcast_in_dim3A_175 : vector<1x128xi1>, vector<1x128xf32>
    %add3A_177 = arith.addf %add3A_169, %select_n3A_176 : vector<1x128xf32>
    %eq3A_178 = arith.constant 4 : i32
    %eq3A_179 = vector.broadcast %eq3A_178 : i32 to vector<1x128xi32>
    %eq3A_180 = arith.cmpi eq, %iota3A_146, %eq3A_179 : vector<1x128xi32>
    %jit3A_181 = arith.constant 0.000000e+00 : f32
    %broadcast_in_dim3A_182 = vector.broadcast %div3A_86 : f32 to vector<1x128xf32>
    %broadcast_in_dim3A_183 = vector.broadcast %jit3A_181 : f32 to vector<1x128xf32>
    %select_n3A_184 = arith.select %eq3A_180, %broadcast_in_dim3A_182, %broadcast_in_dim3A_183 : vector<1x128xi1>, vector<1x128xf32>
    %add3A_185 = arith.addf %add3A_177, %select_n3A_184 : vector<1x128xf32>
    %eq3A_186 = arith.constant 5 : i32
    %eq3A_187 = vector.broadcast %eq3A_186 : i32 to vector<1x128xi32>
    %eq3A_188 = arith.cmpi eq, %iota3A_146, %eq3A_187 : vector<1x128xi32>
    %jit3A_189 = arith.constant 0.000000e+00 : f32
    %broadcast_in_dim3A_190 = vector.broadcast %div3A_107 : f32 to vector<1x128xf32>
    %broadcast_in_dim3A_191 = vector.broadcast %jit3A_189 : f32 to vector<1x128xf32>
    %select_n3A_192 = arith.select %eq3A_188, %broadcast_in_dim3A_190, %broadcast_in_dim3A_191 : vector<1x128xi1>, vector<1x128xf32>
    %add3A_193 = arith.addf %add3A_185, %select_n3A_192 : vector<1x128xf32>
    %eq3A_194 = arith.constant 6 : i32
    %eq3A_195 = vector.broadcast %eq3A_194 : i32 to vector<1x128xi32>
    %eq3A_196 = arith.cmpi eq, %iota3A_146, %eq3A_195 : vector<1x128xi32>
    %jit3A_197 = arith.constant 0.000000e+00 : f32
    %broadcast_in_dim3A_198 = vector.broadcast %div3A_129 : f32 to vector<1x128xf32>
    %broadcast_in_dim3A_199 = vector.broadcast %jit3A_197 : f32 to vector<1x128xf32>
    %select_n3A_200 = arith.select %eq3A_196, %broadcast_in_dim3A_198, %broadcast_in_dim3A_199 : vector<1x128xi1>, vector<1x128xf32>
    %add3A_201 = arith.addf %add3A_193, %select_n3A_200 : vector<1x128xf32>
    %eq3A_202 = arith.constant 8 : i32
    %eq3A_203 = vector.broadcast %eq3A_202 : i32 to vector<1x128xi32>
    %eq3A_204 = arith.cmpi eq, %iota3A_146, %eq3A_203 : vector<1x128xi32>
    %jit3A_205 = arith.constant 0.000000e+00 : f32
    %broadcast_in_dim3A_206 = vector.broadcast %add3A_145 : f32 to vector<1x128xf32>
    %broadcast_in_dim3A_207 = vector.broadcast %jit3A_205 : f32 to vector<1x128xf32>
    %select_n3A_208 = arith.select %eq3A_204, %broadcast_in_dim3A_206, %broadcast_in_dim3A_207 : vector<1x128xi1>, vector<1x128xf32>
    %add3A_209 = arith.addf %add3A_201, %select_n3A_208 : vector<1x128xf32>
    %swap3A = arith.constant 0 : index
    %swap3A_210 = arith.constant 0 : index
    %swap3A_211 = vector.load %arg5[%swap3A, %swap3A_210] : memref<1x128xf32, #tpu.memory_space<vmem>>, vector<1x128xf32>
    tpu.vector_store %arg5[%swap3A, %swap3A_210], %add3A_209 {strides = array<i32>} : memref<1x128xf32, #tpu.memory_space<vmem>>, vector<1x128xf32>,
    return
  }
}

</mosaic_0001>

<sc_bundles>
// kernel: kernel.4.cloned.1.call-start
scs
__scs_entry_jumppad:
0x0: {  	(pc) =	sbr.rel $0x88, $3  }
0x1: {  	(tag) =	ssettag $0x0;
	lr =	simm.s32 $0x1  }
0x2: {  	[smem:$0x3F91] =	sst lr;
	_ =	strace $0xD0000000  }
0x3: {  	_ = 	snop  }
0x4: {  	_ = 	snop  }
0x5: {  	_ = 	snop  }
0x6: {  	_ = 	snop  }
0x7: {  	_ = 	snop  }
__scs_overlays_trampoline_lowered:
0x8: {  	[smem:$0x3FA0] =	sst s0  }
0x9: {  	[smem:$0x3FA1] =	sst s1  }
0xa: {  	[smem:$0x3FA2] =	sst s2  }
0xb: {  	[smem:$0x3FA3] =	sst s3  }
0xc: {  	[smem:$0x3FA4] =	sst s4  }
0xd: {  	[smem:$0x3FA5] =	sst s5  }
0xe: {  	[smem:$0x3FA6] =	sst s6  }
0xf: {  	[smem:$0x3FA7] =	sst s7  }
0x10: {  	[smem:$0x3FA8] =	sst s8  }
0x11: {  	[smem:$0x3FA9] =	sst s9;
	s0 =	simm.s32 @!p0 $0x0  }
0x12: {  	s1 =	sld [smem:$0x3F8F];
	s0 =	simm.s32 @p0 $0x1  }
0x13: {  	[smem:$0x3FAA] =	sst s0;
	s0 =	simm.s32 @!p1 $0x0  }
0x14: {  	s2 =	sld [smem:$0x3F8E];
	s0 =	simm.s32 @p1 $0x1  }
0x15: {  	[smem:$0x3FAB] =	sst s0;
	s0 =	simm.s32 @!p2 $0x0  }
0x16: {  	s3 =	sld [smem:$0x3FDB];
	s0 =	simm.s32 @p2 $0x1  }
0x17: {  	s4 =	simm.s32 $0x1BF5;
	[smem:$0x3FAD] =	sst s0  }
0x18: {  	s0 =	sld [smem:$0x3F90];
	_ =	swait.ge [sflag:s4], $0x0  }
0x19: {  	s7 =	sld [smem:$0x3F91]  }
0x1a: {  	s8 =	sadd.s32 $0xFFFFE003, lr  }
0x1b: {  	s9 =	sadd.s32 $0xFFFFFEF7, lr;
	s5 =	simm.s32 $0xFFFFFFFF;
	p2 =	slt.u32 s8, $0xFFFFF086  }
0x1c: {  	p1 =	slt.u32 s9, $0xF7A;
	s5 =	simm.s32 @!p2 $0x0  }
0x1d: {  	s5 =	simm.s32 @p1 $0x1;
	p0 =	seq.s32 s7, s2  }
0x1e: {  	s7 =	smul.u32 @!p0 $0xF7A, s2;
	p2 =	seq.s32 @!p0 s5, $0x0  }
0x1f: {  	s9 =	smul.u32 $0xF7A, s1;
	s8 =	simm.s32 @!p0 $0x1BF5;
	p2 =	por !p2, p0  }
0x20: {  	[sflag:s8] =	ssyncset.s32 @!p0 $0xFFFFF086;
	s6 =	sadd.s32 @!p0 s3, s7;
	s7 =	simm.s32 @!p0 $0x108  }
0x21: {  	s3 =	sadd.s32 s3, s9;
	s6 =	sadd.s32 @!p0 $0x88, s6;
	s7 =	simm.s32 @p2 $0x1082  }
0x22: {  	[simem:s7], [sflag:s8] =	dma.local @!p0 [hbm:s6], $0xF7A  }
0x23: {  	s9 =	sor.u32 $0xD0000000, s2;
	s6 =	simm.s32 $0x108;
	_ =	swait.ge @!p0 [sflag:s8], $0x0  }
0x24: {  	s3 =	sadd.s32 $0x88, s3;
	s6 =	simm.s32 @!p1 $0x1082;
	[sflag:s4] =	ssyncset.s32 $0xFFFFF086  }
0x25: {  	[simem:s6], [sflag:s4] =	dma.local [hbm:s3], $0xF7A  }
0x26: {  	[smem:$0x3F91] =	sst s1;
	(tag) =	ssettag s2;
	_ =	strace s9  }
0x27: {  	s1 =	sld [smem:$0x3FA1]  }
0x28: {  	s2 =	sld [smem:$0x3FA2]  }
0x29: {  	s4 =	sld [smem:$0x3FA4]  }
0x2a: {  	p0 =	seq.s32 s5, $0x0;
	s5 =	sld [smem:$0x3FA5]  }
0x2b: {  	s6 =	sld [smem:$0x3FA6]  }
0x2c: {  	s7 =	sld [smem:$0x3FA7]  }
0x2d: {  	s3 =	simm.s32 $0x108;
	s8 =	sld [smem:$0x3FA8]  }
0x2e: {  	s3 =	simm.s32 @!p0 $0x1082;
	s9 =	sld [smem:$0x3FA9]  }
0x2f: {  	lr =	sadd.s32 s0, s3;
	s0 =	sld [smem:$0x3FA0]  }
0x30: {  	s3 =	sld [smem:$0x3FA3]  }
0x31: {  	[smem:$0x3FAC] =	sst s10  }
0x32: {  	s10 =	sld [smem:$0x3FAA];
	_ =	sdelay $0x3  }
0x33: {  	p0 =	seq.s32 s10, $0x1;
	s10 =	sld [smem:$0x3FAC];
	_ =	sdelay $0x3  }
0x34: {  	[smem:$0x3FAC] =	sst s10  }
0x35: {  	s10 =	sld [smem:$0x3FAB];
	_ =	sdelay $0x3  }
0x36: {  	p1 =	seq.s32 s10, $0x1;
	s10 =	sld [smem:$0x3FAC];
	_ =	sdelay $0x3  }
0x37: {  	[smem:$0x3FAC] =	sst s10  }
0x38: {  	s10 =	sld [smem:$0x3FAD]  }
0x39: {  	_ = 	snop;
	(pc) =	sbr.ind lr, $3  }
0x3a: {  	_ = 	snop  }
0x3b: {  	_ = 	snop  }
0x3c: {  	p2 =	seq.s32 s10, $0x1;
	s10 =	sld [smem:$0x3FAC]  }
0x3d: {  	_ =	shalt  }
0x3e: {  	_ =	shalt  }
0x3f: {  	_ =	shalt  }
0x40: {  	_ =	shalt  }
0x41: {  	_ =	shalt  }
0x42: {  	_ =	shalt  }
0x43: {  	_ =	shalt  }
0x44: {  	_ =	shalt  }
0x45: {  	_ =	shalt  }
0x46: {  	_ =	shalt  }
0x47: {  	_ =	shalt  }
0x48: {  	_ =	shalt  }
0x49: {  	_ =	shalt  }
0x4a: {  	_ =	shalt  }
0x4b: {  	_ =	shalt  }
0x4c: {  	_ =	shalt  }
0x4d: {  	_ =	shalt  }
0x4e: {  	_ =	shalt  }
0x4f: {  	_ =	shalt  }
0x50: {  	_ =	shalt  }
0x51: {  	_ =	shalt  }
0x52: {  	_ =	shalt  }
0x53: {  	_ =	shalt  }
0x54: {  	_ =	shalt  }
0x55: {  	_ =	shalt  }
0x56: {  	_ =	shalt  }
0x57: {  	_ =	shalt  }
0x58: {  	_ =	shalt  }
0x59: {  	_ =	shalt  }
0x5a: {  	_ =	shalt  }
0x5b: {  	_ =	shalt  }
0x5c: {  	_ =	shalt  }
0x5d: {  	_ =	shalt  }
0x5e: {  	_ =	shalt  }
0x5f: {  	_ =	shalt  }
0x60: {  	_ =	shalt  }
0x61: {  	_ =	shalt  }
0x62: {  	_ =	shalt  }
0x63: {  	_ =	shalt  }
0x64: {  	_ =	shalt  }
0x65: {  	_ =	shalt  }
0x66: {  	_ =	shalt  }
0x67: {  	_ =	shalt  }
0x68: {  	_ =	shalt  }
0x69: {  	_ =	shalt  }
0x6a: {  	_ =	shalt  }
0x6b: {  	_ =	shalt  }
0x6c: {  	_ =	shalt  }
0x6d: {  	_ =	shalt  }
0x6e: {  	_ =	shalt  }
0x6f: {  	_ =	shalt  }
0x70: {  	_ =	shalt  }
0x71: {  	_ =	shalt  }
0x72: {  	_ =	shalt  }
0x73: {  	_ =	shalt  }
0x74: {  	_ =	shalt  }
0x75: {  	_ =	shalt  }
0x76: {  	_ =	shalt  }
0x77: {  	_ =	shalt  }
0x78: {  	_ =	shalt  }
0x79: {  	_ =	shalt  }
0x7a: {  	_ =	shalt  }
0x7b: {  	_ =	shalt  }
0x7c: {  	_ =	shalt  }
0x7d: {  	_ =	shalt  }
0x7e: {  	_ =	shalt  }
0x7f: {  	_ =	shalt  }
0x80: {  	_ =	shalt  }
0x81: {  	_ =	shalt  }
0x82: {  	_ =	shalt  }
0x83: {  	_ =	shalt  }
0x84: {  	_ =	shalt  }
0x85: {  	_ =	shalt  }
0x86: {  	_ =	shalt  }
0x87: {  	_ =	shalt  }
.Lfunc_end0:
.L_simem_size_0:
called_computation_lowered:
.L_overlay_start_0:
0x88: {  	s2 =	sld [smem:$0x3FD9]  }
0x89: {  	s3 =	sld [smem:$0x3FFE];
	_ =	sdelay $0x1  }
0x8a: {  	s1 =	srdreg.scid  }
0x8b: {  	s0 =	sand.u32 $0x1, s1  }
0x8c: {  	s17 =	sshll.u32 s0, $0xA;
	s2 =	sadd.s32 s3, s2  }
0x8d: {  	s2 =	sadd.s32 s2, s17  }
0x8e: {  	[smem:$0x3FB8] =	sst s2  }
0x8f: {  	_ = 	snop  }
0x90: {  	s2 =	sld [smem:$0x3FC7]  }
0x91: {  	s18 =	sld [smem:$0x3FC5]  }
0x92: {  	s4 =	sld [smem:$0x3FC0]  }
0x93: {  	s5 =	sld [smem:$0x3FBE];
	(tm) =	ssettm $0x1  }
0x94: {  	s6 =	sld [smem:$0x3FFB];
	_ =	sdelay $0x3  }
0x95: {  	_ =	strace s6  }
0x96: {  	s6 =	sld [smem:$0x3FFC];
	_ =	sdelay $0x3  }
0x97: {  	_ =	strace s6  }
0x98: {  	s6 =	sld [smem:$0x3FFD];
	_ =	sdelay $0x3  }
0x99: {  	_ =	strace s6  }
0x9a: {  	_ =	strace $0x8FFFFFFF  }
0x9b: {  	s19 =	sld [smem:$0x3FDB];
	_ =	sdelay $0x1  }
0x9c: {  	s7 =	simm.s32 $_scs_section_size  }
0x9d: {  	s8 =	simm.s32 $_size__tile_overlayer_lowered;
	s9 =	simm.s32 $_tile_overlayer_lowered  }
0x9e: {  	s22 =	simm.s32 $0x1BFF;
	s21 =	sshll.u32 s9, $0x1;
	s6 =	sadd.s32 s7, s19  }
0x9f: {  	s10 =	simm.s32 $0x0;
	s20 =	sshll.u32 s8, $0x1;
	s8 =	sadd.s32 s21, s6  }
0xa0: {  	[timem:s10], [sflag:s22] =	dma.local [hbm:s8], s20  }
0xa1: {  	_ =	swait.ge [sflag:s22], s20  }
0xa2: {  	s7 =	ssub.s32 $0x0, s20;
	[sflag:s22] =	ssyncset.done $0x0  }
0xa3: {  	[sflag:s22] =	ssyncadd.s32 s7;
	_ =	sdelay $0x1  }
0xa4: {  	s23 =	simm.s32 $0x1B8B  }
0xa5: {  	_ =	swait.ge [sflag:s23], $0x1  }
0xa6: {  	[sflag:s23] =	ssyncset.done $0x0  }
0xa7: {  	s25 =	simm.s32 $0x1B8E;
	s24 =	sld [smem:$0x3FFE];
	[sflag:s23] =	ssyncadd.s32 $0xFFFFFFFF  }
0xa8: {  	s26 =	simm.s32 $execute0_lowered;
	[smem:$0x3FD2] =	sst s25  }
0xa9: {  	s8 =	sshll.u32 s26, $0x1;
	_ =	strace $0x80000046;
	[dreg:$0x1] =	wrdreg $0xFFFFFFFF  }
0xaa: {  	s28 =	simm.s32 $_size_execute0_lowered;
	s6 =	sadd.s32 s6, s8;
	[dreg:$0x0] =	wrdreg $0x0  }
0xab: {  	s8 =	sshll.u32 s28, $0x1;
	[dreg:$0x2] =	wrdreg s6  }
0xac: {  	[dreg:$0x3] =	wrdreg s8  }
0xad: {  	[dreg:$0x4] =	wrdreg $0xC0  }
0xae: {  	_ =	task [dreg:s10], $0x5FFFF  }
0xaf: {  	[dreg:$0x1] =	wrdreg $0xFFFFFFFF  }
0xb0: {  	[dreg:$0x0] =	wrdreg $0x60  }
0xb1: {  	[dreg:$0x2] =	wrdreg s24  }
0xb2: {  	[dreg:$0x3] =	wrdreg s2  }
0xb3: {  	[dreg:$0x4] =	wrdreg s5  }
0xb4: {  	[dreg:$0x5] =	wrdreg s18  }
0xb5: {  	[dreg:$0x6] =	wrdreg s4  }
0xb6: {  	[dreg:$0x7] =	wrdreg $0x150E00  }
0xb7: {  	[dreg:$0x8] =	wrdreg $0x9  }
0xb8: {  	_ =	task.clear_ibuf [dreg:s10], $0x9FFFF;
	_ =	strace $0x90000046  }
0xb9: {  	s29 =	simm.s32 $0x9;
	_ =	strace $0x80000048  }
0xba: {  	_ =	swait.ge [sflag:s29], $0x1  }
0xbb: {  	[sflag:s29] =	ssyncadd.s32 $0xFFFFFFFF  }
0xbc: {  	_ =	strace $0x90000048  }
0xbd: {  	_ =	sfence  }
0xbe: {  	s30 =	sld [smem:$0x0];
	_ =	sdelay $0x2  }
0xbf: {  	s31 =	sshll.u32 s1, $0xD;
	s1 =	sshrl.u32 s1, $0x2  }
0xc0: {  	s3 =	sand.u32 $0x4000, s31;
	s1 =	sadd.s32 s1, s30  }
0xc1: {  	s0 =	sor.u32 s3, s0;
	s1 =	sshll.u32 s1, $0x11  }
0xc2: {  	s0 =	sor.u32 s1, s0  }
0xc3: {  	s0 =	sadd.s32 $0x8F2B, s0  }
0xc4: {  	[sflag:s0] =	ssyncadd.remote.s32 $0x1  }
0xc5: {  	_ =	sfence.sel $0xFFFF  }
0xc6: {  	[dreg:$0x0] =	wrdreg $0xFFFFFFFF;
	(pc) =	sbr.abs _section_cstart, $3  }
0xc7: {  	[dreg:$0x1] =	wrdreg $0xFFFFFFFF  }
0xc8: {  	_ =	task.clear_ibuf [dreg:s10], $0x2FFFF;
	_ =	strace $0x9FFFFFFF  }
0xc9: {  	(tm) =	ssettm $0x7FFFFFFF  }
tec
execute0_lowered:
.L_overlay_start_1:
0x0: {  	(tag) =	ssettag $0x1  }
0x1: {  	s0 =	rddreg [dreg:$0x0]  }
0x2: {  	s5 =	rddreg [dreg:$0x5]  }
0x3: {  	s1 =	simm.s32 $0x0;
	s9 =	srdreg.scid;
	s31 =	simm.s32 $0x1  }
0x4: {  	s28 =	simm.s32 $0x7D;
	s29 =	simm.s32 $0xA500;
	s30 =	simm.s32 $0xE380  }
0x5: {  	[smem:$0x7FF] =	sst s1;
	s7 =	sadd.s32 $0x187800, s0;
	s26 =	sadd.s32 $0xE00, s0  }
0x6: {  	s2 =	sadd.s32 $0x7200, s0;
	s3 =	sadd.s32 $0xD600, s0;
	s4 =	sadd.s32 $0x13A00, s0  }
0x7: {  	s6 =	sadd.s32 $0x20200, s0;
	s8 =	sadd.s32 $0x2CA00, s0;
	s1 =	sand.u32 $0x1, s9  }
0x8: {  	s10 =	sadd.s32 $0x4BE00, s0;
	_ =	strace $0x80000047;
	[dreg:$0x7] =	wrdreg s26  }
0x9: {  	s13 =	sadd.s32 $0x5EA00, s0;
	s19 =	sadd.s32 $0x71600, s0;
	[dreg:$0x8] =	wrdreg s2  }
0xa: {  	s20 =	sadd.s32 $0x96800, s0;
	s21 =	sadd.s32 $0x84200, s0;
	[dreg:$0x9] =	wrdreg s3  }
0xb: {  	s22 =	sadd.s32 $0xCDA00, s0;
	s23 =	sadd.s32 $0xBB400, s0;
	[dreg:$0xa] =	wrdreg s4  }
0xc: {  	s24 =	sadd.s32 $0xA8E00, s0;
	s25 =	sadd.s32 $0xE0000, s0;
	[dreg:$0xb] =	wrdreg s6  }
0xd: {  	s9 =	simm.s32 $0x0;
	[dreg:$0xc] =	wrdreg s8;
	s2 =	sadd.s32 $0x39200, s0  }
0xe: {  	s4 =	stileid.u32;
	[dreg:$0xe] =	wrdreg s10;
	s11 =	sshll.u32 s1, $0x4  }
0xf: {  	s12 =	smul.u32 $0x18800, s1;
	s1 =	ssub.s32 $0x2, s1;
	[dreg:$0xf] =	wrdreg s13  }
0x10: {  	s26 =	sadd.s32 $0x11E800, s0;
	s3 =	smul.u32 $0x1880, s4;
	s17 =	sor.u32 s4, s11  }
0x11: {  	[dreg:$0xd] =	wrdreg s2;
	s6 =	sshrl.u32 s1, $0x1;
	s14 =	smul.u32 $0xA, s17  }
0x12: {  	s1 =	ssub.s32 s1, s6;
	s6 =	simm.s32 $0x800;
	s2 =	sadd.s32 s3, s12  }
0x13: {  	s10 =	sadd.s32 s3, s5;
	s18 =	smax.u32 s1, $0x1;
	s12 =	simm.s32 $0x12200  }
.Ltmp0:
0x14: {  	s1 =	simm.s32 $0x3;
	s3 =	simm.s32 $0x6680;
	(pc) =	sbr.rel .LBB2_1-.Ltmp0, $4  }
0x15: {  	s4 =	sadd.s32 s14, s0;
	s2 =	sshrl.u32 s2, $0x3;
	[dreg:$0x13] =	wrdreg s18  }
0x16: {  	[dreg:$0x10] =	wrdreg s10;
	s2 =	sadd.s32 s2, s0;
	s16 =	sadd.s32 $0x15D000, s4  }
0x17: {  	v1 =	vlaneseq.u32;
	s0 =	simm.s32 $0x2;
	s15 =	sadd.s32 $0x15D200, s2;
	[dreg:$0x12] =	wrdreg s16  }
0x18: {  	v0 =	vimm.f32 $0.0e+00;
	v2 =	vimm.f32 $1.000000000e+00;
	v1 =	vmul.u32 $0x8, v1;
	s4 =	simm.s32 $0x1000;
	s2 =	simm.s32 $0x2800;
	[dreg:$0x11] =	wrdreg s15  }
.LBB2_39:
0x19: {  	s8 =	stileid.u32;
	[bflag:$0x0] =	sbarrier.arrive $0xFFFF  }
0x1a: {  	s8 =	sshll.u32 s8, $0x6;
	s10 =	rddreg [dreg:$0x10]  }
0x1b: {  	s11 =	rddreg [dreg:$0x11];
	s8 =	sor.u32 $0x1C04, s8;
	s9 =	sshrl.u32 s10, $0x3  }
0x1c: {  	[hbm:s11], [sflag:s8] =	dma.local [spmem:s9], $0x310  }
0x1d: {  	s11 =	simm.s32 $0x4  }
0x1e: {  	_ =	swait.ge [sflag:s11], $0x310  }
0x1f: {  	s14 =	simm.s32 $0x0;
	[sflag:s11] =	ssyncset.done $0x0  }
0x20: {  	s13 =	simm.s32 $0x181E0;
	s15 =	rddreg [dreg:$0x12];
	[sflag:s11] =	ssyncadd.s32 $0xFFFFFCF0  }
0x21: {  	[hbm4b:s15+s14] =	stream.linear.scatter [tilespmem:s13], [sflag:$0x4], $0x50, $0x38;
	[tilespmem:$0x18230] =	vst v63  }
0x22: {  	_ =	swait.ge [sflag:s11], $0x50  }
0x23: {  	s16 =	rddreg [dreg:$0x14]  }
0x24: {  	s18 =	rddreg [dreg:$0x13];
	s9 =	sadd.s32 $0x1, s16  }
0x25: {  	p0 =	sne.s32 s9, s18  }
.Ltmp1:
0x26: {  	_ = 	snop;
	(pc) =	sbr.rel @!p0 .LBB2_40-.Ltmp1, $3  }
0x27: {  	_ =	sdelay $0x1  }
0x28: {  	[sflag:s11] =	ssyncset.done $0x0  }
0x29: {  	[sflag:s11] =	ssyncadd.s32 $0xFFFFFFB0  }
.LBB2_1:
0x2a: {  	[dreg:$0x14] =	wrdreg s9;
	s8 =	simm.s32 $0x40;
	s9 =	simm.s32 $0x0  }
.LBB2_2:
0x2b: {  	p0 =	sne.s32 s8, $0x61C0;
	[tilespmem:s9+$0x16960] =	vst v0;
	s9 =	smov.u32 s8;
	s8 =	sadd.s32 $0x40, s8  }
.Ltmp2:
0x2c: {  	(pc) =	sbr.rel @p0 .LBB2_2-.Ltmp2, $2  }
0x2d: {  	_ =	sdelay $0x2  }
0x2e: {  	s9 =	sshra.s32 s9, $0x2  }
0x2f: {  	[tilespmem:s9+$0x16960] =	vst v0  }
0x30: {  	[tilespmem:$0x181E0] =	vst v0  }
0x31: {  	[tilespmem:$0x181F0] =	vst v0  }
0x32: {  	[tilespmem:$0x18200] =	vst v0  }
0x33: {  	[tilespmem:$0x18210] =	vst v0  }
0x34: {  	s8 =	simm.s32 $0x16960;
	s18 =	simm.s32 $0x4;
	[tilespmem:$0x18220] =	vst v0  }
0x35: {  	[spmem:s10] =	stream.linear.scatter [tilespmem:s8], [sflag:$0x4], $0x1880, $0x38;
	[tilespmem:$0x18230] =	vst v63  }
.Ltmp3:
0x36: {  	_ =	swait.ge [sflag:s18], $0x1880;
	(pc) =	sbr.rel .LBB2_4-.Ltmp3, $4  }
0x37: {  	[sflag:s18] =	ssyncset.done $0x0  }
0x38: {  	[sflag:s18] =	ssyncadd.s32 $0xFFFFE780  }
0x39: {  	[bflag:$0x0] =	sbarrier.arrive $0xFFFF  }
0x3a: {  	s8 =	simm.s32 $0x0  }
.LBB2_12:
0x3b: {  	s8 =	sadd.s32 $0x1, s8  }
0x3c: {  	p0 =	sne.s32 s8, $0x4  }
.Ltmp4:
0x3d: {  	_ = 	snop;
	(pc) =	sbr.rel @!p0 .LBB2_13-.Ltmp4, $1  }
0x3e: {  	_ =	sdelay $0x3  }
.LBB2_4:
0x3f: {  	s9 =	sadd.s32 s17, s8  }
0x40: {  	s10 =	sshll.u32 s8, $0x5;
	s9 =	sand.u32 $0x1F, s9  }
0x41: {  	s9 =	sor.u32 s10, s9  }
0x42: {  	p0 =	sgt.u32 s9, $0x63  }
.Ltmp5:
0x43: {  	_ = 	snop;
	(pc) =	sbr.rel @p0 .LBB2_12-.Ltmp5, $1  }
0x44: {  	_ =	sdelay $0x3  }
0x45: {  	s10 =	sshll.u32 s9, $0x8;
	s11 =	rddreg [dreg:$0x7]  }
0x46: {  	s13 =	simm.s32 $0x0;
	s18 =	rddreg [dreg:$0x8];
	s11 =	sadd.s32 s11, s10  }
0x47: {  	[tilespmem:s13], [sflag:$0x1] =	stream.linear.gather [hbm4b:s11+s13], $0x800, $0x38;
	[tilespmem:$0x18230] =	vst v63  }
0x48: {  	s14 =	smul.u32 $0xFA, s9;
	s15 =	rddreg [dreg:$0x1];
	s11 =	sadd.s32 s18, s10  }
0x49: {  	[tilespmem:s6], [sflag:$0x1] =	stream.linear.gather [hbm4b:s11+s13], $0x800, $0x38;
	[tilespmem:$0x18230] =	vst v63  }
0x4a: {  	s16 =	rddreg [dreg:$0x2];
	s11 =	sadd.s32 s15, s14  }
0x4b: {  	[tilespmem:s12], [sflag:$0x1] =	stream.linear.gather [hbm4b:s11+s13], $0x7D0, $0x38;
	[tilespmem:$0x18230] =	vst v63  }
0x4c: {  	s9 =	sadd.s32 s16, s14;
	s18 =	simm.s32 $0x14910;
	s11 =	rddreg [dreg:$0x9]  }
0x4d: {  	[tilespmem:s18], [sflag:$0x1] =	stream.linear.gather [hbm4b:s9+s13], $0x7D0, $0x38;
	[tilespmem:$0x18230] =	vst v63  }
0x4e: {  	s14 =	simm.s32 $0x2000;
	s9 =	sadd.s32 s11, s10  }
0x4f: {  	[tilespmem:s14], [sflag:$0x1] =	stream.linear.gather [hbm4b:s9+s13], $0x800, $0x38;
	[tilespmem:$0x18230] =	vst v63  }
0x50: {  	_ =	swait.ge [sflag:s31], $0x800  }
0x51: {  	[sflag:s31] =	ssyncset.done $0x0  }
0x52: {  	[sflag:s31] =	ssyncadd.s32 $0xFFFFF800  }
0x53: {  	_ =	swait.ge [sflag:s31], $0x800  }
0x54: {  	[sflag:s31] =	ssyncset.done $0x0  }
0x55: {  	[sflag:s31] =	ssyncadd.s32 $0xFFFFF800  }
0x56: {  	_ =	swait.ge [sflag:s31], $0x7D0  }
0x57: {  	[sflag:s31] =	ssyncset.done $0x0  }
0x58: {  	[sflag:s31] =	ssyncadd.s32 $0xFFFFF830  }
0x59: {  	_ =	swait.ge [sflag:s31], $0x7D0  }
0x5a: {  	[sflag:s31] =	ssyncset.done $0x0  }
0x5b: {  	[sflag:s31] =	ssyncadd.s32 $0xFFFFF830  }
0x5c: {  	_ =	swait.ge [sflag:s31], $0x800  }
0x5d: {  	[sflag:s31] =	ssyncset.done $0x0  }
0x5e: {  	s16 =	simm.s32 $0x0;
	s15 =	simm.s32 $0x2800;
	[sflag:s31] =	ssyncadd.s32 $0xFFFFF800  }
0x5f: {  	[tilespmem:s15], [sflag:$0x2] =	stream.indirect.gather [hbm4b:s7+s28], $0x8, s16, s28, $0xb8;
	[tilespmem:$0x18230] =	vst v63  }
0x60: {  	s18 =	simm.s32 $0x6680;
	s10 =	simm.s32 $0x6A68;
	s13 =	simm.s32 $0x800  }
0x61: {  	[tilespmem:s18], [sflag:$0x2] =	stream.indirect.gather [hbm4b:s7+s28], $0x8, s13, s28, $0xb8;
	[tilespmem:$0x18230] =	vst v63  }
0x62: {  	s11 =	simm.s32 $0x2BE8;
	s14 =	simm.s32 $0x2000;
	s9 =	simm.s32 $0x200  }
0x63: {  	[spmem:s5] =	stream.indirect.scatter.add.f32 [tilespmem:s14], [sflag:$0x3], $0x1, s16, s28, $0xb8;
	[tilespmem:$0x18230] =	vst v63  }
.LBB2_6:
0x64: {  	[spmem:s5] =	stream.indirect.scatter.add.f32 [tilespmem:s14], [sflag:$0x3], $0x1, s13, s28, $0xb8;
	[tilespmem:$0x18230] =	vst v63  }
0x65: {  	s15 =	sshra.s32 s9, $0x2;
	p0 =	sne.s32 s9, $0x1E00;
	s9 =	sadd.s32 $0x200, s9  }
0x66: {  	[tilespmem:s11], [sflag:$0x2] =	stream.indirect.gather [hbm4b:s7+s28], $0x8, s15, s28, $0xb8;
	[tilespmem:$0x18230] =	vst v63  }
.Ltmp6:
0x67: {  	s13 =	sadd.s32 $0x800, s15;
	(pc) =	sbr.rel @p0 .LBB2_6-.Ltmp6, $4  }
0x68: {  	[tilespmem:s10], [sflag:$0x2] =	stream.indirect.gather [hbm4b:s7+s28], $0x8, s13, s28, $0xb8;
	[tilespmem:$0x18230] =	vst v63  }
0x69: {  	s14 =	sadd.s32 $0x2000, s15  }
0x6a: {  	[spmem:s5] =	stream.indirect.scatter.add.f32 [tilespmem:s14], [sflag:$0x3], $0x1, s15, s28, $0xb8;
	[tilespmem:$0x18230] =	vst v63  }
0x6b: {  	s11 =	sadd.s32 $0x3E8, s11;
	s10 =	sadd.s32 $0x3E8, s10  }
0x6c: {  	[spmem:s5] =	stream.indirect.scatter.add.f32 [tilespmem:s14], [sflag:$0x3], $0x1, s13, s28, $0xb8;
	[tilespmem:$0x18230] =	vst v63  }
0x6d: {  	_ =	swait.ge [sflag:s0], $0x3E8  }
0x6e: {  	[sflag:s0] =	ssyncset.done $0x0  }
0x6f: {  	[sflag:s0] =	ssyncadd.s32 $0xFFFFFC18  }
0x70: {  	_ =	swait.ge [sflag:s0], $0x3E8  }
0x71: {  	[sflag:s0] =	ssyncset.done $0x0  }
0x72: {  	[sflag:s0] =	ssyncadd.s32 $0xFFFFFC18  }
0x73: {  	_ =	swait.ge [sflag:s1], $0x7D  }
0x74: {  	[sflag:s1] =	ssyncset.done $0x0  }
0x75: {  	[sflag:s1] =	ssyncadd.s32 $0xFFFFFF83  }
0x76: {  	_ =	swait.ge [sflag:s1], $0x7D  }
0x77: {  	s9 =	simm.s32 $0xF;
	[sflag:s1] =	ssyncset.done $0x0  }
.LBB2_8:
0x78: {  	p0 =	sne.s32 s9, $0x1;
	s9 =	sadd.s32 $0xFFFFFFFF, s9;
	[sflag:s1] =	ssyncadd.s32 $0xFFFFFF83  }
0x79: {  	_ =	swait.ge [sflag:s0], $0x3E8  }
0x7a: {  	[sflag:s0] =	ssyncset.done $0x0  }
0x7b: {  	[sflag:s0] =	ssyncadd.s32 $0xFFFFFC18  }
0x7c: {  	_ =	swait.ge [sflag:s0], $0x3E8  }
0x7d: {  	[sflag:s0] =	ssyncset.done $0x0  }
0x7e: {  	[sflag:s0] =	ssyncadd.s32 $0xFFFFFC18  }
.Ltmp7:
0x7f: {  	_ =	swait.ge [sflag:s1], $0x7D;
	(pc) =	sbr.rel @p0 .LBB2_8-.Ltmp7, $4  }
0x80: {  	[sflag:s1] =	ssyncset.done $0x0  }
0x81: {  	[sflag:s1] =	ssyncadd.s32 $0xFFFFFF83  }
0x82: {  	_ =	swait.ge [sflag:s1], $0x7D  }
0x83: {  	[sflag:s1] =	ssyncset.done $0x0  }
0x84: {  	s9 =	simm.s32 $0x0  }
0x85: {  	v3 =	vmov s9  }
0x86: {  	v3 =	vshll.u32 v3, $0x3  }
0x87: {  	v5 =	vor.u32 v1, v3;
	_ =	sdelay $0x1  }
0x88: {  	v3 =	vor.u32 $0x1, v5;
	_ =	sdelay $0x1  }
0x89: {  	[sflag:s1] =	ssyncadd.s32 $0xFFFFFF83;
	v4 =	vor.u32 $0x2, v5  }
0x8a: {  	v6 =	vld.idx.msk [tilespmem:v5+s2+$0x0], $0xffff  }
0x8b: {  	v7 =	vld.idx.msk [tilespmem:v5+s3+$0x0], $0xffff  }
0x8c: {  	v8 =	vld.idx.msk [tilespmem:v3+s2+$0x0], $0xffff  }
0x8d: {  	v3 =	vld.idx.msk [tilespmem:v3+s3+$0x0], $0xffff  }
0x8e: {  	v9 =	vld.idx.msk [tilespmem:v4+s2+$0x0], $0xffff  }
0x8f: {  	v4 =	vld.idx.msk [tilespmem:v4+s3+$0x0], $0xffff;
	_ =	sdelay $0x1  }
0x90: {  	s16 =	simm.s32 $0x10  }
0x91: {  	v10 =	vmov s16;
	v6 =	vsub.f32 v6, v7;
	v3 =	vsub.f32 v8, v3  }
0x92: {  	v7 =	vshll.u32 v10, $0x3  }
0x93: {  	v8 =	vsub.f32 v9, v4;
	v6 =	vmul.f32 v6, v6;
	v3 =	vmul.f32 v3, v3  }
0x94: {  	v4 =	vor.u32 v1, v7  }
0x95: {  	v7 =	vmul.f32 v8, v8;
	v8 =	vor.u32 $0x1, v4;
	v3 =	vadd.f32 v3, v6;
	_ =	sdelay $0x1  }
0x96: {  	v3 =	vadd.f32 v7, v3  }
0x97: {  	v7 =	vor.u32 $0x2, v4  }
0x98: {  	v9 =	vld.idx.msk [tilespmem:v4+s2+$0x0], $0xffff;
	v6 =	vmax.f32 v3, $1.000000000e-30  }
0x99: {  	v12 =	vld.idx.msk [tilespmem:v8+s2+$0x0], $0xffff;
	v10 =	vmul.f32 $5.000000000e-01, v6;
	v11 =	vshra.s32 v6, $0x1  }
0x9a: {  	v8 =	vld.idx.msk [tilespmem:v8+s3+$0x0], $0xffff;
	v11 =	vsub.s32 $0x5F3759DF, v11  }
0x9b: {  	v3 =	vld.idx.msk [tilespmem:v4+s3+$0x0], $0xffff;
	v13 =	vmul.f32 v11, v10  }
0x9c: {  	v14 =	vld.idx.msk [tilespmem:v7+s2+$0x0], $0xffff  }
0x9d: {  	v7 =	vld.idx.msk [tilespmem:v7+s3+$0x0], $0xffff;
	v13 =	vmul.f32 v11, v13  }
0x9e: {  	s18 =	simm.s32 $0x20  }
0x9f: {  	v15 =	vmov s18;
	v13 =	vsub.f32 $1.500000000e+00, v13  }
0xa0: {  	v15 =	vshll.u32 v15, $0x3;
	v8 =	vsub.f32 v12, v8;
	v9 =	vsub.f32 v9, v3  }
0xa1: {  	v3 =	vor.u32 v1, v15;
	v11 =	vmul.f32 v11, v13  }
0xa2: {  	v8 =	vmul.f32 v8, v8;
	v9 =	vmul.f32 v9, v9;
	v7 =	vsub.f32 v14, v7  }
0xa3: {  	v12 =	vor.u32 $0x1, v3;
	v13 =	vmul.f32 v11, v10  }
0xa4: {  	s9 =	simm.s32 $0x14910;
	v8 =	vadd.f32 v8, v9;
	v7 =	vmul.f32 v7, v7  }
0xa5: {  	v20 =	vld [tilespmem:s9+$0x0];
	v14 =	vor.u32 $0x2, v3;
	v9 =	vmul.f32 v13, v11  }
0xa6: {  	v15 =	vld.idx.msk [tilespmem:v3+s3+$0x0], $0xffff;
	v7 =	vadd.f32 v7, v8  }
0xa7: {  	v13 =	vld.idx.msk [tilespmem:v3+s2+$0x0], $0xffff;
	v8 =	vsub.f32 $1.500000000e+00, v9  }
0xa8: {  	v21 =	vor.u32 $0x3, v5;
	v16 =	vld.idx.msk [tilespmem:v12+s2+$0x0], $0xffff;
	v7 =	vmax.f32 v7, $1.000000000e-30  }
0xa9: {  	v17 =	vld.idx.msk [tilespmem:v12+s3+$0x0], $0xffff;
	v9 =	vmul.f32 $5.000000000e-01, v7;
	v12 =	vshra.s32 v7, $0x1;
	v19 =	vmul.f32 v8, v11  }
0xaa: {  	v18 =	vld.idx.msk [tilespmem:v14+s2+$0x0], $0xffff;
	v22 =	vsub.s32 $0x5F3759DF, v12  }
0xab: {  	v14 =	vld.idx.msk [tilespmem:v14+s3+$0x0], $0xffff;
	v11 =	vmul.f32 v22, v9;
	v10 =	vmul.f32 v19, v10  }
0xac: {  	s10 =	simm.s32 $0x30;
	vm0 =	veq.s32 v20, $0x3;
	vm1 =	veq.s32 v20, $0x2;
	v13 =	vsub.f32 v13, v15  }
0xad: {  	v8 =	vmov s10;
	v11 =	vmul.f32 v22, v11;
	v10 =	vmul.f32 v10, v19  }
0xae: {  	v5 =	vshll.u32 v8, $0x3;
	v15 =	vsub.f32 v16, v17;
	v17 =	vmul.f32 v13, v13;
	v13 =	vld.idx.msk [tilespmem:v21+s3+$0x0], $0xffff  }
0xaf: {  	s10 =	simm.s32 $0x12200;
	v8 =	vor.u32 v1, v5;
	v16 =	vsub.f32 $1.500000000e+00, v11;
	v11 =	vld.idx.msk [tilespmem:v21+s2+$0x0], $0xffff;
	v23 =	vsub.f32 $1.500000000e+00, v10  }
0xb0: {  	v24 =	vsub.f32 v18, v14;
	v14 =	vld [tilespmem:s10+$0x0];
	v12 =	vor.u32 $0x1, v8;
	v18 =	vmul.f32 v15, v15  }
0xb1: {  	v10 =	vmul.f32 v22, v16;
	v16 =	vsel vm1, $0x40000000, v2;
	v15 =	vmul.f32 v23, v19  }
0xb2: {  	s11 =	simm.s32 $0x40;
	v5 =	vld [tilespmem:$0x181E0];
	v16 =	vsel vm0, $0x40400000, v16;
	vm0 =	veq.s32 v20, $0xC;
	v19 =	vmul.f32 v24, v24  }
.LBB2_10:
0xb3: {  	p0 =	sne.s32 s11, $0x7C0;
	v17 =	vadd.f32 v18, v17;
	v18 =	vmul.f32 v10, v9;
	v15 =	vmul.f32 v15, v6;
	s9 =	sadd.s32 $0x10, s9;
	v6 =	vmovc v7  }
0xb4: {  	v20 =	vor.u32 $0x2, v8;
	v16 =	vsel vm0, $0x3FC00000, v16;
	v7 =	vadd.f32 v13, v11;
	v21 =	vld [tilespmem:s9+$0x0]  }
0xb5: {  	v13 =	vld.idx.msk [tilespmem:v8+s2+$0x0], $0xffff;
	v11 =	vadd.f32 v19, v17;
	v17 =	vmul.f32 v18, v10;
	v14 =	vsub.f32 v14, v15  }
0xb6: {  	v15 =	vmov s11;
	vm0 =	vgt.f32 v7, $0.0e+00;
	v19 =	vmul.f32 $3.000000120e-01, v16;
	v18 =	vld.idx.msk [tilespmem:v8+s3+$0x0], $0xffff  }
0xb7: {  	v22 =	vld.idx.msk [tilespmem:v12+s2+$0x0], $0xffff;
	v7 =	vmax.f32 v11, $1.000000000e-30;
	v11 =	vsub.f32 $1.500000000e+00, v17;
	v14 =	vmul.f32 v14, v14  }
0xb8: {  	v23 =	vor.u32 $0x3, v4;
	v4 =	vmovc v3;
	v3 =	vmovc v8;
	v16 =	vsel vm0, v19, v16;
	v17 =	vld.idx.msk [tilespmem:v12+s3+$0x0], $0xffff;
	v12 =	vmul.f32 $5.000000000e-01, v7  }
0xb9: {  	v8 =	vshra.s32 v7, $0x1;
	v19 =	vld.idx.msk [tilespmem:v20+s2+$0x0], $0xffff;
	v24 =	vmul.f32 v11, v10;
	v10 =	vmul.f32 v14, v16  }
0xba: {  	v11 =	vshll.u32 v15, $0x3;
	v15 =	vsub.s32 $0x5F3759DF, v8;
	v14 =	vld.idx.msk [tilespmem:v20+s3+$0x0], $0xffff  }
0xbb: {  	v16 =	vmul.f32 v15, v12;
	v20 =	vmul.f32 v24, v9;
	v5 =	vadd.f32 v10, v5;
	v9 =	vmovc v12  }
0xbc: {  	v8 =	vor.u32 v1, v11  }
0xbd: {  	v12 =	vor.u32 $0x1, v8;
	v10 =	vmul.f32 v15, v16;
	v11 =	vld.idx.msk [tilespmem:v23+s2+$0x0], $0xffff;
	v16 =	vmul.f32 v20, v24  }
.Ltmp8:
0xbe: {  	vm0 =	veq.s32 v21, $0x3;
	v18 =	vsub.f32 v13, v18;
	v20 =	vsub.f32 v22, v17;
	v13 =	vld.idx.msk [tilespmem:v23+s3+$0x0], $0xffff;
	(pc) =	sbr.rel @p0 .LBB2_10-.Ltmp8, $4  }
0xbf: {  	s10 =	sadd.s32 $0x10, s10;
	vm1 =	veq.s32 v21, $0x2;
	v10 =	vsub.f32 $1.500000000e+00, v10;
	v16 =	vsub.f32 $1.500000000e+00, v16  }
0xc0: {  	v17 =	vmul.f32 v18, v18;
	v19 =	vsub.f32 v19, v14;
	v18 =	vmul.f32 v20, v20;
	v14 =	vld [tilespmem:s10+$0x0]  }
0xc1: {  	v10 =	vmul.f32 v15, v10;
	v15 =	vmul.f32 v16, v24;
	v16 =	vsel vm1, $0x40000000, v2  }
0xc2: {  	s11 =	sadd.s32 $0x10, s11;
	v19 =	vmul.f32 v19, v19;
	v16 =	vsel vm0, $0x40400000, v16;
	vm0 =	veq.s32 v21, $0xC  }
0xc3: {  	_ =	sdelay $0x2  }
0xc4: {  	v20 =	vor.u32 $0x2, v8  }
0xc5: {  	v21 =	vld.idx.msk [tilespmem:v8+s2+$0x0], $0xffff  }
0xc6: {  	v22 =	vld.idx.msk [tilespmem:v8+s3+$0x0], $0xffff  }
0xc7: {  	v23 =	vld.idx.msk [tilespmem:v12+s2+$0x0], $0xffff  }
0xc8: {  	v56 =	vld.idx.msk [tilespmem:v12+s3+$0x0], $0xffff  }
0xc9: {  	v24 =	vld.idx.msk [tilespmem:v20+s2+$0x0], $0xffff  }
0xca: {  	v20 =	vld.idx.msk [tilespmem:v20+s3+$0x0], $0xffff;
	_ =	sdelay $0x2  }
0xcb: {  	v57 =	vsub.f32 v21, v22;
	v12 =	vsub.f32 v23, v56  }
0xcc: {  	v17 =	vadd.f32 v18, v17  }
0xcd: {  	v18 =	vmul.f32 v57, v57;
	v12 =	vmul.f32 v12, v12;
	v58 =	vsub.f32 v24, v20;
	_ =	sdelay $0x1  }
0xce: {  	v17 =	vadd.f32 v19, v17;
	v12 =	vadd.f32 v12, v18;
	v19 =	vmul.f32 v58, v58;
	_ =	sdelay $0x1  }
0xcf: {  	v17 =	vmax.f32 v17, $1.000000000e-30;
	v12 =	vadd.f32 v19, v12  }
0xd0: {  	v59 =	vmul.f32 $5.000000000e-01, v17;
	v60 =	vshra.s32 v17, $0x1  }
0xd1: {  	v20 =	vsub.s32 $0x5F3759DF, v60;
	v12 =	vmax.f32 v12, $1.000000000e-30  }
0xd2: {  	v61 =	vmul.f32 v20, v59;
	v63 =	vmul.f32 $5.000000000e-01, v12;
	v27 =	vshra.s32 v12, $0x1  }
0xd3: {  	v23 =	vsub.s32 $0x5F3759DF, v27  }
0xd4: {  	v19 =	vmul.f32 v20, v61;
	v28 =	vmul.f32 v23, v63  }
0xd5: {  	v62 =	vmul.f32 v10, v9;
	v6 =	vmul.f32 v15, v6  }
0xd6: {  	v16 =	vsel vm0, $0x3FC00000, v16;
	v19 =	vsub.f32 $1.500000000e+00, v19;
	v30 =	vmul.f32 v23, v28  }
0xd7: {  	v4 =	vor.u32 $0x3, v4;
	v11 =	vadd.f32 v13, v11;
	s9 =	sadd.s32 $0x10, s9;
	v6 =	vsub.f32 v14, v6  }
0xd8: {  	v34 =	vmul.f32 $3.000000120e-01, v16;
	v36 =	vld [tilespmem:s9+$0x0];
	v19 =	vmul.f32 v20, v19;
	v33 =	vsub.f32 $1.500000000e+00, v30  }
0xd9: {  	s9 =	sadd.s32 $0x10, s9;
	vm4 =	vgt.f32 v11, $0.0e+00;
	v6 =	vmul.f32 v6, v6;
	v21 =	vmul.f32 v62, v10  }
0xda: {  	v41 =	vld [tilespmem:s9+$0x0];
	v11 =	vsel vm4, v34, v16;
	v32 =	vmul.f32 v19, v59;
	v15 =	vmul.f32 v23, v33  }
0xdb: {  	v3 =	vor.u32 $0x3, v3;
	v6 =	vmul.f32 v6, v11;
	v29 =	vsub.f32 $1.500000000e+00, v21  }
0xdc: {  	v42 =	vor.u32 $0x3, v8;
	v13 =	vmul.f32 v32, v19;
	v38 =	vmul.f32 v15, v63  }
0xdd: {  	s9 =	sadd.s32 $0x10, s9;
	vm5 =	veq.s32 v36, $0x3;
	vm1 =	veq.s32 v36, $0x2;
	v31 =	vmul.f32 v29, v10  }
0xde: {  	v51 =	vld [tilespmem:s9+$0x0];
	vm6 =	veq.s32 v36, $0xC;
	v13 =	vsub.f32 $1.500000000e+00, v13;
	v16 =	vmul.f32 v38, v15  }
0xdf: {  	v37 =	vld.idx.msk [tilespmem:v4+s2+$0x0], $0xffff;
	v40 =	vsel vm1, $0x40000000, v2;
	vm8 =	veq.s32 v41, $0x3;
	v35 =	vmul.f32 v31, v9  }
0xe0: {  	v4 =	vld.idx.msk [tilespmem:v4+s3+$0x0], $0xffff;
	vm9 =	veq.s32 v41, $0x2;
	v13 =	vmul.f32 v13, v19;
	v16 =	vsub.f32 $1.500000000e+00, v16  }
0xe1: {  	v43 =	vld.idx.msk [tilespmem:v3+s2+$0x0], $0xffff;
	vm10 =	veq.s32 v41, $0xC;
	v5 =	vadd.f32 v6, v5;
	v9 =	vmul.f32 v35, v31  }
0xe2: {  	v3 =	vld.idx.msk [tilespmem:v3+s3+$0x0], $0xffff;
	v54 =	vsel vm9, $0x40000000, v2;
	v18 =	vmul.f32 v13, v59;
	v15 =	vmul.f32 v16, v15  }
0xe3: {  	s10 =	sadd.s32 $0x10, s10;
	vm12 =	veq.s32 v51, $0x2;
	vm13 =	veq.s32 v51, $0x3;
	v9 =	vsub.f32 $1.500000000e+00, v9  }
0xe4: {  	v39 =	vld [tilespmem:s10+$0x0];
	v10 =	vsel vm5, $0x40400000, v40;
	v18 =	vmul.f32 v18, v13;
	v46 =	vmul.f32 v15, v63  }
0xe5: {  	v53 =	vld.idx.msk [tilespmem:v42+s2+$0x0], $0xffff;
	vm14 =	veq.s32 v51, $0xC;
	v10 =	vsel vm6, $0x3FC00000, v10;
	v9 =	vmul.f32 v9, v31  }
0xe6: {  	s10 =	sadd.s32 $0x10, s10;
	v8 =	vld.idx.msk [tilespmem:v42+s3+$0x0], $0xffff;
	v4 =	vadd.f32 v4, v37;
	v45 =	vsub.f32 $1.500000000e+00, v18;
	v52 =	vmul.f32 v46, v15  }
0xe7: {  	v48 =	vld [tilespmem:s10+$0x0];
	v3 =	vadd.f32 v3, v43;
	v44 =	vmul.f32 $3.000000120e-01, v10;
	v7 =	vmul.f32 v9, v7  }
0xe8: {  	s18 =	sadd.s32 $0x10, s10;
	vm7 =	vgt.f32 v4, $0.0e+00;
	v50 =	vmul.f32 v45, v13;
	v14 =	vsub.f32 $1.500000000e+00, v52  }
0xe9: {  	v55 =	vld [tilespmem:s18+$0x0];
	vm11 =	vgt.f32 v3, $0.0e+00;
	v58 =	vsel vm12, $0x40000000, v2;
	v7 =	vsub.f32 v39, v7  }
0xea: {  	v49 =	vsel vm7, v44, v10;
	v10 =	vmul.f32 v50, v17;
	v57 =	vmul.f32 v14, v15  }
0xeb: {  	v47 =	vmul.f32 v7, v7;
	v7 =	vadd.f32 v8, v53;
	v16 =	vsel vm8, $0x40400000, v54  }
0xec: {  	v56 =	vsel vm10, $0x3FC00000, v16;
	v6 =	vsub.f32 v48, v10;
	v10 =	vmul.f32 v57, v12  }
0xed: {  	v4 =	vmul.f32 v47, v49;
	v59 =	vsel vm13, $0x40400000, v58;
	v3 =	vmul.f32 $3.000000120e-01, v56  }
0xee: {  	v6 =	vmul.f32 v6, v6;
	v12 =	vsel vm14, $0x3FC00000, v59;
	v60 =	vsub.f32 v55, v10  }
0xef: {  	vm15 =	vgt.f32 v7, $0.0e+00;
	v3 =	vsel vm11, v3, v56;
	v61 =	vmul.f32 $3.000000120e-01, v12  }
0xf0: {  	v4 =	vadd.f32 v4, v5;
	v3 =	vmul.f32 v6, v3;
	v62 =	vmul.f32 v60, v60  }
0xf1: {  	v5 =	vsel vm15, v61, v12  }
.Ltmp9:
0xf2: {  	v3 =	vadd.f32 v3, v4;
	v63 =	vmul.f32 v62, v5;
	(pc) =	sbr.rel .LBB2_12-.Ltmp9, $3  }
0xf3: {  	_ = 	snop  }
0xf4: {  	v3 =	vadd.f32 v63, v3;
	_ =	sdelay $0x1  }
0xf5: {  	[tilespmem:$0x181E0] =	vst v3  }
.LBB2_13:
.Ltmp10:
0xf6: {  	(pc) =	sbr.rel .LBB2_14-.Ltmp10, $2  }
0xf7: {  	_ =	sdelay $0x2  }
0xf8: {  	s8 =	simm.s32 $0x0  }
.LBB2_22:
0xf9: {  	s8 =	sadd.s32 $0x1, s8  }
0xfa: {  	p0 =	sne.s32 s8, $0x7  }
.Ltmp11:
0xfb: {  	_ = 	snop;
	(pc) =	sbr.rel @!p0 .LBB2_23-.Ltmp11, $1  }
0xfc: {  	_ =	sdelay $0x3  }
.LBB2_14:
0xfd: {  	s9 =	sadd.s32 s17, s8  }
0xfe: {  	s10 =	sshll.u32 s8, $0x5;
	s9 =	sand.u32 $0x1F, s9  }
0xff: {  	s9 =	sor.u32 s10, s9  }
0x100: {  	p0 =	sgt.u32 s9, $0xC7  }
.Ltmp12:
0x101: {  	_ = 	snop;
	(pc) =	sbr.rel @p0 .LBB2_22-.Ltmp12, $1  }
0x102: {  	_ =	sdelay $0x3  }
0x103: {  	s10 =	sshll.u32 s9, $0x8;
	s11 =	rddreg [dreg:$0xa]  }
0x104: {  	s13 =	simm.s32 $0x0;
	s15 =	rddreg [dreg:$0xb];
	s11 =	sadd.s32 s11, s10  }
0x105: {  	[tilespmem:s13], [sflag:$0x1] =	stream.linear.gather [hbm4b:s11+s13], $0x800, $0x38;
	[tilespmem:$0x18230] =	vst v63  }
0x106: {  	s16 =	rddreg [dreg:$0xc];
	s11 =	sadd.s32 s15, s10  }
0x107: {  	[tilespmem:s6], [sflag:$0x1] =	stream.linear.gather [hbm4b:s11+s13], $0x800, $0x38;
	[tilespmem:$0x18230] =	vst v63  }
0x108: {  	s18 =	smul.u32 $0xFA, s9;
	s10 =	sadd.s32 s16, s10;
	s11 =	rddreg [dreg:$0x3]  }
0x109: {  	[tilespmem:s4], [sflag:$0x1] =	stream.linear.gather [hbm4b:s10+s13], $0x800, $0x38;
	[tilespmem:$0x18230] =	vst v63  }
0x10a: {  	s9 =	sadd.s32 s11, s18  }
0x10b: {  	[tilespmem:s12], [sflag:$0x1] =	stream.linear.gather [hbm4b:s9+s13], $0x7D0, $0x38;
	[tilespmem:$0x18230] =	vst v63  }
0x10c: {  	_ =	swait.ge [sflag:s31], $0x800  }
0x10d: {  	[sflag:s31] =	ssyncset.done $0x0  }
0x10e: {  	[sflag:s31] =	ssyncadd.s32 $0xFFFFF800  }
0x10f: {  	_ =	swait.ge [sflag:s31], $0x800  }
0x110: {  	[sflag:s31] =	ssyncset.done $0x0  }
0x111: {  	[sflag:s31] =	ssyncadd.s32 $0xFFFFF800  }
0x112: {  	_ =	swait.ge [sflag:s31], $0x800  }
0x113: {  	[sflag:s31] =	ssyncset.done $0x0  }
0x114: {  	[sflag:s31] =	ssyncadd.s32 $0xFFFFF800  }
0x115: {  	_ =	swait.ge [sflag:s31], $0x7D0  }
0x116: {  	[sflag:s31] =	ssyncset.done $0x0  }
0x117: {  	s14 =	simm.s32 $0x2800;
	s15 =	simm.s32 $0x0;
	[sflag:s31] =	ssyncadd.s32 $0xFFFFF830  }
0x118: {  	[tilespmem:s14], [sflag:$0x2] =	stream.indirect.gather [hbm4b:s7+s28], $0x8, s15, s28, $0xb8;
	[tilespmem:$0x18230] =	vst v63  }
0x119: {  	s16 =	simm.s32 $0x800;
	s18 =	simm.s32 $0x1000;
	s9 =	simm.s32 $0x6680  }
0x11a: {  	[tilespmem:s9], [sflag:$0x2] =	stream.indirect.gather [hbm4b:s7+s28], $0x8, s16, s28, $0xb8;
	[tilespmem:$0x18230] =	vst v63  }
0x11b: {  	s11 =	simm.s32 $0x200;
	s10 =	simm.s32 $0xA500;
	s13 =	simm.s32 $0x2BE8  }
0x11c: {  	[tilespmem:s10], [sflag:$0x2] =	stream.indirect.gather [hbm4b:s7+s28], $0x8, s18, s28, $0xb8;
	[tilespmem:$0x18230] =	vst v63  }
.LBB2_16:
0x11d: {  	s14 =	sshra.s32 s11, $0x2;
	p0 =	sne.s32 s11, $0x1E00;
	s11 =	sadd.s32 $0x200, s11  }
0x11e: {  	[tilespmem:s13], [sflag:$0x2] =	stream.indirect.gather [hbm4b:s7+s28], $0x8, s14, s28, $0xb8;
	[tilespmem:$0x18230] =	vst v63  }
.Ltmp13:
0x11f: {  	_ = 	snop;
	(pc) =	sbr.rel @p0 .LBB2_16-.Ltmp13, $4  }
0x120: {  	s9 =	sadd.s32 $0x3E8, s9;
	s15 =	sadd.s32 $0x800, s14  }
0x121: {  	[tilespmem:s9], [sflag:$0x2] =	stream.indirect.gather [hbm4b:s7+s28], $0x8, s15, s28, $0xb8;
	[tilespmem:$0x18230] =	vst v63  }
0x122: {  	s10 =	sadd.s32 $0x3E8, s10;
	s14 =	sadd.s32 $0x1000, s14;
	s13 =	sadd.s32 $0x3E8, s13  }
0x123: {  	[tilespmem:s10], [sflag:$0x2] =	stream.indirect.gather [hbm4b:s7+s28], $0x8, s14, s28, $0xb8;
	[tilespmem:$0x18230] =	vst v63  }
0x124: {  	_ =	swait.ge [sflag:s0], $0x3E8  }
0x125: {  	[sflag:s0] =	ssyncset.done $0x0  }
0x126: {  	[sflag:s0] =	ssyncadd.s32 $0xFFFFFC18  }
0x127: {  	_ =	swait.ge [sflag:s0], $0x3E8  }
0x128: {  	[sflag:s0] =	ssyncset.done $0x0  }
0x129: {  	[sflag:s0] =	ssyncadd.s32 $0xFFFFFC18  }
0x12a: {  	_ =	swait.ge [sflag:s0], $0x3E8  }
0x12b: {  	s9 =	simm.s32 $0xF;
	[sflag:s0] =	ssyncset.done $0x0  }
.LBB2_18:
0x12c: {  	p0 =	sne.s32 s9, $0x1;
	s9 =	sadd.s32 $0xFFFFFFFF, s9;
	[sflag:s0] =	ssyncadd.s32 $0xFFFFFC18  }
0x12d: {  	_ =	swait.ge [sflag:s0], $0x3E8  }
0x12e: {  	[sflag:s0] =	ssyncset.done $0x0  }
0x12f: {  	[sflag:s0] =	ssyncadd.s32 $0xFFFFFC18  }
.Ltmp14:
0x130: {  	_ =	swait.ge [sflag:s0], $0x3E8;
	(pc) =	sbr.rel @p0 .LBB2_18-.Ltmp14, $4  }
0x131: {  	[sflag:s0] =	ssyncset.done $0x0  }
0x132: {  	[sflag:s0] =	ssyncadd.s32 $0xFFFFFC18  }
0x133: {  	_ =	swait.ge [sflag:s0], $0x3E8  }
0x134: {  	[sflag:s0] =	ssyncset.done $0x0  }
0x135: {  	s9 =	simm.s32 $0x0  }
0x136: {  	v3 =	vmov s9  }
0x137: {  	v3 =	vshll.u32 v3, $0x3  }
0x138: {  	v5 =	vor.u32 v1, v3;
	_ =	sdelay $0x2  }
0x139: {  	v3 =	vor.u32 $0x2, v5  }
0x13a: {  	[sflag:s0] =	ssyncadd.s32 $0xFFFFFC18;
	v4 =	vor.u32 $0x1, v5  }
0x13b: {  	v6 =	vld.idx.msk [tilespmem:v5+s2+$0x0], $0xffff  }
0x13c: {  	v7 =	vld.idx.msk [tilespmem:v5+s3+$0x0], $0xffff  }
0x13d: {  	v8 =	vld.idx.msk [tilespmem:v5+s29+$0x0], $0xffff  }
0x13e: {  	v9 =	vld.idx.msk [tilespmem:v3+s2+$0x0], $0xffff  }
0x13f: {  	v10 =	vld.idx.msk [tilespmem:v4+s2+$0x0], $0xffff  }
0x140: {  	v11 =	vld.idx.msk [tilespmem:v4+s3+$0x0], $0xffff  }
0x141: {  	v4 =	vld.idx.msk [tilespmem:v4+s29+$0x0], $0xffff  }
0x142: {  	v12 =	vld.idx.msk [tilespmem:v3+s3+$0x0], $0xffff  }
0x143: {  	v3 =	vld.idx.msk [tilespmem:v3+s29+$0x0], $0xffff;
	_ =	sdelay $0x1  }
0x144: {  	v6 =	vsub.f32 v6, v7;
	v10 =	vsub.f32 v10, v11  }
0x145: {  	v8 =	vsub.f32 v8, v7;
	v11 =	vsub.f32 v4, v11  }
0x146: {  	v9 =	vsub.f32 v9, v12;
	v4 =	vmul.f32 v6, v6;
	v7 =	vmul.f32 v10, v10  }
0x147: {  	v14 =	vsub.f32 v3, v12;
	v13 =	vmul.f32 v8, v8;
	v3 =	vmul.f32 v11, v11  }
0x148: {  	v12 =	vmul.f32 v9, v9;
	v4 =	vadd.f32 v7, v4  }
0x149: {  	v3 =	vadd.f32 v3, v13;
	v7 =	vmul.f32 v14, v14  }
0x14a: {  	v4 =	vadd.f32 v12, v4  }
0x14b: {  	v3 =	vadd.f32 v7, v3  }
0x14c: {  	v4 =	vmax.f32 v4, $1.000000000e-30  }
0x14d: {  	v13 =	vmax.f32 v3, $1.000000000e-30;
	v3 =	vshra.s32 v4, $0x1;
	v7 =	vmul.f32 $5.000000000e-01, v4  }
0x14e: {  	v12 =	vshra.s32 v13, $0x1;
	v15 =	vmul.f32 $5.000000000e-01, v13;
	v3 =	vsub.s32 $0x5F3759DF, v3  }
0x14f: {  	v12 =	vsub.s32 $0x5F3759DF, v12;
	v16 =	vmul.f32 v3, v7  }
0x150: {  	v17 =	vmul.f32 v12, v15  }
0x151: {  	v16 =	vmul.f32 v3, v16  }
0x152: {  	v17 =	vmul.f32 v12, v17  }
0x153: {  	s15 =	simm.s32 $0x10;
	v16 =	vsub.f32 $1.500000000e+00, v16  }
0x154: {  	v18 =	vmov s15;
	v17 =	vsub.f32 $1.500000000e+00, v17  }
0x155: {  	v16 =	vmul.f32 v3, v16;
	v3 =	vshll.u32 v18, $0x3  }
0x156: {  	v12 =	vmul.f32 v12, v17;
	v3 =	vor.u32 v1, v3;
	_ =	sdelay $0x1  }
0x157: {  	v17 =	vmul.f32 v16, v7;
	v18 =	vmul.f32 v12, v15;
	v20 =	vor.u32 $0x1, v3;
	_ =	sdelay $0x1  }
0x158: {  	v17 =	vmul.f32 v17, v16;
	v18 =	vmul.f32 v18, v12  }
0x159: {  	v19 =	vor.u32 $0x2, v3;
	v21 =	vld.idx.msk [tilespmem:v3+s2+$0x0], $0xffff  }
0x15a: {  	v17 =	vsub.f32 $1.500000000e+00, v17;
	v18 =	vsub.f32 $1.500000000e+00, v18;
	v22 =	vld.idx.msk [tilespmem:v3+s3+$0x0], $0xffff  }
0x15b: {  	v23 =	vld.idx.msk [tilespmem:v20+s2+$0x0], $0xffff  }
0x15c: {  	v24 =	vld.idx.msk [tilespmem:v20+s3+$0x0], $0xffff;
	v16 =	vmul.f32 v17, v16;
	v12 =	vmul.f32 v18, v12  }
0x15d: {  	v20 =	vld.idx.msk [tilespmem:v20+s29+$0x0], $0xffff  }
0x15e: {  	v25 =	vld.idx.msk [tilespmem:v19+s3+$0x0], $0xffff;
	v7 =	vmul.f32 v16, v7;
	v15 =	vmul.f32 v12, v15  }
0x15f: {  	v17 =	vld.idx.msk [tilespmem:v3+s29+$0x0], $0xffff  }
0x160: {  	v18 =	vld.idx.msk [tilespmem:v19+s2+$0x0], $0xffff;
	v7 =	vmul.f32 v7, v16;
	v15 =	vmul.f32 v15, v12  }
0x161: {  	v19 =	vld.idx.msk [tilespmem:v19+s29+$0x0], $0xffff  }
0x162: {  	v7 =	vsub.f32 $1.500000000e+00, v7;
	v15 =	vsub.f32 $1.500000000e+00, v15;
	_ =	sdelay $0x1  }
0x163: {  	v21 =	vsub.f32 v21, v22;
	v16 =	vmul.f32 v7, v16;
	v15 =	vmul.f32 v15, v12  }
0x164: {  	v17 =	vsub.f32 v17, v22;
	v12 =	vsub.f32 v20, v24  }
0x165: {  	v19 =	vsub.f32 v19, v25;
	v4 =	vmul.f32 v16, v4;
	v13 =	vmul.f32 v15, v13  }
0x166: {  	v7 =	vsub.f32 v23, v24;
	v15 =	vmul.f32 v17, v17;
	v20 =	vmul.f32 v12, v12  }
0x167: {  	v26 =	vmul.f32 v21, v21;
	v16 =	vsub.f32 v18, v25;
	v4 =	vmul.f32 v13, v4  }
0x168: {  	v18 =	vmul.f32 v7, v7;
	v15 =	vadd.f32 v20, v15;
	v20 =	vmul.f32 v19, v19  }
0x169: {  	v6 =	vmul.f32 v8, v6;
	v13 =	vmul.f32 v16, v16;
	v4 =	vmax.f32 v4, $9.999999930e-09  }
0x16a: {  	v18 =	vadd.f32 v18, v26;
	v15 =	vadd.f32 v20, v15;
	(erf) = vrcp.f32 v4  }
0x16b: {  	v8 =	vmul.f32 v14, v9;
	v9 =	vmul.f32 v11, v10  }
0x16c: {  	v13 =	vadd.f32 v13, v18;
	v14 =	vmax.f32 v15, $1.000000000e-30  }
0x16d: {  	s16 =	simm.s32 $0x20;
	v6 =	vadd.f32 v9, v6;
	v15 =	vshra.s32 v14, $0x1;
	v18 =	vmul.f32 $5.000000000e-01, v14  }
0x16e: {  	v4 =	vmov s16;
	v13 =	vmax.f32 v13, $1.000000000e-30;
	v15 =	vsub.s32 $0x5F3759DF, v15  }
0x16f: {  	v10 =	vshra.s32 v13, $0x1;
	v11 =	vmul.f32 $5.000000000e-01, v13;
	v9 =	vmul.f32 v15, v18  }
0x170: {  	v4 =	vshll.u32 v4, $0x3;
	v10 =	vsub.s32 $0x5F3759DF, v10  }
0x171: {  	v4 =	vor.u32 v1, v4;
	v20 =	vmul.f32 v10, v11  }
0x172: {  	v6 =	vadd.f32 v8, v6  }
0x173: {  	v20 =	vmul.f32 v10, v20;
	v8 =	vmul.f32 v15, v9;
	v9 =	vpop (erf)  }
0x174: {  	v6 =	vmul.f32 v9, v6  }
0x175: {  	v20 =	vsub.f32 $1.500000000e+00, v20;
	v8 =	vsub.f32 $1.500000000e+00, v8  }
0x176: {  	v22 =	vld.idx.msk [tilespmem:v4+s2+$0x0], $0xffff;
	v6 =	vmax.f32 v6, $-1.000000000e+00  }
0x177: {  	v9 =	vld.idx.msk [tilespmem:v4+s3+$0x0], $0xffff;
	v10 =	vmul.f32 v10, v20;
	v8 =	vmul.f32 v15, v8;
	v23 =	vmin.f32 v6, $1.000000000e+00  }
0x178: {  	v24 =	vand.u32 $0x7FFFFFFF, v23  }
0x179: {  	v20 =	vmul.f32 v8, v18;
	v6 =	vmul.f32 v10, v11;
	v25 =	vsub.f32 $1.000000000e+00, v24  }
0x17a: {  	v17 =	vmul.f32 v17, v21;
	v26 =	vor.u32 $0x1, v4;
	v15 =	vor.u32 $0x2, v4  }
0x17b: {  	v20 =	vmul.f32 v20, v8;
	v6 =	vmul.f32 v6, v10;
	v25 =	vmax.f32 v25, $1.000000000e-30  }
0x17c: {  	v27 =	vsub.f32 v22, v9;
	v22 =	vld.idx.msk [tilespmem:v4+s29+$0x0], $0xffff;
	v21 =	vshra.s32 v25, $0x1;
	v28 =	vmul.f32 $5.000000000e-01, v25  }
0x17d: {  	v29 =	vmul.f32 $-1.262491100e-03, v24;
	v6 =	vsub.f32 $1.500000000e+00, v6;
	v21 =	vsub.s32 $0x5F3759DF, v21  }
0x17e: {  	v20 =	vsub.f32 $1.500000000e+00, v20;
	v32 =	vmul.f32 v21, v28  }
0x17f: {  	s18 =	simm.s32 $0x30;
	v7 =	vmul.f32 v12, v7;
	v30 =	vld.idx.msk [tilespmem:v15+s2+$0x0], $0xffff;
	v29 =	vadd.f32 $6.670089900e-03, v29;
	v6 =	vmul.f32 v6, v10  }
0x180: {  	v35 =	vmov s18;
	v33 =	vld.idx.msk [tilespmem:v15+s3+$0x0], $0xffff;
	v10 =	vmul.f32 v20, v8;
	v8 =	vmul.f32 v21, v32  }
0x181: {  	v34 =	vsub.f32 v22, v9;
	v9 =	vmul.f32 v29, v24;
	v11 =	vmul.f32 v6, v11  }
0x182: {  	v16 =	vmul.f32 v19, v16;
	v59 =	vld.idx.msk [tilespmem:v26+s3+$0x0], $0xffff;
	v18 =	vmul.f32 v10, v18;
	v29 =	vsub.f32 $1.500000000e+00, v8  }
0x183: {  	v31 =	vmul.f32 v27, v27;
	v20 =	vld.idx.msk [tilespmem:v26+s2+$0x0], $0xffff;
	v9 =	vadd.f32 $-1.708812640e-02, v9;
	v11 =	vmul.f32 v11, v6  }
0x184: {  	v5 =	vor.u32 $0x3, v5;
	v26 =	vld.idx.msk [tilespmem:v26+s29+$0x0], $0xffff;
	v18 =	vmul.f32 v18, v10;
	v21 =	vmul.f32 v21, v29  }
0x185: {  	v8 =	vsub.f32 v30, v33;
	v9 =	vmul.f32 v9, v24;
	v11 =	vsub.f32 $1.500000000e+00, v11  }
0x186: {  	v15 =	vld.idx.msk [tilespmem:v15+s29+$0x0], $0xffff;
	v22 =	vmul.f32 v34, v34;
	v18 =	vsub.f32 $1.500000000e+00, v18;
	v29 =	vmul.f32 v21, v28  }
0x187: {  	v19 =	vmul.f32 v8, v8;
	v30 =	vadd.f32 $3.089188040e-02, v9;
	v6 =	vmul.f32 v11, v6  }
0x188: {  	v9 =	vsub.f32 v20, v59;
	v11 =	vmul.f32 v18, v10;
	v18 =	vmul.f32 v29, v21  }
0x189: {  	v10 =	vsub.f32 v26, v59;
	v20 =	vmul.f32 v30, v24;
	v6 =	vmul.f32 v6, v13  }
0x18a: {  	v13 =	vmul.f32 v11, v14;
	v14 =	vmul.f32 v9, v9;
	v18 =	vsub.f32 $1.500000000e+00, v18  }
0x18b: {  	v11 =	vsub.f32 v15, v33;
	v15 =	vmul.f32 v10, v10;
	v20 =	vadd.f32 $-5.017430340e-02, v20  }
0x18c: {  	v6 =	vmul.f32 v13, v6;
	v14 =	vadd.f32 v14, v31;
	v13 =	vmul.f32 v18, v21  }
0x18d: {  	v7 =	vadd.f32 v7, v17;
	v15 =	vadd.f32 v15, v22;
	v18 =	vmul.f32 v20, v24  }
0x18e: {  	v6 =	vmax.f32 v6, $9.999999930e-09;
	v14 =	vadd.f32 v19, v14;
	v22 =	vmul.f32 v13, v28  }
0x18f: {  	v20 =	vmul.f32 v11, v11;
	v21 =	vshll.u32 v35, $0x3;
	v18 =	vadd.f32 $8.897899090e-02, v18  }
0x190: {  	(erf) = vrcp.f32 v6;
	v6 =	vor.u32 v1, v21;
	v19 =	vmul.f32 v22, v13  }
0x191: {  	v14 =	vmax.f32 v14, $1.000000000e-30;
	v15 =	vadd.f32 v20, v15;
	v18 =	vmul.f32 v18, v24  }
0x192: {  	v26 =	vld.idx.msk [tilespmem:v5+s2+$0x0], $0xffff;
	v12 =	vshra.s32 v14, $0x1;
	v20 =	vmul.f32 $5.000000000e-01, v14;
	v19 =	vsub.f32 $1.500000000e+00, v19  }
0x193: {  	v28 =	vld.idx.msk [tilespmem:v5+s3+$0x0], $0xffff;
	v12 =	vsub.s32 $0x5F3759DF, v12;
	v15 =	vmax.f32 v15, $1.000000000e-30;
	v18 =	vadd.f32 $-2.145988050e-01, v18  }
0x194: {  	v22 =	vshra.s32 v15, $0x1;
	v21 =	vmul.f32 $5.000000000e-01, v15;
	v13 =	vmul.f32 v19, v13  }
0x195: {  	v5 =	vld.idx.msk [tilespmem:v5+s29+$0x0], $0xffff;
	v29 =	vsub.s32 $0x5F3759DF, v22;
	v18 =	vmul.f32 v18, v24;
	v19 =	vmul.f32 v12, v20  }
0x196: {  	v7 =	vadd.f32 v16, v7;
	v17 =	vmul.f32 v29, v21  }
0x197: {  	v13 =	vmul.f32 v13, v25;
	v18 =	vadd.f32 $1.570796250e+00, v18;
	v19 =	vmul.f32 v12, v19  }
0x198: {  	s9 =	simm.s32 $0x12200;
	vm0 =	vge.f32 v23, $0.0e+00;
	v17 =	vmul.f32 v29, v17;
	v25 =	vadd.f32 v28, v26  }
0x199: {  	v22 =	vor.u32 $0x2, v6;
	v16 =	vpop (erf);
	v13 =	vmul.f32 v13, v18;
	v18 =	vld [tilespmem:s9+$0x0];
	v19 =	vsub.f32 $1.500000000e+00, v19  }
0x19a: {  	v26 =	vld.idx.msk [tilespmem:v6+s2+$0x0], $0xffff;
	v7 =	vmul.f32 v16, v7;
	v17 =	vsub.f32 $1.500000000e+00, v17;
	v5 =	vadd.f32 v5, v25  }
0x19b: {  	v24 =	vor.u32 $0x1, v6;
	v25 =	vld.idx.msk [tilespmem:v6+s3+$0x0], $0xffff;
	v16 =	vsub.f32 $3.141592740e+00, v13;
	v30 =	vmul.f32 v12, v19  }
0x19c: {  	v17 =	vmul.f32 v29, v17;
	vm1 =	vgt.f32 v5, $0.0e+00;
	v5 =	vmax.f32 v7, $-1.000000000e+00  }
0x19d: {  	v7 =	vmin.f32 v5, $1.000000000e+00;
	v12 =	vsel vm0, v13, v16;
	v13 =	vmul.f32 v30, v20  }
0x19e: {  	v19 =	vmul.f32 v17, v21;
	v5 =	vsub.f32 v18, v12;
	v12 =	vand.u32 $0x7FFFFFFF, v7  }
0x19f: {  	v16 =	vsel vm1, $0x3E99999A, v2;
	v13 =	vmul.f32 v13, v30;
	v23 =	vsub.f32 $1.000000000e+00, v12  }
0x1a0: {  	v29 =	vld [tilespmem:$0x181F0];
	v18 =	vmul.f32 v34, v27;
	v28 =	vmul.f32 v5, v16;
	v16 =	vsub.f32 v26, v25  }
0x1a1: {  	v60 =	vld.idx.msk [tilespmem:v6+s29+$0x0], $0xffff;
	v26 =	vmul.f32 v19, v17;
	v27 =	vsub.f32 $1.500000000e+00, v13;
	v13 =	vmax.f32 v23, $1.000000000e-30  }
0x1a2: {  	v31 =	vmul.f32 $-1.262491100e-03, v12;
	v23 =	vshra.s32 v13, $0x1;
	v19 =	vmul.f32 $5.000000000e-01, v13  }
0x1a3: {  	v5 =	vmul.f32 v28, v5;
	v61 =	vsub.f32 $1.500000000e+00, v26;
	v23 =	vsub.s32 $0x5F3759DF, v23  }
0x1a4: {  	v63 =	vadd.f32 $6.670089900e-03, v31;
	v31 =	vld.idx.msk [tilespmem:v22+s2+$0x0], $0xffff;
	v28 =	vmul.f32 v16, v16;
	v62 =	vmul.f32 v23, v19  }
0x1a5: {  	v26 =	vmul.f32 v27, v30;
	v30 =	vld.idx.msk [tilespmem:v22+s3+$0x0], $0xffff;
	v5 =	vadd.f32 v5, v29;
	v27 =	vmul.f32 v61, v17  }
0x1a6: {  	s10 =	simm.s32 $0x40;
	v17 =	vsub.f32 v60, v25;
	v25 =	vmul.f32 v63, v12;
	v29 =	vmul.f32 v23, v62  }
.LBB2_20:
0x1a7: {  	p0 =	sne.s32 s10, $0x7C0;
	v32 =	vld.idx.msk [tilespmem:v24+s2+$0x0], $0xffff;
	v20 =	vmul.f32 v26, v20;
	v21 =	vmul.f32 v27, v21  }
0x1a8: {  	v33 =	vld.idx.msk [tilespmem:v24+s3+$0x0], $0xffff;
	v34 =	vmul.f32 v17, v17;
	v29 =	vsub.f32 $1.500000000e+00, v29;
	v25 =	vadd.f32 $-1.708812640e-02, v25  }
0x1a9: {  	v35 =	vmov s10;
	v24 =	vld.idx.msk [tilespmem:v24+s29+$0x0], $0xffff;
	v20 =	vmul.f32 v20, v26;
	v21 =	vmul.f32 v21, v27  }
0x1aa: {  	v31 =	vsub.f32 v31, v30;
	v23 =	vmul.f32 v23, v29;
	v25 =	vmul.f32 v25, v12  }
0x1ab: {  	v29 =	vmul.f32 v11, v8;
	v22 =	vld.idx.msk [tilespmem:v22+s29+$0x0], $0xffff;
	v11 =	vsub.f32 $1.500000000e+00, v20;
	v20 =	vsub.f32 $1.500000000e+00, v21  }
0x1ac: {  	v21 =	vmul.f32 v31, v31;
	v8 =	vmovc v31;
	v36 =	vmul.f32 v23, v19;
	v25 =	vadd.f32 $3.089188040e-02, v25  }
0x1ad: {  	v11 =	vmul.f32 v11, v26;
	v20 =	vmul.f32 v20, v27;
	v26 =	vor.u32 $0x3, v3;
	v3 =	vmovc v4;
	v4 =	vmovc v6  }
0x1ae: {  	v27 =	vsub.f32 v32, v33;
	v6 =	vmul.f32 v36, v23;
	v25 =	vmul.f32 v25, v12  }
0x1af: {  	v24 =	vsub.f32 v24, v33;
	v14 =	vmul.f32 v11, v14;
	v15 =	vmul.f32 v20, v15  }
0x1b0: {  	v20 =	vmul.f32 v27, v27;
	v6 =	vsub.f32 $1.500000000e+00, v6;
	v25 =	vadd.f32 $-5.017430340e-02, v25  }
0x1b1: {  	v11 =	vsub.f32 v22, v30;
	v22 =	vmul.f32 v24, v24;
	v14 =	vmul.f32 v15, v14  }
0x1b2: {  	v15 =	vshll.u32 v35, $0x3;
	v23 =	vmul.f32 v6, v23;
	v6 =	vmul.f32 v25, v12  }
0x1b3: {  	v20 =	vadd.f32 v20, v28;
	v22 =	vadd.f32 v22, v34;
	v25 =	vmul.f32 v11, v11  }
0x1b4: {  	v14 =	vmax.f32 v14, $9.999999930e-09;
	v19 =	vmul.f32 v23, v19;
	v28 =	vadd.f32 $8.897899090e-02, v6  }
0x1b5: {  	v20 =	vadd.f32 v21, v20;
	v21 =	vadd.f32 v25, v22;
	(erf) = vrcp.f32 v14  }
0x1b6: {  	v6 =	vor.u32 v1, v15;
	v25 =	vld.idx.msk [tilespmem:v26+s2+$0x0], $0xffff;
	v19 =	vmul.f32 v19, v23;
	v22 =	vmul.f32 v28, v12  }
0x1b7: {  	v14 =	vmax.f32 v20, $1.000000000e-30;
	v15 =	vmax.f32 v21, $1.000000000e-30;
	v28 =	vmul.f32 v10, v9;
	v9 =	vmovc v27;
	v10 =	vmovc v24;
	v30 =	vld.idx.msk [tilespmem:v26+s3+$0x0], $0xffff  }
0x1b8: {  	v24 =	vshra.s32 v14, $0x1;
	v19 =	vsub.f32 $1.500000000e+00, v19;
	v22 =	vadd.f32 $-2.145988050e-01, v22  }
0x1b9: {  	v20 =	vmul.f32 $5.000000000e-01, v14;
	v27 =	vshra.s32 v15, $0x1;
	v21 =	vmul.f32 $5.000000000e-01, v15;
	v26 =	vld.idx.msk [tilespmem:v26+s29+$0x0], $0xffff  }
0x1ba: {  	v31 =	vsub.s32 $0x5F3759DF, v24;
	v19 =	vmul.f32 v19, v23;
	v12 =	vmul.f32 v22, v12  }
0x1bb: {  	v27 =	vsub.s32 $0x5F3759DF, v27;
	v18 =	vadd.f32 v28, v18;
	v23 =	vmul.f32 v31, v20  }
0x1bc: {  	v24 =	vmul.f32 v27, v21;
	v13 =	vmul.f32 v19, v13;
	v12 =	vadd.f32 $1.570796250e+00, v12  }
0x1bd: {  	s9 =	sadd.s32 $0x10, s9;
	v22 =	vor.u32 $0x2, v6;
	v19 =	vmul.f32 v31, v23;
	v23 =	vadd.f32 v30, v25  }
0x1be: {  	v18 =	vadd.f32 v29, v18;
	v25 =	vmul.f32 v27, v24;
	v28 =	vpop (erf);
	v12 =	vmul.f32 v13, v12;
	v13 =	vld [tilespmem:s9+$0x0]  }
0x1bf: {  	v24 =	vor.u32 $0x1, v6;
	v19 =	vsub.f32 $1.500000000e+00, v19;
	v23 =	vadd.f32 v26, v23;
	v29 =	vld.idx.msk [tilespmem:v6+s2+$0x0], $0xffff  }
0x1c0: {  	v25 =	vsub.f32 $1.500000000e+00, v25;
	v18 =	vmul.f32 v28, v18;
	v32 =	vld.idx.msk [tilespmem:v6+s3+$0x0], $0xffff;
	v26 =	vsub.f32 $3.141592740e+00, v12  }
0x1c1: {  	vm0 =	vge.f32 v7, $0.0e+00;
	v33 =	vmul.f32 v31, v19;
	vm1 =	vgt.f32 v23, $0.0e+00  }
0x1c2: {  	v25 =	vmul.f32 v27, v25;
	v7 =	vmax.f32 v18, $-1.000000000e+00;
	v12 =	vsel vm0, v12, v26  }
0x1c3: {  	v18 =	vmul.f32 v33, v20;
	v7 =	vmin.f32 v7, $1.000000000e+00;
	v19 =	vsub.f32 v13, v12  }
0x1c4: {  	v23 =	vsel vm1, $0x3E99999A, v2;
	v13 =	vmul.f32 v25, v21;
	v12 =	vand.u32 $0x7FFFFFFF, v7  }
0x1c5: {  	v26 =	vmul.f32 v18, v33;
	v27 =	vsub.f32 $1.000000000e+00, v12;
	v23 =	vmul.f32 v19, v23  }
0x1c6: {  	v18 =	vmul.f32 v17, v16;
	v16 =	vsub.f32 v29, v32;
	v17 =	vmul.f32 v13, v25;
	v34 =	vld.idx.msk [tilespmem:v6+s29+$0x0], $0xffff  }
0x1c7: {  	v26 =	vsub.f32 $1.500000000e+00, v26;
	v13 =	vmax.f32 v27, $1.000000000e-30;
	v27 =	vmul.f32 v23, v19  }
.Ltmp15:
0x1c8: {  	v29 =	vmul.f32 $-1.262491100e-03, v12;
	v23 =	vshra.s32 v13, $0x1;
	v19 =	vmul.f32 $5.000000000e-01, v13;
	(pc) =	sbr.rel @p0 .LBB2_20-.Ltmp15, $4  }
0x1c9: {  	v17 =	vsub.f32 $1.500000000e+00, v17;
	v23 =	vsub.s32 $0x5F3759DF, v23;
	v31 =	vld.idx.msk [tilespmem:v22+s2+$0x0], $0xffff;
	v5 =	vadd.f32 v27, v5  }
0x1ca: {  	v28 =	vmul.f32 v16, v16;
	v36 =	vadd.f32 $6.670089900e-03, v29;
	v35 =	vmul.f32 v23, v19;
	v30 =	vld.idx.msk [tilespmem:v22+s3+$0x0], $0xffff  }
0x1cb: {  	v26 =	vmul.f32 v26, v33;
	v27 =	vmul.f32 v17, v25  }
0x1cc: {  	s10 =	sadd.s32 $0x10, s10;
	v25 =	vmul.f32 v36, v12;
	v17 =	vsub.f32 v34, v32;
	v29 =	vmul.f32 v23, v35  }
0x1cd: {  	_ =	sdelay $0x3  }
0x1ce: {  	v32 =	vld.idx.msk [tilespmem:v24+s2+$0x0], $0xffff  }
0x1cf: {  	v33 =	vld.idx.msk [tilespmem:v24+s3+$0x0], $0xffff  }
0x1d0: {  	v55 =	vld.idx.msk [tilespmem:v24+s29+$0x0], $0xffff;
	_ =	sdelay $0x1  }
0x1d1: {  	v22 =	vld.idx.msk [tilespmem:v22+s29+$0x0], $0xffff;
	_ =	sdelay $0x1  }
0x1d2: {  	v32 =	vsub.f32 v32, v33  }
0x1d3: {  	v24 =	vsub.f32 v55, v33  }
0x1d4: {  	v31 =	vsub.f32 v31, v30;
	v56 =	vmul.f32 v32, v32  }
0x1d5: {  	v34 =	vmul.f32 v17, v17;
	v22 =	vsub.f32 v22, v30;
	v57 =	vmul.f32 v24, v24  }
0x1d6: {  	v35 =	vmul.f32 v31, v31;
	v28 =	vadd.f32 v56, v28  }
0x1d7: {  	v58 =	vmul.f32 v22, v22;
	v30 =	vadd.f32 v57, v34  }
0x1d8: {  	v28 =	vadd.f32 v35, v28  }
0x1d9: {  	v30 =	vadd.f32 v58, v30  }
0x1da: {  	v28 =	vmax.f32 v28, $1.000000000e-30  }
0x1db: {  	v30 =	vmax.f32 v30, $1.000000000e-30;
	v59 =	vshra.s32 v28, $0x1  }
0x1dc: {  	v60 =	vmul.f32 $5.000000000e-01, v28;
	v61 =	vshra.s32 v30, $0x1;
	v36 =	vmul.f32 $5.000000000e-01, v30  }
0x1dd: {  	v33 =	vsub.s32 $0x5F3759DF, v59;
	v35 =	vsub.s32 $0x5F3759DF, v61  }
0x1de: {  	v37 =	vmul.f32 v33, v60;
	v38 =	vmul.f32 v35, v36;
	_ =	sdelay $0x1  }
0x1df: {  	v37 =	vmul.f32 v33, v37;
	v38 =	vmul.f32 v35, v38;
	_ =	sdelay $0x1  }
0x1e0: {  	v37 =	vsub.f32 $1.500000000e+00, v37;
	v38 =	vsub.f32 $1.500000000e+00, v38;
	_ =	sdelay $0x1  }
0x1e1: {  	v33 =	vmul.f32 v33, v37;
	v35 =	vmul.f32 v35, v38;
	_ =	sdelay $0x1  }
0x1e2: {  	v37 =	vmul.f32 v33, v60;
	v38 =	vmul.f32 v35, v36;
	_ =	sdelay $0x1  }
0x1e3: {  	v37 =	vmul.f32 v37, v33;
	v38 =	vmul.f32 v38, v35;
	_ =	sdelay $0x1  }
0x1e4: {  	v37 =	vsub.f32 $1.500000000e+00, v37;
	v38 =	vsub.f32 $1.500000000e+00, v38  }
0x1e5: {  	v20 =	vmul.f32 v26, v20;
	v21 =	vmul.f32 v27, v21  }
0x1e6: {  	v33 =	vmul.f32 v37, v33;
	v35 =	vmul.f32 v38, v35  }
0x1e7: {  	v20 =	vmul.f32 v20, v26;
	v21 =	vmul.f32 v21, v27  }
0x1e8: {  	v34 =	vmul.f32 v33, v60;
	v36 =	vmul.f32 v35, v36  }
0x1e9: {  	v20 =	vsub.f32 $1.500000000e+00, v20;
	v21 =	vsub.f32 $1.500000000e+00, v21  }
0x1ea: {  	v62 =	vmul.f32 v34, v33;
	v63 =	vmul.f32 v36, v35  }
0x1eb: {  	v20 =	vmul.f32 v20, v26;
	v21 =	vmul.f32 v21, v27  }
0x1ec: {  	v26 =	vsub.f32 $1.500000000e+00, v62;
	v34 =	vsub.f32 $1.500000000e+00, v63  }
0x1ed: {  	v14 =	vmul.f32 v20, v14;
	v15 =	vmul.f32 v21, v15  }
0x1ee: {  	v36 =	vmul.f32 v26, v33;
	v37 =	vmul.f32 v34, v35  }
0x1ef: {  	v14 =	vmul.f32 v15, v14  }
0x1f0: {  	v15 =	vmul.f32 v36, v28;
	v20 =	vmul.f32 v37, v30  }
0x1f1: {  	v14 =	vmax.f32 v14, $9.999999930e-09  }
0x1f2: {  	(erf) = vrcp.f32 v14;
	v38 =	vmul.f32 v20, v15;
	_ =	sdelay $0x1  }
0x1f3: {  	v14 =	vmax.f32 v38, $9.999999930e-09  }
0x1f4: {  	(erf) = vrcp.f32 v14  }
0x1f5: {  	v9 =	vmul.f32 v10, v9;
	_ =	sdelay $0x1  }
0x1f6: {  	v8 =	vmul.f32 v11, v8;
	v9 =	vadd.f32 v9, v18  }
0x1f7: {  	v39 =	vmul.f32 v17, v16;
	v40 =	vmul.f32 v24, v32  }
0x1f8: {  	v8 =	vadd.f32 v8, v9  }
0x1f9: {  	v43 =	vmul.f32 v22, v31;
	v9 =	vadd.f32 v40, v39;
	v41 =	vpop (erf)  }
0x1fa: {  	v8 =	vmul.f32 v41, v8  }
0x1fb: {  	v9 =	vadd.f32 v43, v9  }
0x1fc: {  	v8 =	vmax.f32 v8, $-1.000000000e+00;
	v45 =	vpop (erf)  }
0x1fd: {  	v8 =	vmin.f32 v8, $1.000000000e+00;
	v9 =	vmul.f32 v45, v9  }
0x1fe: {  	v42 =	vsub.f32 $1.500000000e+00, v29;
	v47 =	vadd.f32 $-1.708812640e-02, v25;
	v46 =	vand.u32 $0x7FFFFFFF, v8  }
0x1ff: {  	v48 =	vsub.f32 $1.000000000e+00, v46;
	v9 =	vmax.f32 v9, $-1.000000000e+00  }
0x200: {  	v44 =	vmul.f32 v23, v42;
	v11 =	vmul.f32 v47, v12;
	v9 =	vmin.f32 v9, $1.000000000e+00  }
0x201: {  	v52 =	vmul.f32 $-1.262491100e-03, v46;
	v16 =	vmax.f32 v48, $1.000000000e-30;
	v50 =	vand.u32 $0x7FFFFFFF, v9  }
0x202: {  	v49 =	vshra.s32 v16, $0x1;
	v51 =	vmul.f32 $5.000000000e-01, v16;
	v53 =	vsub.f32 $1.000000000e+00, v50  }
0x203: {  	v11 =	vadd.f32 $3.089188040e-02, v11;
	v21 =	vadd.f32 $6.670089900e-03, v52;
	v54 =	vsub.s32 $0x5F3759DF, v49  }
0x204: {  	v17 =	vmul.f32 v54, v51;
	v14 =	vmul.f32 v44, v19;
	v22 =	vmax.f32 v53, $1.000000000e-30  }
0x205: {  	v57 =	vmul.f32 $-1.262491100e-03, v50;
	v55 =	vshra.s32 v22, $0x1;
	v56 =	vmul.f32 $5.000000000e-01, v22  }
0x206: {  	v17 =	vmul.f32 v54, v17;
	v14 =	vmul.f32 v14, v44;
	v23 =	vsub.s32 $0x5F3759DF, v55  }
0x207: {  	v21 =	vmul.f32 v21, v46;
	v25 =	vadd.f32 $6.670089900e-03, v57;
	v58 =	vmul.f32 v23, v56  }
0x208: {  	v11 =	vmul.f32 v11, v12;
	v17 =	vsub.f32 $1.500000000e+00, v17;
	v14 =	vsub.f32 $1.500000000e+00, v14  }
0x209: {  	v21 =	vadd.f32 $-1.708812640e-02, v21;
	v25 =	vmul.f32 v25, v50;
	v26 =	vmul.f32 v23, v58  }
0x20a: {  	v11 =	vadd.f32 $-5.017430340e-02, v11;
	v10 =	vmul.f32 v14, v44;
	v14 =	vmul.f32 v54, v17  }
0x20b: {  	v60 =	vmul.f32 v21, v46;
	v25 =	vadd.f32 $-1.708812640e-02, v25;
	v61 =	vsub.f32 $1.500000000e+00, v26  }
0x20c: {  	v3 =	vor.u32 $0x3, v3;
	v11 =	vmul.f32 v11, v12;
	v62 =	vmul.f32 v14, v51  }
0x20d: {  	v17 =	vadd.f32 $3.089188040e-02, v60;
	v63 =	vmul.f32 v25, v50;
	v21 =	vmul.f32 v23, v61  }
0x20e: {  	v4 =	vor.u32 $0x3, v4;
	v11 =	vadd.f32 $8.897899090e-02, v11;
	v28 =	vmul.f32 v62, v14  }
0x20f: {  	v17 =	vmul.f32 v17, v46;
	v23 =	vadd.f32 $3.089188040e-02, v63;
	v29 =	vmul.f32 v21, v56  }
0x210: {  	v6 =	vor.u32 $0x3, v6;
	v11 =	vmul.f32 v11, v12;
	v30 =	vsub.f32 $1.500000000e+00, v28  }
0x211: {  	v17 =	vadd.f32 $-5.017430340e-02, v17;
	v23 =	vmul.f32 v23, v50;
	v31 =	vmul.f32 v29, v21  }
0x212: {  	vm0 =	vge.f32 v7, $0.0e+00;
	v59 =	vmul.f32 v10, v19;
	v14 =	vmul.f32 v30, v14  }
0x213: {  	v17 =	vmul.f32 v17, v46;
	v23 =	vadd.f32 $-5.017430340e-02, v23;
	v25 =	vsub.f32 $1.500000000e+00, v31  }
0x214: {  	v39 =	vld.idx.msk [tilespmem:v4+s2+$0x0], $0xffff;
	v11 =	vadd.f32 $-2.145988050e-01, v11;
	v19 =	vmul.f32 v59, v10;
	v34 =	vmul.f32 v14, v51  }
0x215: {  	v40 =	vld.idx.msk [tilespmem:v4+s3+$0x0], $0xffff;
	v17 =	vadd.f32 $8.897899090e-02, v17;
	v36 =	vmul.f32 v23, v50;
	v35 =	vmul.f32 v25, v21  }
0x216: {  	v32 =	vld.idx.msk [tilespmem:v3+s2+$0x0], $0xffff;
	v11 =	vmul.f32 v11, v12;
	v19 =	vsub.f32 $1.500000000e+00, v19;
	v12 =	vmul.f32 v34, v14  }
0x217: {  	v33 =	vld.idx.msk [tilespmem:v3+s3+$0x0], $0xffff;
	v17 =	vmul.f32 v17, v46;
	v21 =	vadd.f32 $8.897899090e-02, v36;
	v37 =	vmul.f32 v35, v56  }
0x218: {  	v11 =	vadd.f32 $1.570796250e+00, v11;
	v10 =	vmul.f32 v19, v10;
	v12 =	vsub.f32 $1.500000000e+00, v12  }
0x219: {  	v3 =	vld.idx.msk [tilespmem:v3+s29+$0x0], $0xffff;
	v17 =	vadd.f32 $-2.145988050e-01, v17;
	v21 =	vmul.f32 v21, v50;
	v23 =	vmul.f32 v37, v35  }
0x21a: {  	v47 =	vld.idx.msk [tilespmem:v6+s2+$0x0], $0xffff;
	v49 =	vadd.f32 v40, v39;
	v10 =	vmul.f32 v10, v13;
	v12 =	vmul.f32 v12, v14  }
0x21b: {  	s9 =	sadd.s32 $0x10, s9;
	v4 =	vld.idx.msk [tilespmem:v4+s29+$0x0], $0xffff;
	v42 =	vmul.f32 v17, v46;
	v44 =	vadd.f32 $-2.145988050e-01, v21;
	v43 =	vsub.f32 $1.500000000e+00, v23  }
0x21c: {  	v41 =	vld [tilespmem:s9+$0x0];
	v38 =	vadd.f32 v33, v32;
	v10 =	vmul.f32 v10, v11;
	v46 =	vmul.f32 v12, v16  }
0x21d: {  	v48 =	vld.idx.msk [tilespmem:v6+s3+$0x0], $0xffff;
	v13 =	vadd.f32 $1.570796250e+00, v42;
	v15 =	vmul.f32 v44, v50;
	v14 =	vmul.f32 v43, v35  }
0x21e: {  	s9 =	sadd.s32 $0x10, s9;
	vm12 =	vge.f32 v8, $0.0e+00;
	v6 =	vld.idx.msk [tilespmem:v6+s29+$0x0], $0xffff;
	v3 =	vadd.f32 v3, v38;
	v45 =	vsub.f32 $3.141592740e+00, v10  }
0x21f: {  	v7 =	vmul.f32 v46, v13;
	v50 =	vld [tilespmem:s9+$0x0];
	v52 =	vadd.f32 $1.570796250e+00, v15;
	v51 =	vmul.f32 v14, v22  }
0x220: {  	v4 =	vadd.f32 v4, v49;
	vm1 =	vgt.f32 v3, $0.0e+00;
	v3 =	vsel vm0, v10, v45;
	s9 =	sadd.s32 $0x10, s9  }
0x221: {  	v3 =	vsub.f32 v41, v3;
	v54 =	vsub.f32 $3.141592740e+00, v7;
	v55 =	vld [tilespmem:s9+$0x0];
	v13 =	vmul.f32 v51, v52  }
0x222: {  	vm13 =	vgt.f32 v4, $0.0e+00;
	v53 =	vsel vm1, $0x3E99999A, v2;
	v56 =	vadd.f32 v48, v47  }
0x223: {  	v11 =	vmul.f32 v3, v53;
	v57 =	vsel vm12, v7, v54;
	v58 =	vsub.f32 $3.141592740e+00, v13  }
0x224: {  	vm14 =	vge.f32 v9, $0.0e+00;
	v6 =	vadd.f32 v6, v56;
	v4 =	vsub.f32 v50, v57  }
0x225: {  	v59 =	vsel vm13, $0x3E99999A, v2;
	v3 =	vmul.f32 v11, v3;
	v7 =	vsel vm14, v13, v58  }
0x226: {  	vm15 =	vgt.f32 v6, $0.0e+00;
	v8 =	vmul.f32 v4, v59;
	v60 =	vsub.f32 v55, v7  }
0x227: {  	v61 =	vsel vm15, $0x3E99999A, v2  }
0x228: {  	v3 =	vadd.f32 v3, v5;
	v4 =	vmul.f32 v8, v4;
	v62 =	vmul.f32 v60, v61;
	_ =	sdelay $0x1  }
.Ltmp16:
0x229: {  	v3 =	vadd.f32 v4, v3;
	v63 =	vmul.f32 v62, v60;
	(pc) =	sbr.rel .LBB2_22-.Ltmp16, $3  }
0x22a: {  	_ = 	snop  }
0x22b: {  	v3 =	vadd.f32 v63, v3;
	_ =	sdelay $0x1  }
0x22c: {  	[tilespmem:$0x181F0] =	vst v3  }
.LBB2_23:
.Ltmp17:
0x22d: {  	(pc) =	sbr.rel .LBB2_24-.Ltmp17, $2  }
0x22e: {  	_ =	sdelay $0x2  }
0x22f: {  	s8 =	simm.s32 $0x0  }
.LBB2_32:
0x230: {  	s8 =	sadd.s32 $0x1, s8  }
0x231: {  	p0 =	sne.s32 s8, $0xA  }
.Ltmp18:
0x232: {  	_ = 	snop;
	(pc) =	sbr.rel @!p0 .LBB2_33-.Ltmp18, $1  }
0x233: {  	_ =	sdelay $0x3  }
.LBB2_24:
0x234: {  	s9 =	sadd.s32 s17, s8  }
0x235: {  	s10 =	sshll.u32 s8, $0x5;
	s9 =	sand.u32 $0x1F, s9  }
0x236: {  	s9 =	sor.u32 s10, s9  }
0x237: {  	p0 =	sgt.u32 s9, $0x12B  }
.Ltmp19:
0x238: {  	_ = 	snop;
	(pc) =	sbr.rel @p0 .LBB2_32-.Ltmp19, $1  }
0x239: {  	_ =	sdelay $0x3  }
0x23a: {  	s10 =	sshll.u32 s9, $0x8;
	s11 =	rddreg [dreg:$0xd]  }
0x23b: {  	s13 =	simm.s32 $0x0;
	s16 =	rddreg [dreg:$0xe];
	s11 =	sadd.s32 s11, s10  }
0x23c: {  	[tilespmem:s13], [sflag:$0x1] =	stream.linear.gather [hbm4b:s11+s13], $0x800, $0x38;
	[tilespmem:$0x18230] =	vst v63  }
0x23d: {  	s18 =	rddreg [dreg:$0xf];
	s11 =	sadd.s32 s16, s10  }
0x23e: {  	[tilespmem:s6], [sflag:$0x1] =	stream.linear.gather [hbm4b:s11+s13], $0x800, $0x38;
	[tilespmem:$0x18230] =	vst v63  }
0x23f: {  	s11 =	sadd.s32 s18, s10  }
0x240: {  	[tilespmem:s4], [sflag:$0x1] =	stream.linear.gather [hbm4b:s11+s13], $0x800, $0x38;
	[tilespmem:$0x18230] =	vst v63  }
0x241: {  	s9 =	smul.u32 $0xFA, s9;
	s14 =	simm.s32 $0x1800;
	s10 =	sadd.s32 s19, s10  }
0x242: {  	[tilespmem:s14], [sflag:$0x1] =	stream.linear.gather [hbm4b:s10+s13], $0x800, $0x38;
	[tilespmem:$0x18230] =	vst v63  }
0x243: {  	s15 =	sadd.s32 s20, s9  }
0x244: {  	[tilespmem:s12], [sflag:$0x1] =	stream.linear.gather [hbm4b:s15+s13], $0x7D0, $0x38;
	[tilespmem:$0x18230] =	vst v63  }
0x245: {  	s16 =	sadd.s32 s21, s9;
	s18 =	simm.s32 $0x129D0  }
0x246: {  	[tilespmem:s18], [sflag:$0x1] =	stream.linear.gather [hbm4b:s16+s13], $0x7D0, $0x38;
	[tilespmem:$0x18230] =	vst v63  }
0x247: {  	s11 =	sadd.s32 s22, s9;
	s14 =	simm.s32 $0x131A0  }
0x248: {  	[tilespmem:s14], [sflag:$0x1] =	stream.linear.gather [hbm4b:s11+s13], $0x7D0, $0x38;
	[tilespmem:$0x18230] =	vst v63  }
0x249: {  	s15 =	sadd.s32 s23, s9;
	s16 =	simm.s32 $0x13970  }
0x24a: {  	[tilespmem:s16], [sflag:$0x1] =	stream.linear.gather [hbm4b:s15+s13], $0x7D0, $0x38;
	[tilespmem:$0x18230] =	vst v63  }
0x24b: {  	s9 =	sadd.s32 s24, s9;
	s18 =	simm.s32 $0x14140  }
0x24c: {  	[tilespmem:s18], [sflag:$0x1] =	stream.linear.gather [hbm4b:s9+s13], $0x7D0, $0x38;
	[tilespmem:$0x18230] =	vst v63  }
0x24d: {  	_ =	swait.ge [sflag:s31], $0x800  }
0x24e: {  	[sflag:s31] =	ssyncset.done $0x0  }
0x24f: {  	[sflag:s31] =	ssyncadd.s32 $0xFFFFF800  }
0x250: {  	_ =	swait.ge [sflag:s31], $0x800  }
0x251: {  	[sflag:s31] =	ssyncset.done $0x0  }
0x252: {  	[sflag:s31] =	ssyncadd.s32 $0xFFFFF800  }
0x253: {  	_ =	swait.ge [sflag:s31], $0x800  }
0x254: {  	[sflag:s31] =	ssyncset.done $0x0  }
0x255: {  	[sflag:s31] =	ssyncadd.s32 $0xFFFFF800  }
0x256: {  	_ =	swait.ge [sflag:s31], $0x800  }
0x257: {  	[sflag:s31] =	ssyncset.done $0x0  }
0x258: {  	[sflag:s31] =	ssyncadd.s32 $0xFFFFF800  }
0x259: {  	_ =	swait.ge [sflag:s31], $0x7D0  }
0x25a: {  	[sflag:s31] =	ssyncset.done $0x0  }
0x25b: {  	[sflag:s31] =	ssyncadd.s32 $0xFFFFF830  }
0x25c: {  	_ =	swait.ge [sflag:s31], $0x7D0  }
0x25d: {  	[sflag:s31] =	ssyncset.done $0x0  }
0x25e: {  	[sflag:s31] =	ssyncadd.s32 $0xFFFFF830  }
0x25f: {  	_ =	swait.ge [sflag:s31], $0x7D0  }
0x260: {  	[sflag:s31] =	ssyncset.done $0x0  }
0x261: {  	[sflag:s31] =	ssyncadd.s32 $0xFFFFF830  }
0x262: {  	_ =	swait.ge [sflag:s31], $0x7D0  }
0x263: {  	[sflag:s31] =	ssyncset.done $0x0  }
0x264: {  	[sflag:s31] =	ssyncadd.s32 $0xFFFFF830  }
0x265: {  	_ =	swait.ge [sflag:s31], $0x7D0  }
0x266: {  	s10 =	simm.s32 $0x6A68;
	s11 =	simm.s32 $0x2800;
	[sflag:s31] =	ssyncset.done $0x0  }
0x267: {  	s14 =	simm.s32 $0x6680;
	s13 =	simm.s32 $0x0;
	[sflag:s31] =	ssyncadd.s32 $0xFFFFF830  }
0x268: {  	[tilespmem:s11], [sflag:$0x2] =	stream.indirect.gather [hbm4b:s7+s28], $0x8, s13, s28, $0xb8;
	[tilespmem:$0x18230] =	vst v63  }
0x269: {  	s15 =	simm.s32 $0x800;
	s16 =	simm.s32 $0xA500;
	s18 =	simm.s32 $0x1000  }
0x26a: {  	[tilespmem:s14], [sflag:$0x2] =	stream.indirect.gather [hbm4b:s7+s28], $0x8, s15, s28, $0xb8;
	[tilespmem:$0x18230] =	vst v63  }
0x26b: {  	s9 =	simm.s32 $0x200;
	s13 =	simm.s32 $0xE380;
	s11 =	simm.s32 $0x2BE8  }
0x26c: {  	[tilespmem:s16], [sflag:$0x2] =	stream.indirect.gather [hbm4b:s7+s28], $0x8, s18, s28, $0xb8;
	[tilespmem:$0x18230] =	vst v63  }
0x26d: {  	s14 =	simm.s32 $0xE768;
	s15 =	simm.s32 $0xA8E8;
	s16 =	simm.s32 $0x1800  }
.LBB2_26:
0x26e: {  	[tilespmem:s13], [sflag:$0x2] =	stream.indirect.gather [hbm4b:s7+s28], $0x8, s16, s28, $0xb8;
	[tilespmem:$0x18230] =	vst v63  }
0x26f: {  	s16 =	sshra.s32 s9, $0x2;
	p0 =	sne.s32 s9, $0x1E00;
	s9 =	sadd.s32 $0x200, s9  }
0x270: {  	[tilespmem:s11], [sflag:$0x2] =	stream.indirect.gather [hbm4b:s7+s28], $0x8, s16, s28, $0xb8;
	[tilespmem:$0x18230] =	vst v63  }
.Ltmp20:
0x271: {  	s13 =	smov.u32 s14;
	s18 =	sadd.s32 $0x800, s16;
	(pc) =	sbr.rel @p0 .LBB2_26-.Ltmp20, $4  }
0x272: {  	[tilespmem:s10], [sflag:$0x2] =	stream.indirect.gather [hbm4b:s7+s28], $0x8, s18, s28, $0xb8;
	[tilespmem:$0x18230] =	vst v63  }
0x273: {  	s11 =	sadd.s32 $0x3E8, s11;
	s18 =	sadd.s32 $0x1000, s16;
	s10 =	sadd.s32 $0x3E8, s10  }
0x274: {  	[tilespmem:s15], [sflag:$0x2] =	stream.indirect.gather [hbm4b:s7+s28], $0x8, s18, s28, $0xb8;
	[tilespmem:$0x18230] =	vst v63  }
0x275: {  	s14 =	sadd.s32 $0x3E8, s14;
	s16 =	sadd.s32 $0x1800, s16;
	s15 =	sadd.s32 $0x3E8, s15  }
0x276: {  	[tilespmem:s13], [sflag:$0x2] =	stream.indirect.gather [hbm4b:s7+s28], $0x8, s16, s28, $0xb8;
	[tilespmem:$0x18230] =	vst v63  }
0x277: {  	_ =	swait.ge [sflag:s0], $0x3E8  }
0x278: {  	[sflag:s0] =	ssyncset.done $0x0  }
0x279: {  	[sflag:s0] =	ssyncadd.s32 $0xFFFFFC18  }
0x27a: {  	_ =	swait.ge [sflag:s0], $0x3E8  }
0x27b: {  	[sflag:s0] =	ssyncset.done $0x0  }
0x27c: {  	[sflag:s0] =	ssyncadd.s32 $0xFFFFFC18  }
0x27d: {  	_ =	swait.ge [sflag:s0], $0x3E8  }
0x27e: {  	[sflag:s0] =	ssyncset.done $0x0  }
0x27f: {  	[sflag:s0] =	ssyncadd.s32 $0xFFFFFC18  }
0x280: {  	_ =	swait.ge [sflag:s0], $0x3E8  }
0x281: {  	s9 =	simm.s32 $0xF;
	[sflag:s0] =	ssyncset.done $0x0  }
.LBB2_28:
0x282: {  	p0 =	sne.s32 s9, $0x1;
	s9 =	sadd.s32 $0xFFFFFFFF, s9;
	[sflag:s0] =	ssyncadd.s32 $0xFFFFFC18  }
0x283: {  	_ =	swait.ge [sflag:s0], $0x3E8  }
0x284: {  	[sflag:s0] =	ssyncset.done $0x0  }
0x285: {  	[sflag:s0] =	ssyncadd.s32 $0xFFFFFC18  }
0x286: {  	_ =	swait.ge [sflag:s0], $0x3E8  }
0x287: {  	[sflag:s0] =	ssyncset.done $0x0  }
0x288: {  	[sflag:s0] =	ssyncadd.s32 $0xFFFFFC18  }
.Ltmp21:
0x289: {  	_ =	swait.ge [sflag:s0], $0x3E8;
	(pc) =	sbr.rel @p0 .LBB2_28-.Ltmp21, $4  }
0x28a: {  	[sflag:s0] =	ssyncset.done $0x0  }
0x28b: {  	[sflag:s0] =	ssyncadd.s32 $0xFFFFFC18  }
0x28c: {  	_ =	swait.ge [sflag:s0], $0x3E8  }
0x28d: {  	[sflag:s0] =	ssyncset.done $0x0  }
0x28e: {  	s9 =	simm.s32 $0x0  }
0x28f: {  	v3 =	vmov s9  }
0x290: {  	v3 =	vshll.u32 v3, $0x3  }
0x291: {  	v3 =	vor.u32 v1, v3;
	_ =	sdelay $0x3  }
0x292: {  	[sflag:s0] =	ssyncadd.s32 $0xFFFFFC18;
	v4 =	vor.u32 $0x1, v3  }
0x293: {  	v5 =	vld.idx.msk [tilespmem:v3+s2+$0x0], $0xffff  }
0x294: {  	v6 =	vld.idx.msk [tilespmem:v3+s3+$0x0], $0xffff  }
0x295: {  	v7 =	vor.u32 $0x2, v3;
	v8 =	vld.idx.msk [tilespmem:v3+s29+$0x0], $0xffff  }
0x296: {  	v9 =	vld.idx.msk [tilespmem:v3+s30+$0x0], $0xffff  }
0x297: {  	v10 =	vld.idx.msk [tilespmem:v4+s2+$0x0], $0xffff  }
0x298: {  	v11 =	vld.idx.msk [tilespmem:v4+s3+$0x0], $0xffff  }
0x299: {  	v12 =	vld.idx.msk [tilespmem:v4+s29+$0x0], $0xffff  }
0x29a: {  	v13 =	vld.idx.msk [tilespmem:v7+s3+$0x0], $0xffff  }
0x29b: {  	v4 =	vld.idx.msk [tilespmem:v4+s30+$0x0], $0xffff  }
0x29c: {  	v14 =	vld.idx.msk [tilespmem:v7+s29+$0x0], $0xffff  }
0x29d: {  	v15 =	vld.idx.msk [tilespmem:v7+s2+$0x0], $0xffff  }
0x29e: {  	v5 =	vsub.f32 v6, v5  }
0x29f: {  	v7 =	vld.idx.msk [tilespmem:v7+s30+$0x0], $0xffff;
	v6 =	vsub.f32 v8, v6;
	v16 =	vsub.f32 v12, v11  }
0x2a0: {  	v10 =	vsub.f32 v11, v10;
	v11 =	vsub.f32 v9, v8  }
0x2a1: {  	v4 =	vsub.f32 v4, v12;
	v17 =	vsub.f32 v14, v13  }
0x2a2: {  	v8 =	vsub.f32 v13, v15;
	v12 =	vmul.f32 v16, v5;
	v18 =	vmul.f32 v6, v10  }
0x2a3: {  	v13 =	vmul.f32 v4, v6;
	v15 =	vmul.f32 v11, v16  }
0x2a4: {  	v14 =	vsub.f32 v7, v14;
	v10 =	vmul.f32 v17, v10;
	v19 =	vmul.f32 v16, v8  }
0x2a5: {  	v20 =	vmul.f32 v6, v8;
	v8 =	vadd.f32 $9.999999970e-07, v6;
	v5 =	vmul.f32 v17, v5  }
0x2a6: {  	v21 =	vmul.f32 v14, v16;
	v9 =	vadd.f32 $9.999999970e-07, v17;
	v4 =	vmul.f32 v4, v17  }
0x2a7: {  	v11 =	vmul.f32 v11, v17;
	v7 =	vadd.f32 $9.999999970e-07, v16;
	v12 =	vsub.f32 v12, v18  }
0x2a8: {  	v6 =	vmul.f32 v14, v6;
	v10 =	vsub.f32 v10, v19;
	v13 =	vsub.f32 v13, v15  }
0x2a9: {  	v14 =	vmul.f32 v8, v8;
	v5 =	vsub.f32 v20, v5;
	v15 =	vmul.f32 v7, v7  }
0x2aa: {  	v4 =	vsub.f32 v21, v4;
	v6 =	vsub.f32 v11, v6  }
0x2ab: {  	v12 =	vadd.f32 $9.999999970e-07, v12;
	v16 =	vadd.f32 v15, v14  }
0x2ac: {  	v10 =	vadd.f32 $9.999999970e-07, v10;
	v15 =	vadd.f32 $9.999999970e-07, v5  }
0x2ad: {  	v5 =	vmul.f32 v9, v9;
	v11 =	vadd.f32 $9.999999970e-07, v4;
	v14 =	vadd.f32 $9.999999970e-07, v6  }
0x2ae: {  	v13 =	vadd.f32 $9.999999970e-07, v13;
	v4 =	vmul.f32 v10, v10;
	v6 =	vmul.f32 v15, v15  }
0x2af: {  	v5 =	vadd.f32 v5, v16;
	v16 =	vmul.f32 v11, v11;
	v17 =	vmul.f32 v14, v14  }
0x2b0: {  	v18 =	vmul.f32 v12, v12;
	v4 =	vadd.f32 v6, v4  }
0x2b1: {  	v6 =	vmul.f32 v13, v13;
	v19 =	vmax.f32 v5, $1.000000000e-30;
	v5 =	vadd.f32 v17, v16  }
0x2b2: {  	v4 =	vadd.f32 v4, v18  }
0x2b3: {  	v16 =	vshra.s32 v19, $0x1;
	v5 =	vadd.f32 v5, v6  }
0x2b4: {  	v17 =	vmul.f32 $5.000000000e-01, v19;
	v16 =	vsub.s32 $0x5F3759DF, v16;
	v20 =	vmax.f32 v4, $1.000000000e-30  }
0x2b5: {  	v21 =	vmax.f32 v5, $1.000000000e-30;
	v4 =	vshra.s32 v20, $0x1;
	v5 =	vmul.f32 $5.000000000e-01, v20  }
0x2b6: {  	v6 =	vmul.f32 v16, v17;
	v4 =	vsub.s32 $0x5F3759DF, v4  }
0x2b7: {  	v18 =	vshra.s32 v21, $0x1;
	v22 =	vmul.f32 $5.000000000e-01, v21;
	v23 =	vmul.f32 v4, v5  }
0x2b8: {  	v6 =	vmul.f32 v16, v6;
	v18 =	vsub.s32 $0x5F3759DF, v18  }
0x2b9: {  	v24 =	vmul.f32 v18, v22;
	v23 =	vmul.f32 v4, v23  }
0x2ba: {  	v6 =	vsub.f32 $1.500000000e+00, v6  }
0x2bb: {  	s15 =	simm.s32 $0x10;
	v24 =	vmul.f32 v18, v24;
	v23 =	vsub.f32 $1.500000000e+00, v23  }
0x2bc: {  	v25 =	vmov s15;
	v6 =	vmul.f32 v16, v6  }
0x2bd: {  	v25 =	vshll.u32 v25, $0x3;
	v16 =	vsub.f32 $1.500000000e+00, v24;
	v4 =	vmul.f32 v4, v23  }
0x2be: {  	v25 =	vor.u32 v1, v25;
	v23 =	vmul.f32 v6, v17  }
0x2bf: {  	v24 =	vor.u32 $0x3, v3;
	v16 =	vmul.f32 v18, v16;
	v3 =	vmul.f32 v4, v5  }
0x2c0: {  	v18 =	vmul.f32 v23, v6  }
0x2c1: {  	v23 =	vmul.f32 v16, v22;
	v3 =	vmul.f32 v3, v4  }
0x2c2: {  	v18 =	vsub.f32 $1.500000000e+00, v18  }
0x2c3: {  	v29 =	vld.idx.msk [tilespmem:v25+s2+$0x0], $0xffff;
	v23 =	vmul.f32 v23, v16;
	v3 =	vsub.f32 $1.500000000e+00, v3  }
0x2c4: {  	v30 =	vld.idx.msk [tilespmem:v25+s3+$0x0], $0xffff;
	v18 =	vmul.f32 v18, v6  }
0x2c5: {  	v32 =	vld.idx.msk [tilespmem:v25+s29+$0x0], $0xffff;
	v23 =	vsub.f32 $1.500000000e+00, v23;
	v3 =	vmul.f32 v3, v4  }
0x2c6: {  	v26 =	vld.idx.msk [tilespmem:v24+s2+$0x0], $0xffff;
	v17 =	vmul.f32 v18, v17  }
0x2c7: {  	v28 =	vor.u32 $0x1, v25;
	v27 =	vld.idx.msk [tilespmem:v24+s3+$0x0], $0xffff;
	v16 =	vmul.f32 v23, v16;
	v23 =	vmul.f32 v3, v5  }
0x2c8: {  	s10 =	simm.s32 $0x13970;
	v33 =	vld.idx.msk [tilespmem:v25+s30+$0x0], $0xffff;
	v17 =	vmul.f32 v17, v18  }
0x2c9: {  	s18 =	simm.s32 $0x14140;
	v4 =	vld [tilespmem:s10+$0x0];
	v22 =	vmul.f32 v16, v22;
	v23 =	vmul.f32 v23, v3  }
0x2ca: {  	s16 =	simm.s32 $0x131A0;
	v5 =	vld [tilespmem:s18+$0x0];
	v17 =	vsub.f32 $1.500000000e+00, v17  }
0x2cb: {  	v31 =	vor.u32 $0x2, v25;
	v6 =	vld [tilespmem:s16+$0x0];
	v22 =	vmul.f32 v22, v16;
	v23 =	vsub.f32 $1.500000000e+00, v23  }
0x2cc: {  	v26 =	vadd.f32 v27, v26;
	v27 =	vld.idx.msk [tilespmem:v28+s2+$0x0], $0xffff;
	v17 =	vmul.f32 v17, v18  }
0x2cd: {  	v22 =	vsub.f32 $1.500000000e+00, v22;
	v18 =	vor.u32 $0x3, v25;
	v25 =	vld.idx.msk [tilespmem:v28+s30+$0x0], $0xffff;
	v3 =	vmul.f32 v23, v3  }
0x2ce: {  	v23 =	vld.idx.msk [tilespmem:v28+s3+$0x0], $0xffff;
	v17 =	vmul.f32 v17, v19  }
0x2cf: {  	v16 =	vmul.f32 v22, v16;
	v19 =	vmax.f32 v4, v5;
	v22 =	vld.idx.msk [tilespmem:v28+s29+$0x0], $0xffff;
	v20 =	vmul.f32 v3, v20  }
0x2d0: {  	v29 =	vsub.f32 v30, v29;
	v3 =	vmax.f32 v6, v19;
	v19 =	vld.idx.msk [tilespmem:v31+s3+$0x0], $0xffff;
	v17 =	vmax.f32 v17, $9.999999960e-13  }
0x2d1: {  	v16 =	vmul.f32 v16, v21;
	(erf) = vrcp.f32 v17;
	v17 =	vld.idx.msk [tilespmem:v31+s29+$0x0], $0xffff;
	v20 =	vmax.f32 v20, $9.999999960e-13  }
0x2d2: {  	v30 =	vsub.f32 v32, v30;
	v32 =	vsub.f32 v33, v32;
	(erf) = vrcp.f32 v20;
	v20 =	vld.idx.msk [tilespmem:v31+s2+$0x0], $0xffff  }
0x2d3: {  	v28 =	vsub.f32 v6, v3;
	v34 =	vsub.f32 v4, v3;
	v16 =	vmax.f32 v16, $9.999999960e-13  }
0x2d4: {  	v21 =	vsub.f32 v5, v3;
	v35 =	vsub.f32 v22, v23;
	(erf) = vrcp.f32 v16  }
0x2d5: {  	v28 =	vmul.f32 $1.442695020e+00, v28;
	v23 =	vsub.f32 v23, v27;
	v27 =	vmul.f32 $1.442695020e+00, v34;
	v16 =	vld.idx.msk [tilespmem:v24+s29+$0x0], $0xffff  }
0x2d6: {  	v21 =	vmul.f32 $1.442695020e+00, v21;
	v22 =	vsub.f32 v25, v22;
	v25 =	vmul.f32 v35, v29  }
0x2d7: {  	v24 =	vld.idx.msk [tilespmem:v24+s30+$0x0], $0xffff;
	(erf) = vpow2.f32 v28;
	v28 =	vsub.f32 v17, v19;
	v19 =	vsub.f32 v19, v20  }
0x2d8: {  	v63 =	vmul.f32 v30, v23;
	(erf) = vpow2.f32 v27  }
0x2d9: {  	v27 =	vmul.f32 v32, v35;
	(erf) = vpow2.f32 v21  }
0x2da: {  	v21 =	vld.idx.msk [tilespmem:v18+s3+$0x0], $0xffff;
	v20 =	vmul.f32 v22, v30;
	v23 =	vmul.f32 v28, v23;
	v16 =	vadd.f32 v16, v26  }
0x2db: {  	v26 =	vld.idx.msk [tilespmem:v18+s2+$0x0], $0xffff;
	v42 =	vmul.f32 v35, v19;
	v36 =	vmul.f32 v30, v19;
	v19 =	vpop (erf)  }
0x2dc: {  	v16 =	vadd.f32 v24, v16;
	v24 =	vld.idx.msk [tilespmem:v31+s30+$0x0], $0xffff;
	v31 =	vmul.f32 v19, v8;
	v9 =	vmul.f32 v19, v9;
	v37 =	vpop (erf)  }
0x2dd: {  	v15 =	vmul.f32 v37, v15;
	v12 =	vmul.f32 v37, v12;
	v38 =	vpop (erf)  }
0x2de: {  	v20 =	vsub.f32 v20, v27;
	v14 =	vmul.f32 v38, v14;
	v13 =	vmul.f32 v38, v13  }
0x2df: {  	vm0 =	vgt.f32 v16, $0.0e+00;
	v10 =	vmul.f32 v37, v10;
	v11 =	vmul.f32 v38, v11  }
0x2e0: {  	v21 =	vadd.f32 v21, v26;
	v43 =	vpop (erf);
	v16 =	vmul.f32 v13, v15;
	v26 =	vmul.f32 v14, v12  }
0x2e1: {  	v17 =	vsub.f32 v24, v17;
	v39 =	vpop (erf);
	v24 =	vmul.f32 v11, v12;
	v44 =	vmul.f32 v13, v10  }
0x2e2: {  	v7 =	vmul.f32 v19, v7;
	v19 =	vmul.f32 v14, v10;
	v37 =	vadd.f32 v39, v43  }
0x2e3: {  	v45 =	vpop (erf);
	v16 =	vsub.f32 v16, v26;
	v24 =	vsub.f32 v24, v44;
	v26 =	vmul.f32 v11, v15  }
0x2e4: {  	v10 =	vmul.f32 v11, v10;
	v11 =	vmul.f32 v14, v15;
	v14 =	vadd.f32 v37, v45  }
0x2e5: {  	v15 =	vsub.f32 v19, v26;
	v16 =	vmul.f32 v16, v31;
	v19 =	vmul.f32 v24, v7  }
0x2e6: {  	v23 =	vsub.f32 v23, v42;
	v12 =	vmul.f32 v13, v12;
	v13 =	vadd.f32 $1.000000000e+00, v14  }
0x2e7: {  	v11 =	vadd.f32 v11, v10;
	v16 =	vadd.f32 v19, v16;
	v9 =	vmul.f32 v15, v9  }
0x2e8: {  	v8 =	vsel vm0, $0x3E99999A, v2;
	v7 =	vadd.f32 $9.999999970e-07, v30;
	v15 =	vmul.f32 v28, v29  }
0x2e9: {  	(erf) = vrcp.f32 v13;
	v19 =	vadd.f32 v11, v12;
	v9 =	vadd.f32 v16, v9  }
0x2ea: {  	v10 =	vadd.f32 $9.999999970e-07, v28;
	v13 =	vmul.f32 v17, v35;
	v12 =	vmul.f32 v22, v28  }
0x2eb: {  	v22 =	vsub.f32 v25, v63;
	v25 =	vmul.f32 v19, v19;
	v24 =	vmul.f32 v9, v9  }
0x2ec: {  	v11 =	vadd.f32 $9.999999970e-07, v35;
	v17 =	vmul.f32 v17, v30;
	v29 =	vadd.f32 $-1.000000000e+00, v14  }
0x2ed: {  	v26 =	vmul.f32 v7, v7;
	v14 =	vadd.f32 $9.999999970e-07, v23;
	v24 =	vadd.f32 v24, v25  }
0x2ee: {  	v16 =	vmul.f32 v32, v28;
	v15 =	vsub.f32 v36, v15;
	v27 =	vsub.f32 v13, v12  }
0x2ef: {  	v28 =	vmul.f32 v10, v10;
	v12 =	vadd.f32 $9.999999970e-07, v22;
	v22 =	vmax.f32 v24, $1.000000000e-30  }
0x2f0: {  	v17 =	vsub.f32 v16, v17;
	v25 =	vmul.f32 v11, v11;
	v16 =	vshra.s32 v22, $0x1  }
0x2f1: {  	v13 =	vadd.f32 $9.999999970e-07, v20;
	v46 =	vmul.f32 v14, v14;
	v24 =	vmul.f32 $5.000000000e-01, v22  }
0x2f2: {  	v30 =	vmul.f32 v12, v12;
	v25 =	vadd.f32 v25, v26;
	v26 =	vld.idx.msk [tilespmem:v18+s29+$0x0], $0xffff;
	v20 =	vsub.s32 $0x5F3759DF, v16  }
0x2f3: {  	v31 =	vmul.f32 v13, v13;
	v17 =	vadd.f32 $9.999999970e-07, v17;
	v23 =	vmul.f32 v20, v24;
	v16 =	vpop (erf)  }
0x2f4: {  	v25 =	vadd.f32 v28, v25;
	v29 =	vmul.f32 v16, v29;
	v16 =	vadd.f32 $9.999999970e-07, v15  }
0x2f5: {  	v48 =	vmul.f32 v17, v17;
	v15 =	vadd.f32 $9.999999970e-07, v27;
	v23 =	vmul.f32 v20, v23  }
0x2f6: {  	v25 =	vmax.f32 v25, $1.000000000e-30;
	v27 =	vmul.f32 v29, v29;
	v47 =	vmul.f32 v16, v16  }
0x2f7: {  	v18 =	vld.idx.msk [tilespmem:v18+s30+$0x0], $0xffff;
	v21 =	vadd.f32 v26, v21;
	v28 =	vmul.f32 v15, v15;
	v23 =	vsub.f32 $1.500000000e+00, v23  }
0x2f8: {  	v49 =	vmul.f32 $5.000000000e-01, v25;
	v26 =	vmul.f32 $7.692307980e-02, v27;
	v32 =	vadd.f32 v47, v46  }
0x2f9: {  	v20 =	vmul.f32 v20, v23;
	v23 =	vshra.s32 v25, $0x1;
	v28 =	vadd.f32 v48, v28  }
0x2fa: {  	v23 =	vsub.s32 $0x5F3759DF, v23;
	v26 =	vadd.f32 $9.090909360e-02, v26;
	v30 =	vadd.f32 v32, v30  }
0x2fb: {  	v50 =	vmul.f32 v20, v24;
	v28 =	vadd.f32 v28, v31;
	v31 =	vmul.f32 v23, v49  }
0x2fc: {  	v18 =	vadd.f32 v18, v21;
	v26 =	vmul.f32 v26, v27;
	v30 =	vmax.f32 v30, $1.000000000e-30  }
0x2fd: {  	s9 =	simm.s32 $0x129D0;
	v32 =	vmul.f32 v50, v20;
	v28 =	vmax.f32 v28, $1.000000000e-30;
	v31 =	vmul.f32 v23, v31  }
0x2fe: {  	v52 =	vld [tilespmem:s9+$0x0];
	s10 =	simm.s32 $0x12200;
	v53 =	vmul.f32 $5.000000000e-01, v30;
	v54 =	vshra.s32 v28, $0x1;
	v21 =	vadd.f32 $1.111111120e-01, v26  }
0x2ff: {  	v51 =	vld [tilespmem:s10+$0x0];
	v55 =	vmul.f32 $5.000000000e-01, v28;
	v26 =	vshra.s32 v30, $0x1;
	v32 =	vsub.f32 $1.500000000e+00, v32  }
0x300: {  	v31 =	vsub.f32 $1.500000000e+00, v31;
	v26 =	vsub.s32 $0x5F3759DF, v26;
	v21 =	vmul.f32 v21, v27  }
0x301: {  	v56 =	vsub.s32 $0x5F3759DF, v54;
	v20 =	vmul.f32 v32, v20;
	v57 =	vmul.f32 v26, v53  }
0x302: {  	v58 =	vmul.f32 v56, v55;
	v23 =	vmul.f32 v23, v31;
	v21 =	vadd.f32 $1.428571490e-01, v21  }
0x303: {  	v35 =	vsub.f32 v52, v19;
	v24 =	vmul.f32 v20, v24;
	v37 =	vmul.f32 v26, v57  }
0x304: {  	v34 =	vsub.f32 v51, v9;
	v60 =	vmul.f32 v23, v49;
	v21 =	vmul.f32 v21, v27  }
0x305: {  	vm14 =	vgt.f32 v18, $0.0e+00;
	v24 =	vmul.f32 v24, v20;
	v31 =	vsub.f32 $1.500000000e+00, v37  }
0x306: {  	v59 =	vmul.f32 v56, v58;
	v18 =	vmul.f32 v60, v23;
	v21 =	vadd.f32 $2.000000030e-01, v21  }
0x307: {  	v34 =	vmul.f32 v34, v34;
	v24 =	vsub.f32 $1.500000000e+00, v24;
	v26 =	vmul.f32 v26, v31  }
0x308: {  	v31 =	vsub.f32 $1.500000000e+00, v59;
	v18 =	vsub.f32 $1.500000000e+00, v18;
	v21 =	vmul.f32 v21, v27  }
0x309: {  	vm15 =	vgt.f32 v9, $0.0e+00;
	v20 =	vmul.f32 v24, v20;
	v61 =	vmul.f32 v26, v53  }
0x30a: {  	v31 =	vmul.f32 v56, v31;
	v18 =	vmul.f32 v18, v23;
	v21 =	vadd.f32 $3.333333430e-01, v21  }
0x30b: {  	s11 =	simm.s32 $0x20;
	v29 =	vadd.f32 v29, v29;
	v20 =	vmul.f32 v20, v22;
	v32 =	vmul.f32 v61, v26  }
0x30c: {  	v22 =	vmov s11;
	v21 =	vmul.f32 v21, v27;
	v27 =	vmul.f32 v31, v55  }
0x30d: {  	v22 =	vshll.u32 v22, $0x3;
	v23 =	vmul.f32 $8.775825500e-01, v20;
	v62 =	vmul.f32 $7.073719800e-02, v20  }
0x30e: {  	v20 =	vmul.f32 $-4.161468450e-01, v20;
	v22 =	vor.u32 v1, v22;
	v21 =	vadd.f32 $1.000000000e+00, v21  }
0x30f: {  	v27 =	vmul.f32 v27, v31;
	vm1 =	vlt.f32 v19, v23;
	vm2 =	vgt.f32 v19, v62  }
0x310: {  	v23 =	vsub.f32 $1.500000000e+00, v32;
	vm4 =	vlt.f32 v19, v20;
	vm1 =	vmand vm1, vm2  }
0x311: {  	s13 =	simm.s32 $0x13980;
	v20 =	vmul.f32 v18, v49;
	vm3 =	vmand vm15, vm1;
	v27 =	vsub.f32 $1.500000000e+00, v27  }
0x312: {  	s14 =	simm.s32 $0x14150;
	v21 =	vmul.f32 v21, v29;
	v19 =	vmul.f32 v23, v26;
	v23 =	vsel vm3, v4, v5;
	v4 =	vld [tilespmem:s13+$0x0]  }
0x313: {  	vm5 =	vlt.f32 v9, $0.0e+00;
	v20 =	vmul.f32 v20, v18;
	v5 =	vld [tilespmem:s14+$0x0];
	v9 =	vmul.f32 v27, v31  }
0x314: {  	v24 =	vmul.f32 v35, v35;
	v42 =	vld.idx.msk [tilespmem:v22+s29+$0x0], $0xffff;
	v26 =	vmul.f32 v19, v53;
	v27 =	vor.u32 $0x1, v22  }
0x315: {  	s11 =	simm.s32 $0x131B0;
	v43 =	vld.idx.msk [tilespmem:v22+s30+$0x0], $0xffff;
	v21 =	vadd.f32 v21, v3;
	v20 =	vsub.f32 $1.500000000e+00, v20;
	v29 =	vmul.f32 v9, v55  }
0x316: {  	v44 =	vor.u32 $0x3, v22;
	v3 =	vld [tilespmem:s11+$0x0];
	v6 =	vsel vm4, v6, v23;
	v26 =	vmul.f32 v26, v19  }
0x317: {  	v23 =	vld.idx.msk [tilespmem:v22+s2+$0x0], $0xffff;
	v6 =	vsub.f32 v21, v6;
	v18 =	vmul.f32 v20, v18;
	v29 =	vmul.f32 v29, v9  }
0x318: {  	v31 =	vor.u32 $0x2, v22;
	v21 =	vld.idx.msk [tilespmem:v22+s3+$0x0], $0xffff;
	v20 =	vadd.f32 v34, v24;
	v26 =	vsub.f32 $1.500000000e+00, v26  }
0x319: {  	vm2 =	vmor vm15, vm5;
	v18 =	vmul.f32 v18, v25;
	v24 =	vld.idx.msk [tilespmem:v27+s2+$0x0], $0xffff;
	v29 =	vsub.f32 $1.500000000e+00, v29  }
0x31a: {  	vm1 =	vmand vm2, vm1;
	v34 =	vmul.f32 v20, v8;
	v19 =	vmul.f32 v26, v19;
	v26 =	vld.idx.msk [tilespmem:v27+s3+$0x0], $0xffff  }
0x31b: {  	v8 =	vld.idx.msk [tilespmem:v27+s29+$0x0], $0xffff;
	v18 =	vmax.f32 v18, $9.999999960e-13;
	v22 =	vmul.f32 v29, v9;
	v9 =	vmax.f32 v4, v5  }
0x31c: {  	v27 =	vld.idx.msk [tilespmem:v27+s30+$0x0], $0xffff;
	(erf) = vrcp.f32 v18;
	v19 =	vmul.f32 v19, v30;
	v9 =	vmax.f32 v3, v9  }
0x31d: {  	v18 =	vld.idx.msk [tilespmem:v31+s29+$0x0], $0xffff;
	v45 =	vsub.f32 v21, v23;
	v20 =	vmul.f32 v22, v28;
	v25 =	vsub.f32 v5, v9  }
0x31e: {  	v30 =	vld.idx.msk [tilespmem:v31+s3+$0x0], $0xffff;
	v19 =	vmax.f32 v19, $9.999999960e-13;
	v28 =	vsub.f32 v3, v9;
	v29 =	vsub.f32 v4, v9  }
0x31f: {  	(erf) = vrcp.f32 v19;
	v24 =	vsub.f32 v26, v24;
	v22 =	vmax.f32 v20, $9.999999960e-13  }
0x320: {  	v19 =	vld.idx.msk [tilespmem:v31+s2+$0x0], $0xffff;
	v20 =	vsub.f32 v42, v21;
	v21 =	vsub.f32 v8, v26;
	(erf) = vrcp.f32 v22  }
0x321: {  	v46 =	vld.idx.msk [tilespmem:v44+s2+$0x0], $0xffff;
	v23 =	vsub.f32 v27, v8;
	v28 =	vmul.f32 $1.442695020e+00, v28;
	v48 =	vmul.f32 $1.442695020e+00, v29  }
0x322: {  	v47 =	vld.idx.msk [tilespmem:v44+s3+$0x0], $0xffff;
	v49 =	vmul.f32 $1.442695020e+00, v25;
	v22 =	vsub.f32 v43, v42;
	v25 =	vmul.f32 v21, v45  }
0x323: {  	v63 =	vld [tilespmem:$0x18210];
	v29 =	vsub.f32 v18, v30;
	(erf) = vpow2.f32 v28;
	v26 =	vmul.f32 v20, v24  }
0x324: {  	vm1 =	vmor vm4, vm1;
	v40 =	vld.idx.msk [tilespmem:v44+s29+$0x0], $0xffff;
	v27 =	vmul.f32 v23, v20;
	(erf) = vpow2.f32 v48  }
0x325: {  	v50 =	vld [tilespmem:$0x18200];
	v28 =	vmul.f32 v22, v21;
	v8 =	vsub.f32 v30, v19;
	v30 =	vmul.f32 v29, v24;
	v51 =	vpop (erf)  }
0x326: {  	v6 =	vnsel vm1, $0x0, v6;
	v19 =	vld.idx.msk [tilespmem:v44+s30+$0x0], $0xffff;
	(erf) = vpow2.f32 v49;
	v52 =	vmul.f32 v51, v7  }
0x327: {  	v33 =	vadd.f32 v47, v46;
	v24 =	vld.idx.msk [tilespmem:v31+s30+$0x0], $0xffff;
	v53 =	vmul.f32 v51, v10;
	v11 =	vmul.f32 v51, v11  }
0x328: {  	v6 =	vadd.f32 v6, v63;
	v32 =	vmul.f32 v21, v8;
	v31 =	vmul.f32 v20, v8;
	v10 =	vpop (erf)  }
0x329: {  	v33 =	vadd.f32 v40, v33;
	v16 =	vmul.f32 v10, v16;
	v54 =	vmul.f32 v10, v12;
	v41 =	vpop (erf)  }
0x32a: {  	v7 =	vadd.f32 v34, v50;
	v17 =	vmul.f32 v41, v17;
	v13 =	vmul.f32 v41, v13  }
0x32b: {  	v12 =	vadd.f32 v19, v33;
	v19 =	vmul.f32 v10, v14;
	v15 =	vmul.f32 v41, v15  }
0x32c: {  	v14 =	vsub.f32 v24, v18;
	v55 =	vpop (erf);
	v18 =	vmul.f32 v13, v16;
	v24 =	vmul.f32 v17, v54  }
0x32d: {  	v8 =	vsel vm14, $0x3E99999A, v2;
	v58 =	vpop (erf);
	v56 =	vmul.f32 v15, v54;
	v57 =	vmul.f32 v13, v19  }
0x32e: {  	v10 =	vadd.f32 $9.999999970e-07, v20;
	v59 =	vmul.f32 v17, v19;
	v33 =	vadd.f32 v58, v55  }
0x32f: {  	v60 =	vmul.f32 v15, v16;
	v61 =	vpop (erf);
	v18 =	vsub.f32 v18, v24;
	v24 =	vsub.f32 v56, v57  }
0x330: {  	v19 =	vmul.f32 v15, v19;
	v62 =	vmul.f32 v17, v16;
	v16 =	vadd.f32 v33, v61  }
0x331: {  	v63 =	vsub.f32 v59, v60;
	v18 =	vmul.f32 v18, v52;
	v11 =	vmul.f32 v24, v11  }
0x332: {  	v15 =	vmul.f32 v29, v45;
	v17 =	vmul.f32 v13, v54;
	v13 =	vadd.f32 $1.000000000e+00, v16  }
0x333: {  	v19 =	vadd.f32 v62, v19;
	v24 =	vmul.f32 v63, v53;
	v18 =	vadd.f32 v11, v18  }
0x334: {  	s15 =	simm.s32 $0x30;
	v33 =	vmul.f32 v14, v21;
	v11 =	vadd.f32 $9.999999970e-07, v29;
	(erf) = vrcp.f32 v13  }
.LBB2_30:
0x335: {  	p0 =	sne.s32 s15, $0x7C0;
	v34 =	vmul.f32 v23, v29;
	v23 =	vadd.f32 v19, v17;
	v24 =	vadd.f32 v18, v24  }
0x336: {  	v17 =	vmul.f32 v22, v29;
	v14 =	vmul.f32 v14, v20;
	v13 =	vadd.f32 $9.999999970e-07, v21  }
0x337: {  	v18 =	vsub.f32 v25, v26;
	v19 =	vmul.f32 v24, v24;
	v20 =	vmul.f32 v23, v23  }
0x338: {  	v21 =	vsub.f32 v30, v32;
	v22 =	vsub.f32 v27, v28;
	v25 =	vmul.f32 v10, v10  }
0x339: {  	v26 =	vsub.f32 v31, v15;
	v15 =	vmul.f32 v13, v13;
	v19 =	vadd.f32 v19, v20  }
0x33a: {  	v28 =	vmul.f32 v11, v11;
	v27 =	vsub.f32 v17, v14;
	v20 =	vsub.f32 v33, v34  }
0x33b: {  	v14 =	vadd.f32 $9.999999970e-07, v18;
	v25 =	vadd.f32 v15, v25;
	v29 =	vmax.f32 v19, $1.000000000e-30  }
0x33c: {  	v19 =	vadd.f32 $-1.000000000e+00, v16;
	v18 =	vshra.s32 v29, $0x1;
	v30 =	vmul.f32 $5.000000000e-01, v29  }
0x33d: {  	v15 =	vadd.f32 $9.999999970e-07, v21;
	v16 =	vadd.f32 $9.999999970e-07, v22;
	v21 =	vsub.s32 $0x5F3759DF, v18;
	v17 =	vpop (erf)  }
0x33e: {  	v18 =	vadd.f32 $9.999999970e-07, v26;
	v22 =	vmul.f32 v21, v30;
	v26 =	vmul.f32 v17, v19  }
0x33f: {  	v31 =	vmul.f32 v14, v14;
	v32 =	vmul.f32 v16, v16;
	v17 =	vadd.f32 $9.999999970e-07, v20  }
0x340: {  	v19 =	vadd.f32 $9.999999970e-07, v27;
	v20 =	vmul.f32 v21, v22;
	v27 =	vmul.f32 v26, v26  }
0x341: {  	s10 =	sadd.s32 $0x10, s10;
	v25 =	vadd.f32 v28, v25;
	v33 =	vmul.f32 v18, v18;
	v22 =	vmul.f32 v15, v15  }
0x342: {  	v28 =	vmul.f32 v17, v17;
	v34 =	vld [tilespmem:s10+$0x0];
	v35 =	vsub.f32 $1.500000000e+00, v20;
	v36 =	vmul.f32 $7.692307980e-02, v27  }
0x343: {  	v22 =	vadd.f32 v33, v22;
	v33 =	vmul.f32 v19, v19;
	v20 =	vmax.f32 v25, $1.000000000e-30  }
0x344: {  	v25 =	vshra.s32 v20, $0x1;
	v35 =	vmul.f32 v21, v35;
	v21 =	vadd.f32 $9.090909360e-02, v36  }
0x345: {  	v28 =	vadd.f32 v33, v28;
	v25 =	vsub.s32 $0x5F3759DF, v25;
	v33 =	vmul.f32 $5.000000000e-01, v20  }
0x346: {  	v22 =	vadd.f32 v22, v31;
	v31 =	vmul.f32 v35, v30;
	v36 =	vmul.f32 v21, v27  }
0x347: {  	v28 =	vadd.f32 v28, v32;
	v32 =	vmul.f32 v25, v33;
	v34 =	vsub.f32 v34, v24  }
0x348: {  	s9 =	sadd.s32 $0x10, s9;
	v21 =	vmax.f32 v22, $1.000000000e-30;
	v31 =	vmul.f32 v31, v35;
	v36 =	vadd.f32 $1.111111120e-01, v36  }
0x349: {  	v37 =	vshra.s32 v21, $0x1;
	v22 =	vmax.f32 v28, $1.000000000e-30;
	v28 =	vmul.f32 v25, v32;
	v32 =	vld [tilespmem:s9+$0x0]  }
0x34a: {  	v38 =	vmul.f32 $5.000000000e-01, v21;
	v31 =	vsub.f32 $1.500000000e+00, v31;
	v36 =	vmul.f32 v36, v27  }
0x34b: {  	v37 =	vsub.s32 $0x5F3759DF, v37;
	v39 =	vshra.s32 v22, $0x1;
	v40 =	vmul.f32 $5.000000000e-01, v22  }
0x34c: {  	v39 =	vsub.s32 $0x5F3759DF, v39;
	v31 =	vmul.f32 v31, v35;
	v35 =	vadd.f32 $1.428571490e-01, v36  }
0x34d: {  	v28 =	vsub.f32 $1.500000000e+00, v28;
	v41 =	vmul.f32 v39, v40;
	v36 =	vmul.f32 v37, v38  }
0x34e: {  	v32 =	vsub.f32 v32, v23;
	v30 =	vmul.f32 v31, v30;
	v35 =	vmul.f32 v35, v27  }
0x34f: {  	vm0 =	vgt.f32 v12, $0.0e+00;
	v25 =	vmul.f32 v25, v28;
	v36 =	vmul.f32 v37, v36  }
0x350: {  	v12 =	vmul.f32 v34, v34;
	v28 =	vmul.f32 v30, v31;
	v30 =	vadd.f32 $2.000000030e-01, v35  }
0x351: {  	v34 =	vsub.f32 $1.500000000e+00, v36;
	v35 =	vmul.f32 v39, v41;
	v36 =	vmul.f32 v25, v33  }
0x352: {  	v32 =	vmul.f32 v32, v32;
	v28 =	vsub.f32 $1.500000000e+00, v28;
	v30 =	vmul.f32 v30, v27  }
0x353: {  	v34 =	vmul.f32 v37, v34;
	v35 =	vsub.f32 $1.500000000e+00, v35;
	v36 =	vmul.f32 v36, v25  }
0x354: {  	v37 =	vmov s15;
	v28 =	vmul.f32 v28, v31;
	v30 =	vadd.f32 $3.333333430e-01, v30  }
0x355: {  	v31 =	vmul.f32 v34, v38;
	v35 =	vmul.f32 v39, v35;
	v36 =	vsub.f32 $1.500000000e+00, v36  }
0x356: {  	v37 =	vshll.u32 v37, $0x3;
	v28 =	vmul.f32 v28, v29;
	v27 =	vmul.f32 v30, v27  }
0x357: {  	v26 =	vadd.f32 v26, v26;
	v29 =	vmul.f32 v35, v40;
	v25 =	vmul.f32 v36, v25  }
0x358: {  	v30 =	vmul.f32 $8.775825500e-01, v28;
	v36 =	vmul.f32 $7.073719800e-02, v28;
	v27 =	vadd.f32 $1.000000000e+00, v27  }
0x359: {  	v37 =	vor.u32 v1, v37;
	v31 =	vmul.f32 v31, v34;
	v29 =	vmul.f32 v29, v35  }
0x35a: {  	vm1 =	vlt.f32 v23, v30;
	vm2 =	vgt.f32 v23, v36;
	v26 =	vmul.f32 v27, v26  }
0x35b: {  	v27 =	vmul.f32 $-4.161468450e-01, v28;
	vm1 =	vmand vm1, vm2;
	vm2 =	vgt.f32 v24, $0.0e+00  }
0x35c: {  	v28 =	vsub.f32 $1.500000000e+00, v31;
	vm3 =	vmand vm2, vm1;
	v9 =	vadd.f32 v26, v9  }
0x35d: {  	vm5 =	vlt.f32 v24, $0.0e+00;
	vm4 =	vlt.f32 v23, v27;
	v4 =	vsel vm3, v4, v5  }
0x35e: {  	s11 =	sadd.s32 $0x10, s11;
	vm2 =	vmor vm2, vm5;
	v5 =	vsub.f32 $1.500000000e+00, v29;
	v4 =	vsel vm4, v3, v4  }
0x35f: {  	s13 =	sadd.s32 $0x10, s13;
	v23 =	vmul.f32 v28, v34;
	vm1 =	vmand vm2, vm1;
	v3 =	vld [tilespmem:s11+$0x0];
	v9 =	vsub.f32 v9, v4  }
0x360: {  	s14 =	sadd.s32 $0x10, s14;
	v26 =	vmul.f32 v25, v33;
	vm1 =	vmor vm4, vm1;
	v24 =	vmul.f32 v5, v35;
	v4 =	vld [tilespmem:s13+$0x0]  }
0x361: {  	v27 =	vor.u32 $0x1, v37;
	v28 =	vmul.f32 v23, v38;
	v5 =	vld [tilespmem:s14+$0x0];
	v9 =	vnsel vm1, $0x0, v9  }
0x362: {  	v26 =	vmul.f32 v26, v25;
	v30 =	vmul.f32 v24, v40;
	v29 =	vld.idx.msk [tilespmem:v37+s2+$0x0], $0xffff;
	v6 =	vadd.f32 v9, v6  }
0x363: {  	v12 =	vadd.f32 v12, v32;
	v31 =	vor.u32 $0x3, v37;
	v9 =	vmul.f32 v28, v23;
	v33 =	vld.idx.msk [tilespmem:v37+s3+$0x0], $0xffff  }
0x364: {  	v32 =	vor.u32 $0x2, v37;
	v26 =	vsub.f32 $1.500000000e+00, v26;
	v30 =	vmul.f32 v30, v24;
	v28 =	vld.idx.msk [tilespmem:v37+s29+$0x0], $0xffff  }
0x365: {  	v12 =	vmul.f32 v12, v8;
	v8 =	vsel vm0, $0x3E99999A, v2;
	v9 =	vsub.f32 $1.500000000e+00, v9;
	v34 =	vld.idx.msk [tilespmem:v37+s30+$0x0], $0xffff  }
0x366: {  	v25 =	vmul.f32 v26, v25;
	v30 =	vsub.f32 $1.500000000e+00, v30;
	v35 =	vld.idx.msk [tilespmem:v27+s2+$0x0], $0xffff  }
0x367: {  	v7 =	vadd.f32 v12, v7;
	v9 =	vmul.f32 v9, v23;
	v26 =	vld.idx.msk [tilespmem:v27+s3+$0x0], $0xffff  }
0x368: {  	v20 =	vmul.f32 v25, v20;
	v23 =	vmul.f32 v30, v24;
	v24 =	vmax.f32 v4, v5;
	v12 =	vld.idx.msk [tilespmem:v27+s29+$0x0], $0xffff  }
0x369: {  	v21 =	vmul.f32 v9, v21;
	v9 =	vmax.f32 v3, v24;
	v30 =	vld.idx.msk [tilespmem:v32+s3+$0x0], $0xffff  }
0x36a: {  	v20 =	vmax.f32 v20, $9.999999960e-13;
	v22 =	vmul.f32 v23, v22;
	v23 =	vsub.f32 v5, v9;
	v24 =	vld.idx.msk [tilespmem:v27+s30+$0x0], $0xffff  }
0x36b: {  	v25 =	vsub.f32 v3, v9;
	v21 =	vmax.f32 v21, $9.999999960e-13;
	v36 =	vld.idx.msk [tilespmem:v32+s29+$0x0], $0xffff;
	(erf) = vrcp.f32 v20  }
0x36c: {  	v37 =	vsub.f32 v4, v9;
	v22 =	vmax.f32 v22, $9.999999960e-13;
	v27 =	vld.idx.msk [tilespmem:v32+s2+$0x0], $0xffff;
	(erf) = vrcp.f32 v21  }
0x36d: {  	v39 =	vsub.f32 v33, v29;
	v20 =	vsub.f32 v28, v33;
	v38 =	vld.idx.msk [tilespmem:v31+s2+$0x0], $0xffff;
	(erf) = vrcp.f32 v22  }
0x36e: {  	v21 =	vsub.f32 v12, v26;
	v22 =	vsub.f32 v34, v28;
	v28 =	vmul.f32 $1.442695020e+00, v25;
	v33 =	vld.idx.msk [tilespmem:v31+s3+$0x0], $0xffff  }
0x36f: {  	v37 =	vmul.f32 $1.442695020e+00, v37;
	v40 =	vmul.f32 $1.442695020e+00, v23;
	v35 =	vsub.f32 v26, v35;
	v34 =	vld.idx.msk [tilespmem:v31+s29+$0x0], $0xffff  }
0x370: {  	v23 =	vsub.f32 v24, v12;
	v25 =	vmul.f32 v21, v39;
	v41 =	vld.idx.msk [tilespmem:v31+s30+$0x0], $0xffff;
	(erf) = vpow2.f32 v28  }
0x371: {  	v26 =	vmul.f32 v20, v35;
	v29 =	vsub.f32 v36, v30;
	(erf) = vpow2.f32 v37  }
0x372: {  	v28 =	vmul.f32 v22, v21;
	v12 =	vsub.f32 v30, v27;
	v27 =	vmul.f32 v23, v20  }
0x373: {  	v30 =	vmul.f32 v29, v35;
	v24 =	vld.idx.msk [tilespmem:v32+s30+$0x0], $0xffff;
	(erf) = vpow2.f32 v40  }
0x374: {  	v32 =	vmul.f32 v21, v12;
	v31 =	vmul.f32 v20, v12;
	v12 =	vadd.f32 v33, v38;
	v33 =	vpop (erf)  }
0x375: {  	v35 =	vmul.f32 v33, v10;
	v11 =	vmul.f32 v33, v11;
	v10 =	vpop (erf)  }
0x376: {  	v12 =	vadd.f32 v34, v12;
	v18 =	vmul.f32 v10, v18;
	v34 =	vmul.f32 v10, v14;
	v14 =	vpop (erf)  }
0x377: {  	v19 =	vmul.f32 v14, v19;
	v37 =	vmul.f32 v14, v16  }
0x378: {  	v15 =	vmul.f32 v10, v15;
	v12 =	vadd.f32 v41, v12;
	v16 =	vmul.f32 v14, v17  }
0x379: {  	v14 =	vsub.f32 v24, v36;
	v17 =	vmul.f32 v37, v18;
	v24 =	vmul.f32 v19, v34;
	v36 =	vpop (erf)  }
0x37a: {  	v10 =	vadd.f32 $9.999999970e-07, v20;
	v38 =	vmul.f32 v16, v34;
	v42 =	vmul.f32 v37, v15;
	v41 =	vpop (erf)  }
0x37b: {  	v13 =	vmul.f32 v33, v13;
	v33 =	vmul.f32 v19, v15;
	v36 =	vadd.f32 v41, v36  }
0x37c: {  	v17 =	vsub.f32 v17, v24;
	v24 =	vsub.f32 v38, v42;
	v38 =	vmul.f32 v16, v18;
	v40 =	vpop (erf)  }
.Ltmp22:
0x37d: {  	v41 =	vmul.f32 v16, v15;
	v18 =	vmul.f32 v19, v18;
	v16 =	vadd.f32 v36, v40;
	(pc) =	sbr.rel @p0 .LBB2_30-.Ltmp22, $4  }
0x37e: {  	v33 =	vsub.f32 v33, v38;
	v35 =	vmul.f32 v17, v35;
	v13 =	vmul.f32 v24, v13  }
0x37f: {  	v15 =	vmul.f32 v29, v39;
	v17 =	vmul.f32 v37, v34;
	v34 =	vadd.f32 $1.000000000e+00, v16  }
0x380: {  	v19 =	vadd.f32 v18, v41;
	v18 =	vadd.f32 v13, v35;
	v24 =	vmul.f32 v33, v11  }
0x381: {  	s15 =	sadd.s32 $0x10, s15;
	v33 =	vmul.f32 v14, v21;
	v11 =	vadd.f32 $9.999999970e-07, v29;
	(erf) = vrcp.f32 v34  }
0x382: {  	v13 =	vmul.f32 v23, v29;
	v22 =	vmul.f32 v22, v29;
	v21 =	vadd.f32 $9.999999970e-07, v21  }
0x383: {  	v47 =	vsub.f32 v25, v26;
	v14 =	vmul.f32 v14, v20;
	v48 =	vsub.f32 v30, v32  }
0x384: {  	v49 =	vsub.f32 v27, v28;
	v50 =	vmul.f32 v10, v10;
	v15 =	vsub.f32 v31, v15  }
0x385: {  	v51 =	vmul.f32 v21, v21;
	v13 =	vsub.f32 v33, v13;
	v14 =	vsub.f32 v22, v14  }
0x386: {  	v22 =	vadd.f32 $9.999999970e-07, v47;
	v20 =	vadd.f32 $9.999999970e-07, v48  }
0x387: {  	v26 =	vadd.f32 $9.999999970e-07, v15;
	v52 =	vadd.f32 v51, v50  }
0x388: {  	v53 =	vmul.f32 v11, v11;
	v27 =	vadd.f32 $9.999999970e-07, v13;
	v28 =	vadd.f32 $9.999999970e-07, v14  }
0x389: {  	v25 =	vadd.f32 $9.999999970e-07, v49;
	v54 =	vmul.f32 v20, v20;
	v55 =	vmul.f32 v26, v26  }
0x38a: {  	v15 =	vadd.f32 v53, v52;
	v56 =	vmul.f32 v27, v27;
	v57 =	vmul.f32 v28, v28  }
0x38b: {  	v58 =	vmul.f32 v22, v22;
	v13 =	vadd.f32 v55, v54  }
0x38c: {  	v59 =	vmul.f32 v25, v25;
	v60 =	vmax.f32 v15, $1.000000000e-30;
	v61 =	vadd.f32 v57, v56  }
0x38d: {  	v13 =	vadd.f32 v13, v58;
	v62 =	vshra.s32 v60, $0x1;
	v63 =	vmul.f32 $5.000000000e-01, v60  }
0x38e: {  	v23 =	vsub.s32 $0x5F3759DF, v62;
	v14 =	vadd.f32 v61, v59  }
0x38f: {  	v30 =	vmax.f32 v13, $1.000000000e-30;
	v39 =	vmul.f32 v23, v63  }
0x390: {  	v13 =	vshra.s32 v30, $0x1;
	v41 =	vmul.f32 $5.000000000e-01, v30;
	v40 =	vmax.f32 v14, $1.000000000e-30  }
0x391: {  	v13 =	vsub.s32 $0x5F3759DF, v13;
	v42 =	vshra.s32 v40, $0x1;
	v34 =	vmul.f32 $5.000000000e-01, v40  }
0x392: {  	v35 =	vmul.f32 v13, v41;
	v33 =	vsub.s32 $0x5F3759DF, v42  }
0x393: {  	v15 =	vmul.f32 v23, v39;
	v36 =	vmul.f32 v33, v34  }
0x394: {  	v35 =	vmul.f32 v13, v35  }
0x395: {  	v15 =	vsub.f32 $1.500000000e+00, v15;
	v36 =	vmul.f32 v33, v36  }
0x396: {  	v35 =	vsub.f32 $1.500000000e+00, v35  }
0x397: {  	v15 =	vmul.f32 v23, v15;
	v43 =	vsub.f32 $1.500000000e+00, v36  }
0x398: {  	v13 =	vmul.f32 v13, v35  }
0x399: {  	v44 =	vmul.f32 v15, v63;
	v23 =	vmul.f32 v33, v43  }
0x39a: {  	v45 =	vmul.f32 v13, v41  }
0x39b: {  	v35 =	vmul.f32 v44, v15;
	v46 =	vmul.f32 v23, v34  }
0x39c: {  	v33 =	vmul.f32 v45, v13  }
0x39d: {  	v35 =	vsub.f32 $1.500000000e+00, v35;
	v36 =	vmul.f32 v46, v23  }
0x39e: {  	v33 =	vsub.f32 $1.500000000e+00, v33  }
0x39f: {  	v35 =	vmul.f32 v35, v15;
	v47 =	vsub.f32 $1.500000000e+00, v36  }
0x3a0: {  	v33 =	vmul.f32 v33, v13  }
0x3a1: {  	v48 =	vmul.f32 v35, v63;
	v23 =	vmul.f32 v47, v23  }
0x3a2: {  	v14 =	vmul.f32 v33, v41  }
0x3a3: {  	v29 =	vmul.f32 v48, v35;
	v15 =	vmul.f32 v23, v34  }
0x3a4: {  	s13 =	sadd.s32 $0x10, s13;
	v14 =	vmul.f32 v14, v33  }
0x3a5: {  	s18 =	sadd.s32 $0x10, s14;
	v13 =	vld [tilespmem:s13+$0x0];
	v29 =	vsub.f32 $1.500000000e+00, v29;
	v34 =	vmul.f32 v15, v23  }
0x3a6: {  	s11 =	sadd.s32 $0x10, s11;
	v15 =	vld [tilespmem:s18+$0x0];
	v49 =	vsub.f32 $1.500000000e+00, v14  }
0x3a7: {  	v14 =	vld [tilespmem:s11+$0x0];
	v29 =	vmul.f32 v29, v35;
	v34 =	vsub.f32 $1.500000000e+00, v34  }
0x3a8: {  	v50 =	vmul.f32 v49, v33  }
0x3a9: {  	v29 =	vmul.f32 v29, v60;
	v23 =	vmul.f32 v34, v23  }
0x3aa: {  	v18 =	vadd.f32 v18, v24;
	v19 =	vadd.f32 v19, v17;
	v24 =	vmul.f32 v50, v30  }
0x3ab: {  	v29 =	vmax.f32 v29, $9.999999960e-13;
	v52 =	vmax.f32 v13, v15;
	v23 =	vmul.f32 v23, v40  }
0x3ac: {  	(erf) = vrcp.f32 v29;
	v17 =	vmax.f32 v14, v52;
	v24 =	vmax.f32 v24, $9.999999960e-13  }
0x3ad: {  	v53 =	vsub.f32 v14, v17;
	(erf) = vrcp.f32 v24;
	v23 =	vmax.f32 v23, $9.999999960e-13  }
0x3ae: {  	v55 =	vsub.f32 v13, v17;
	(erf) = vrcp.f32 v23  }
0x3af: {  	v51 =	vmul.f32 v18, v18;
	v56 =	vmul.f32 $1.442695020e+00, v53  }
0x3b0: {  	v54 =	vmul.f32 v19, v19;
	v30 =	vmul.f32 $1.442695020e+00, v55  }
0x3b1: {  	v57 =	vsub.f32 v15, v17;
	(erf) = vpow2.f32 v56  }
0x3b2: {  	v24 =	vadd.f32 v51, v54;
	(erf) = vpow2.f32 v30  }
0x3b3: {  	v58 =	vmul.f32 $1.442695020e+00, v57  }
0x3b4: {  	v60 =	vpop (erf);
	v23 =	vmax.f32 v24, $1.000000000e-30  }
0x3b5: {  	v30 =	vmul.f32 $5.000000000e-01, v23;
	(erf) = vpow2.f32 v58;
	v62 =	vpop (erf)  }
0x3b6: {  	v63 =	vmul.f32 v62, v10;
	v40 =	vmul.f32 v62, v11;
	v41 =	vpop (erf)  }
0x3b7: {  	v26 =	vmul.f32 v41, v26;
	v22 =	vmul.f32 v41, v22;
	v42 =	vpop (erf)  }
0x3b8: {  	v28 =	vmul.f32 v42, v28;
	v25 =	vmul.f32 v42, v25  }
0x3b9: {  	v20 =	vmul.f32 v41, v20;
	v27 =	vmul.f32 v42, v27  }
0x3ba: {  	v59 =	vshra.s32 v23, $0x1;
	v45 =	vpop (erf);
	v43 =	vmul.f32 v25, v26;
	v44 =	vmul.f32 v28, v22  }
0x3bb: {  	v29 =	vsub.s32 $0x5F3759DF, v59;
	v46 =	vmul.f32 v27, v22;
	v47 =	vmul.f32 v25, v20;
	v37 =	vpop (erf)  }
0x3bc: {  	v48 =	vmul.f32 v28, v20;
	v50 =	vmul.f32 v27, v26;
	v34 =	vadd.f32 v37, v45  }
0x3bd: {  	v21 =	vmul.f32 v62, v21;
	v32 =	vsub.f32 v43, v44;
	v49 =	vsub.f32 v46, v47  }
0x3be: {  	v20 =	vmul.f32 v27, v20;
	v26 =	vmul.f32 v28, v26;
	v51 =	vpop (erf);
	v53 =	vsub.f32 v48, v50  }
0x3bf: {  	v52 =	vadd.f32 v34, v51;
	v10 =	vmul.f32 v32, v63;
	v21 =	vmul.f32 v49, v21  }
0x3c0: {  	v61 =	vmul.f32 v29, v30;
	v22 =	vmul.f32 v25, v22;
	v20 =	vadd.f32 v26, v20  }
0x3c1: {  	v11 =	vmul.f32 v53, v40;
	v54 =	vadd.f32 $1.000000000e+00, v52;
	v10 =	vadd.f32 v21, v10  }
0x3c2: {  	v16 =	vadd.f32 $-1.000000000e+00, v16;
	v24 =	vmul.f32 v29, v61  }
0x3c3: {  	v20 =	vadd.f32 v20, v22;
	(erf) = vrcp.f32 v54;
	v10 =	vadd.f32 v10, v11  }
0x3c4: {  	v16 =	vmul.f32 v60, v16  }
0x3c5: {  	v24 =	vsub.f32 $1.500000000e+00, v24;
	v59 =	vmul.f32 v20, v20;
	v58 =	vmul.f32 v10, v10;
	_ =	sdelay $0x1  }
0x3c6: {  	v55 =	vmul.f32 v16, v16;
	v57 =	vmul.f32 v29, v24;
	v24 =	vadd.f32 v58, v59;
	_ =	sdelay $0x1  }
0x3c7: {  	v56 =	vmul.f32 $7.692307980e-02, v55;
	v24 =	vmax.f32 v24, $1.000000000e-30  }
0x3c8: {  	v60 =	vmul.f32 v57, v30;
	v62 =	vshra.s32 v24, $0x1;
	v63 =	vmul.f32 $5.000000000e-01, v24  }
0x3c9: {  	v27 =	vadd.f32 $-1.000000000e+00, v52;
	v11 =	vadd.f32 $9.090909360e-02, v56;
	v26 =	vsub.s32 $0x5F3759DF, v62  }
0x3ca: {  	s10 =	sadd.s32 $0x10, s10;
	v61 =	vmul.f32 v60, v57;
	v35 =	vpop (erf);
	v36 =	vmul.f32 v26, v63  }
0x3cb: {  	v38 =	vld [tilespmem:s10+$0x0];
	v11 =	vmul.f32 v11, v55;
	v27 =	vmul.f32 v35, v27  }
0x3cc: {  	v25 =	vsub.f32 $1.500000000e+00, v61;
	v37 =	vmul.f32 v26, v36  }
0x3cd: {  	s9 =	sadd.s32 $0x10, s9;
	v11 =	vadd.f32 $1.111111120e-01, v11;
	v29 =	vmul.f32 v27, v27  }
0x3ce: {  	vm0 =	vgt.f32 v12, $0.0e+00;
	v40 =	vld [tilespmem:s9+$0x0];
	v22 =	vmul.f32 v25, v57;
	v25 =	vsub.f32 $1.500000000e+00, v37  }
0x3cf: {  	vm9 =	vgt.f32 v18, $0.0e+00;
	v11 =	vmul.f32 v11, v55;
	v39 =	vmul.f32 $7.692307980e-02, v29  }
0x3d0: {  	v31 =	vsub.f32 v38, v18;
	v30 =	vmul.f32 v22, v30;
	v25 =	vmul.f32 v26, v25  }
0x3d1: {  	vm5 =	vlt.f32 v18, $0.0e+00;
	v11 =	vadd.f32 $1.428571490e-01, v11;
	v41 =	vadd.f32 $9.090909360e-02, v39  }
0x3d2: {  	v46 =	vadd.f32 v16, v16;
	v30 =	vmul.f32 v30, v22;
	v42 =	vmul.f32 v25, v63  }
0x3d3: {  	v44 =	vsub.f32 v40, v19;
	v11 =	vmul.f32 v11, v55;
	v26 =	vmul.f32 v41, v29  }
0x3d4: {  	v48 =	vmul.f32 v31, v31;
	v30 =	vsub.f32 $1.500000000e+00, v30;
	v43 =	vmul.f32 v42, v25  }
0x3d5: {  	v51 =	vmul.f32 v44, v44;
	v11 =	vadd.f32 $2.000000030e-01, v11;
	v26 =	vadd.f32 $1.111111120e-01, v26  }
0x3d6: {  	vm12 =	vgt.f32 v10, $0.0e+00;
	v22 =	vmul.f32 v30, v22;
	v45 =	vsub.f32 $1.500000000e+00, v43  }
0x3d7: {  	v58 =	vadd.f32 v48, v51;
	v11 =	vmul.f32 v11, v55;
	v47 =	vmul.f32 v26, v29  }
0x3d8: {  	vm15 =	vlt.f32 v10, $0.0e+00;
	v22 =	vmul.f32 v22, v23;
	v21 =	vmul.f32 v45, v25  }
0x3d9: {  	v8 =	vmul.f32 v58, v8;
	v11 =	vadd.f32 $3.333333430e-01, v11;
	v16 =	vadd.f32 $1.428571490e-01, v47  }
0x3da: {  	v59 =	vsel vm0, $0x3E99999A, v2;
	v23 =	vmul.f32 $8.775825500e-01, v22;
	v50 =	vmul.f32 v21, v63  }
0x3db: {  	v7 =	vadd.f32 v8, v7;
	v11 =	vmul.f32 v11, v55;
	v16 =	vmul.f32 v16, v29  }
0x3dc: {  	v49 =	vmul.f32 $7.073719800e-02, v22;
	v61 =	vadd.f32 v27, v27;
	v12 =	vmul.f32 v50, v21  }
0x3dd: {  	s10 =	sadd.s32 $0x10, s10;
	v22 =	vmul.f32 $-4.161468450e-01, v22;
	v11 =	vadd.f32 $1.000000000e+00, v11;
	v16 =	vadd.f32 $2.000000030e-01, v16  }
0x3de: {  	v53 =	vld [tilespmem:s10+$0x0];
	s9 =	sadd.s32 $0x10, s9;
	vm1 =	vlt.f32 v19, v23;
	vm2 =	vgt.f32 v19, v49;
	v52 =	vsub.f32 $1.500000000e+00, v12  }
0x3df: {  	v56 =	vld [tilespmem:s9+$0x0];
	vm1 =	vmand vm1, vm2;
	v11 =	vmul.f32 v11, v46;
	v54 =	vmul.f32 v16, v29  }
0x3e0: {  	vm4 =	vlt.f32 v19, v22;
	vm3 =	vmand vm9, vm1;
	v55 =	vmul.f32 v52, v21  }
0x3e1: {  	v4 =	vsel vm3, v4, v5;
	v9 =	vadd.f32 v11, v9;
	v57 =	vadd.f32 $3.333333430e-01, v54  }
0x3e2: {  	vm2 =	vmor vm9, vm5;
	v3 =	vsel vm4, v3, v4;
	v4 =	vmul.f32 v55, v24  }
0x3e3: {  	v5 =	vsub.f32 v53, v10;
	v3 =	vsub.f32 v9, v3;
	v11 =	vmul.f32 v57, v29  }
0x3e4: {  	v9 =	vsub.f32 v56, v20;
	v60 =	vmul.f32 $8.775825500e-01, v4;
	v62 =	vmul.f32 $7.073719800e-02, v4  }
0x3e5: {  	vm1 =	vmand vm2, vm1;
	v5 =	vmul.f32 v5, v5;
	v11 =	vadd.f32 $1.000000000e+00, v11  }
0x3e6: {  	v9 =	vmul.f32 v9, v9;
	vm10 =	vlt.f32 v20, v60;
	vm11 =	vgt.f32 v20, v62  }
0x3e7: {  	v4 =	vmul.f32 $-4.161468450e-01, v4;
	v11 =	vmul.f32 v11, v61;
	vm0 =	vmand vm10, vm11  }
0x3e8: {  	vm1 =	vmor vm4, vm1;
	v5 =	vadd.f32 v5, v9;
	vm13 =	vmand vm12, vm0  }
0x3e9: {  	vm14 =	vlt.f32 v20, v4;
	v11 =	vadd.f32 v11, v17;
	v63 =	vsel vm13, v13, v15  }
0x3ea: {  	v3 =	vnsel vm1, $0x0, v3;
	vm1 =	vmor vm12, vm15;
	v4 =	vsel vm14, v14, v63  }
0x3eb: {  	v5 =	vmul.f32 v5, v59;
	vm0 =	vmand vm1, vm0;
	v4 =	vsub.f32 v11, v4  }
.Ltmp23:
0x3ec: {  	v3 =	vadd.f32 v3, v6;
	vm0 =	vmor vm14, vm0;
	(pc) =	sbr.rel .LBB2_32-.Ltmp23, $4  }
0x3ed: {  	v5 =	vadd.f32 v5, v7;
	v4 =	vnsel vm0, $0x0, v4  }
0x3ee: {  	v3 =	vadd.f32 v4, v3  }
0x3ef: {  	[tilespmem:$0x18200] =	vst v5  }
0x3f0: {  	[tilespmem:$0x18210] =	vst v3  }
.LBB2_33:
.Ltmp24:
0x3f1: {  	(pc) =	sbr.rel .LBB2_34-.Ltmp24, $2  }
0x3f2: {  	_ =	sdelay $0x2  }
0x3f3: {  	s8 =	simm.s32 $0x0  }
.LBB2_38:
0x3f4: {  	s8 =	sadd.s32 $0x1, s8  }
0x3f5: {  	p0 =	sne.s32 s8, $0x20  }
.Ltmp25:
0x3f6: {  	_ = 	snop;
	(pc) =	sbr.rel @!p0 .LBB2_39-.Ltmp25, $1  }
0x3f7: {  	_ =	sdelay $0x3  }
.LBB2_34:
0x3f8: {  	s9 =	sadd.s32 s17, s8  }
0x3f9: {  	s10 =	sshll.u32 s8, $0x5;
	s9 =	sand.u32 $0x1F, s9  }
0x3fa: {  	s9 =	sor.u32 s10, s9  }
0x3fb: {  	p0 =	sgt.u32 s9, $0x3E7  }
.Ltmp26:
0x3fc: {  	_ = 	snop;
	(pc) =	sbr.rel @p0 .LBB2_38-.Ltmp26, $1  }
0x3fd: {  	_ =	sdelay $0x3  }
0x3fe: {  	s11 =	sshll.u32 s9, $0x8  }
0x3ff: {  	s10 =	simm.s32 $0x0;
	s13 =	sadd.s32 s25, s11  }
0x400: {  	[tilespmem:s10], [sflag:$0x1] =	stream.linear.gather [hbm4b:s13+s10], $0x800, $0x38;
	[tilespmem:$0x18230] =	vst v63  }
0x401: {  	s18 =	smul.u32 $0xFA, s9;
	s11 =	sadd.s32 s26, s11;
	s13 =	rddreg [dreg:$0x4]  }
0x402: {  	[tilespmem:s6], [sflag:$0x1] =	stream.linear.gather [hbm4b:s11+s10], $0x800, $0x38;
	[tilespmem:$0x18230] =	vst v63  }
0x403: {  	s9 =	simm.s32 $0x12200;
	s11 =	sadd.s32 s13, s18  }
0x404: {  	[tilespmem:s9], [sflag:$0x1] =	stream.linear.gather [hbm4b:s11+s10], $0x7D0, $0x38;
	[tilespmem:$0x18230] =	vst v63  }
0x405: {  	_ =	swait.ge [sflag:s31], $0x800  }
0x406: {  	[sflag:s31] =	ssyncset.done $0x0  }
0x407: {  	[sflag:s31] =	ssyncadd.s32 $0xFFFFF800  }
0x408: {  	_ =	swait.ge [sflag:s31], $0x800  }
0x409: {  	[sflag:s31] =	ssyncset.done $0x0  }
0x40a: {  	[sflag:s31] =	ssyncadd.s32 $0xFFFFF800  }
0x40b: {  	_ =	swait.ge [sflag:s31], $0x7D0  }
0x40c: {  	[sflag:s31] =	ssyncset.done $0x0  }
0x40d: {  	[sflag:s31] =	ssyncadd.s32 $0xFFFFF830  }
0x40e: {  	[tilespmem:s2], [sflag:$0x2] =	stream.indirect.gather [hbm4b:s7+s28], $0x8, s10, s28, $0xb8;
	[tilespmem:$0x18230] =	vst v63  }
0x40f: {  	_ = 	snop  }
0x410: {  	[tilespmem:s3], [sflag:$0x2] =	stream.indirect.gather [hbm4b:s7+s28], $0x8, s6, s28, $0xb8;
	[tilespmem:$0x18230] =	vst v63  }
0x411: {  	s14 =	simm.s32 $0x80;
	s15 =	simm.s32 $0x2BE8  }
0x412: {  	[tilespmem:s15], [sflag:$0x2] =	stream.indirect.gather [hbm4b:s7+s28], $0x8, s14, s28, $0xb8;
	[tilespmem:$0x18230] =	vst v63  }
0x413: {  	s16 =	simm.s32 $0x880;
	s18 =	simm.s32 $0x6A68  }
0x414: {  	[tilespmem:s18], [sflag:$0x2] =	stream.indirect.gather [hbm4b:s7+s28], $0x8, s16, s28, $0xb8;
	[tilespmem:$0x18230] =	vst v63  }
0x415: {  	s14 =	simm.s32 $0x100;
	s15 =	simm.s32 $0x2FD0  }
0x416: {  	[tilespmem:s15], [sflag:$0x2] =	stream.indirect.gather [hbm4b:s7+s28], $0x8, s14, s28, $0xb8;
	[tilespmem:$0x18230] =	vst v63  }
0x417: {  	s16 =	simm.s32 $0x900;
	s18 =	simm.s32 $0x6E50  }
0x418: {  	[tilespmem:s18], [sflag:$0x2] =	stream.indirect.gather [hbm4b:s7+s28], $0x8, s16, s28, $0xb8;
	[tilespmem:$0x18230] =	vst v63  }
0x419: {  	s14 =	simm.s32 $0x180;
	s15 =	simm.s32 $0x33B8  }
0x41a: {  	[tilespmem:s15], [sflag:$0x2] =	stream.indirect.gather [hbm4b:s7+s28], $0x8, s14, s28, $0xb8;
	[tilespmem:$0x18230] =	vst v63  }
0x41b: {  	s16 =	simm.s32 $0x980;
	s18 =	simm.s32 $0x7238  }
0x41c: {  	[tilespmem:s18], [sflag:$0x2] =	stream.indirect.gather [hbm4b:s7+s28], $0x8, s16, s28, $0xb8;
	[tilespmem:$0x18230] =	vst v63  }
0x41d: {  	s14 =	simm.s32 $0x200;
	s15 =	simm.s32 $0x37A0  }
0x41e: {  	[tilespmem:s15], [sflag:$0x2] =	stream.indirect.gather [hbm4b:s7+s28], $0x8, s14, s28, $0xb8;
	[tilespmem:$0x18230] =	vst v63  }
0x41f: {  	s16 =	simm.s32 $0xA00;
	s18 =	simm.s32 $0x7620  }
0x420: {  	[tilespmem:s18], [sflag:$0x2] =	stream.indirect.gather [hbm4b:s7+s28], $0x8, s16, s28, $0xb8;
	[tilespmem:$0x18230] =	vst v63  }
0x421: {  	s14 =	simm.s32 $0x280;
	s15 =	simm.s32 $0x3B88  }
0x422: {  	[tilespmem:s15], [sflag:$0x2] =	stream.indirect.gather [hbm4b:s7+s28], $0x8, s14, s28, $0xb8;
	[tilespmem:$0x18230] =	vst v63  }
0x423: {  	s16 =	simm.s32 $0xA80;
	s18 =	simm.s32 $0x7A08  }
0x424: {  	[tilespmem:s18], [sflag:$0x2] =	stream.indirect.gather [hbm4b:s7+s28], $0x8, s16, s28, $0xb8;
	[tilespmem:$0x18230] =	vst v63  }
0x425: {  	s14 =	simm.s32 $0x300;
	s15 =	simm.s32 $0x3F70  }
0x426: {  	[tilespmem:s15], [sflag:$0x2] =	stream.indirect.gather [hbm4b:s7+s28], $0x8, s14, s28, $0xb8;
	[tilespmem:$0x18230] =	vst v63  }
0x427: {  	s16 =	simm.s32 $0xB00;
	s18 =	simm.s32 $0x7DF0  }
0x428: {  	[tilespmem:s18], [sflag:$0x2] =	stream.indirect.gather [hbm4b:s7+s28], $0x8, s16, s28, $0xb8;
	[tilespmem:$0x18230] =	vst v63  }
0x429: {  	s14 =	simm.s32 $0x380;
	s15 =	simm.s32 $0x4358  }
0x42a: {  	[tilespmem:s15], [sflag:$0x2] =	stream.indirect.gather [hbm4b:s7+s28], $0x8, s14, s28, $0xb8;
	[tilespmem:$0x18230] =	vst v63  }
0x42b: {  	s16 =	simm.s32 $0xB80;
	s18 =	simm.s32 $0x81D8  }
0x42c: {  	[tilespmem:s18], [sflag:$0x2] =	stream.indirect.gather [hbm4b:s7+s28], $0x8, s16, s28, $0xb8;
	[tilespmem:$0x18230] =	vst v63  }
0x42d: {  	s14 =	simm.s32 $0x400;
	s15 =	simm.s32 $0x4740  }
0x42e: {  	[tilespmem:s15], [sflag:$0x2] =	stream.indirect.gather [hbm4b:s7+s28], $0x8, s14, s28, $0xb8;
	[tilespmem:$0x18230] =	vst v63  }
0x42f: {  	s16 =	simm.s32 $0xC00;
	s18 =	simm.s32 $0x85C0  }
0x430: {  	[tilespmem:s18], [sflag:$0x2] =	stream.indirect.gather [hbm4b:s7+s28], $0x8, s16, s28, $0xb8;
	[tilespmem:$0x18230] =	vst v63  }
0x431: {  	s14 =	simm.s32 $0x480;
	s15 =	simm.s32 $0x4B28  }
0x432: {  	[tilespmem:s15], [sflag:$0x2] =	stream.indirect.gather [hbm4b:s7+s28], $0x8, s14, s28, $0xb8;
	[tilespmem:$0x18230] =	vst v63  }
0x433: {  	s16 =	simm.s32 $0xC80;
	s18 =	simm.s32 $0x89A8  }
0x434: {  	[tilespmem:s18], [sflag:$0x2] =	stream.indirect.gather [hbm4b:s7+s28], $0x8, s16, s28, $0xb8;
	[tilespmem:$0x18230] =	vst v63  }
0x435: {  	s14 =	simm.s32 $0x500;
	s15 =	simm.s32 $0x4F10  }
0x436: {  	[tilespmem:s15], [sflag:$0x2] =	stream.indirect.gather [hbm4b:s7+s28], $0x8, s14, s28, $0xb8;
	[tilespmem:$0x18230] =	vst v63  }
0x437: {  	s16 =	simm.s32 $0xD00;
	s18 =	simm.s32 $0x8D90  }
0x438: {  	[tilespmem:s18], [sflag:$0x2] =	stream.indirect.gather [hbm4b:s7+s28], $0x8, s16, s28, $0xb8;
	[tilespmem:$0x18230] =	vst v63  }
0x439: {  	s14 =	simm.s32 $0x580;
	s15 =	simm.s32 $0x52F8  }
0x43a: {  	[tilespmem:s15], [sflag:$0x2] =	stream.indirect.gather [hbm4b:s7+s28], $0x8, s14, s28, $0xb8;
	[tilespmem:$0x18230] =	vst v63  }
0x43b: {  	s16 =	simm.s32 $0xD80;
	s18 =	simm.s32 $0x9178  }
0x43c: {  	[tilespmem:s18], [sflag:$0x2] =	stream.indirect.gather [hbm4b:s7+s28], $0x8, s16, s28, $0xb8;
	[tilespmem:$0x18230] =	vst v63  }
0x43d: {  	s14 =	simm.s32 $0x600;
	s15 =	simm.s32 $0x56E0  }
0x43e: {  	[tilespmem:s15], [sflag:$0x2] =	stream.indirect.gather [hbm4b:s7+s28], $0x8, s14, s28, $0xb8;
	[tilespmem:$0x18230] =	vst v63  }
0x43f: {  	s16 =	simm.s32 $0xE00;
	s18 =	simm.s32 $0x9560  }
0x440: {  	[tilespmem:s18], [sflag:$0x2] =	stream.indirect.gather [hbm4b:s7+s28], $0x8, s16, s28, $0xb8;
	[tilespmem:$0x18230] =	vst v63  }
0x441: {  	s14 =	simm.s32 $0x680;
	s15 =	simm.s32 $0x5AC8  }
0x442: {  	[tilespmem:s15], [sflag:$0x2] =	stream.indirect.gather [hbm4b:s7+s28], $0x8, s14, s28, $0xb8;
	[tilespmem:$0x18230] =	vst v63  }
0x443: {  	s16 =	simm.s32 $0xE80;
	s18 =	simm.s32 $0x9948  }
0x444: {  	[tilespmem:s18], [sflag:$0x2] =	stream.indirect.gather [hbm4b:s7+s28], $0x8, s16, s28, $0xb8;
	[tilespmem:$0x18230] =	vst v63  }
0x445: {  	s14 =	simm.s32 $0x700;
	s15 =	simm.s32 $0x5EB0  }
0x446: {  	[tilespmem:s15], [sflag:$0x2] =	stream.indirect.gather [hbm4b:s7+s28], $0x8, s14, s28, $0xb8;
	[tilespmem:$0x18230] =	vst v63  }
0x447: {  	s16 =	simm.s32 $0xF00;
	s18 =	simm.s32 $0x9D30  }
0x448: {  	[tilespmem:s18], [sflag:$0x2] =	stream.indirect.gather [hbm4b:s7+s28], $0x8, s16, s28, $0xb8;
	[tilespmem:$0x18230] =	vst v63  }
0x449: {  	s14 =	simm.s32 $0x780;
	s15 =	simm.s32 $0x6298  }
0x44a: {  	[tilespmem:s15], [sflag:$0x2] =	stream.indirect.gather [hbm4b:s7+s28], $0x8, s14, s28, $0xb8;
	[tilespmem:$0x18230] =	vst v63  }
0x44b: {  	s16 =	simm.s32 $0xF80;
	s18 =	simm.s32 $0xA118  }
0x44c: {  	[tilespmem:s18], [sflag:$0x2] =	stream.indirect.gather [hbm4b:s7+s28], $0x8, s16, s28, $0xb8;
	[tilespmem:$0x18230] =	vst v63  }
0x44d: {  	_ =	swait.ge [sflag:s0], $0x3E8  }
0x44e: {  	[sflag:s0] =	ssyncset.done $0x0  }
0x44f: {  	[sflag:s0] =	ssyncadd.s32 $0xFFFFFC18  }
0x450: {  	_ =	swait.ge [sflag:s0], $0x3E8  }
0x451: {  	[sflag:s0] =	ssyncset.done $0x0  }
0x452: {  	[sflag:s0] =	ssyncadd.s32 $0xFFFFFC18  }
0x453: {  	_ =	swait.ge [sflag:s0], $0x3E8  }
0x454: {  	[sflag:s0] =	ssyncset.done $0x0  }
0x455: {  	[sflag:s0] =	ssyncadd.s32 $0xFFFFFC18  }
0x456: {  	_ =	swait.ge [sflag:s0], $0x3E8  }
0x457: {  	[sflag:s0] =	ssyncset.done $0x0  }
0x458: {  	[sflag:s0] =	ssyncadd.s32 $0xFFFFFC18  }
0x459: {  	_ =	swait.ge [sflag:s0], $0x3E8  }
0x45a: {  	[sflag:s0] =	ssyncset.done $0x0  }
0x45b: {  	[sflag:s0] =	ssyncadd.s32 $0xFFFFFC18  }
0x45c: {  	_ =	swait.ge [sflag:s0], $0x3E8  }
0x45d: {  	[sflag:s0] =	ssyncset.done $0x0  }
0x45e: {  	[sflag:s0] =	ssyncadd.s32 $0xFFFFFC18  }
0x45f: {  	_ =	swait.ge [sflag:s0], $0x3E8  }
0x460: {  	[sflag:s0] =	ssyncset.done $0x0  }
0x461: {  	[sflag:s0] =	ssyncadd.s32 $0xFFFFFC18  }
0x462: {  	_ =	swait.ge [sflag:s0], $0x3E8  }
0x463: {  	[sflag:s0] =	ssyncset.done $0x0  }
0x464: {  	[sflag:s0] =	ssyncadd.s32 $0xFFFFFC18  }
0x465: {  	_ =	swait.ge [sflag:s0], $0x3E8  }
0x466: {  	[sflag:s0] =	ssyncset.done $0x0  }
0x467: {  	[sflag:s0] =	ssyncadd.s32 $0xFFFFFC18  }
0x468: {  	_ =	swait.ge [sflag:s0], $0x3E8  }
0x469: {  	[sflag:s0] =	ssyncset.done $0x0  }
0x46a: {  	[sflag:s0] =	ssyncadd.s32 $0xFFFFFC18  }
0x46b: {  	_ =	swait.ge [sflag:s0], $0x3E8  }
0x46c: {  	[sflag:s0] =	ssyncset.done $0x0  }
0x46d: {  	[sflag:s0] =	ssyncadd.s32 $0xFFFFFC18  }
0x46e: {  	_ =	swait.ge [sflag:s0], $0x3E8  }
0x46f: {  	[sflag:s0] =	ssyncset.done $0x0  }
0x470: {  	[sflag:s0] =	ssyncadd.s32 $0xFFFFFC18  }
0x471: {  	_ =	swait.ge [sflag:s0], $0x3E8  }
0x472: {  	[sflag:s0] =	ssyncset.done $0x0  }
0x473: {  	[sflag:s0] =	ssyncadd.s32 $0xFFFFFC18  }
0x474: {  	_ =	swait.ge [sflag:s0], $0x3E8  }
0x475: {  	[sflag:s0] =	ssyncset.done $0x0  }
0x476: {  	[sflag:s0] =	ssyncadd.s32 $0xFFFFFC18  }
0x477: {  	_ =	swait.ge [sflag:s0], $0x3E8  }
0x478: {  	[sflag:s0] =	ssyncset.done $0x0  }
0x479: {  	[sflag:s0] =	ssyncadd.s32 $0xFFFFFC18  }
0x47a: {  	_ =	swait.ge [sflag:s0], $0x3E8  }
0x47b: {  	[sflag:s0] =	ssyncset.done $0x0  }
0x47c: {  	[sflag:s0] =	ssyncadd.s32 $0xFFFFFC18  }
0x47d: {  	_ =	swait.ge [sflag:s0], $0x3E8  }
0x47e: {  	[sflag:s0] =	ssyncset.done $0x0  }
0x47f: {  	[sflag:s0] =	ssyncadd.s32 $0xFFFFFC18  }
0x480: {  	_ =	swait.ge [sflag:s0], $0x3E8  }
0x481: {  	[sflag:s0] =	ssyncset.done $0x0  }
0x482: {  	[sflag:s0] =	ssyncadd.s32 $0xFFFFFC18  }
0x483: {  	_ =	swait.ge [sflag:s0], $0x3E8  }
0x484: {  	[sflag:s0] =	ssyncset.done $0x0  }
0x485: {  	[sflag:s0] =	ssyncadd.s32 $0xFFFFFC18  }
0x486: {  	_ =	swait.ge [sflag:s0], $0x3E8  }
0x487: {  	[sflag:s0] =	ssyncset.done $0x0  }
0x488: {  	[sflag:s0] =	ssyncadd.s32 $0xFFFFFC18  }
0x489: {  	_ =	swait.ge [sflag:s0], $0x3E8  }
0x48a: {  	[sflag:s0] =	ssyncset.done $0x0  }
0x48b: {  	[sflag:s0] =	ssyncadd.s32 $0xFFFFFC18  }
0x48c: {  	_ =	swait.ge [sflag:s0], $0x3E8  }
0x48d: {  	[sflag:s0] =	ssyncset.done $0x0  }
0x48e: {  	[sflag:s0] =	ssyncadd.s32 $0xFFFFFC18  }
0x48f: {  	_ =	swait.ge [sflag:s0], $0x3E8  }
0x490: {  	[sflag:s0] =	ssyncset.done $0x0  }
0x491: {  	[sflag:s0] =	ssyncadd.s32 $0xFFFFFC18  }
0x492: {  	_ =	swait.ge [sflag:s0], $0x3E8  }
0x493: {  	[sflag:s0] =	ssyncset.done $0x0  }
0x494: {  	[sflag:s0] =	ssyncadd.s32 $0xFFFFFC18  }
0x495: {  	_ =	swait.ge [sflag:s0], $0x3E8  }
0x496: {  	[sflag:s0] =	ssyncset.done $0x0  }
0x497: {  	[sflag:s0] =	ssyncadd.s32 $0xFFFFFC18  }
0x498: {  	_ =	swait.ge [sflag:s0], $0x3E8  }
0x499: {  	[sflag:s0] =	ssyncset.done $0x0  }
0x49a: {  	[sflag:s0] =	ssyncadd.s32 $0xFFFFFC18  }
0x49b: {  	_ =	swait.ge [sflag:s0], $0x3E8  }
0x49c: {  	[sflag:s0] =	ssyncset.done $0x0  }
0x49d: {  	[sflag:s0] =	ssyncadd.s32 $0xFFFFFC18  }
0x49e: {  	_ =	swait.ge [sflag:s0], $0x3E8  }
0x49f: {  	[sflag:s0] =	ssyncset.done $0x0  }
0x4a0: {  	[sflag:s0] =	ssyncadd.s32 $0xFFFFFC18  }
0x4a1: {  	_ =	swait.ge [sflag:s0], $0x3E8  }
0x4a2: {  	[sflag:s0] =	ssyncset.done $0x0  }
0x4a3: {  	[sflag:s0] =	ssyncadd.s32 $0xFFFFFC18  }
0x4a4: {  	_ =	swait.ge [sflag:s0], $0x3E8  }
0x4a5: {  	[sflag:s0] =	ssyncset.done $0x0  }
0x4a6: {  	v3 =	vmov s10;
	[sflag:s0] =	ssyncadd.s32 $0xFFFFFC18  }
0x4a7: {  	v3 =	vshll.u32 v3, $0x3;
	_ =	swait.ge [sflag:s0], $0x3E8  }
0x4a8: {  	v3 =	vor.u32 v1, v3;
	[sflag:s0] =	ssyncset.done $0x0  }
0x4a9: {  	[sflag:s0] =	ssyncadd.s32 $0xFFFFFC18  }
0x4aa: {  	v4 =	vor.u32 $0x1, v3;
	_ =	swait.ge [sflag:s0], $0x3E8  }
0x4ab: {  	[sflag:s0] =	ssyncset.done $0x0  }
0x4ac: {  	v5 =	vor.u32 $0x2, v3;
	[sflag:s0] =	ssyncadd.s32 $0xFFFFFC18  }
0x4ad: {  	v6 =	vld.idx.msk [tilespmem:v3+s2+$0x0], $0xffff  }
0x4ae: {  	v3 =	vld.idx.msk [tilespmem:v3+s3+$0x0], $0xffff  }
0x4af: {  	v7 =	vld.idx.msk [tilespmem:v4+s2+$0x0], $0xffff  }
0x4b0: {  	v4 =	vld.idx.msk [tilespmem:v4+s3+$0x0], $0xffff  }
0x4b1: {  	s14 =	simm.s32 $0x10;
	v8 =	vld.idx.msk [tilespmem:v5+s2+$0x0], $0xffff  }
0x4b2: {  	v9 =	vmov s14;
	v5 =	vld.idx.msk [tilespmem:v5+s3+$0x0], $0xffff  }
0x4b3: {  	v9 =	vshll.u32 v9, $0x3  }
0x4b4: {  	v9 =	vor.u32 v1, v9;
	_ =	sdelay $0x1  }
0x4b5: {  	v3 =	vsub.f32 v6, v3;
	v4 =	vsub.f32 v7, v4;
	v6 =	vor.u32 $0x1, v9  }
0x4b6: {  	v5 =	vsub.f32 v8, v5  }
0x4b7: {  	v7 =	vor.u32 $0x2, v9;
	v3 =	vmul.f32 v3, v3;
	v4 =	vmul.f32 v4, v4  }
0x4b8: {  	v8 =	vld.idx.msk [tilespmem:v9+s2+$0x0], $0xffff  }
0x4b9: {  	v3 =	vadd.f32 v4, v3;
	v4 =	vmul.f32 v5, v5;
	v5 =	vld.idx.msk [tilespmem:v9+s3+$0x0], $0xffff  }
0x4ba: {  	v9 =	vld.idx.msk [tilespmem:v6+s2+$0x0], $0xffff  }
0x4bb: {  	s15 =	simm.s32 $0x20;
	v6 =	vld.idx.msk [tilespmem:v6+s3+$0x0], $0xffff;
	v3 =	vadd.f32 v4, v3  }
0x4bc: {  	v10 =	vld.idx.msk [tilespmem:v7+s2+$0x0], $0xffff;
	v4 =	vmov s15  }
0x4bd: {  	v7 =	vld.idx.msk [tilespmem:v7+s3+$0x0], $0xffff;
	v4 =	vshll.u32 v4, $0x3;
	v3 =	vmax.f32 v3, $1.000000000e-30  }
0x4be: {  	v4 =	vor.u32 v1, v4;
	v11 =	vmul.f32 $5.000000000e-01, v3;
	v12 =	vshra.s32 v3, $0x1  }
0x4bf: {  	v5 =	vsub.f32 v8, v5;
	v12 =	vsub.s32 $0x5F3759DF, v12  }
0x4c0: {  	v13 =	vor.u32 $0x1, v4;
	v6 =	vsub.f32 v9, v6;
	v14 =	vmul.f32 v12, v11  }
0x4c1: {  	v8 =	vor.u32 $0x2, v4;
	v5 =	vmul.f32 v5, v5  }
0x4c2: {  	v7 =	vsub.f32 v10, v7;
	v6 =	vmul.f32 v6, v6;
	v9 =	vmul.f32 v12, v14  }
0x4c3: {  	v10 =	vld.idx.msk [tilespmem:v4+s2+$0x0], $0xffff  }
0x4c4: {  	v14 =	vld.idx.msk [tilespmem:v4+s3+$0x0], $0xffff;
	v5 =	vadd.f32 v6, v5;
	v6 =	vmul.f32 v7, v7;
	v4 =	vsub.f32 $1.500000000e+00, v9  }
0x4c5: {  	s16 =	simm.s32 $0x30;
	v7 =	vld.idx.msk [tilespmem:v13+s2+$0x0], $0xffff  }
0x4c6: {  	v9 =	vld.idx.msk [tilespmem:v13+s3+$0x0], $0xffff;
	v5 =	vadd.f32 v6, v5;
	v12 =	vmul.f32 v12, v4;
	v4 =	vmov s16  }
0x4c7: {  	v13 =	vld.idx.msk [tilespmem:v8+s2+$0x0], $0xffff;
	v4 =	vshll.u32 v4, $0x3  }
0x4c8: {  	v8 =	vld.idx.msk [tilespmem:v8+s3+$0x0], $0xffff;
	v15 =	vmul.f32 v12, v11;
	v16 =	vor.u32 v1, v4;
	v4 =	vmax.f32 v5, $1.000000000e-30  }
0x4c9: {  	v6 =	vmul.f32 $5.000000000e-01, v4;
	v5 =	vshra.s32 v4, $0x1  }
0x4ca: {  	v10 =	vsub.f32 v10, v14;
	v15 =	vmul.f32 v15, v12;
	v5 =	vsub.s32 $0x5F3759DF, v5  }
0x4cb: {  	v7 =	vsub.f32 v7, v9;
	v14 =	vmul.f32 v5, v6  }
0x4cc: {  	v9 =	vor.u32 $0x1, v16;
	v10 =	vmul.f32 v10, v10;
	v15 =	vsub.f32 $1.500000000e+00, v15  }
0x4cd: {  	v8 =	vsub.f32 v13, v8;
	v7 =	vmul.f32 v7, v7;
	v13 =	vmul.f32 v5, v14  }
0x4ce: {  	v12 =	vmul.f32 v15, v12;
	v15 =	vor.u32 $0x2, v16  }
0x4cf: {  	v8 =	vmul.f32 v8, v8;
	v19 =	vld.idx.msk [tilespmem:v16+s2+$0x0], $0xffff;
	v7 =	vadd.f32 v7, v10;
	v10 =	vsub.f32 $1.500000000e+00, v13  }
0x4d0: {  	v20 =	vld.idx.msk [tilespmem:v16+s3+$0x0], $0xffff;
	v11 =	vmul.f32 v12, v11  }
0x4d1: {  	s18 =	simm.s32 $0x40;
	v21 =	vld.idx.msk [tilespmem:v9+s2+$0x0], $0xffff;
	v7 =	vadd.f32 v8, v7;
	v8 =	vmul.f32 v5, v10  }
0x4d2: {  	v14 =	vmov s18;
	v22 =	vld.idx.msk [tilespmem:v9+s3+$0x0], $0xffff;
	v9 =	vmul.f32 v11, v12  }
0x4d3: {  	v13 =	vshll.u32 v14, $0x3;
	v10 =	vmul.f32 v8, v6;
	v17 =	vld.idx.msk [tilespmem:v15+s2+$0x0], $0xffff  }
0x4d4: {  	v14 =	vor.u32 v1, v13;
	v7 =	vmax.f32 v7, $1.000000000e-30;
	v18 =	vld.idx.msk [tilespmem:v15+s3+$0x0], $0xffff;
	v11 =	vsub.f32 $1.500000000e+00, v9  }
0x4d5: {  	v16 =	vor.u32 $0x1, v14;
	v13 =	vor.u32 $0x2, v14;
	v15 =	vmul.f32 v10, v8;
	v10 =	vld [tilespmem:s9+$0x0]  }
0x4d6: {  	v23 =	vshra.s32 v7, $0x1;
	v9 =	vmul.f32 $5.000000000e-01, v7;
	v11 =	vmul.f32 v11, v12  }
0x4d7: {  	s10 =	simm.s32 $0x50;
	v5 =	vld [tilespmem:$0x18220];
	v19 =	vsub.f32 v19, v20;
	v20 =	vsub.f32 v21, v22;
	v12 =	vsub.s32 $0x5F3759DF, v23  }
.LBB2_36:
0x4d8: {  	p0 =	sne.s32 s10, $0x7C0;
	v21 =	vmul.f32 v12, v9;
	v15 =	vsub.f32 $1.500000000e+00, v15;
	v11 =	vmul.f32 v11, v3;
	v3 =	vmovc v4;
	v4 =	vmovc v7  }
0x4d9: {  	v7 =	vsub.f32 v17, v18;
	v17 =	vmul.f32 v19, v19;
	v18 =	vmul.f32 v20, v20  }
0x4da: {  	v19 =	vld.idx.msk [tilespmem:v14+s2+$0x0], $0xffff;
	v20 =	vmul.f32 v12, v21;
	v21 =	vmul.f32 v15, v8;
	v8 =	vsub.f32 v10, v11  }
0x4db: {  	v10 =	vmov s10;
	v7 =	vmul.f32 v7, v7;
	v22 =	vld.idx.msk [tilespmem:v14+s3+$0x0], $0xffff;
	v11 =	vadd.f32 v18, v17  }
0x4dc: {  	v23 =	vld.idx.msk [tilespmem:v16+s2+$0x0], $0xffff;
	v14 =	vsub.f32 $1.500000000e+00, v20;
	v15 =	vmul.f32 v21, v6;
	v18 =	vadd.f32 $3.000000120e-01, v8;
	v6 =	vmovc v9  }
0x4dd: {  	v9 =	vshll.u32 v10, $0x3;
	v20 =	vld.idx.msk [tilespmem:v16+s3+$0x0], $0xffff;
	v7 =	vadd.f32 v7, v11  }
0x4de: {  	v17 =	vld.idx.msk [tilespmem:v13+s2+$0x0], $0xffff;
	v8 =	vmul.f32 v12, v14;
	v10 =	vmul.f32 v15, v21;
	v11 =	vmax.f32 v18, $0.0e+00  }
.Ltmp27:
0x4df: {  	v14 =	vor.u32 v1, v9;
	v18 =	vld.idx.msk [tilespmem:v13+s3+$0x0], $0xffff;
	v5 =	vadd.f32 v11, v5;
	(pc) =	sbr.rel @p0 .LBB2_36-.Ltmp27, $4  }
0x4e0: {  	s9 =	sadd.s32 $0x10, s9;
	v7 =	vmax.f32 v7, $1.000000000e-30;
	v11 =	vmul.f32 v8, v6;
	v12 =	vsub.f32 $1.500000000e+00, v10  }
0x4e1: {  	v16 =	vor.u32 $0x1, v14;
	v13 =	vor.u32 $0x2, v14;
	v9 =	vmul.f32 $5.000000000e-01, v7;
	v10 =	vld [tilespmem:s9+$0x0]  }
0x4e2: {  	v24 =	vshra.s32 v7, $0x1;
	v15 =	vmul.f32 v11, v8;
	v11 =	vmul.f32 v12, v21  }
0x4e3: {  	s10 =	sadd.s32 $0x10, s10;
	v19 =	vsub.f32 v19, v22;
	v20 =	vsub.f32 v23, v20;
	v12 =	vsub.s32 $0x5F3759DF, v24  }
0x4e4: {  	_ =	sdelay $0x3  }
0x4e5: {  	v21 =	vld.idx.msk [tilespmem:v14+s2+$0x0], $0xffff  }
0x4e6: {  	v57 =	vld.idx.msk [tilespmem:v14+s3+$0x0], $0xffff  }
0x4e7: {  	v22 =	vld.idx.msk [tilespmem:v16+s2+$0x0], $0xffff  }
0x4e8: {  	v58 =	vld.idx.msk [tilespmem:v16+s3+$0x0], $0xffff  }
0x4e9: {  	v23 =	vld.idx.msk [tilespmem:v13+s2+$0x0], $0xffff  }
0x4ea: {  	v59 =	vld.idx.msk [tilespmem:v13+s3+$0x0], $0xffff;
	_ =	sdelay $0x1  }
0x4eb: {  	v17 =	vsub.f32 v17, v18;
	v60 =	vmul.f32 v19, v19;
	v61 =	vmul.f32 v20, v20  }
0x4ec: {  	v14 =	vsub.f32 v21, v57;
	v16 =	vsub.f32 v22, v58  }
0x4ed: {  	v17 =	vmul.f32 v17, v17;
	v18 =	vadd.f32 v61, v60  }
0x4ee: {  	v13 =	vsub.f32 v23, v59;
	v14 =	vmul.f32 v14, v14;
	v16 =	vmul.f32 v16, v16;
	_ =	sdelay $0x1  }
0x4ef: {  	v17 =	vadd.f32 v17, v18;
	v13 =	vmul.f32 v13, v13;
	v14 =	vadd.f32 v16, v14;
	_ =	sdelay $0x1  }
0x4f0: {  	v62 =	vmul.f32 v12, v9;
	v17 =	vmax.f32 v17, $1.000000000e-30;
	v13 =	vadd.f32 v13, v14  }
0x4f1: {  	v63 =	vmul.f32 $5.000000000e-01, v17;
	v24 =	vshra.s32 v17, $0x1  }
0x4f2: {  	v16 =	vmul.f32 v12, v62;
	v18 =	vsub.s32 $0x5F3759DF, v24;
	v13 =	vmax.f32 v13, $1.000000000e-30  }
0x4f3: {  	v25 =	vmul.f32 v18, v63;
	v26 =	vmul.f32 $5.000000000e-01, v13;
	v27 =	vshra.s32 v13, $0x1  }
0x4f4: {  	v16 =	vsub.f32 $1.500000000e+00, v16;
	v21 =	vsub.s32 $0x5F3759DF, v27  }
0x4f5: {  	v19 =	vmul.f32 v18, v25;
	v28 =	vmul.f32 v21, v26  }
0x4f6: {  	v29 =	vmul.f32 v12, v16  }
0x4f7: {  	v30 =	vsub.f32 $1.500000000e+00, v19;
	v31 =	vmul.f32 v21, v28  }
0x4f8: {  	v32 =	vmul.f32 v29, v9  }
0x4f9: {  	v16 =	vmul.f32 v18, v30;
	v33 =	vsub.f32 $1.500000000e+00, v31  }
0x4fa: {  	v15 =	vsub.f32 $1.500000000e+00, v15;
	v34 =	vmul.f32 v32, v29  }
0x4fb: {  	v35 =	vmul.f32 v16, v63;
	v18 =	vmul.f32 v21, v33  }
0x4fc: {  	v8 =	vmul.f32 v15, v8;
	v36 =	vsub.f32 $1.500000000e+00, v34  }
0x4fd: {  	v37 =	vmul.f32 v35, v16;
	v38 =	vmul.f32 v18, v26  }
0x4fe: {  	v6 =	vmul.f32 v8, v6;
	v12 =	vmul.f32 v36, v29  }
0x4ff: {  	v39 =	vsub.f32 $1.500000000e+00, v37;
	v40 =	vmul.f32 v38, v18  }
0x500: {  	v6 =	vmul.f32 v6, v8;
	v41 =	vmul.f32 v12, v9  }
0x501: {  	v15 =	vmul.f32 v39, v16;
	v42 =	vsub.f32 $1.500000000e+00, v40  }
0x502: {  	s9 =	sadd.s32 $0x10, s9;
	v6 =	vsub.f32 $1.500000000e+00, v6;
	v9 =	vmul.f32 v41, v12  }
0x503: {  	v43 =	vld [tilespmem:s9+$0x0];
	v14 =	vmul.f32 v15, v63;
	v16 =	vmul.f32 v42, v18  }
0x504: {  	v3 =	vmul.f32 v11, v3;
	v6 =	vmul.f32 v6, v8  }
0x505: {  	s9 =	sadd.s32 $0x10, s9;
	v44 =	vsub.f32 $1.500000000e+00, v9;
	v45 =	vmul.f32 v14, v15;
	v46 =	vmul.f32 v16, v26  }
0x506: {  	v3 =	vsub.f32 v10, v3;
	v47 =	vld [tilespmem:s9+$0x0];
	v4 =	vmul.f32 v6, v4  }
0x507: {  	s9 =	sadd.s32 $0x10, s9;
	v8 =	vmul.f32 v44, v12;
	v9 =	vsub.f32 $1.500000000e+00, v45;
	v48 =	vmul.f32 v46, v16  }
0x508: {  	v49 =	vld [tilespmem:s9+$0x0];
	v3 =	vadd.f32 $3.000000120e-01, v3;
	v4 =	vsub.f32 v43, v4  }
0x509: {  	s9 =	sadd.s32 $0x10, s9;
	v7 =	vmul.f32 v8, v7;
	v50 =	vmul.f32 v9, v15;
	v51 =	vsub.f32 $1.500000000e+00, v48  }
0x50a: {  	v52 =	vld [tilespmem:s9+$0x0];
	v3 =	vmax.f32 v3, $0.0e+00;
	v4 =	vadd.f32 $3.000000120e-01, v4  }
0x50b: {  	v6 =	vsub.f32 v47, v7;
	v53 =	vmul.f32 v50, v17;
	v54 =	vmul.f32 v51, v16  }
0x50c: {  	v3 =	vadd.f32 v3, v5;
	v4 =	vmax.f32 v4, $0.0e+00  }
0x50d: {  	v55 =	vadd.f32 $3.000000120e-01, v6;
	v56 =	vsub.f32 v49, v53;
	v57 =	vmul.f32 v54, v13  }
0x50e: {  	v3 =	vadd.f32 v4, v3  }
0x50f: {  	v58 =	vmax.f32 v55, $0.0e+00;
	v59 =	vadd.f32 $3.000000120e-01, v56;
	v60 =	vsub.f32 v52, v57  }
0x510: {  	v3 =	vadd.f32 v58, v3  }
0x511: {  	v61 =	vmax.f32 v59, $0.0e+00;
	v62 =	vadd.f32 $3.000000120e-01, v60  }
.Ltmp28:
0x512: {  	v3 =	vadd.f32 v61, v3;
	(pc) =	sbr.rel .LBB2_38-.Ltmp28, $3  }
0x513: {  	v63 =	vmax.f32 v62, $0.0e+00  }
0x514: {  	v3 =	vadd.f32 v63, v3;
	_ =	sdelay $0x1  }
0x515: {  	[tilespmem:$0x18220] =	vst v3  }
.LBB2_40:
0x516: {  	_ =	sfence.sel $0x180000  }
0x517: {  	[bflag:$0x0] =	sbarrier.arrive $0xFFFF  }
0x518: {  	_ =	strace $0x90000047  }
0x519: {  	s0 =	stileid.u32;
	[bflag:$0x2] =	sbarrier.arrive $0xFFFF  }
0x51a: {  	p0 =	sne.s32 s0, $0x0;
	s0 =	rddreg [dreg:$0x6]  }
0x51b: {  	s0 =	sadd.s32 @!p0 $0x100000, s0  }
0x51c: {  	[sflag:s0] =	ssyncadd.tile.s32 @!p0 $0x1;
	_ =	shalt  }
.Lfunc_end2:
_tile_overlayer_lowered:
.L_overlay_start_2:
0x51d: {  	(tag) =	ssettag $0x2  }
0x51e: {  	s0 =	rddreg [dreg:$0x0];
	s2 =	stileid.u32  }
0x51f: {  	s1 =	rddreg [dreg:$0x1];
	p0 =	sne.s32 s2, $0x0  }
0x520: {  	s3 =	rddreg [dreg:$0x2];
	[bflag:$0x3] =	sbarrier.arrive $0xFFFF;
	s2 =	simm.s32 @!p0 $0x1C04  }
0x521: {  	[timem:s3], [sflag:s2] =	dma.local @!p0 [hbm:s0], s1  }
0x522: {  	s0 =	simm.s32 @!p0 $0x4  }
0x523: {  	_ =	swait.ge @!p0 [sflag:s0], s1  }
0x524: {  	s1 =	ssub.s32 @!p0 $0x0, s1;
	[sflag:s0] =	ssyncset.done @!p0 $0x0  }
0x525: {  	[sflag:s0] =	ssyncadd.s32 @!p0 s1  }
0x526: {  	[bflag:$0x3] =	sbarrier.arrive $0xFFFF  }
0x527: {  	_ =	shalt  }

</sc_bundles>
